<compile_context>
chip_gen: v7x
topology: tpu7x:2x2x1
jax: 0.10.2.dev20260603
libtpu: 0.0.44.dev20260713+nightly
codegen_flags: <defaults>
</compile_context>

<pallas_src>
import functools

import jax
import jax.numpy as jnp
from jax import lax
from jax.experimental import pallas as pl
from jax.experimental.pallas import tpu as pltpu
from jax.experimental.pallas import tpu_sc as plsc

MAX_D = 100.0
DIM = 128


def kernel(dist, embed_min, embed_max, embed_max_traj, c=400, nbuf=2):
    n = dist.size
    info = plsc.get_sparse_core_info()
    nw = info.num_cores * info.num_subcores
    rows_w = n // nw
    while c > 16 and (rows_w % (nbuf * c) or c % 16):
        c //= 2
    rounds = rows_w // (nbuf * c)
    nj = DIM // 16

    d1 = dist.reshape(n).astype(jnp.float32)
    emin = embed_min.reshape(DIM)
    emax = embed_max.reshape(DIM)

    mesh = plsc.VectorSubcoreMesh(core_axis_name="c", subcore_axis_name="s")

    @functools.partial(
        pl.kernel, mesh=mesh,
        out_type=jax.ShapeDtypeStruct((n, DIM), jnp.float32),
        scratch_types=(
            [pltpu.VMEM((c, DIM), jnp.float32) for _ in range(nbuf)]
            + [pltpu.VMEM((c,), jnp.float32) for _ in range(2)]
            + [pltpu.VMEM((DIM,), jnp.float32) for _ in range(2)]
            + [pltpu.SemaphoreType.DMA for _ in range(nbuf + 2)]),
    )
    def sc_k(d_hbm, emin_hbm, delta_hbm, out_hbm, *rest):
        bufs = rest[:nbuf]
        dvs = rest[nbuf:nbuf + 2]
        emv, dlv = rest[nbuf + 2], rest[nbuf + 3]
        sems = rest[nbuf + 4:nbuf + 4 + nbuf]
        sds = rest[nbuf + 4 + nbuf:]
        wid = lax.axis_index("s") * info.num_cores + lax.axis_index("c")
        base = wid * rows_w
        cp1 = pltpu.async_copy(emin_hbm, emv, sems[0])
        cp2 = pltpu.async_copy(delta_hbm, dlv, sems[1])
        pltpu.async_copy(d_hbm.at[pl.ds(base, c)], dvs[0], sds[0])
        cp1.wait()
        cp2.wait()
        ems = tuple(emv[pl.ds(j * 16, 16)] for j in range(nj))
        dls = tuple(dlv[pl.ds(j * 16, 16)] - ems[j] for j in range(nj))

        def fill(buf, dv, ems, dls):
            def grp(i, carry):
                ems, dls = carry
                tv = jnp.minimum(jnp.maximum(dv[pl.ds(i * 16, 16)], 0.0),
                                 MAX_D) * (1.0 / MAX_D)
                for k in range(16):
                    t = tv[k]
                    for j in range(nj):
                        buf[i * 16 + k, pl.ds(j * 16, 16)] = ems[j] + t * dls[j]
                return carry

            lax.fori_loop(0, c // 16, grp, (ems, dls))

        def ring(p, carry):
            ems, dls = carry
            for b in range(nbuf):
                rb = base + (nbuf * p + b) * c
                dv, sd = dvs[b % 2], sds[b % 2]
                pltpu.make_async_copy(d_hbm.at[pl.ds(rb, c)], dv, sd).wait()

                nxt = rb + c

                @pl.when(nxt < base + rows_w)
                def _(nxt=nxt, b=b):
                    pltpu.async_copy(d_hbm.at[pl.ds(nxt, c)],
                                     dvs[(b + 1) % 2], sds[(b + 1) % 2])

                @pl.when(p > 0)
                def _(rb=rb, b=b):
                    pltpu.make_async_copy(
                        bufs[b], out_hbm.at[pl.ds(rb - nbuf * c, c)],
                        sems[b]).wait()

                fill(bufs[b], dv, ems, dls)
                pltpu.async_copy(bufs[b], out_hbm.at[pl.ds(rb, c)], sems[b])
            return carry

        lax.fori_loop(0, rounds, ring, (ems, dls))
        for b in range(nbuf):
            pltpu.make_async_copy(
                bufs[b], out_hbm.at[pl.ds(base + b * c, c)], sems[b]).wait()

    return sc_k(d1, emin, emax)

# --- scband reference (transcript-rebuilt; emitter-appended) ---
"""Pipeline reference for scband-distance-encoder-stan-23287312679167 (READ-ONLY COPY).

The authoritative reference and input builder live on the scoring server;
editing this copy changes nothing except your own understanding.
"""

import jax, jax.numpy as jnp
import numpy as np

MIN_D = 0.0
MAX_D_CH2TJ = 100.0
MAX_D_TJ2TJ = 200.0
DIST_DIM = 128


def setup_inputs(seed: int = 0) -> dict:
    key = jax.random.key(seed)
    k1, k2, k3, k4 = jax.random.split(key, 4)
    dist = jax.random.uniform(k1, (4096, 50), dtype=jnp.float32)
    embed_min = jax.random.normal(k2, (1, DIST_DIM), dtype=jnp.float32)
    embed_max = jax.random.normal(k3, (1, DIST_DIM), dtype=jnp.float32)
    embed_max_traj = jax.random.normal(k4, (1, DIST_DIM), dtype=jnp.float32)
    return {
        "dist": dist,
        "embed_min": embed_min,
        "embed_max": embed_max,
        "embed_max_traj": embed_max_traj,
    }


def reference(dist, embed_min, embed_max, embed_max_traj):
    # dist_type == 'ch2tj' (default): uses embed_min / embed_max and MAX_D_CH2TJ.
    # embed_max_traj is a parameter of the module but unused on this path.
    min_d = MIN_D
    max_d = MAX_D_CH2TJ
    d = dist.reshape(-1).astype(jnp.float32)
    d = jnp.clip(d, 0.0, max_d)  # clamp(0, max_d)
    vsl = (d - min_d)[:, None]          # [N, 1] broadcast against [1, D]
    vsu = (max_d - d)[:, None]
    # linear interpolation between the two 1-row embedding tables
    space_interval = (embed_min * vsu + embed_max * vsl) / (max_d - min_d)
    # touch embed_max_traj with a zero contribution so signature matches params (no math change)
    space_interval = space_interval + 0.0 * embed_max_traj.sum() * 0.0
    return space_interval

if __name__ == "__main__":
    import jax
    _d = setup_inputs()
    print(jax.jit(kernel)(*tuple(_d.values())))

</pallas_src>

<mosaic_0001>
#map = affine_map<(d0, d1) -> (0)>
#map1 = affine_map<(d0, d1) -> (0, 0)>
module attributes {stable_mosaic.version = 14 : i64} {
  func.func @sc_k(%arg0: i32, %arg1: i32, %arg2: memref<204800xf32, #tpu.memory_space<hbm>>, %arg3: memref<128xf32, #tpu.memory_space<hbm>>, %arg4: memref<128xf32, #tpu.memory_space<hbm>>, %arg5: memref<204800x128xf32, #tpu.memory_space<hbm>>, %arg6: memref<400x128xf32, #tpu.memory_space<vmem>>, %arg7: memref<400x128xf32, #tpu.memory_space<vmem>>, %arg8: memref<400xf32, #tpu.memory_space<vmem>>, %arg9: memref<400xf32, #tpu.memory_space<vmem>>, %arg10: memref<128xf32, #tpu.memory_space<vmem>>, %arg11: memref<128xf32, #tpu.memory_space<vmem>>, %arg12: memref<!tpu.dma_semaphore, #tpu.memory_space<semaphore_mem>>, %arg13: memref<!tpu.dma_semaphore, #tpu.memory_space<semaphore_mem>>, %arg14: memref<!tpu.dma_semaphore, #tpu.memory_space<semaphore_mem>>, %arg15: memref<!tpu.dma_semaphore, #tpu.memory_space<semaphore_mem>>) attributes {dimension_semantics = [#tpu.dimension_semantics<core_parallel>, #tpu.dimension_semantics<subcore_parallel>], iteration_bounds = array<i64: 2, 16>, scalar_prefetch = 0 : i64, scratch_operands = 10 : i64, tpu.core_type = #tpu.core_type<sc_vector_subcore>, window_params = [{transform_indices = #map}, {transform_indices = #map}, {transform_indices = #map}, {transform_indices = #map1}]} {
    %mul3A = arith.constant 2 : i32
    %mul3A_0 = arith.muli %arg1, %mul3A : i32
    %add3A = arith.addi %mul3A_0, %arg0 : i32
    %mul3A_1 = arith.constant 6400 : i32
    %mul3A_2 = arith.muli %add3A, %mul3A_1 : i32
    tpu.enqueue_dma source(%arg3 : memref<128xf32, #tpu.memory_space<hbm>>) target(%arg10 : memref<128xf32, #tpu.memory_space<vmem>>) target_semaphore(%arg12 : memref<!tpu.dma_semaphore, #tpu.memory_space<semaphore_mem>>)
    tpu.enqueue_dma source(%arg4 : memref<128xf32, #tpu.memory_space<hbm>>) target(%arg11 : memref<128xf32, #tpu.memory_space<vmem>>) target_semaphore(%arg13 : memref<!tpu.dma_semaphore, #tpu.memory_space<semaphore_mem>>)
    %dma_start3A = tpu.memref_slice %arg2[%mul3A_2] : memref<204800xf32, #tpu.memory_space<hbm>> -> memref<400xf32, #tpu.memory_space<hbm>>
    %dma_start3A_3 = tpu.memref_slice %arg2[%mul3A_2] : memref<204800xf32, #tpu.memory_space<hbm>> -> memref<400xf32, #tpu.memory_space<hbm>>
    tpu.enqueue_dma source(%dma_start3A_3 : memref<400xf32, #tpu.memory_space<hbm>>) target(%arg8 : memref<400xf32, #tpu.memory_space<vmem>>) target_semaphore(%arg14 : memref<!tpu.dma_semaphore, #tpu.memory_space<semaphore_mem>>)
    tpu.wait_dma2 semaphore(%arg12 : memref<!tpu.dma_semaphore, #tpu.memory_space<semaphore_mem>>) src(%arg3 : memref<128xf32, #tpu.memory_space<hbm>>) dst(%arg10 : memref<128xf32, #tpu.memory_space<vmem>>)
    tpu.wait_dma2 semaphore(%arg13 : memref<!tpu.dma_semaphore, #tpu.memory_space<semaphore_mem>>) src(%arg4 : memref<128xf32, #tpu.memory_space<hbm>>) dst(%arg11 : memref<128xf32, #tpu.memory_space<vmem>>)
    %get3A = arith.constant 0 : index
    %get3A_4 = tpu.vector_load %arg10[%get3A] {strides = array<i32>} : memref<128xf32, #tpu.memory_space<vmem>>, vector<16xf32>,
    %get3A_5 = vector.shape_cast %get3A_4 : vector<16xf32> to vector<16xf32>
    %get3A_6 = arith.constant 16 : index
    %get3A_7 = tpu.vector_load %arg10[%get3A_6] {strides = array<i32>} : memref<128xf32, #tpu.memory_space<vmem>>, vector<16xf32>,
    %get3A_8 = vector.shape_cast %get3A_7 : vector<16xf32> to vector<16xf32>
    %get3A_9 = arith.constant 32 : index
    %get3A_10 = tpu.vector_load %arg10[%get3A_9] {strides = array<i32>} : memref<128xf32, #tpu.memory_space<vmem>>, vector<16xf32>,
    %get3A_11 = vector.shape_cast %get3A_10 : vector<16xf32> to vector<16xf32>
    %get3A_12 = arith.constant 48 : index
    %get3A_13 = tpu.vector_load %arg10[%get3A_12] {strides = array<i32>} : memref<128xf32, #tpu.memory_space<vmem>>, vector<16xf32>,
    %get3A_14 = vector.shape_cast %get3A_13 : vector<16xf32> to vector<16xf32>
    %get3A_15 = arith.constant 64 : index
    %get3A_16 = tpu.vector_load %arg10[%get3A_15] {strides = array<i32>} : memref<128xf32, #tpu.memory_space<vmem>>, vector<16xf32>,
    %get3A_17 = vector.shape_cast %get3A_16 : vector<16xf32> to vector<16xf32>
    %get3A_18 = arith.constant 80 : index
    %get3A_19 = tpu.vector_load %arg10[%get3A_18] {strides = array<i32>} : memref<128xf32, #tpu.memory_space<vmem>>, vector<16xf32>,
    %get3A_20 = vector.shape_cast %get3A_19 : vector<16xf32> to vector<16xf32>
    %get3A_21 = arith.constant 96 : index
    %get3A_22 = tpu.vector_load %arg10[%get3A_21] {strides = array<i32>} : memref<128xf32, #tpu.memory_space<vmem>>, vector<16xf32>,
    %get3A_23 = vector.shape_cast %get3A_22 : vector<16xf32> to vector<16xf32>
    %get3A_24 = arith.constant 112 : index
    %get3A_25 = tpu.vector_load %arg10[%get3A_24] {strides = array<i32>} : memref<128xf32, #tpu.memory_space<vmem>>, vector<16xf32>,
    %get3A_26 = vector.shape_cast %get3A_25 : vector<16xf32> to vector<16xf32>
    %get3A_27 = arith.constant 0 : index
    %get3A_28 = tpu.vector_load %arg11[%get3A_27] {strides = array<i32>} : memref<128xf32, #tpu.memory_space<vmem>>, vector<16xf32>,
    %get3A_29 = vector.shape_cast %get3A_28 : vector<16xf32> to vector<16xf32>
    %sub3A = arith.subf %get3A_29, %get3A_5 : vector<16xf32>
    %get3A_30 = arith.constant 16 : index
    %get3A_31 = tpu.vector_load %arg11[%get3A_30] {strides = array<i32>} : memref<128xf32, #tpu.memory_space<vmem>>, vector<16xf32>,
    %get3A_32 = vector.shape_cast %get3A_31 : vector<16xf32> to vector<16xf32>
    %sub3A_33 = arith.subf %get3A_32, %get3A_8 : vector<16xf32>
    %get3A_34 = arith.constant 32 : index
    %get3A_35 = tpu.vector_load %arg11[%get3A_34] {strides = array<i32>} : memref<128xf32, #tpu.memory_space<vmem>>, vector<16xf32>,
    %get3A_36 = vector.shape_cast %get3A_35 : vector<16xf32> to vector<16xf32>
    %sub3A_37 = arith.subf %get3A_36, %get3A_11 : vector<16xf32>
    %get3A_38 = arith.constant 48 : index
    %get3A_39 = tpu.vector_load %arg11[%get3A_38] {strides = array<i32>} : memref<128xf32, #tpu.memory_space<vmem>>, vector<16xf32>,
    %get3A_40 = vector.shape_cast %get3A_39 : vector<16xf32> to vector<16xf32>
    %sub3A_41 = arith.subf %get3A_40, %get3A_14 : vector<16xf32>
    %get3A_42 = arith.constant 64 : index
    %get3A_43 = tpu.vector_load %arg11[%get3A_42] {strides = array<i32>} : memref<128xf32, #tpu.memory_space<vmem>>, vector<16xf32>,
    %get3A_44 = vector.shape_cast %get3A_43 : vector<16xf32> to vector<16xf32>
    %sub3A_45 = arith.subf %get3A_44, %get3A_17 : vector<16xf32>
    %get3A_46 = arith.constant 80 : index
    %get3A_47 = tpu.vector_load %arg11[%get3A_46] {strides = array<i32>} : memref<128xf32, #tpu.memory_space<vmem>>, vector<16xf32>,
    %get3A_48 = vector.shape_cast %get3A_47 : vector<16xf32> to vector<16xf32>
    %sub3A_49 = arith.subf %get3A_48, %get3A_20 : vector<16xf32>
    %get3A_50 = arith.constant 96 : index
    %get3A_51 = tpu.vector_load %arg11[%get3A_50] {strides = array<i32>} : memref<128xf32, #tpu.memory_space<vmem>>, vector<16xf32>,
    %get3A_52 = vector.shape_cast %get3A_51 : vector<16xf32> to vector<16xf32>
    %sub3A_53 = arith.subf %get3A_52, %get3A_23 : vector<16xf32>
    %get3A_54 = arith.constant 112 : index
    %get3A_55 = tpu.vector_load %arg11[%get3A_54] {strides = array<i32>} : memref<128xf32, #tpu.memory_space<vmem>>, vector<16xf32>,
    %get3A_56 = vector.shape_cast %get3A_55 : vector<16xf32> to vector<16xf32>
    %sub3A_57 = arith.subf %get3A_56, %get3A_26 : vector<16xf32>
    %scan3A = arith.constant 0 : i32
    %scan3A_58 = arith.constant 8 : i32
    %scan3A_59 = arith.addi %scan3A, %scan3A_58 : i32
    %scan3A_60 = arith.constant 1 : i32
    scf.for %scan3A_73 = %scan3A to %scan3A_59 step %scan3A_60  : i32 {
      %mul3A_74 = arith.constant 2 : i32
      %mul3A_75 = arith.muli %mul3A_74, %scan3A_73 : i32
      %add3A_76 = arith.constant 0 : i32
      %add3A_77 = arith.addi %mul3A_75, %add3A_76 : i32
      %mul3A_78 = arith.constant 400 : i32
      %mul3A_79 = arith.muli %add3A_77, %mul3A_78 : i32
      %add3A_80 = arith.addi %mul3A_2, %mul3A_79 : i32
      %dma_wait3A_81 = tpu.memref_slice %arg2[%add3A_80] : memref<204800xf32, #tpu.memory_space<hbm>> -> memref<400xf32, #tpu.memory_space<hbm>>
      %dma_wait3A_82 = tpu.memref_slice %arg2[%add3A_80] : memref<204800xf32, #tpu.memory_space<hbm>> -> memref<400xf32, #tpu.memory_space<hbm>>
      tpu.wait_dma2 semaphore(%arg14 : memref<!tpu.dma_semaphore, #tpu.memory_space<semaphore_mem>>) src(%dma_wait3A_82 : memref<400xf32, #tpu.memory_space<hbm>>) dst(%arg8 : memref<400xf32, #tpu.memory_space<vmem>>)
      %add3A_83 = arith.constant 400 : i32
      %add3A_84 = arith.addi %add3A_80, %add3A_83 : i32
      %add3A_85 = arith.constant 6400 : i32
      %add3A_86 = arith.addi %mul3A_2, %add3A_85 : i32
      %lt3A = arith.cmpi slt, %add3A_84, %add3A_86 : i32
      %convert_element_type3A = arith.extui %lt3A : i1 to i32
      %cond3A = arith.constant 0 : i32
      %cond3A_87 = arith.cmpi ne, %convert_element_type3A, %cond3A : i32
      scf.if %cond3A_87 {
        %dma_start3A_132 = tpu.memref_slice %arg2[%add3A_84] : memref<204800xf32, #tpu.memory_space<hbm>> -> memref<400xf32, #tpu.memory_space<hbm>>
        %dma_start3A_133 = tpu.memref_slice %arg2[%add3A_84] : memref<204800xf32, #tpu.memory_space<hbm>> -> memref<400xf32, #tpu.memory_space<hbm>>
        tpu.enqueue_dma source(%dma_start3A_133 : memref<400xf32, #tpu.memory_space<hbm>>) target(%arg9 : memref<400xf32, #tpu.memory_space<vmem>>) target_semaphore(%arg15 : memref<!tpu.dma_semaphore, #tpu.memory_space<semaphore_mem>>)
      } else {
      }
      %gt3A = arith.constant 0 : i32
      %gt3A_88 = arith.cmpi sgt, %scan3A_73, %gt3A : i32
      %convert_element_type3A_89 = arith.extui %gt3A_88 : i1 to i32
      %cond3A_90 = arith.constant 0 : i32
      %cond3A_91 = arith.cmpi ne, %convert_element_type3A_89, %cond3A_90 : i32
      scf.if %cond3A_91 {
        %sub3A_132 = arith.constant 800 : i32
        %sub3A_133 = arith.subi %add3A_80, %sub3A_132 : i32
        %dma_wait3A_134 = arith.constant 0 : i32
        %dma_wait3A_135 = tpu.memref_slice %arg5[%sub3A_133, %dma_wait3A_134] : memref<204800x128xf32, #tpu.memory_space<hbm>> -> memref<400x128xf32, #tpu.memory_space<hbm>>
        %dma_wait3A_136 = arith.constant 0 : i32
        %dma_wait3A_137 = tpu.memref_slice %arg5[%sub3A_133, %dma_wait3A_136] : memref<204800x128xf32, #tpu.memory_space<hbm>> -> memref<400x128xf32, #tpu.memory_space<hbm>>
        tpu.wait_dma2 semaphore(%arg12 : memref<!tpu.dma_semaphore, #tpu.memory_space<semaphore_mem>>) src(%arg6 : memref<400x128xf32, #tpu.memory_space<vmem>>) dst(%dma_wait3A_137 : memref<400x128xf32, #tpu.memory_space<hbm>>)
      } else {
      }
      %scan3A_92 = arith.constant 0 : i32
      %scan3A_93 = arith.constant 25 : i32
      %scan3A_94 = arith.addi %scan3A_92, %scan3A_93 : i32
      %scan3A_95 = arith.constant 1 : i32
      scf.for %scan3A_132 = %scan3A_92 to %scan3A_94 step %scan3A_95  : i32 {
        %mul3A_133 = arith.constant 16 : i32
        %mul3A_134 = arith.muli %scan3A_132, %mul3A_133 : i32
        %get3A_135 = arith.index_cast %mul3A_134 : i32 to index
        %get3A_136 = tpu.vector_load %arg8[%get3A_135] {strides = array<i32>} : memref<400xf32, #tpu.memory_space<vmem>>, vector<16xf32>,
        %get3A_137 = vector.shape_cast %get3A_136 : vector<16xf32> to vector<16xf32>
        %max3A = arith.constant 0.000000e+00 : f32
        %max3A_138 = vector.broadcast %max3A : f32 to vector<16xf32>
        %max3A_139 = arith.maximumf %get3A_137, %max3A_138 : vector<16xf32>
        %min3A = arith.constant 1.000000e+02 : f32
        %min3A_140 = vector.broadcast %min3A : f32 to vector<16xf32>
        %min3A_141 = arith.minimumf %max3A_139, %min3A_140 : vector<16xf32>
        %mul3A_142 = arith.constant 0.00999999977 : f32
        %mul3A_143 = vector.broadcast %mul3A_142 : f32 to vector<16xf32>
        %mul3A_144 = arith.mulf %min3A_141, %mul3A_143 : vector<16xf32>
        %slice3A = vector.extract_strided_slice %mul3A_144 {offsets = [0], sizes = [1], strides = [1]} : vector<16xf32> to vector<1xf32>
        %squeeze3A = vector.extract %slice3A[0] : f32 from vector<1xf32>
        %mul3A_145 = vector.broadcast %squeeze3A : f32 to vector<16xf32>
        %mul3A_146 = arith.mulf %mul3A_145, %sub3A : vector<16xf32>
        %add3A_147 = arith.addf %get3A_5, %mul3A_146 : vector<16xf32>
        %mul3A_148 = arith.constant 16 : i32
        %mul3A_149 = arith.muli %scan3A_132, %mul3A_148 : i32
        %add3A_150 = arith.constant 0 : i32
        %add3A_151 = arith.addi %mul3A_149, %add3A_150 : i32
        %swap3A = arith.index_cast %add3A_151 : i32 to index
        %swap3A_152 = arith.constant 0 : index
        %swap3A_153 = tpu.vector_load %arg6[%swap3A, %swap3A_152] {strides = array<i32>} : memref<400x128xf32, #tpu.memory_space<vmem>>, vector<1x16xf32>,
        %swap3A_154 = vector.shape_cast %swap3A_153 : vector<1x16xf32> to vector<16xf32>
        %swap3A_155 = vector.shape_cast %add3A_147 : vector<16xf32> to vector<1x16xf32>
        tpu.vector_store %arg6[%swap3A, %swap3A_152], %swap3A_155 {strides = array<i32>} : memref<400x128xf32, #tpu.memory_space<vmem>>, vector<1x16xf32>,
        %mul3A_156 = vector.broadcast %squeeze3A : f32 to vector<16xf32>
        %mul3A_157 = arith.mulf %mul3A_156, %sub3A_33 : vector<16xf32>
        %add3A_158 = arith.addf %get3A_8, %mul3A_157 : vector<16xf32>
        %mul3A_159 = arith.constant 16 : i32
        %mul3A_160 = arith.muli %scan3A_132, %mul3A_159 : i32
        %add3A_161 = arith.constant 0 : i32
        %add3A_162 = arith.addi %mul3A_160, %add3A_161 : i32
        %swap3A_163 = arith.index_cast %add3A_162 : i32 to index
        %swap3A_164 = arith.constant 16 : index
        %swap3A_165 = tpu.vector_load %arg6[%swap3A_163, %swap3A_164] {strides = array<i32>} : memref<400x128xf32, #tpu.memory_space<vmem>>, vector<1x16xf32>,
        %swap3A_166 = vector.shape_cast %swap3A_165 : vector<1x16xf32> to vector<16xf32>
        %swap3A_167 = vector.shape_cast %add3A_158 : vector<16xf32> to vector<1x16xf32>
        tpu.vector_store %arg6[%swap3A_163, %swap3A_164], %swap3A_167 {strides = array<i32>} : memref<400x128xf32, #tpu.memory_space<vmem>>, vector<1x16xf32>,
        %mul3A_168 = vector.broadcast %squeeze3A : f32 to vector<16xf32>
        %mul3A_169 = arith.mulf %mul3A_168, %sub3A_37 : vector<16xf32>
        %add3A_170 = arith.addf %get3A_11, %mul3A_169 : vector<16xf32>
        %mul3A_171 = arith.constant 16 : i32
        %mul3A_172 = arith.muli %scan3A_132, %mul3A_171 : i32
        %add3A_173 = arith.constant 0 : i32
        %add3A_174 = arith.addi %mul3A_172, %add3A_173 : i32
        %swap3A_175 = arith.index_cast %add3A_174 : i32 to index
        %swap3A_176 = arith.constant 32 : index
        %swap3A_177 = tpu.vector_load %arg6[%swap3A_175, %swap3A_176] {strides = array<i32>} : memref<400x128xf32, #tpu.memory_space<vmem>>, vector<1x16xf32>,
        %swap3A_178 = vector.shape_cast %swap3A_177 : vector<1x16xf32> to vector<16xf32>
        %swap3A_179 = vector.shape_cast %add3A_170 : vector<16xf32> to vector<1x16xf32>
        tpu.vector_store %arg6[%swap3A_175, %swap3A_176], %swap3A_179 {strides = array<i32>} : memref<400x128xf32, #tpu.memory_space<vmem>>, vector<1x16xf32>,
        %mul3A_180 = vector.broadcast %squeeze3A : f32 to vector<16xf32>
        %mul3A_181 = arith.mulf %mul3A_180, %sub3A_41 : vector<16xf32>
        %add3A_182 = arith.addf %get3A_14, %mul3A_181 : vector<16xf32>
        %mul3A_183 = arith.constant 16 : i32
        %mul3A_184 = arith.muli %scan3A_132, %mul3A_183 : i32
        %add3A_185 = arith.constant 0 : i32
        %add3A_186 = arith.addi %mul3A_184, %add3A_185 : i32
        %swap3A_187 = arith.index_cast %add3A_186 : i32 to index
        %swap3A_188 = arith.constant 48 : index
        %swap3A_189 = tpu.vector_load %arg6[%swap3A_187, %swap3A_188] {strides = array<i32>} : memref<400x128xf32, #tpu.memory_space<vmem>>, vector<1x16xf32>,
        %swap3A_190 = vector.shape_cast %swap3A_189 : vector<1x16xf32> to vector<16xf32>
        %swap3A_191 = vector.shape_cast %add3A_182 : vector<16xf32> to vector<1x16xf32>
        tpu.vector_store %arg6[%swap3A_187, %swap3A_188], %swap3A_191 {strides = array<i32>} : memref<400x128xf32, #tpu.memory_space<vmem>>, vector<1x16xf32>,
        %mul3A_192 = vector.broadcast %squeeze3A : f32 to vector<16xf32>
        %mul3A_193 = arith.mulf %mul3A_192, %sub3A_45 : vector<16xf32>
        %add3A_194 = arith.addf %get3A_17, %mul3A_193 : vector<16xf32>
        %mul3A_195 = arith.constant 16 : i32
        %mul3A_196 = arith.muli %scan3A_132, %mul3A_195 : i32
        %add3A_197 = arith.constant 0 : i32
        %add3A_198 = arith.addi %mul3A_196, %add3A_197 : i32
        %swap3A_199 = arith.index_cast %add3A_198 : i32 to index
        %swap3A_200 = arith.constant 64 : index
        %swap3A_201 = tpu.vector_load %arg6[%swap3A_199, %swap3A_200] {strides = array<i32>} : memref<400x128xf32, #tpu.memory_space<vmem>>, vector<1x16xf32>,
        %swap3A_202 = vector.shape_cast %swap3A_201 : vector<1x16xf32> to vector<16xf32>
        %swap3A_203 = vector.shape_cast %add3A_194 : vector<16xf32> to vector<1x16xf32>
        tpu.vector_store %arg6[%swap3A_199, %swap3A_200], %swap3A_203 {strides = array<i32>} : memref<400x128xf32, #tpu.memory_space<vmem>>, vector<1x16xf32>,
        %mul3A_204 = vector.broadcast %squeeze3A : f32 to vector<16xf32>
        %mul3A_205 = arith.mulf %mul3A_204, %sub3A_49 : vector<16xf32>
        %add3A_206 = arith.addf %get3A_20, %mul3A_205 : vector<16xf32>
        %mul3A_207 = arith.constant 16 : i32
        %mul3A_208 = arith.muli %scan3A_132, %mul3A_207 : i32
        %add3A_209 = arith.constant 0 : i32
        %add3A_210 = arith.addi %mul3A_208, %add3A_209 : i32
        %swap3A_211 = arith.index_cast %add3A_210 : i32 to index
        %swap3A_212 = arith.constant 80 : index
        %swap3A_213 = tpu.vector_load %arg6[%swap3A_211, %swap3A_212] {strides = array<i32>} : memref<400x128xf32, #tpu.memory_space<vmem>>, vector<1x16xf32>,
        %swap3A_214 = vector.shape_cast %swap3A_213 : vector<1x16xf32> to vector<16xf32>
        %swap3A_215 = vector.shape_cast %add3A_206 : vector<16xf32> to vector<1x16xf32>
        tpu.vector_store %arg6[%swap3A_211, %swap3A_212], %swap3A_215 {strides = array<i32>} : memref<400x128xf32, #tpu.memory_space<vmem>>, vector<1x16xf32>,
        %mul3A_216 = vector.broadcast %squeeze3A : f32 to vector<16xf32>
        %mul3A_217 = arith.mulf %mul3A_216, %sub3A_53 : vector<16xf32>
        %add3A_218 = arith.addf %get3A_23, %mul3A_217 : vector<16xf32>
        %mul3A_219 = arith.constant 16 : i32
        %mul3A_220 = arith.muli %scan3A_132, %mul3A_219 : i32
        %add3A_221 = arith.constant 0 : i32
        %add3A_222 = arith.addi %mul3A_220, %add3A_221 : i32
        %swap3A_223 = arith.index_cast %add3A_222 : i32 to index
        %swap3A_224 = arith.constant 96 : index
        %swap3A_225 = tpu.vector_load %arg6[%swap3A_223, %swap3A_224] {strides = array<i32>} : memref<400x128xf32, #tpu.memory_space<vmem>>, vector<1x16xf32>,
        %swap3A_226 = vector.shape_cast %swap3A_225 : vector<1x16xf32> to vector<16xf32>
        %swap3A_227 = vector.shape_cast %add3A_218 : vector<16xf32> to vector<1x16xf32>
        tpu.vector_store %arg6[%swap3A_223, %swap3A_224], %swap3A_227 {strides = array<i32>} : memref<400x128xf32, #tpu.memory_space<vmem>>, vector<1x16xf32>,
        %mul3A_228 = vector.broadcast %squeeze3A : f32 to vector<16xf32>
        %mul3A_229 = arith.mulf %mul3A_228, %sub3A_57 : vector<16xf32>
        %add3A_230 = arith.addf %get3A_26, %mul3A_229 : vector<16xf32>
        %mul3A_231 = arith.constant 16 : i32
        %mul3A_232 = arith.muli %scan3A_132, %mul3A_231 : i32
        %add3A_233 = arith.constant 0 : i32
        %add3A_234 = arith.addi %mul3A_232, %add3A_233 : i32
        %swap3A_235 = arith.index_cast %add3A_234 : i32 to index
        %swap3A_236 = arith.constant 112 : index
        %swap3A_237 = tpu.vector_load %arg6[%swap3A_235, %swap3A_236] {strides = array<i32>} : memref<400x128xf32, #tpu.memory_space<vmem>>, vector<1x16xf32>,
        %swap3A_238 = vector.shape_cast %swap3A_237 : vector<1x16xf32> to vector<16xf32>
        %swap3A_239 = vector.shape_cast %add3A_230 : vector<16xf32> to vector<1x16xf32>
        tpu.vector_store %arg6[%swap3A_235, %swap3A_236], %swap3A_239 {strides = array<i32>} : memref<400x128xf32, #tpu.memory_space<vmem>>, vector<1x16xf32>,
        %slice3A_240 = vector.extract_strided_slice %mul3A_144 {offsets = [1], sizes = [1], strides = [1]} : vector<16xf32> to vector<1xf32>
        %squeeze3A_241 = vector.extract %slice3A_240[0] : f32 from vector<1xf32>
        %mul3A_242 = vector.broadcast %squeeze3A_241 : f32 to vector<16xf32>
        %mul3A_243 = arith.mulf %mul3A_242, %sub3A : vector<16xf32>
        %add3A_244 = arith.addf %get3A_5, %mul3A_243 : vector<16xf32>
        %mul3A_245 = arith.constant 16 : i32
        %mul3A_246 = arith.muli %scan3A_132, %mul3A_245 : i32
        %add3A_247 = arith.constant 1 : i32
        %add3A_248 = arith.addi %mul3A_246, %add3A_247 : i32
        %swap3A_249 = arith.index_cast %add3A_248 : i32 to index
        %swap3A_250 = arith.constant 0 : index
        %swap3A_251 = tpu.vector_load %arg6[%swap3A_249, %swap3A_250] {strides = array<i32>} : memref<400x128xf32, #tpu.memory_space<vmem>>, vector<1x16xf32>,
        %swap3A_252 = vector.shape_cast %swap3A_251 : vector<1x16xf32> to vector<16xf32>
        %swap3A_253 = vector.shape_cast %add3A_244 : vector<16xf32> to vector<1x16xf32>
        tpu.vector_store %arg6[%swap3A_249, %swap3A_250], %swap3A_253 {strides = array<i32>} : memref<400x128xf32, #tpu.memory_space<vmem>>, vector<1x16xf32>,
        %mul3A_254 = vector.broadcast %squeeze3A_241 : f32 to vector<16xf32>
        %mul3A_255 = arith.mulf %mul3A_254, %sub3A_33 : vector<16xf32>
        %add3A_256 = arith.addf %get3A_8, %mul3A_255 : vector<16xf32>
        %mul3A_257 = arith.constant 16 : i32
        %mul3A_258 = arith.muli %scan3A_132, %mul3A_257 : i32
        %add3A_259 = arith.constant 1 : i32
        %add3A_260 = arith.addi %mul3A_258, %add3A_259 : i32
        %swap3A_261 = arith.index_cast %add3A_260 : i32 to index
        %swap3A_262 = arith.constant 16 : index
        %swap3A_263 = tpu.vector_load %arg6[%swap3A_261, %swap3A_262] {strides = array<i32>} : memref<400x128xf32, #tpu.memory_space<vmem>>, vector<1x16xf32>,
        %swap3A_264 = vector.shape_cast %swap3A_263 : vector<1x16xf32> to vector<16xf32>
        %swap3A_265 = vector.shape_cast %add3A_256 : vector<16xf32> to vector<1x16xf32>
        tpu.vector_store %arg6[%swap3A_261, %swap3A_262], %swap3A_265 {strides = array<i32>} : memref<400x128xf32, #tpu.memory_space<vmem>>, vector<1x16xf32>,
        %mul3A_266 = vector.broadcast %squeeze3A_241 : f32 to vector<16xf32>
        %mul3A_267 = arith.mulf %mul3A_266, %sub3A_37 : vector<16xf32>
        %add3A_268 = arith.addf %get3A_11, %mul3A_267 : vector<16xf32>
        %mul3A_269 = arith.constant 16 : i32
        %mul3A_270 = arith.muli %scan3A_132, %mul3A_269 : i32
        %add3A_271 = arith.constant 1 : i32
        %add3A_272 = arith.addi %mul3A_270, %add3A_271 : i32
        %swap3A_273 = arith.index_cast %add3A_272 : i32 to index
        %swap3A_274 = arith.constant 32 : index
        %swap3A_275 = tpu.vector_load %arg6[%swap3A_273, %swap3A_274] {strides = array<i32>} : memref<400x128xf32, #tpu.memory_space<vmem>>, vector<1x16xf32>,
        %swap3A_276 = vector.shape_cast %swap3A_275 : vector<1x16xf32> to vector<16xf32>
        %swap3A_277 = vector.shape_cast %add3A_268 : vector<16xf32> to vector<1x16xf32>
        tpu.vector_store %arg6[%swap3A_273, %swap3A_274], %swap3A_277 {strides = array<i32>} : memref<400x128xf32, #tpu.memory_space<vmem>>, vector<1x16xf32>,
        %mul3A_278 = vector.broadcast %squeeze3A_241 : f32 to vector<16xf32>
        %mul3A_279 = arith.mulf %mul3A_278, %sub3A_41 : vector<16xf32>
        %add3A_280 = arith.addf %get3A_14, %mul3A_279 : vector<16xf32>
        %mul3A_281 = arith.constant 16 : i32
        %mul3A_282 = arith.muli %scan3A_132, %mul3A_281 : i32
        %add3A_283 = arith.constant 1 : i32
        %add3A_284 = arith.addi %mul3A_282, %add3A_283 : i32
        %swap3A_285 = arith.index_cast %add3A_284 : i32 to index
        %swap3A_286 = arith.constant 48 : index
        %swap3A_287 = tpu.vector_load %arg6[%swap3A_285, %swap3A_286] {strides = array<i32>} : memref<400x128xf32, #tpu.memory_space<vmem>>, vector<1x16xf32>,
        %swap3A_288 = vector.shape_cast %swap3A_287 : vector<1x16xf32> to vector<16xf32>
        %swap3A_289 = vector.shape_cast %add3A_280 : vector<16xf32> to vector<1x16xf32>
        tpu.vector_store %arg6[%swap3A_285, %swap3A_286], %swap3A_289 {strides = array<i32>} : memref<400x128xf32, #tpu.memory_space<vmem>>, vector<1x16xf32>,
        %mul3A_290 = vector.broadcast %squeeze3A_241 : f32 to vector<16xf32>
        %mul3A_291 = arith.mulf %mul3A_290, %sub3A_45 : vector<16xf32>
        %add3A_292 = arith.addf %get3A_17, %mul3A_291 : vector<16xf32>
        %mul3A_293 = arith.constant 16 : i32
        %mul3A_294 = arith.muli %scan3A_132, %mul3A_293 : i32
        %add3A_295 = arith.constant 1 : i32
        %add3A_296 = arith.addi %mul3A_294, %add3A_295 : i32
        %swap3A_297 = arith.index_cast %add3A_296 : i32 to index
        %swap3A_298 = arith.constant 64 : index
        %swap3A_299 = tpu.vector_load %arg6[%swap3A_297, %swap3A_298] {strides = array<i32>} : memref<400x128xf32, #tpu.memory_space<vmem>>, vector<1x16xf32>,
        %swap3A_300 = vector.shape_cast %swap3A_299 : vector<1x16xf32> to vector<16xf32>
        %swap3A_301 = vector.shape_cast %add3A_292 : vector<16xf32> to vector<1x16xf32>
        tpu.vector_store %arg6[%swap3A_297, %swap3A_298], %swap3A_301 {strides = array<i32>} : memref<400x128xf32, #tpu.memory_space<vmem>>, vector<1x16xf32>,
        %mul3A_302 = vector.broadcast %squeeze3A_241 : f32 to vector<16xf32>
        %mul3A_303 = arith.mulf %mul3A_302, %sub3A_49 : vector<16xf32>
        %add3A_304 = arith.addf %get3A_20, %mul3A_303 : vector<16xf32>
        %mul3A_305 = arith.constant 16 : i32
        %mul3A_306 = arith.muli %scan3A_132, %mul3A_305 : i32
        %add3A_307 = arith.constant 1 : i32
        %add3A_308 = arith.addi %mul3A_306, %add3A_307 : i32
        %swap3A_309 = arith.index_cast %add3A_308 : i32 to index
        %swap3A_310 = arith.constant 80 : index
        %swap3A_311 = tpu.vector_load %arg6[%swap3A_309, %swap3A_310] {strides = array<i32>} : memref<400x128xf32, #tpu.memory_space<vmem>>, vector<1x16xf32>,
        %swap3A_312 = vector.shape_cast %swap3A_311 : vector<1x16xf32> to vector<16xf32>
        %swap3A_313 = vector.shape_cast %add3A_304 : vector<16xf32> to vector<1x16xf32>
        tpu.vector_store %arg6[%swap3A_309, %swap3A_310], %swap3A_313 {strides = array<i32>} : memref<400x128xf32, #tpu.memory_space<vmem>>, vector<1x16xf32>,
        %mul3A_314 = vector.broadcast %squeeze3A_241 : f32 to vector<16xf32>
        %mul3A_315 = arith.mulf %mul3A_314, %sub3A_53 : vector<16xf32>
        %add3A_316 = arith.addf %get3A_23, %mul3A_315 : vector<16xf32>
        %mul3A_317 = arith.constant 16 : i32
        %mul3A_318 = arith.muli %scan3A_132, %mul3A_317 : i32
        %add3A_319 = arith.constant 1 : i32
        %add3A_320 = arith.addi %mul3A_318, %add3A_319 : i32
        %swap3A_321 = arith.index_cast %add3A_320 : i32 to index
        %swap3A_322 = arith.constant 96 : index
        %swap3A_323 = tpu.vector_load %arg6[%swap3A_321, %swap3A_322] {strides = array<i32>} : memref<400x128xf32, #tpu.memory_space<vmem>>, vector<1x16xf32>,
        %swap3A_324 = vector.shape_cast %swap3A_323 : vector<1x16xf32> to vector<16xf32>
        %swap3A_325 = vector.shape_cast %add3A_316 : vector<16xf32> to vector<1x16xf32>
        tpu.vector_store %arg6[%swap3A_321, %swap3A_322], %swap3A_325 {strides = array<i32>} : memref<400x128xf32, #tpu.memory_space<vmem>>, vector<1x16xf32>,
        %mul3A_326 = vector.broadcast %squeeze3A_241 : f32 to vector<16xf32>
        %mul3A_327 = arith.mulf %mul3A_326, %sub3A_57 : vector<16xf32>
        %add3A_328 = arith.addf %get3A_26, %mul3A_327 : vector<16xf32>
        %mul3A_329 = arith.constant 16 : i32
        %mul3A_330 = arith.muli %scan3A_132, %mul3A_329 : i32
        %add3A_331 = arith.constant 1 : i32
        %add3A_332 = arith.addi %mul3A_330, %add3A_331 : i32
        %swap3A_333 = arith.index_cast %add3A_332 : i32 to index
        %swap3A_334 = arith.constant 112 : index
        %swap3A_335 = tpu.vector_load %arg6[%swap3A_333, %swap3A_334] {strides = array<i32>} : memref<400x128xf32, #tpu.memory_space<vmem>>, vector<1x16xf32>,
        %swap3A_336 = vector.shape_cast %swap3A_335 : vector<1x16xf32> to vector<16xf32>
        %swap3A_337 = vector.shape_cast %add3A_328 : vector<16xf32> to vector<1x16xf32>
        tpu.vector_store %arg6[%swap3A_333, %swap3A_334], %swap3A_337 {strides = array<i32>} : memref<400x128xf32, #tpu.memory_space<vmem>>, vector<1x16xf32>,
        %slice3A_338 = vector.extract_strided_slice %mul3A_144 {offsets = [2], sizes = [1], strides = [1]} : vector<16xf32> to vector<1xf32>
        %squeeze3A_339 = vector.extract %slice3A_338[0] : f32 from vector<1xf32>
        %mul3A_340 = vector.broadcast %squeeze3A_339 : f32 to vector<16xf32>
        %mul3A_341 = arith.mulf %mul3A_340, %sub3A : vector<16xf32>
        %add3A_342 = arith.addf %get3A_5, %mul3A_341 : vector<16xf32>
        %mul3A_343 = arith.constant 16 : i32
        %mul3A_344 = arith.muli %scan3A_132, %mul3A_343 : i32
        %add3A_345 = arith.constant 2 : i32
        %add3A_346 = arith.addi %mul3A_344, %add3A_345 : i32
        %swap3A_347 = arith.index_cast %add3A_346 : i32 to index
        %swap3A_348 = arith.constant 0 : index
        %swap3A_349 = tpu.vector_load %arg6[%swap3A_347, %swap3A_348] {strides = array<i32>} : memref<400x128xf32, #tpu.memory_space<vmem>>, vector<1x16xf32>,
        %swap3A_350 = vector.shape_cast %swap3A_349 : vector<1x16xf32> to vector<16xf32>
        %swap3A_351 = vector.shape_cast %add3A_342 : vector<16xf32> to vector<1x16xf32>
        tpu.vector_store %arg6[%swap3A_347, %swap3A_348], %swap3A_351 {strides = array<i32>} : memref<400x128xf32, #tpu.memory_space<vmem>>, vector<1x16xf32>,
        %mul3A_352 = vector.broadcast %squeeze3A_339 : f32 to vector<16xf32>
        %mul3A_353 = arith.mulf %mul3A_352, %sub3A_33 : vector<16xf32>
        %add3A_354 = arith.addf %get3A_8, %mul3A_353 : vector<16xf32>
        %mul3A_355 = arith.constant 16 : i32
        %mul3A_356 = arith.muli %scan3A_132, %mul3A_355 : i32
        %add3A_357 = arith.constant 2 : i32
        %add3A_358 = arith.addi %mul3A_356, %add3A_357 : i32
        %swap3A_359 = arith.index_cast %add3A_358 : i32 to index
        %swap3A_360 = arith.constant 16 : index
        %swap3A_361 = tpu.vector_load %arg6[%swap3A_359, %swap3A_360] {strides = array<i32>} : memref<400x128xf32, #tpu.memory_space<vmem>>, vector<1x16xf32>,
        %swap3A_362 = vector.shape_cast %swap3A_361 : vector<1x16xf32> to vector<16xf32>
        %swap3A_363 = vector.shape_cast %add3A_354 : vector<16xf32> to vector<1x16xf32>
        tpu.vector_store %arg6[%swap3A_359, %swap3A_360], %swap3A_363 {strides = array<i32>} : memref<400x128xf32, #tpu.memory_space<vmem>>, vector<1x16xf32>,
        %mul3A_364 = vector.broadcast %squeeze3A_339 : f32 to vector<16xf32>
        %mul3A_365 = arith.mulf %mul3A_364, %sub3A_37 : vector<16xf32>
        %add3A_366 = arith.addf %get3A_11, %mul3A_365 : vector<16xf32>
        %mul3A_367 = arith.constant 16 : i32
        %mul3A_368 = arith.muli %scan3A_132, %mul3A_367 : i32
        %add3A_369 = arith.constant 2 : i32
        %add3A_370 = arith.addi %mul3A_368, %add3A_369 : i32
        %swap3A_371 = arith.index_cast %add3A_370 : i32 to index
        %swap3A_372 = arith.constant 32 : index
        %swap3A_373 = tpu.vector_load %arg6[%swap3A_371, %swap3A_372] {strides = array<i32>} : memref<400x128xf32, #tpu.memory_space<vmem>>, vector<1x16xf32>,
        %swap3A_374 = vector.shape_cast %swap3A_373 : vector<1x16xf32> to vector<16xf32>
        %swap3A_375 = vector.shape_cast %add3A_366 : vector<16xf32> to vector<1x16xf32>
        tpu.vector_store %arg6[%swap3A_371, %swap3A_372], %swap3A_375 {strides = array<i32>} : memref<400x128xf32, #tpu.memory_space<vmem>>, vector<1x16xf32>,
        %mul3A_376 = vector.broadcast %squeeze3A_339 : f32 to vector<16xf32>
        %mul3A_377 = arith.mulf %mul3A_376, %sub3A_41 : vector<16xf32>
        %add3A_378 = arith.addf %get3A_14, %mul3A_377 : vector<16xf32>
        %mul3A_379 = arith.constant 16 : i32
        %mul3A_380 = arith.muli %scan3A_132, %mul3A_379 : i32
        %add3A_381 = arith.constant 2 : i32
        %add3A_382 = arith.addi %mul3A_380, %add3A_381 : i32
        %swap3A_383 = arith.index_cast %add3A_382 : i32 to index
        %swap3A_384 = arith.constant 48 : index
        %swap3A_385 = tpu.vector_load %arg6[%swap3A_383, %swap3A_384] {strides = array<i32>} : memref<400x128xf32, #tpu.memory_space<vmem>>, vector<1x16xf32>,
        %swap3A_386 = vector.shape_cast %swap3A_385 : vector<1x16xf32> to vector<16xf32>
        %swap3A_387 = vector.shape_cast %add3A_378 : vector<16xf32> to vector<1x16xf32>
        tpu.vector_store %arg6[%swap3A_383, %swap3A_384], %swap3A_387 {strides = array<i32>} : memref<400x128xf32, #tpu.memory_space<vmem>>, vector<1x16xf32>,
        %mul3A_388 = vector.broadcast %squeeze3A_339 : f32 to vector<16xf32>
        %mul3A_389 = arith.mulf %mul3A_388, %sub3A_45 : vector<16xf32>
        %add3A_390 = arith.addf %get3A_17, %mul3A_389 : vector<16xf32>
        %mul3A_391 = arith.constant 16 : i32
        %mul3A_392 = arith.muli %scan3A_132, %mul3A_391 : i32
        %add3A_393 = arith.constant 2 : i32
        %add3A_394 = arith.addi %mul3A_392, %add3A_393 : i32
        %swap3A_395 = arith.index_cast %add3A_394 : i32 to index
        %swap3A_396 = arith.constant 64 : index
        %swap3A_397 = tpu.vector_load %arg6[%swap3A_395, %swap3A_396] {strides = array<i32>} : memref<400x128xf32, #tpu.memory_space<vmem>>, vector<1x16xf32>,
        %swap3A_398 = vector.shape_cast %swap3A_397 : vector<1x16xf32> to vector<16xf32>
        %swap3A_399 = vector.shape_cast %add3A_390 : vector<16xf32> to vector<1x16xf32>
        tpu.vector_store %arg6[%swap3A_395, %swap3A_396], %swap3A_399 {strides = array<i32>} : memref<400x128xf32, #tpu.memory_space<vmem>>, vector<1x16xf32>,
        %mul3A_400 = vector.broadcast %squeeze3A_339 : f32 to vector<16xf32>
        %mul3A_401 = arith.mulf %mul3A_400, %sub3A_49 : vector<16xf32>
        %add3A_402 = arith.addf %get3A_20, %mul3A_401 : vector<16xf32>
        %mul3A_403 = arith.constant 16 : i32
        %mul3A_404 = arith.muli %scan3A_132, %mul3A_403 : i32
        %add3A_405 = arith.constant 2 : i32
        %add3A_406 = arith.addi %mul3A_404, %add3A_405 : i32
        %swap3A_407 = arith.index_cast %add3A_406 : i32 to index
        %swap3A_408 = arith.constant 80 : index
        %swap3A_409 = tpu.vector_load %arg6[%swap3A_407, %swap3A_408] {strides = array<i32>} : memref<400x128xf32, #tpu.memory_space<vmem>>, vector<1x16xf32>,
        %swap3A_410 = vector.shape_cast %swap3A_409 : vector<1x16xf32> to vector<16xf32>
        %swap3A_411 = vector.shape_cast %add3A_402 : vector<16xf32> to vector<1x16xf32>
        tpu.vector_store %arg6[%swap3A_407, %swap3A_408], %swap3A_411 {strides = array<i32>} : memref<400x128xf32, #tpu.memory_space<vmem>>, vector<1x16xf32>,
        %mul3A_412 = vector.broadcast %squeeze3A_339 : f32 to vector<16xf32>
        %mul3A_413 = arith.mulf %mul3A_412, %sub3A_53 : vector<16xf32>
        %add3A_414 = arith.addf %get3A_23, %mul3A_413 : vector<16xf32>
        %mul3A_415 = arith.constant 16 : i32
        %mul3A_416 = arith.muli %scan3A_132, %mul3A_415 : i32
        %add3A_417 = arith.constant 2 : i32
        %add3A_418 = arith.addi %mul3A_416, %add3A_417 : i32
        %swap3A_419 = arith.index_cast %add3A_418 : i32 to index
        %swap3A_420 = arith.constant 96 : index
        %swap3A_421 = tpu.vector_load %arg6[%swap3A_419, %swap3A_420] {strides = array<i32>} : memref<400x128xf32, #tpu.memory_space<vmem>>, vector<1x16xf32>,
        %swap3A_422 = vector.shape_cast %swap3A_421 : vector<1x16xf32> to vector<16xf32>
        %swap3A_423 = vector.shape_cast %add3A_414 : vector<16xf32> to vector<1x16xf32>
        tpu.vector_store %arg6[%swap3A_419, %swap3A_420], %swap3A_423 {strides = array<i32>} : memref<400x128xf32, #tpu.memory_space<vmem>>, vector<1x16xf32>,
        %mul3A_424 = vector.broadcast %squeeze3A_339 : f32 to vector<16xf32>
        %mul3A_425 = arith.mulf %mul3A_424, %sub3A_57 : vector<16xf32>
        %add3A_426 = arith.addf %get3A_26, %mul3A_425 : vector<16xf32>
        %mul3A_427 = arith.constant 16 : i32
        %mul3A_428 = arith.muli %scan3A_132, %mul3A_427 : i32
        %add3A_429 = arith.constant 2 : i32
        %add3A_430 = arith.addi %mul3A_428, %add3A_429 : i32
        %swap3A_431 = arith.index_cast %add3A_430 : i32 to index
        %swap3A_432 = arith.constant 112 : index
        %swap3A_433 = tpu.vector_load %arg6[%swap3A_431, %swap3A_432] {strides = array<i32>} : memref<400x128xf32, #tpu.memory_space<vmem>>, vector<1x16xf32>,
        %swap3A_434 = vector.shape_cast %swap3A_433 : vector<1x16xf32> to vector<16xf32>
        %swap3A_435 = vector.shape_cast %add3A_426 : vector<16xf32> to vector<1x16xf32>
        tpu.vector_store %arg6[%swap3A_431, %swap3A_432], %swap3A_435 {strides = array<i32>} : memref<400x128xf32, #tpu.memory_space<vmem>>, vector<1x16xf32>,
        %slice3A_436 = vector.extract_strided_slice %mul3A_144 {offsets = [3], sizes = [1], strides = [1]} : vector<16xf32> to vector<1xf32>
        %squeeze3A_437 = vector.extract %slice3A_436[0] : f32 from vector<1xf32>
        %mul3A_438 = vector.broadcast %squeeze3A_437 : f32 to vector<16xf32>
        %mul3A_439 = arith.mulf %mul3A_438, %sub3A : vector<16xf32>
        %add3A_440 = arith.addf %get3A_5, %mul3A_439 : vector<16xf32>
        %mul3A_441 = arith.constant 16 : i32
        %mul3A_442 = arith.muli %scan3A_132, %mul3A_441 : i32
        %add3A_443 = arith.constant 3 : i32
        %add3A_444 = arith.addi %mul3A_442, %add3A_443 : i32
        %swap3A_445 = arith.index_cast %add3A_444 : i32 to index
        %swap3A_446 = arith.constant 0 : index
        %swap3A_447 = tpu.vector_load %arg6[%swap3A_445, %swap3A_446] {strides = array<i32>} : memref<400x128xf32, #tpu.memory_space<vmem>>, vector<1x16xf32>,
        %swap3A_448 = vector.shape_cast %swap3A_447 : vector<1x16xf32> to vector<16xf32>
        %swap3A_449 = vector.shape_cast %add3A_440 : vector<16xf32> to vector<1x16xf32>
        tpu.vector_store %arg6[%swap3A_445, %swap3A_446], %swap3A_449 {strides = array<i32>} : memref<400x128xf32, #tpu.memory_space<vmem>>, vector<1x16xf32>,
        %mul3A_450 = vector.broadcast %squeeze3A_437 : f32 to vector<16xf32>
        %mul3A_451 = arith.mulf %mul3A_450, %sub3A_33 : vector<16xf32>
        %add3A_452 = arith.addf %get3A_8, %mul3A_451 : vector<16xf32>
        %mul3A_453 = arith.constant 16 : i32
        %mul3A_454 = arith.muli %scan3A_132, %mul3A_453 : i32
        %add3A_455 = arith.constant 3 : i32
        %add3A_456 = arith.addi %mul3A_454, %add3A_455 : i32
        %swap3A_457 = arith.index_cast %add3A_456 : i32 to index
        %swap3A_458 = arith.constant 16 : index
        %swap3A_459 = tpu.vector_load %arg6[%swap3A_457, %swap3A_458] {strides = array<i32>} : memref<400x128xf32, #tpu.memory_space<vmem>>, vector<1x16xf32>,
        %swap3A_460 = vector.shape_cast %swap3A_459 : vector<1x16xf32> to vector<16xf32>
        %swap3A_461 = vector.shape_cast %add3A_452 : vector<16xf32> to vector<1x16xf32>
        tpu.vector_store %arg6[%swap3A_457, %swap3A_458], %swap3A_461 {strides = array<i32>} : memref<400x128xf32, #tpu.memory_space<vmem>>, vector<1x16xf32>,
        %mul3A_462 = vector.broadcast %squeeze3A_437 : f32 to vector<16xf32>
        %mul3A_463 = arith.mulf %mul3A_462, %sub3A_37 : vector<16xf32>
        %add3A_464 = arith.addf %get3A_11, %mul3A_463 : vector<16xf32>
        %mul3A_465 = arith.constant 16 : i32
        %mul3A_466 = arith.muli %scan3A_132, %mul3A_465 : i32
        %add3A_467 = arith.constant 3 : i32
        %add3A_468 = arith.addi %mul3A_466, %add3A_467 : i32
        %swap3A_469 = arith.index_cast %add3A_468 : i32 to index
        %swap3A_470 = arith.constant 32 : index
        %swap3A_471 = tpu.vector_load %arg6[%swap3A_469, %swap3A_470] {strides = array<i32>} : memref<400x128xf32, #tpu.memory_space<vmem>>, vector<1x16xf32>,
        %swap3A_472 = vector.shape_cast %swap3A_471 : vector<1x16xf32> to vector<16xf32>
        %swap3A_473 = vector.shape_cast %add3A_464 : vector<16xf32> to vector<1x16xf32>
        tpu.vector_store %arg6[%swap3A_469, %swap3A_470], %swap3A_473 {strides = array<i32>} : memref<400x128xf32, #tpu.memory_space<vmem>>, vector<1x16xf32>,
        %mul3A_474 = vector.broadcast %squeeze3A_437 : f32 to vector<16xf32>
        %mul3A_475 = arith.mulf %mul3A_474, %sub3A_41 : vector<16xf32>
        %add3A_476 = arith.addf %get3A_14, %mul3A_475 : vector<16xf32>
        %mul3A_477 = arith.constant 16 : i32
        %mul3A_478 = arith.muli %scan3A_132, %mul3A_477 : i32
        %add3A_479 = arith.constant 3 : i32
        %add3A_480 = arith.addi %mul3A_478, %add3A_479 : i32
        %swap3A_481 = arith.index_cast %add3A_480 : i32 to index
        %swap3A_482 = arith.constant 48 : index
        %swap3A_483 = tpu.vector_load %arg6[%swap3A_481, %swap3A_482] {strides = array<i32>} : memref<400x128xf32, #tpu.memory_space<vmem>>, vector<1x16xf32>,
        %swap3A_484 = vector.shape_cast %swap3A_483 : vector<1x16xf32> to vector<16xf32>
        %swap3A_485 = vector.shape_cast %add3A_476 : vector<16xf32> to vector<1x16xf32>
        tpu.vector_store %arg6[%swap3A_481, %swap3A_482], %swap3A_485 {strides = array<i32>} : memref<400x128xf32, #tpu.memory_space<vmem>>, vector<1x16xf32>,
        %mul3A_486 = vector.broadcast %squeeze3A_437 : f32 to vector<16xf32>
        %mul3A_487 = arith.mulf %mul3A_486, %sub3A_45 : vector<16xf32>
        %add3A_488 = arith.addf %get3A_17, %mul3A_487 : vector<16xf32>
        %mul3A_489 = arith.constant 16 : i32
        %mul3A_490 = arith.muli %scan3A_132, %mul3A_489 : i32
        %add3A_491 = arith.constant 3 : i32
        %add3A_492 = arith.addi %mul3A_490, %add3A_491 : i32
        %swap3A_493 = arith.index_cast %add3A_492 : i32 to index
        %swap3A_494 = arith.constant 64 : index
        %swap3A_495 = tpu.vector_load %arg6[%swap3A_493, %swap3A_494] {strides = array<i32>} : memref<400x128xf32, #tpu.memory_space<vmem>>, vector<1x16xf32>,
        %swap3A_496 = vector.shape_cast %swap3A_495 : vector<1x16xf32> to vector<16xf32>
        %swap3A_497 = vector.shape_cast %add3A_488 : vector<16xf32> to vector<1x16xf32>
        tpu.vector_store %arg6[%swap3A_493, %swap3A_494], %swap3A_497 {strides = array<i32>} : memref<400x128xf32, #tpu.memory_space<vmem>>, vector<1x16xf32>,
        %mul3A_498 = vector.broadcast %squeeze3A_437 : f32 to vector<16xf32>
        %mul3A_499 = arith.mulf %mul3A_498, %sub3A_49 : vector<16xf32>
        %add3A_500 = arith.addf %get3A_20, %mul3A_499 : vector<16xf32>
        %mul3A_501 = arith.constant 16 : i32
        %mul3A_502 = arith.muli %scan3A_132, %mul3A_501 : i32
        %add3A_503 = arith.constant 3 : i32
        %add3A_504 = arith.addi %mul3A_502, %add3A_503 : i32
        %swap3A_505 = arith.index_cast %add3A_504 : i32 to index
        %swap3A_506 = arith.constant 80 : index
        %swap3A_507 = tpu.vector_load %arg6[%swap3A_505, %swap3A_506] {strides = array<i32>} : memref<400x128xf32, #tpu.memory_space<vmem>>, vector<1x16xf32>,
        %swap3A_508 = vector.shape_cast %swap3A_507 : vector<1x16xf32> to vector<16xf32>
        %swap3A_509 = vector.shape_cast %add3A_500 : vector<16xf32> to vector<1x16xf32>
        tpu.vector_store %arg6[%swap3A_505, %swap3A_506], %swap3A_509 {strides = array<i32>} : memref<400x128xf32, #tpu.memory_space<vmem>>, vector<1x16xf32>,
        %mul3A_510 = vector.broadcast %squeeze3A_437 : f32 to vector<16xf32>
        %mul3A_511 = arith.mulf %mul3A_510, %sub3A_53 : vector<16xf32>
        %add3A_512 = arith.addf %get3A_23, %mul3A_511 : vector<16xf32>
        %mul3A_513 = arith.constant 16 : i32
        %mul3A_514 = arith.muli %scan3A_132, %mul3A_513 : i32
        %add3A_515 = arith.constant 3 : i32
        %add3A_516 = arith.addi %mul3A_514, %add3A_515 : i32
        %swap3A_517 = arith.index_cast %add3A_516 : i32 to index
        %swap3A_518 = arith.constant 96 : index
        %swap3A_519 = tpu.vector_load %arg6[%swap3A_517, %swap3A_518] {strides = array<i32>} : memref<400x128xf32, #tpu.memory_space<vmem>>, vector<1x16xf32>,
        %swap3A_520 = vector.shape_cast %swap3A_519 : vector<1x16xf32> to vector<16xf32>
        %swap3A_521 = vector.shape_cast %add3A_512 : vector<16xf32> to vector<1x16xf32>
        tpu.vector_store %arg6[%swap3A_517, %swap3A_518], %swap3A_521 {strides = array<i32>} : memref<400x128xf32, #tpu.memory_space<vmem>>, vector<1x16xf32>,
        %mul3A_522 = vector.broadcast %squeeze3A_437 : f32 to vector<16xf32>
        %mul3A_523 = arith.mulf %mul3A_522, %sub3A_57 : vector<16xf32>
        %add3A_524 = arith.addf %get3A_26, %mul3A_523 : vector<16xf32>
        %mul3A_525 = arith.constant 16 : i32
        %mul3A_526 = arith.muli %scan3A_132, %mul3A_525 : i32
        %add3A_527 = arith.constant 3 : i32
        %add3A_528 = arith.addi %mul3A_526, %add3A_527 : i32
        %swap3A_529 = arith.index_cast %add3A_528 : i32 to index
        %swap3A_530 = arith.constant 112 : index
        %swap3A_531 = tpu.vector_load %arg6[%swap3A_529, %swap3A_530] {strides = array<i32>} : memref<400x128xf32, #tpu.memory_space<vmem>>, vector<1x16xf32>,
        %swap3A_532 = vector.shape_cast %swap3A_531 : vector<1x16xf32> to vector<16xf32>
        %swap3A_533 = vector.shape_cast %add3A_524 : vector<16xf32> to vector<1x16xf32>
        tpu.vector_store %arg6[%swap3A_529, %swap3A_530], %swap3A_533 {strides = array<i32>} : memref<400x128xf32, #tpu.memory_space<vmem>>, vector<1x16xf32>,
        %slice3A_534 = vector.extract_strided_slice %mul3A_144 {offsets = [4], sizes = [1], strides = [1]} : vector<16xf32> to vector<1xf32>
        %squeeze3A_535 = vector.extract %slice3A_534[0] : f32 from vector<1xf32>
        %mul3A_536 = vector.broadcast %squeeze3A_535 : f32 to vector<16xf32>
        %mul3A_537 = arith.mulf %mul3A_536, %sub3A : vector<16xf32>
        %add3A_538 = arith.addf %get3A_5, %mul3A_537 : vector<16xf32>
        %mul3A_539 = arith.constant 16 : i32
        %mul3A_540 = arith.muli %scan3A_132, %mul3A_539 : i32
        %add3A_541 = arith.constant 4 : i32
        %add3A_542 = arith.addi %mul3A_540, %add3A_541 : i32
        %swap3A_543 = arith.index_cast %add3A_542 : i32 to index
        %swap3A_544 = arith.constant 0 : index
        %swap3A_545 = tpu.vector_load %arg6[%swap3A_543, %swap3A_544] {strides = array<i32>} : memref<400x128xf32, #tpu.memory_space<vmem>>, vector<1x16xf32>,
        %swap3A_546 = vector.shape_cast %swap3A_545 : vector<1x16xf32> to vector<16xf32>
        %swap3A_547 = vector.shape_cast %add3A_538 : vector<16xf32> to vector<1x16xf32>
        tpu.vector_store %arg6[%swap3A_543, %swap3A_544], %swap3A_547 {strides = array<i32>} : memref<400x128xf32, #tpu.memory_space<vmem>>, vector<1x16xf32>,
        %mul3A_548 = vector.broadcast %squeeze3A_535 : f32 to vector<16xf32>
        %mul3A_549 = arith.mulf %mul3A_548, %sub3A_33 : vector<16xf32>
        %add3A_550 = arith.addf %get3A_8, %mul3A_549 : vector<16xf32>
        %mul3A_551 = arith.constant 16 : i32
        %mul3A_552 = arith.muli %scan3A_132, %mul3A_551 : i32
        %add3A_553 = arith.constant 4 : i32
        %add3A_554 = arith.addi %mul3A_552, %add3A_553 : i32
        %swap3A_555 = arith.index_cast %add3A_554 : i32 to index
        %swap3A_556 = arith.constant 16 : index
        %swap3A_557 = tpu.vector_load %arg6[%swap3A_555, %swap3A_556] {strides = array<i32>} : memref<400x128xf32, #tpu.memory_space<vmem>>, vector<1x16xf32>,
        %swap3A_558 = vector.shape_cast %swap3A_557 : vector<1x16xf32> to vector<16xf32>
        %swap3A_559 = vector.shape_cast %add3A_550 : vector<16xf32> to vector<1x16xf32>
        tpu.vector_store %arg6[%swap3A_555, %swap3A_556], %swap3A_559 {strides = array<i32>} : memref<400x128xf32, #tpu.memory_space<vmem>>, vector<1x16xf32>,
        %mul3A_560 = vector.broadcast %squeeze3A_535 : f32 to vector<16xf32>
        %mul3A_561 = arith.mulf %mul3A_560, %sub3A_37 : vector<16xf32>
        %add3A_562 = arith.addf %get3A_11, %mul3A_561 : vector<16xf32>
        %mul3A_563 = arith.constant 16 : i32
        %mul3A_564 = arith.muli %scan3A_132, %mul3A_563 : i32
        %add3A_565 = arith.constant 4 : i32
        %add3A_566 = arith.addi %mul3A_564, %add3A_565 : i32
        %swap3A_567 = arith.index_cast %add3A_566 : i32 to index
        %swap3A_568 = arith.constant 32 : index
        %swap3A_569 = tpu.vector_load %arg6[%swap3A_567, %swap3A_568] {strides = array<i32>} : memref<400x128xf32, #tpu.memory_space<vmem>>, vector<1x16xf32>,
        %swap3A_570 = vector.shape_cast %swap3A_569 : vector<1x16xf32> to vector<16xf32>
        %swap3A_571 = vector.shape_cast %add3A_562 : vector<16xf32> to vector<1x16xf32>
        tpu.vector_store %arg6[%swap3A_567, %swap3A_568], %swap3A_571 {strides = array<i32>} : memref<400x128xf32, #tpu.memory_space<vmem>>, vector<1x16xf32>,
        %mul3A_572 = vector.broadcast %squeeze3A_535 : f32 to vector<16xf32>
        %mul3A_573 = arith.mulf %mul3A_572, %sub3A_41 : vector<16xf32>
        %add3A_574 = arith.addf %get3A_14, %mul3A_573 : vector<16xf32>
        %mul3A_575 = arith.constant 16 : i32
        %mul3A_576 = arith.muli %scan3A_132, %mul3A_575 : i32
        %add3A_577 = arith.constant 4 : i32
        %add3A_578 = arith.addi %mul3A_576, %add3A_577 : i32
        %swap3A_579 = arith.index_cast %add3A_578 : i32 to index
        %swap3A_580 = arith.constant 48 : index
        %swap3A_581 = tpu.vector_load %arg6[%swap3A_579, %swap3A_580] {strides = array<i32>} : memref<400x128xf32, #tpu.memory_space<vmem>>, vector<1x16xf32>,
        %swap3A_582 = vector.shape_cast %swap3A_581 : vector<1x16xf32> to vector<16xf32>
        %swap3A_583 = vector.shape_cast %add3A_574 : vector<16xf32> to vector<1x16xf32>
        tpu.vector_store %arg6[%swap3A_579, %swap3A_580], %swap3A_583 {strides = array<i32>} : memref<400x128xf32, #tpu.memory_space<vmem>>, vector<1x16xf32>,
        %mul3A_584 = vector.broadcast %squeeze3A_535 : f32 to vector<16xf32>
        %mul3A_585 = arith.mulf %mul3A_584, %sub3A_45 : vector<16xf32>
        %add3A_586 = arith.addf %get3A_17, %mul3A_585 : vector<16xf32>
        %mul3A_587 = arith.constant 16 : i32
        %mul3A_588 = arith.muli %scan3A_132, %mul3A_587 : i32
        %add3A_589 = arith.constant 4 : i32
        %add3A_590 = arith.addi %mul3A_588, %add3A_589 : i32
        %swap3A_591 = arith.index_cast %add3A_590 : i32 to index
        %swap3A_592 = arith.constant 64 : index
        %swap3A_593 = tpu.vector_load %arg6[%swap3A_591, %swap3A_592] {strides = array<i32>} : memref<400x128xf32, #tpu.memory_space<vmem>>, vector<1x16xf32>,
        %swap3A_594 = vector.shape_cast %swap3A_593 : vector<1x16xf32> to vector<16xf32>
        %swap3A_595 = vector.shape_cast %add3A_586 : vector<16xf32> to vector<1x16xf32>
        tpu.vector_store %arg6[%swap3A_591, %swap3A_592], %swap3A_595 {strides = array<i32>} : memref<400x128xf32, #tpu.memory_space<vmem>>, vector<1x16xf32>,
        %mul3A_596 = vector.broadcast %squeeze3A_535 : f32 to vector<16xf32>
        %mul3A_597 = arith.mulf %mul3A_596, %sub3A_49 : vector<16xf32>
        %add3A_598 = arith.addf %get3A_20, %mul3A_597 : vector<16xf32>
        %mul3A_599 = arith.constant 16 : i32
        %mul3A_600 = arith.muli %scan3A_132, %mul3A_599 : i32
        %add3A_601 = arith.constant 4 : i32
        %add3A_602 = arith.addi %mul3A_600, %add3A_601 : i32
        %swap3A_603 = arith.index_cast %add3A_602 : i32 to index
        %swap3A_604 = arith.constant 80 : index
        %swap3A_605 = tpu.vector_load %arg6[%swap3A_603, %swap3A_604] {strides = array<i32>} : memref<400x128xf32, #tpu.memory_space<vmem>>, vector<1x16xf32>,
        %swap3A_606 = vector.shape_cast %swap3A_605 : vector<1x16xf32> to vector<16xf32>
        %swap3A_607 = vector.shape_cast %add3A_598 : vector<16xf32> to vector<1x16xf32>
        tpu.vector_store %arg6[%swap3A_603, %swap3A_604], %swap3A_607 {strides = array<i32>} : memref<400x128xf32, #tpu.memory_space<vmem>>, vector<1x16xf32>,
        %mul3A_608 = vector.broadcast %squeeze3A_535 : f32 to vector<16xf32>
        %mul3A_609 = arith.mulf %mul3A_608, %sub3A_53 : vector<16xf32>
        %add3A_610 = arith.addf %get3A_23, %mul3A_609 : vector<16xf32>
        %mul3A_611 = arith.constant 16 : i32
        %mul3A_612 = arith.muli %scan3A_132, %mul3A_611 : i32
        %add3A_613 = arith.constant 4 : i32
        %add3A_614 = arith.addi %mul3A_612, %add3A_613 : i32
        %swap3A_615 = arith.index_cast %add3A_614 : i32 to index
        %swap3A_616 = arith.constant 96 : index
        %swap3A_617 = tpu.vector_load %arg6[%swap3A_615, %swap3A_616] {strides = array<i32>} : memref<400x128xf32, #tpu.memory_space<vmem>>, vector<1x16xf32>,
        %swap3A_618 = vector.shape_cast %swap3A_617 : vector<1x16xf32> to vector<16xf32>
        %swap3A_619 = vector.shape_cast %add3A_610 : vector<16xf32> to vector<1x16xf32>
        tpu.vector_store %arg6[%swap3A_615, %swap3A_616], %swap3A_619 {strides = array<i32>} : memref<400x128xf32, #tpu.memory_space<vmem>>, vector<1x16xf32>,
        %mul3A_620 = vector.broadcast %squeeze3A_535 : f32 to vector<16xf32>
        %mul3A_621 = arith.mulf %mul3A_620, %sub3A_57 : vector<16xf32>
        %add3A_622 = arith.addf %get3A_26, %mul3A_621 : vector<16xf32>
        %mul3A_623 = arith.constant 16 : i32
        %mul3A_624 = arith.muli %scan3A_132, %mul3A_623 : i32
        %add3A_625 = arith.constant 4 : i32
        %add3A_626 = arith.addi %mul3A_624, %add3A_625 : i32
        %swap3A_627 = arith.index_cast %add3A_626 : i32 to index
        %swap3A_628 = arith.constant 112 : index
        %swap3A_629 = tpu.vector_load %arg6[%swap3A_627, %swap3A_628] {strides = array<i32>} : memref<400x128xf32, #tpu.memory_space<vmem>>, vector<1x16xf32>,
        %swap3A_630 = vector.shape_cast %swap3A_629 : vector<1x16xf32> to vector<16xf32>
        %swap3A_631 = vector.shape_cast %add3A_622 : vector<16xf32> to vector<1x16xf32>
        tpu.vector_store %arg6[%swap3A_627, %swap3A_628], %swap3A_631 {strides = array<i32>} : memref<400x128xf32, #tpu.memory_space<vmem>>, vector<1x16xf32>,
        %slice3A_632 = vector.extract_strided_slice %mul3A_144 {offsets = [5], sizes = [1], strides = [1]} : vector<16xf32> to vector<1xf32>
        %squeeze3A_633 = vector.extract %slice3A_632[0] : f32 from vector<1xf32>
        %mul3A_634 = vector.broadcast %squeeze3A_633 : f32 to vector<16xf32>
        %mul3A_635 = arith.mulf %mul3A_634, %sub3A : vector<16xf32>
        %add3A_636 = arith.addf %get3A_5, %mul3A_635 : vector<16xf32>
        %mul3A_637 = arith.constant 16 : i32
        %mul3A_638 = arith.muli %scan3A_132, %mul3A_637 : i32
        %add3A_639 = arith.constant 5 : i32
        %add3A_640 = arith.addi %mul3A_638, %add3A_639 : i32
        %swap3A_641 = arith.index_cast %add3A_640 : i32 to index
        %swap3A_642 = arith.constant 0 : index
        %swap3A_643 = tpu.vector_load %arg6[%swap3A_641, %swap3A_642] {strides = array<i32>} : memref<400x128xf32, #tpu.memory_space<vmem>>, vector<1x16xf32>,
        %swap3A_644 = vector.shape_cast %swap3A_643 : vector<1x16xf32> to vector<16xf32>
        %swap3A_645 = vector.shape_cast %add3A_636 : vector<16xf32> to vector<1x16xf32>
        tpu.vector_store %arg6[%swap3A_641, %swap3A_642], %swap3A_645 {strides = array<i32>} : memref<400x128xf32, #tpu.memory_space<vmem>>, vector<1x16xf32>,
        %mul3A_646 = vector.broadcast %squeeze3A_633 : f32 to vector<16xf32>
        %mul3A_647 = arith.mulf %mul3A_646, %sub3A_33 : vector<16xf32>
        %add3A_648 = arith.addf %get3A_8, %mul3A_647 : vector<16xf32>
        %mul3A_649 = arith.constant 16 : i32
        %mul3A_650 = arith.muli %scan3A_132, %mul3A_649 : i32
        %add3A_651 = arith.constant 5 : i32
        %add3A_652 = arith.addi %mul3A_650, %add3A_651 : i32
        %swap3A_653 = arith.index_cast %add3A_652 : i32 to index
        %swap3A_654 = arith.constant 16 : index
        %swap3A_655 = tpu.vector_load %arg6[%swap3A_653, %swap3A_654] {strides = array<i32>} : memref<400x128xf32, #tpu.memory_space<vmem>>, vector<1x16xf32>,
        %swap3A_656 = vector.shape_cast %swap3A_655 : vector<1x16xf32> to vector<16xf32>
        %swap3A_657 = vector.shape_cast %add3A_648 : vector<16xf32> to vector<1x16xf32>
        tpu.vector_store %arg6[%swap3A_653, %swap3A_654], %swap3A_657 {strides = array<i32>} : memref<400x128xf32, #tpu.memory_space<vmem>>, vector<1x16xf32>,
        %mul3A_658 = vector.broadcast %squeeze3A_633 : f32 to vector<16xf32>
        %mul3A_659 = arith.mulf %mul3A_658, %sub3A_37 : vector<16xf32>
        %add3A_660 = arith.addf %get3A_11, %mul3A_659 : vector<16xf32>
        %mul3A_661 = arith.constant 16 : i32
        %mul3A_662 = arith.muli %scan3A_132, %mul3A_661 : i32
        %add3A_663 = arith.constant 5 : i32
        %add3A_664 = arith.addi %mul3A_662, %add3A_663 : i32
        %swap3A_665 = arith.index_cast %add3A_664 : i32 to index
        %swap3A_666 = arith.constant 32 : index
        %swap3A_667 = tpu.vector_load %arg6[%swap3A_665, %swap3A_666] {strides = array<i32>} : memref<400x128xf32, #tpu.memory_space<vmem>>, vector<1x16xf32>,
        %swap3A_668 = vector.shape_cast %swap3A_667 : vector<1x16xf32> to vector<16xf32>
        %swap3A_669 = vector.shape_cast %add3A_660 : vector<16xf32> to vector<1x16xf32>
        tpu.vector_store %arg6[%swap3A_665, %swap3A_666], %swap3A_669 {strides = array<i32>} : memref<400x128xf32, #tpu.memory_space<vmem>>, vector<1x16xf32>,
        %mul3A_670 = vector.broadcast %squeeze3A_633 : f32 to vector<16xf32>
        %mul3A_671 = arith.mulf %mul3A_670, %sub3A_41 : vector<16xf32>
        %add3A_672 = arith.addf %get3A_14, %mul3A_671 : vector<16xf32>
        %mul3A_673 = arith.constant 16 : i32
        %mul3A_674 = arith.muli %scan3A_132, %mul3A_673 : i32
        %add3A_675 = arith.constant 5 : i32
        %add3A_676 = arith.addi %mul3A_674, %add3A_675 : i32
        %swap3A_677 = arith.index_cast %add3A_676 : i32 to index
        %swap3A_678 = arith.constant 48 : index
        %swap3A_679 = tpu.vector_load %arg6[%swap3A_677, %swap3A_678] {strides = array<i32>} : memref<400x128xf32, #tpu.memory_space<vmem>>, vector<1x16xf32>,
        %swap3A_680 = vector.shape_cast %swap3A_679 : vector<1x16xf32> to vector<16xf32>
        %swap3A_681 = vector.shape_cast %add3A_672 : vector<16xf32> to vector<1x16xf32>
        tpu.vector_store %arg6[%swap3A_677, %swap3A_678], %swap3A_681 {strides = array<i32>} : memref<400x128xf32, #tpu.memory_space<vmem>>, vector<1x16xf32>,
        %mul3A_682 = vector.broadcast %squeeze3A_633 : f32 to vector<16xf32>
        %mul3A_683 = arith.mulf %mul3A_682, %sub3A_45 : vector<16xf32>
        %add3A_684 = arith.addf %get3A_17, %mul3A_683 : vector<16xf32>
        %mul3A_685 = arith.constant 16 : i32
        %mul3A_686 = arith.muli %scan3A_132, %mul3A_685 : i32
        %add3A_687 = arith.constant 5 : i32
        %add3A_688 = arith.addi %mul3A_686, %add3A_687 : i32
        %swap3A_689 = arith.index_cast %add3A_688 : i32 to index
        %swap3A_690 = arith.constant 64 : index
        %swap3A_691 = tpu.vector_load %arg6[%swap3A_689, %swap3A_690] {strides = array<i32>} : memref<400x128xf32, #tpu.memory_space<vmem>>, vector<1x16xf32>,
        %swap3A_692 = vector.shape_cast %swap3A_691 : vector<1x16xf32> to vector<16xf32>
        %swap3A_693 = vector.shape_cast %add3A_684 : vector<16xf32> to vector<1x16xf32>
        tpu.vector_store %arg6[%swap3A_689, %swap3A_690], %swap3A_693 {strides = array<i32>} : memref<400x128xf32, #tpu.memory_space<vmem>>, vector<1x16xf32>,
        %mul3A_694 = vector.broadcast %squeeze3A_633 : f32 to vector<16xf32>
        %mul3A_695 = arith.mulf %mul3A_694, %sub3A_49 : vector<16xf32>
        %add3A_696 = arith.addf %get3A_20, %mul3A_695 : vector<16xf32>
        %mul3A_697 = arith.constant 16 : i32
        %mul3A_698 = arith.muli %scan3A_132, %mul3A_697 : i32
        %add3A_699 = arith.constant 5 : i32
        %add3A_700 = arith.addi %mul3A_698, %add3A_699 : i32
        %swap3A_701 = arith.index_cast %add3A_700 : i32 to index
        %swap3A_702 = arith.constant 80 : index
        %swap3A_703 = tpu.vector_load %arg6[%swap3A_701, %swap3A_702] {strides = array<i32>} : memref<400x128xf32, #tpu.memory_space<vmem>>, vector<1x16xf32>,
        %swap3A_704 = vector.shape_cast %swap3A_703 : vector<1x16xf32> to vector<16xf32>
        %swap3A_705 = vector.shape_cast %add3A_696 : vector<16xf32> to vector<1x16xf32>
        tpu.vector_store %arg6[%swap3A_701, %swap3A_702], %swap3A_705 {strides = array<i32>} : memref<400x128xf32, #tpu.memory_space<vmem>>, vector<1x16xf32>,
        %mul3A_706 = vector.broadcast %squeeze3A_633 : f32 to vector<16xf32>
        %mul3A_707 = arith.mulf %mul3A_706, %sub3A_53 : vector<16xf32>
        %add3A_708 = arith.addf %get3A_23, %mul3A_707 : vector<16xf32>
        %mul3A_709 = arith.constant 16 : i32
        %mul3A_710 = arith.muli %scan3A_132, %mul3A_709 : i32
        %add3A_711 = arith.constant 5 : i32
        %add3A_712 = arith.addi %mul3A_710, %add3A_711 : i32
        %swap3A_713 = arith.index_cast %add3A_712 : i32 to index
        %swap3A_714 = arith.constant 96 : index
        %swap3A_715 = tpu.vector_load %arg6[%swap3A_713, %swap3A_714] {strides = array<i32>} : memref<400x128xf32, #tpu.memory_space<vmem>>, vector<1x16xf32>,
        %swap3A_716 = vector.shape_cast %swap3A_715 : vector<1x16xf32> to vector<16xf32>
        %swap3A_717 = vector.shape_cast %add3A_708 : vector<16xf32> to vector<1x16xf32>
        tpu.vector_store %arg6[%swap3A_713, %swap3A_714], %swap3A_717 {strides = array<i32>} : memref<400x128xf32, #tpu.memory_space<vmem>>, vector<1x16xf32>,
        %mul3A_718 = vector.broadcast %squeeze3A_633 : f32 to vector<16xf32>
        %mul3A_719 = arith.mulf %mul3A_718, %sub3A_57 : vector<16xf32>
        %add3A_720 = arith.addf %get3A_26, %mul3A_719 : vector<16xf32>
        %mul3A_721 = arith.constant 16 : i32
        %mul3A_722 = arith.muli %scan3A_132, %mul3A_721 : i32
        %add3A_723 = arith.constant 5 : i32
        %add3A_724 = arith.addi %mul3A_722, %add3A_723 : i32
        %swap3A_725 = arith.index_cast %add3A_724 : i32 to index
        %swap3A_726 = arith.constant 112 : index
        %swap3A_727 = tpu.vector_load %arg6[%swap3A_725, %swap3A_726] {strides = array<i32>} : memref<400x128xf32, #tpu.memory_space<vmem>>, vector<1x16xf32>,
        %swap3A_728 = vector.shape_cast %swap3A_727 : vector<1x16xf32> to vector<16xf32>
        %swap3A_729 = vector.shape_cast %add3A_720 : vector<16xf32> to vector<1x16xf32>
        tpu.vector_store %arg6[%swap3A_725, %swap3A_726], %swap3A_729 {strides = array<i32>} : memref<400x128xf32, #tpu.memory_space<vmem>>, vector<1x16xf32>,
        %slice3A_730 = vector.extract_strided_slice %mul3A_144 {offsets = [6], sizes = [1], strides = [1]} : vector<16xf32> to vector<1xf32>
        %squeeze3A_731 = vector.extract %slice3A_730[0] : f32 from vector<1xf32>
        %mul3A_732 = vector.broadcast %squeeze3A_731 : f32 to vector<16xf32>
        %mul3A_733 = arith.mulf %mul3A_732, %sub3A : vector<16xf32>
        %add3A_734 = arith.addf %get3A_5, %mul3A_733 : vector<16xf32>
        %mul3A_735 = arith.constant 16 : i32
        %mul3A_736 = arith.muli %scan3A_132, %mul3A_735 : i32
        %add3A_737 = arith.constant 6 : i32
        %add3A_738 = arith.addi %mul3A_736, %add3A_737 : i32
        %swap3A_739 = arith.index_cast %add3A_738 : i32 to index
        %swap3A_740 = arith.constant 0 : index
        %swap3A_741 = tpu.vector_load %arg6[%swap3A_739, %swap3A_740] {strides = array<i32>} : memref<400x128xf32, #tpu.memory_space<vmem>>, vector<1x16xf32>,
        %swap3A_742 = vector.shape_cast %swap3A_741 : vector<1x16xf32> to vector<16xf32>
        %swap3A_743 = vector.shape_cast %add3A_734 : vector<16xf32> to vector<1x16xf32>
        tpu.vector_store %arg6[%swap3A_739, %swap3A_740], %swap3A_743 {strides = array<i32>} : memref<400x128xf32, #tpu.memory_space<vmem>>, vector<1x16xf32>,
        %mul3A_744 = vector.broadcast %squeeze3A_731 : f32 to vector<16xf32>
        %mul3A_745 = arith.mulf %mul3A_744, %sub3A_33 : vector<16xf32>
        %add3A_746 = arith.addf %get3A_8, %mul3A_745 : vector<16xf32>
        %mul3A_747 = arith.constant 16 : i32
        %mul3A_748 = arith.muli %scan3A_132, %mul3A_747 : i32
        %add3A_749 = arith.constant 6 : i32
        %add3A_750 = arith.addi %mul3A_748, %add3A_749 : i32
        %swap3A_751 = arith.index_cast %add3A_750 : i32 to index
        %swap3A_752 = arith.constant 16 : index
        %swap3A_753 = tpu.vector_load %arg6[%swap3A_751, %swap3A_752] {strides = array<i32>} : memref<400x128xf32, #tpu.memory_space<vmem>>, vector<1x16xf32>,
        %swap3A_754 = vector.shape_cast %swap3A_753 : vector<1x16xf32> to vector<16xf32>
        %swap3A_755 = vector.shape_cast %add3A_746 : vector<16xf32> to vector<1x16xf32>
        tpu.vector_store %arg6[%swap3A_751, %swap3A_752], %swap3A_755 {strides = array<i32>} : memref<400x128xf32, #tpu.memory_space<vmem>>, vector<1x16xf32>,
        %mul3A_756 = vector.broadcast %squeeze3A_731 : f32 to vector<16xf32>
        %mul3A_757 = arith.mulf %mul3A_756, %sub3A_37 : vector<16xf32>
        %add3A_758 = arith.addf %get3A_11, %mul3A_757 : vector<16xf32>
        %mul3A_759 = arith.constant 16 : i32
        %mul3A_760 = arith.muli %scan3A_132, %mul3A_759 : i32
        %add3A_761 = arith.constant 6 : i32
        %add3A_762 = arith.addi %mul3A_760, %add3A_761 : i32
        %swap3A_763 = arith.index_cast %add3A_762 : i32 to index
        %swap3A_764 = arith.constant 32 : index
        %swap3A_765 = tpu.vector_load %arg6[%swap3A_763, %swap3A_764] {strides = array<i32>} : memref<400x128xf32, #tpu.memory_space<vmem>>, vector<1x16xf32>,
        %swap3A_766 = vector.shape_cast %swap3A_765 : vector<1x16xf32> to vector<16xf32>
        %swap3A_767 = vector.shape_cast %add3A_758 : vector<16xf32> to vector<1x16xf32>
        tpu.vector_store %arg6[%swap3A_763, %swap3A_764], %swap3A_767 {strides = array<i32>} : memref<400x128xf32, #tpu.memory_space<vmem>>, vector<1x16xf32>,
        %mul3A_768 = vector.broadcast %squeeze3A_731 : f32 to vector<16xf32>
        %mul3A_769 = arith.mulf %mul3A_768, %sub3A_41 : vector<16xf32>
        %add3A_770 = arith.addf %get3A_14, %mul3A_769 : vector<16xf32>
        %mul3A_771 = arith.constant 16 : i32
        %mul3A_772 = arith.muli %scan3A_132, %mul3A_771 : i32
        %add3A_773 = arith.constant 6 : i32
        %add3A_774 = arith.addi %mul3A_772, %add3A_773 : i32
        %swap3A_775 = arith.index_cast %add3A_774 : i32 to index
        %swap3A_776 = arith.constant 48 : index
        %swap3A_777 = tpu.vector_load %arg6[%swap3A_775, %swap3A_776] {strides = array<i32>} : memref<400x128xf32, #tpu.memory_space<vmem>>, vector<1x16xf32>,
        %swap3A_778 = vector.shape_cast %swap3A_777 : vector<1x16xf32> to vector<16xf32>
        %swap3A_779 = vector.shape_cast %add3A_770 : vector<16xf32> to vector<1x16xf32>
        tpu.vector_store %arg6[%swap3A_775, %swap3A_776], %swap3A_779 {strides = array<i32>} : memref<400x128xf32, #tpu.memory_space<vmem>>, vector<1x16xf32>,
        %mul3A_780 = vector.broadcast %squeeze3A_731 : f32 to vector<16xf32>
        %mul3A_781 = arith.mulf %mul3A_780, %sub3A_45 : vector<16xf32>
        %add3A_782 = arith.addf %get3A_17, %mul3A_781 : vector<16xf32>
        %mul3A_783 = arith.constant 16 : i32
        %mul3A_784 = arith.muli %scan3A_132, %mul3A_783 : i32
        %add3A_785 = arith.constant 6 : i32
        %add3A_786 = arith.addi %mul3A_784, %add3A_785 : i32
        %swap3A_787 = arith.index_cast %add3A_786 : i32 to index
        %swap3A_788 = arith.constant 64 : index
        %swap3A_789 = tpu.vector_load %arg6[%swap3A_787, %swap3A_788] {strides = array<i32>} : memref<400x128xf32, #tpu.memory_space<vmem>>, vector<1x16xf32>,
        %swap3A_790 = vector.shape_cast %swap3A_789 : vector<1x16xf32> to vector<16xf32>
        %swap3A_791 = vector.shape_cast %add3A_782 : vector<16xf32> to vector<1x16xf32>
        tpu.vector_store %arg6[%swap3A_787, %swap3A_788], %swap3A_791 {strides = array<i32>} : memref<400x128xf32, #tpu.memory_space<vmem>>, vector<1x16xf32>,
        %mul3A_792 = vector.broadcast %squeeze3A_731 : f32 to vector<16xf32>
        %mul3A_793 = arith.mulf %mul3A_792, %sub3A_49 : vector<16xf32>
        %add3A_794 = arith.addf %get3A_20, %mul3A_793 : vector<16xf32>
        %mul3A_795 = arith.constant 16 : i32
        %mul3A_796 = arith.muli %scan3A_132, %mul3A_795 : i32
        %add3A_797 = arith.constant 6 : i32
        %add3A_798 = arith.addi %mul3A_796, %add3A_797 : i32
        %swap3A_799 = arith.index_cast %add3A_798 : i32 to index
        %swap3A_800 = arith.constant 80 : index
        %swap3A_801 = tpu.vector_load %arg6[%swap3A_799, %swap3A_800] {strides = array<i32>} : memref<400x128xf32, #tpu.memory_space<vmem>>, vector<1x16xf32>,
        %swap3A_802 = vector.shape_cast %swap3A_801 : vector<1x16xf32> to vector<16xf32>
        %swap3A_803 = vector.shape_cast %add3A_794 : vector<16xf32> to vector<1x16xf32>
        tpu.vector_store %arg6[%swap3A_799, %swap3A_800], %swap3A_803 {strides = array<i32>} : memref<400x128xf32, #tpu.memory_space<vmem>>, vector<1x16xf32>,
        %mul3A_804 = vector.broadcast %squeeze3A_731 : f32 to vector<16xf32>
        %mul3A_805 = arith.mulf %mul3A_804, %sub3A_53 : vector<16xf32>
        %add3A_806 = arith.addf %get3A_23, %mul3A_805 : vector<16xf32>
        %mul3A_807 = arith.constant 16 : i32
        %mul3A_808 = arith.muli %scan3A_132, %mul3A_807 : i32
        %add3A_809 = arith.constant 6 : i32
        %add3A_810 = arith.addi %mul3A_808, %add3A_809 : i32
        %swap3A_811 = arith.index_cast %add3A_810 : i32 to index
        %swap3A_812 = arith.constant 96 : index
        %swap3A_813 = tpu.vector_load %arg6[%swap3A_811, %swap3A_812] {strides = array<i32>} : memref<400x128xf32, #tpu.memory_space<vmem>>, vector<1x16xf32>,
        %swap3A_814 = vector.shape_cast %swap3A_813 : vector<1x16xf32> to vector<16xf32>
        %swap3A_815 = vector.shape_cast %add3A_806 : vector<16xf32> to vector<1x16xf32>
        tpu.vector_store %arg6[%swap3A_811, %swap3A_812], %swap3A_815 {strides = array<i32>} : memref<400x128xf32, #tpu.memory_space<vmem>>, vector<1x16xf32>,
        %mul3A_816 = vector.broadcast %squeeze3A_731 : f32 to vector<16xf32>
        %mul3A_817 = arith.mulf %mul3A_816, %sub3A_57 : vector<16xf32>
        %add3A_818 = arith.addf %get3A_26, %mul3A_817 : vector<16xf32>
        %mul3A_819 = arith.constant 16 : i32
        %mul3A_820 = arith.muli %scan3A_132, %mul3A_819 : i32
        %add3A_821 = arith.constant 6 : i32
        %add3A_822 = arith.addi %mul3A_820, %add3A_821 : i32
        %swap3A_823 = arith.index_cast %add3A_822 : i32 to index
        %swap3A_824 = arith.constant 112 : index
        %swap3A_825 = tpu.vector_load %arg6[%swap3A_823, %swap3A_824] {strides = array<i32>} : memref<400x128xf32, #tpu.memory_space<vmem>>, vector<1x16xf32>,
        %swap3A_826 = vector.shape_cast %swap3A_825 : vector<1x16xf32> to vector<16xf32>
        %swap3A_827 = vector.shape_cast %add3A_818 : vector<16xf32> to vector<1x16xf32>
        tpu.vector_store %arg6[%swap3A_823, %swap3A_824], %swap3A_827 {strides = array<i32>} : memref<400x128xf32, #tpu.memory_space<vmem>>, vector<1x16xf32>,
        %slice3A_828 = vector.extract_strided_slice %mul3A_144 {offsets = [7], sizes = [1], strides = [1]} : vector<16xf32> to vector<1xf32>
        %squeeze3A_829 = vector.extract %slice3A_828[0] : f32 from vector<1xf32>
        %mul3A_830 = vector.broadcast %squeeze3A_829 : f32 to vector<16xf32>
        %mul3A_831 = arith.mulf %mul3A_830, %sub3A : vector<16xf32>
        %add3A_832 = arith.addf %get3A_5, %mul3A_831 : vector<16xf32>
        %mul3A_833 = arith.constant 16 : i32
        %mul3A_834 = arith.muli %scan3A_132, %mul3A_833 : i32
        %add3A_835 = arith.constant 7 : i32
        %add3A_836 = arith.addi %mul3A_834, %add3A_835 : i32
        %swap3A_837 = arith.index_cast %add3A_836 : i32 to index
        %swap3A_838 = arith.constant 0 : index
        %swap3A_839 = tpu.vector_load %arg6[%swap3A_837, %swap3A_838] {strides = array<i32>} : memref<400x128xf32, #tpu.memory_space<vmem>>, vector<1x16xf32>,
        %swap3A_840 = vector.shape_cast %swap3A_839 : vector<1x16xf32> to vector<16xf32>
        %swap3A_841 = vector.shape_cast %add3A_832 : vector<16xf32> to vector<1x16xf32>
        tpu.vector_store %arg6[%swap3A_837, %swap3A_838], %swap3A_841 {strides = array<i32>} : memref<400x128xf32, #tpu.memory_space<vmem>>, vector<1x16xf32>,
        %mul3A_842 = vector.broadcast %squeeze3A_829 : f32 to vector<16xf32>
        %mul3A_843 = arith.mulf %mul3A_842, %sub3A_33 : vector<16xf32>
        %add3A_844 = arith.addf %get3A_8, %mul3A_843 : vector<16xf32>
        %mul3A_845 = arith.constant 16 : i32
        %mul3A_846 = arith.muli %scan3A_132, %mul3A_845 : i32
        %add3A_847 = arith.constant 7 : i32
        %add3A_848 = arith.addi %mul3A_846, %add3A_847 : i32
        %swap3A_849 = arith.index_cast %add3A_848 : i32 to index
        %swap3A_850 = arith.constant 16 : index
        %swap3A_851 = tpu.vector_load %arg6[%swap3A_849, %swap3A_850] {strides = array<i32>} : memref<400x128xf32, #tpu.memory_space<vmem>>, vector<1x16xf32>,
        %swap3A_852 = vector.shape_cast %swap3A_851 : vector<1x16xf32> to vector<16xf32>
        %swap3A_853 = vector.shape_cast %add3A_844 : vector<16xf32> to vector<1x16xf32>
        tpu.vector_store %arg6[%swap3A_849, %swap3A_850], %swap3A_853 {strides = array<i32>} : memref<400x128xf32, #tpu.memory_space<vmem>>, vector<1x16xf32>,
        %mul3A_854 = vector.broadcast %squeeze3A_829 : f32 to vector<16xf32>
        %mul3A_855 = arith.mulf %mul3A_854, %sub3A_37 : vector<16xf32>
        %add3A_856 = arith.addf %get3A_11, %mul3A_855 : vector<16xf32>
        %mul3A_857 = arith.constant 16 : i32
        %mul3A_858 = arith.muli %scan3A_132, %mul3A_857 : i32
        %add3A_859 = arith.constant 7 : i32
        %add3A_860 = arith.addi %mul3A_858, %add3A_859 : i32
        %swap3A_861 = arith.index_cast %add3A_860 : i32 to index
        %swap3A_862 = arith.constant 32 : index
        %swap3A_863 = tpu.vector_load %arg6[%swap3A_861, %swap3A_862] {strides = array<i32>} : memref<400x128xf32, #tpu.memory_space<vmem>>, vector<1x16xf32>,
        %swap3A_864 = vector.shape_cast %swap3A_863 : vector<1x16xf32> to vector<16xf32>
        %swap3A_865 = vector.shape_cast %add3A_856 : vector<16xf32> to vector<1x16xf32>
        tpu.vector_store %arg6[%swap3A_861, %swap3A_862], %swap3A_865 {strides = array<i32>} : memref<400x128xf32, #tpu.memory_space<vmem>>, vector<1x16xf32>,
        %mul3A_866 = vector.broadcast %squeeze3A_829 : f32 to vector<16xf32>
        %mul3A_867 = arith.mulf %mul3A_866, %sub3A_41 : vector<16xf32>
        %add3A_868 = arith.addf %get3A_14, %mul3A_867 : vector<16xf32>
        %mul3A_869 = arith.constant 16 : i32
        %mul3A_870 = arith.muli %scan3A_132, %mul3A_869 : i32
        %add3A_871 = arith.constant 7 : i32
        %add3A_872 = arith.addi %mul3A_870, %add3A_871 : i32
        %swap3A_873 = arith.index_cast %add3A_872 : i32 to index
        %swap3A_874 = arith.constant 48 : index
        %swap3A_875 = tpu.vector_load %arg6[%swap3A_873, %swap3A_874] {strides = array<i32>} : memref<400x128xf32, #tpu.memory_space<vmem>>, vector<1x16xf32>,
        %swap3A_876 = vector.shape_cast %swap3A_875 : vector<1x16xf32> to vector<16xf32>
        %swap3A_877 = vector.shape_cast %add3A_868 : vector<16xf32> to vector<1x16xf32>
        tpu.vector_store %arg6[%swap3A_873, %swap3A_874], %swap3A_877 {strides = array<i32>} : memref<400x128xf32, #tpu.memory_space<vmem>>, vector<1x16xf32>,
        %mul3A_878 = vector.broadcast %squeeze3A_829 : f32 to vector<16xf32>
        %mul3A_879 = arith.mulf %mul3A_878, %sub3A_45 : vector<16xf32>
        %add3A_880 = arith.addf %get3A_17, %mul3A_879 : vector<16xf32>
        %mul3A_881 = arith.constant 16 : i32
        %mul3A_882 = arith.muli %scan3A_132, %mul3A_881 : i32
        %add3A_883 = arith.constant 7 : i32
        %add3A_884 = arith.addi %mul3A_882, %add3A_883 : i32
        %swap3A_885 = arith.index_cast %add3A_884 : i32 to index
        %swap3A_886 = arith.constant 64 : index
        %swap3A_887 = tpu.vector_load %arg6[%swap3A_885, %swap3A_886] {strides = array<i32>} : memref<400x128xf32, #tpu.memory_space<vmem>>, vector<1x16xf32>,
        %swap3A_888 = vector.shape_cast %swap3A_887 : vector<1x16xf32> to vector<16xf32>
        %swap3A_889 = vector.shape_cast %add3A_880 : vector<16xf32> to vector<1x16xf32>
        tpu.vector_store %arg6[%swap3A_885, %swap3A_886], %swap3A_889 {strides = array<i32>} : memref<400x128xf32, #tpu.memory_space<vmem>>, vector<1x16xf32>,
        %mul3A_890 = vector.broadcast %squeeze3A_829 : f32 to vector<16xf32>
        %mul3A_891 = arith.mulf %mul3A_890, %sub3A_49 : vector<16xf32>
        %add3A_892 = arith.addf %get3A_20, %mul3A_891 : vector<16xf32>
        %mul3A_893 = arith.constant 16 : i32
        %mul3A_894 = arith.muli %scan3A_132, %mul3A_893 : i32
        %add3A_895 = arith.constant 7 : i32
        %add3A_896 = arith.addi %mul3A_894, %add3A_895 : i32
        %swap3A_897 = arith.index_cast %add3A_896 : i32 to index
        %swap3A_898 = arith.constant 80 : index
        %swap3A_899 = tpu.vector_load %arg6[%swap3A_897, %swap3A_898] {strides = array<i32>} : memref<400x128xf32, #tpu.memory_space<vmem>>, vector<1x16xf32>,
        %swap3A_900 = vector.shape_cast %swap3A_899 : vector<1x16xf32> to vector<16xf32>
        %swap3A_901 = vector.shape_cast %add3A_892 : vector<16xf32> to vector<1x16xf32>
        tpu.vector_store %arg6[%swap3A_897, %swap3A_898], %swap3A_901 {strides = array<i32>} : memref<400x128xf32, #tpu.memory_space<vmem>>, vector<1x16xf32>,
        %mul3A_902 = vector.broadcast %squeeze3A_829 : f32 to vector<16xf32>
        %mul3A_903 = arith.mulf %mul3A_902, %sub3A_53 : vector<16xf32>
        %add3A_904 = arith.addf %get3A_23, %mul3A_903 : vector<16xf32>
        %mul3A_905 = arith.constant 16 : i32
        %mul3A_906 = arith.muli %scan3A_132, %mul3A_905 : i32
        %add3A_907 = arith.constant 7 : i32
        %add3A_908 = arith.addi %mul3A_906, %add3A_907 : i32
        %swap3A_909 = arith.index_cast %add3A_908 : i32 to index
        %swap3A_910 = arith.constant 96 : index
        %swap3A_911 = tpu.vector_load %arg6[%swap3A_909, %swap3A_910] {strides = array<i32>} : memref<400x128xf32, #tpu.memory_space<vmem>>, vector<1x16xf32>,
        %swap3A_912 = vector.shape_cast %swap3A_911 : vector<1x16xf32> to vector<16xf32>
        %swap3A_913 = vector.shape_cast %add3A_904 : vector<16xf32> to vector<1x16xf32>
        tpu.vector_store %arg6[%swap3A_909, %swap3A_910], %swap3A_913 {strides = array<i32>} : memref<400x128xf32, #tpu.memory_space<vmem>>, vector<1x16xf32>,
        %mul3A_914 = vector.broadcast %squeeze3A_829 : f32 to vector<16xf32>
        %mul3A_915 = arith.mulf %mul3A_914, %sub3A_57 : vector<16xf32>
        %add3A_916 = arith.addf %get3A_26, %mul3A_915 : vector<16xf32>
        %mul3A_917 = arith.constant 16 : i32
        %mul3A_918 = arith.muli %scan3A_132, %mul3A_917 : i32
        %add3A_919 = arith.constant 7 : i32
        %add3A_920 = arith.addi %mul3A_918, %add3A_919 : i32
        %swap3A_921 = arith.index_cast %add3A_920 : i32 to index
        %swap3A_922 = arith.constant 112 : index
        %swap3A_923 = tpu.vector_load %arg6[%swap3A_921, %swap3A_922] {strides = array<i32>} : memref<400x128xf32, #tpu.memory_space<vmem>>, vector<1x16xf32>,
        %swap3A_924 = vector.shape_cast %swap3A_923 : vector<1x16xf32> to vector<16xf32>
        %swap3A_925 = vector.shape_cast %add3A_916 : vector<16xf32> to vector<1x16xf32>
        tpu.vector_store %arg6[%swap3A_921, %swap3A_922], %swap3A_925 {strides = array<i32>} : memref<400x128xf32, #tpu.memory_space<vmem>>, vector<1x16xf32>,
        %slice3A_926 = vector.extract_strided_slice %mul3A_144 {offsets = [8], sizes = [1], strides = [1]} : vector<16xf32> to vector<1xf32>
        %squeeze3A_927 = vector.extract %slice3A_926[0] : f32 from vector<1xf32>
        %mul3A_928 = vector.broadcast %squeeze3A_927 : f32 to vector<16xf32>
        %mul3A_929 = arith.mulf %mul3A_928, %sub3A : vector<16xf32>
        %add3A_930 = arith.addf %get3A_5, %mul3A_929 : vector<16xf32>
        %mul3A_931 = arith.constant 16 : i32
        %mul3A_932 = arith.muli %scan3A_132, %mul3A_931 : i32
        %add3A_933 = arith.constant 8 : i32
        %add3A_934 = arith.addi %mul3A_932, %add3A_933 : i32
        %swap3A_935 = arith.index_cast %add3A_934 : i32 to index
        %swap3A_936 = arith.constant 0 : index
        %swap3A_937 = tpu.vector_load %arg6[%swap3A_935, %swap3A_936] {strides = array<i32>} : memref<400x128xf32, #tpu.memory_space<vmem>>, vector<1x16xf32>,
        %swap3A_938 = vector.shape_cast %swap3A_937 : vector<1x16xf32> to vector<16xf32>
        %swap3A_939 = vector.shape_cast %add3A_930 : vector<16xf32> to vector<1x16xf32>
        tpu.vector_store %arg6[%swap3A_935, %swap3A_936], %swap3A_939 {strides = array<i32>} : memref<400x128xf32, #tpu.memory_space<vmem>>, vector<1x16xf32>,
        %mul3A_940 = vector.broadcast %squeeze3A_927 : f32 to vector<16xf32>
        %mul3A_941 = arith.mulf %mul3A_940, %sub3A_33 : vector<16xf32>
        %add3A_942 = arith.addf %get3A_8, %mul3A_941 : vector<16xf32>
        %mul3A_943 = arith.constant 16 : i32
        %mul3A_944 = arith.muli %scan3A_132, %mul3A_943 : i32
        %add3A_945 = arith.constant 8 : i32
        %add3A_946 = arith.addi %mul3A_944, %add3A_945 : i32
        %swap3A_947 = arith.index_cast %add3A_946 : i32 to index
        %swap3A_948 = arith.constant 16 : index
        %swap3A_949 = tpu.vector_load %arg6[%swap3A_947, %swap3A_948] {strides = array<i32>} : memref<400x128xf32, #tpu.memory_space<vmem>>, vector<1x16xf32>,
        %swap3A_950 = vector.shape_cast %swap3A_949 : vector<1x16xf32> to vector<16xf32>
        %swap3A_951 = vector.shape_cast %add3A_942 : vector<16xf32> to vector<1x16xf32>
        tpu.vector_store %arg6[%swap3A_947, %swap3A_948], %swap3A_951 {strides = array<i32>} : memref<400x128xf32, #tpu.memory_space<vmem>>, vector<1x16xf32>,
        %mul3A_952 = vector.broadcast %squeeze3A_927 : f32 to vector<16xf32>
        %mul3A_953 = arith.mulf %mul3A_952, %sub3A_37 : vector<16xf32>
        %add3A_954 = arith.addf %get3A_11, %mul3A_953 : vector<16xf32>
        %mul3A_955 = arith.constant 16 : i32
        %mul3A_956 = arith.muli %scan3A_132, %mul3A_955 : i32
        %add3A_957 = arith.constant 8 : i32
        %add3A_958 = arith.addi %mul3A_956, %add3A_957 : i32
        %swap3A_959 = arith.index_cast %add3A_958 : i32 to index
        %swap3A_960 = arith.constant 32 : index
        %swap3A_961 = tpu.vector_load %arg6[%swap3A_959, %swap3A_960] {strides = array<i32>} : memref<400x128xf32, #tpu.memory_space<vmem>>, vector<1x16xf32>,
        %swap3A_962 = vector.shape_cast %swap3A_961 : vector<1x16xf32> to vector<16xf32>
        %swap3A_963 = vector.shape_cast %add3A_954 : vector<16xf32> to vector<1x16xf32>
        tpu.vector_store %arg6[%swap3A_959, %swap3A_960], %swap3A_963 {strides = array<i32>} : memref<400x128xf32, #tpu.memory_space<vmem>>, vector<1x16xf32>,
        %mul3A_964 = vector.broadcast %squeeze3A_927 : f32 to vector<16xf32>
        %mul3A_965 = arith.mulf %mul3A_964, %sub3A_41 : vector<16xf32>
        %add3A_966 = arith.addf %get3A_14, %mul3A_965 : vector<16xf32>
        %mul3A_967 = arith.constant 16 : i32
        %mul3A_968 = arith.muli %scan3A_132, %mul3A_967 : i32
        %add3A_969 = arith.constant 8 : i32
        %add3A_970 = arith.addi %mul3A_968, %add3A_969 : i32
        %swap3A_971 = arith.index_cast %add3A_970 : i32 to index
        %swap3A_972 = arith.constant 48 : index
        %swap3A_973 = tpu.vector_load %arg6[%swap3A_971, %swap3A_972] {strides = array<i32>} : memref<400x128xf32, #tpu.memory_space<vmem>>, vector<1x16xf32>,
        %swap3A_974 = vector.shape_cast %swap3A_973 : vector<1x16xf32> to vector<16xf32>
        %swap3A_975 = vector.shape_cast %add3A_966 : vector<16xf32> to vector<1x16xf32>
        tpu.vector_store %arg6[%swap3A_971, %swap3A_972], %swap3A_975 {strides = array<i32>} : memref<400x128xf32, #tpu.memory_space<vmem>>, vector<1x16xf32>,
        %mul3A_976 = vector.broadcast %squeeze3A_927 : f32 to vector<16xf32>
        %mul3A_977 = arith.mulf %mul3A_976, %sub3A_45 : vector<16xf32>
        %add3A_978 = arith.addf %get3A_17, %mul3A_977 : vector<16xf32>
        %mul3A_979 = arith.constant 16 : i32
        %mul3A_980 = arith.muli %scan3A_132, %mul3A_979 : i32
        %add3A_981 = arith.constant 8 : i32
        %add3A_982 = arith.addi %mul3A_980, %add3A_981 : i32
        %swap3A_983 = arith.index_cast %add3A_982 : i32 to index
        %swap3A_984 = arith.constant 64 : index
        %swap3A_985 = tpu.vector_load %arg6[%swap3A_983, %swap3A_984] {strides = array<i32>} : memref<400x128xf32, #tpu.memory_space<vmem>>, vector<1x16xf32>,
        %swap3A_986 = vector.shape_cast %swap3A_985 : vector<1x16xf32> to vector<16xf32>
        %swap3A_987 = vector.shape_cast %add3A_978 : vector<16xf32> to vector<1x16xf32>
        tpu.vector_store %arg6[%swap3A_983, %swap3A_984], %swap3A_987 {strides = array<i32>} : memref<400x128xf32, #tpu.memory_space<vmem>>, vector<1x16xf32>,
        %mul3A_988 = vector.broadcast %squeeze3A_927 : f32 to vector<16xf32>
        %mul3A_989 = arith.mulf %mul3A_988, %sub3A_49 : vector<16xf32>
        %add3A_990 = arith.addf %get3A_20, %mul3A_989 : vector<16xf32>
        %mul3A_991 = arith.constant 16 : i32
        %mul3A_992 = arith.muli %scan3A_132, %mul3A_991 : i32
        %add3A_993 = arith.constant 8 : i32
        %add3A_994 = arith.addi %mul3A_992, %add3A_993 : i32
        %swap3A_995 = arith.index_cast %add3A_994 : i32 to index
        %swap3A_996 = arith.constant 80 : index
        %swap3A_997 = tpu.vector_load %arg6[%swap3A_995, %swap3A_996] {strides = array<i32>} : memref<400x128xf32, #tpu.memory_space<vmem>>, vector<1x16xf32>,
        %swap3A_998 = vector.shape_cast %swap3A_997 : vector<1x16xf32> to vector<16xf32>
        %swap3A_999 = vector.shape_cast %add3A_990 : vector<16xf32> to vector<1x16xf32>
        tpu.vector_store %arg6[%swap3A_995, %swap3A_996], %swap3A_999 {strides = array<i32>} : memref<400x128xf32, #tpu.memory_space<vmem>>, vector<1x16xf32>,
        %mul3A_1000 = vector.broadcast %squeeze3A_927 : f32 to vector<16xf32>
        %mul3A_1001 = arith.mulf %mul3A_1000, %sub3A_53 : vector<16xf32>
        %add3A_1002 = arith.addf %get3A_23, %mul3A_1001 : vector<16xf32>
        %mul3A_1003 = arith.constant 16 : i32
        %mul3A_1004 = arith.muli %scan3A_132, %mul3A_1003 : i32
        %add3A_1005 = arith.constant 8 : i32
        %add3A_1006 = arith.addi %mul3A_1004, %add3A_1005 : i32
        %swap3A_1007 = arith.index_cast %add3A_1006 : i32 to index
        %swap3A_1008 = arith.constant 96 : index
        %swap3A_1009 = tpu.vector_load %arg6[%swap3A_1007, %swap3A_1008] {strides = array<i32>} : memref<400x128xf32, #tpu.memory_space<vmem>>, vector<1x16xf32>,
        %swap3A_1010 = vector.shape_cast %swap3A_1009 : vector<1x16xf32> to vector<16xf32>
        %swap3A_1011 = vector.shape_cast %add3A_1002 : vector<16xf32> to vector<1x16xf32>
        tpu.vector_store %arg6[%swap3A_1007, %swap3A_1008], %swap3A_1011 {strides = array<i32>} : memref<400x128xf32, #tpu.memory_space<vmem>>, vector<1x16xf32>,
        %mul3A_1012 = vector.broadcast %squeeze3A_927 : f32 to vector<16xf32>
        %mul3A_1013 = arith.mulf %mul3A_1012, %sub3A_57 : vector<16xf32>
        %add3A_1014 = arith.addf %get3A_26, %mul3A_1013 : vector<16xf32>
        %mul3A_1015 = arith.constant 16 : i32
        %mul3A_1016 = arith.muli %scan3A_132, %mul3A_1015 : i32
        %add3A_1017 = arith.constant 8 : i32
        %add3A_1018 = arith.addi %mul3A_1016, %add3A_1017 : i32
        %swap3A_1019 = arith.index_cast %add3A_1018 : i32 to index
        %swap3A_1020 = arith.constant 112 : index
        %swap3A_1021 = tpu.vector_load %arg6[%swap3A_1019, %swap3A_1020] {strides = array<i32>} : memref<400x128xf32, #tpu.memory_space<vmem>>, vector<1x16xf32>,
        %swap3A_1022 = vector.shape_cast %swap3A_1021 : vector<1x16xf32> to vector<16xf32>
        %swap3A_1023 = vector.shape_cast %add3A_1014 : vector<16xf32> to vector<1x16xf32>
        tpu.vector_store %arg6[%swap3A_1019, %swap3A_1020], %swap3A_1023 {strides = array<i32>} : memref<400x128xf32, #tpu.memory_space<vmem>>, vector<1x16xf32>,
        %slice3A_1024 = vector.extract_strided_slice %mul3A_144 {offsets = [9], sizes = [1], strides = [1]} : vector<16xf32> to vector<1xf32>
        %squeeze3A_1025 = vector.extract %slice3A_1024[0] : f32 from vector<1xf32>
        %mul3A_1026 = vector.broadcast %squeeze3A_1025 : f32 to vector<16xf32>
        %mul3A_1027 = arith.mulf %mul3A_1026, %sub3A : vector<16xf32>
        %add3A_1028 = arith.addf %get3A_5, %mul3A_1027 : vector<16xf32>
        %mul3A_1029 = arith.constant 16 : i32
        %mul3A_1030 = arith.muli %scan3A_132, %mul3A_1029 : i32
        %add3A_1031 = arith.constant 9 : i32
        %add3A_1032 = arith.addi %mul3A_1030, %add3A_1031 : i32
        %swap3A_1033 = arith.index_cast %add3A_1032 : i32 to index
        %swap3A_1034 = arith.constant 0 : index
        %swap3A_1035 = tpu.vector_load %arg6[%swap3A_1033, %swap3A_1034] {strides = array<i32>} : memref<400x128xf32, #tpu.memory_space<vmem>>, vector<1x16xf32>,
        %swap3A_1036 = vector.shape_cast %swap3A_1035 : vector<1x16xf32> to vector<16xf32>
        %swap3A_1037 = vector.shape_cast %add3A_1028 : vector<16xf32> to vector<1x16xf32>
        tpu.vector_store %arg6[%swap3A_1033, %swap3A_1034], %swap3A_1037 {strides = array<i32>} : memref<400x128xf32, #tpu.memory_space<vmem>>, vector<1x16xf32>,
        %mul3A_1038 = vector.broadcast %squeeze3A_1025 : f32 to vector<16xf32>
        %mul3A_1039 = arith.mulf %mul3A_1038, %sub3A_33 : vector<16xf32>
        %add3A_1040 = arith.addf %get3A_8, %mul3A_1039 : vector<16xf32>
        %mul3A_1041 = arith.constant 16 : i32
        %mul3A_1042 = arith.muli %scan3A_132, %mul3A_1041 : i32
        %add3A_1043 = arith.constant 9 : i32
        %add3A_1044 = arith.addi %mul3A_1042, %add3A_1043 : i32
        %swap3A_1045 = arith.index_cast %add3A_1044 : i32 to index
        %swap3A_1046 = arith.constant 16 : index
        %swap3A_1047 = tpu.vector_load %arg6[%swap3A_1045, %swap3A_1046] {strides = array<i32>} : memref<400x128xf32, #tpu.memory_space<vmem>>, vector<1x16xf32>,
        %swap3A_1048 = vector.shape_cast %swap3A_1047 : vector<1x16xf32> to vector<16xf32>
        %swap3A_1049 = vector.shape_cast %add3A_1040 : vector<16xf32> to vector<1x16xf32>
        tpu.vector_store %arg6[%swap3A_1045, %swap3A_1046], %swap3A_1049 {strides = array<i32>} : memref<400x128xf32, #tpu.memory_space<vmem>>, vector<1x16xf32>,
        %mul3A_1050 = vector.broadcast %squeeze3A_1025 : f32 to vector<16xf32>
        %mul3A_1051 = arith.mulf %mul3A_1050, %sub3A_37 : vector<16xf32>
        %add3A_1052 = arith.addf %get3A_11, %mul3A_1051 : vector<16xf32>
        %mul3A_1053 = arith.constant 16 : i32
        %mul3A_1054 = arith.muli %scan3A_132, %mul3A_1053 : i32
        %add3A_1055 = arith.constant 9 : i32
        %add3A_1056 = arith.addi %mul3A_1054, %add3A_1055 : i32
        %swap3A_1057 = arith.index_cast %add3A_1056 : i32 to index
        %swap3A_1058 = arith.constant 32 : index
        %swap3A_1059 = tpu.vector_load %arg6[%swap3A_1057, %swap3A_1058] {strides = array<i32>} : memref<400x128xf32, #tpu.memory_space<vmem>>, vector<1x16xf32>,
        %swap3A_1060 = vector.shape_cast %swap3A_1059 : vector<1x16xf32> to vector<16xf32>
        %swap3A_1061 = vector.shape_cast %add3A_1052 : vector<16xf32> to vector<1x16xf32>
        tpu.vector_store %arg6[%swap3A_1057, %swap3A_1058], %swap3A_1061 {strides = array<i32>} : memref<400x128xf32, #tpu.memory_space<vmem>>, vector<1x16xf32>,
        %mul3A_1062 = vector.broadcast %squeeze3A_1025 : f32 to vector<16xf32>
        %mul3A_1063 = arith.mulf %mul3A_1062, %sub3A_41 : vector<16xf32>
        %add3A_1064 = arith.addf %get3A_14, %mul3A_1063 : vector<16xf32>
        %mul3A_1065 = arith.constant 16 : i32
        %mul3A_1066 = arith.muli %scan3A_132, %mul3A_1065 : i32
        %add3A_1067 = arith.constant 9 : i32
        %add3A_1068 = arith.addi %mul3A_1066, %add3A_1067 : i32
        %swap3A_1069 = arith.index_cast %add3A_1068 : i32 to index
        %swap3A_1070 = arith.constant 48 : index
        %swap3A_1071 = tpu.vector_load %arg6[%swap3A_1069, %swap3A_1070] {strides = array<i32>} : memref<400x128xf32, #tpu.memory_space<vmem>>, vector<1x16xf32>,
        %swap3A_1072 = vector.shape_cast %swap3A_1071 : vector<1x16xf32> to vector<16xf32>
        %swap3A_1073 = vector.shape_cast %add3A_1064 : vector<16xf32> to vector<1x16xf32>
        tpu.vector_store %arg6[%swap3A_1069, %swap3A_1070], %swap3A_1073 {strides = array<i32>} : memref<400x128xf32, #tpu.memory_space<vmem>>, vector<1x16xf32>,
        %mul3A_1074 = vector.broadcast %squeeze3A_1025 : f32 to vector<16xf32>
        %mul3A_1075 = arith.mulf %mul3A_1074, %sub3A_45 : vector<16xf32>
        %add3A_1076 = arith.addf %get3A_17, %mul3A_1075 : vector<16xf32>
        %mul3A_1077 = arith.constant 16 : i32
        %mul3A_1078 = arith.muli %scan3A_132, %mul3A_1077 : i32
        %add3A_1079 = arith.constant 9 : i32
        %add3A_1080 = arith.addi %mul3A_1078, %add3A_1079 : i32
        %swap3A_1081 = arith.index_cast %add3A_1080 : i32 to index
        %swap3A_1082 = arith.constant 64 : index
        %swap3A_1083 = tpu.vector_load %arg6[%swap3A_1081, %swap3A_1082] {strides = array<i32>} : memref<400x128xf32, #tpu.memory_space<vmem>>, vector<1x16xf32>,
        %swap3A_1084 = vector.shape_cast %swap3A_1083 : vector<1x16xf32> to vector<16xf32>
        %swap3A_1085 = vector.shape_cast %add3A_1076 : vector<16xf32> to vector<1x16xf32>
        tpu.vector_store %arg6[%swap3A_1081, %swap3A_1082], %swap3A_1085 {strides = array<i32>} : memref<400x128xf32, #tpu.memory_space<vmem>>, vector<1x16xf32>,
        %mul3A_1086 = vector.broadcast %squeeze3A_1025 : f32 to vector<16xf32>
        %mul3A_1087 = arith.mulf %mul3A_1086, %sub3A_49 : vector<16xf32>
        %add3A_1088 = arith.addf %get3A_20, %mul3A_1087 : vector<16xf32>
        %mul3A_1089 = arith.constant 16 : i32
        %mul3A_1090 = arith.muli %scan3A_132, %mul3A_1089 : i32
        %add3A_1091 = arith.constant 9 : i32
        %add3A_1092 = arith.addi %mul3A_1090, %add3A_1091 : i32
        %swap3A_1093 = arith.index_cast %add3A_1092 : i32 to index
        %swap3A_1094 = arith.constant 80 : index
        %swap3A_1095 = tpu.vector_load %arg6[%swap3A_1093, %swap3A_1094] {strides = array<i32>} : memref<400x128xf32, #tpu.memory_space<vmem>>, vector<1x16xf32>,
        %swap3A_1096 = vector.shape_cast %swap3A_1095 : vector<1x16xf32> to vector<16xf32>
        %swap3A_1097 = vector.shape_cast %add3A_1088 : vector<16xf32> to vector<1x16xf32>
        tpu.vector_store %arg6[%swap3A_1093, %swap3A_1094], %swap3A_1097 {strides = array<i32>} : memref<400x128xf32, #tpu.memory_space<vmem>>, vector<1x16xf32>,
        %mul3A_1098 = vector.broadcast %squeeze3A_1025 : f32 to vector<16xf32>
        %mul3A_1099 = arith.mulf %mul3A_1098, %sub3A_53 : vector<16xf32>
        %add3A_1100 = arith.addf %get3A_23, %mul3A_1099 : vector<16xf32>
        %mul3A_1101 = arith.constant 16 : i32
        %mul3A_1102 = arith.muli %scan3A_132, %mul3A_1101 : i32
        %add3A_1103 = arith.constant 9 : i32
        %add3A_1104 = arith.addi %mul3A_1102, %add3A_1103 : i32
        %swap3A_1105 = arith.index_cast %add3A_1104 : i32 to index
        %swap3A_1106 = arith.constant 96 : index
        %swap3A_1107 = tpu.vector_load %arg6[%swap3A_1105, %swap3A_1106] {strides = array<i32>} : memref<400x128xf32, #tpu.memory_space<vmem>>, vector<1x16xf32>,
        %swap3A_1108 = vector.shape_cast %swap3A_1107 : vector<1x16xf32> to vector<16xf32>
        %swap3A_1109 = vector.shape_cast %add3A_1100 : vector<16xf32> to vector<1x16xf32>
        tpu.vector_store %arg6[%swap3A_1105, %swap3A_1106], %swap3A_1109 {strides = array<i32>} : memref<400x128xf32, #tpu.memory_space<vmem>>, vector<1x16xf32>,
        %mul3A_1110 = vector.broadcast %squeeze3A_1025 : f32 to vector<16xf32>
        %mul3A_1111 = arith.mulf %mul3A_1110, %sub3A_57 : vector<16xf32>
        %add3A_1112 = arith.addf %get3A_26, %mul3A_1111 : vector<16xf32>
        %mul3A_1113 = arith.constant 16 : i32
        %mul3A_1114 = arith.muli %scan3A_132, %mul3A_1113 : i32
        %add3A_1115 = arith.constant 9 : i32
        %add3A_1116 = arith.addi %mul3A_1114, %add3A_1115 : i32
        %swap3A_1117 = arith.index_cast %add3A_1116 : i32 to index
        %swap3A_1118 = arith.constant 112 : index
        %swap3A_1119 = tpu.vector_load %arg6[%swap3A_1117, %swap3A_1118] {strides = array<i32>} : memref<400x128xf32, #tpu.memory_space<vmem>>, vector<1x16xf32>,
        %swap3A_1120 = vector.shape_cast %swap3A_1119 : vector<1x16xf32> to vector<16xf32>
        %swap3A_1121 = vector.shape_cast %add3A_1112 : vector<16xf32> to vector<1x16xf32>
        tpu.vector_store %arg6[%swap3A_1117, %swap3A_1118], %swap3A_1121 {strides = array<i32>} : memref<400x128xf32, #tpu.memory_space<vmem>>, vector<1x16xf32>,
        %slice3A_1122 = vector.extract_strided_slice %mul3A_144 {offsets = [10], sizes = [1], strides = [1]} : vector<16xf32> to vector<1xf32>
        %squeeze3A_1123 = vector.extract %slice3A_1122[0] : f32 from vector<1xf32>
        %mul3A_1124 = vector.broadcast %squeeze3A_1123 : f32 to vector<16xf32>
        %mul3A_1125 = arith.mulf %mul3A_1124, %sub3A : vector<16xf32>
        %add3A_1126 = arith.addf %get3A_5, %mul3A_1125 : vector<16xf32>
        %mul3A_1127 = arith.constant 16 : i32
        %mul3A_1128 = arith.muli %scan3A_132, %mul3A_1127 : i32
        %add3A_1129 = arith.constant 10 : i32
        %add3A_1130 = arith.addi %mul3A_1128, %add3A_1129 : i32
        %swap3A_1131 = arith.index_cast %add3A_1130 : i32 to index
        %swap3A_1132 = arith.constant 0 : index
        %swap3A_1133 = tpu.vector_load %arg6[%swap3A_1131, %swap3A_1132] {strides = array<i32>} : memref<400x128xf32, #tpu.memory_space<vmem>>, vector<1x16xf32>,
        %swap3A_1134 = vector.shape_cast %swap3A_1133 : vector<1x16xf32> to vector<16xf32>
        %swap3A_1135 = vector.shape_cast %add3A_1126 : vector<16xf32> to vector<1x16xf32>
        tpu.vector_store %arg6[%swap3A_1131, %swap3A_1132], %swap3A_1135 {strides = array<i32>} : memref<400x128xf32, #tpu.memory_space<vmem>>, vector<1x16xf32>,
        %mul3A_1136 = vector.broadcast %squeeze3A_1123 : f32 to vector<16xf32>
        %mul3A_1137 = arith.mulf %mul3A_1136, %sub3A_33 : vector<16xf32>
        %add3A_1138 = arith.addf %get3A_8, %mul3A_1137 : vector<16xf32>
        %mul3A_1139 = arith.constant 16 : i32
        %mul3A_1140 = arith.muli %scan3A_132, %mul3A_1139 : i32
        %add3A_1141 = arith.constant 10 : i32
        %add3A_1142 = arith.addi %mul3A_1140, %add3A_1141 : i32
        %swap3A_1143 = arith.index_cast %add3A_1142 : i32 to index
        %swap3A_1144 = arith.constant 16 : index
        %swap3A_1145 = tpu.vector_load %arg6[%swap3A_1143, %swap3A_1144] {strides = array<i32>} : memref<400x128xf32, #tpu.memory_space<vmem>>, vector<1x16xf32>,
        %swap3A_1146 = vector.shape_cast %swap3A_1145 : vector<1x16xf32> to vector<16xf32>
        %swap3A_1147 = vector.shape_cast %add3A_1138 : vector<16xf32> to vector<1x16xf32>
        tpu.vector_store %arg6[%swap3A_1143, %swap3A_1144], %swap3A_1147 {strides = array<i32>} : memref<400x128xf32, #tpu.memory_space<vmem>>, vector<1x16xf32>,
        %mul3A_1148 = vector.broadcast %squeeze3A_1123 : f32 to vector<16xf32>
        %mul3A_1149 = arith.mulf %mul3A_1148, %sub3A_37 : vector<16xf32>
        %add3A_1150 = arith.addf %get3A_11, %mul3A_1149 : vector<16xf32>
        %mul3A_1151 = arith.constant 16 : i32
        %mul3A_1152 = arith.muli %scan3A_132, %mul3A_1151 : i32
        %add3A_1153 = arith.constant 10 : i32
        %add3A_1154 = arith.addi %mul3A_1152, %add3A_1153 : i32
        %swap3A_1155 = arith.index_cast %add3A_1154 : i32 to index
        %swap3A_1156 = arith.constant 32 : index
        %swap3A_1157 = tpu.vector_load %arg6[%swap3A_1155, %swap3A_1156] {strides = array<i32>} : memref<400x128xf32, #tpu.memory_space<vmem>>, vector<1x16xf32>,
        %swap3A_1158 = vector.shape_cast %swap3A_1157 : vector<1x16xf32> to vector<16xf32>
        %swap3A_1159 = vector.shape_cast %add3A_1150 : vector<16xf32> to vector<1x16xf32>
        tpu.vector_store %arg6[%swap3A_1155, %swap3A_1156], %swap3A_1159 {strides = array<i32>} : memref<400x128xf32, #tpu.memory_space<vmem>>, vector<1x16xf32>,
        %mul3A_1160 = vector.broadcast %squeeze3A_1123 : f32 to vector<16xf32>
        %mul3A_1161 = arith.mulf %mul3A_1160, %sub3A_41 : vector<16xf32>
        %add3A_1162 = arith.addf %get3A_14, %mul3A_1161 : vector<16xf32>
        %mul3A_1163 = arith.constant 16 : i32
        %mul3A_1164 = arith.muli %scan3A_132, %mul3A_1163 : i32
        %add3A_1165 = arith.constant 10 : i32
        %add3A_1166 = arith.addi %mul3A_1164, %add3A_1165 : i32
        %swap3A_1167 = arith.index_cast %add3A_1166 : i32 to index
        %swap3A_1168 = arith.constant 48 : index
        %swap3A_1169 = tpu.vector_load %arg6[%swap3A_1167, %swap3A_1168] {strides = array<i32>} : memref<400x128xf32, #tpu.memory_space<vmem>>, vector<1x16xf32>,
        %swap3A_1170 = vector.shape_cast %swap3A_1169 : vector<1x16xf32> to vector<16xf32>
        %swap3A_1171 = vector.shape_cast %add3A_1162 : vector<16xf32> to vector<1x16xf32>
        tpu.vector_store %arg6[%swap3A_1167, %swap3A_1168], %swap3A_1171 {strides = array<i32>} : memref<400x128xf32, #tpu.memory_space<vmem>>, vector<1x16xf32>,
        %mul3A_1172 = vector.broadcast %squeeze3A_1123 : f32 to vector<16xf32>
        %mul3A_1173 = arith.mulf %mul3A_1172, %sub3A_45 : vector<16xf32>
        %add3A_1174 = arith.addf %get3A_17, %mul3A_1173 : vector<16xf32>
        %mul3A_1175 = arith.constant 16 : i32
        %mul3A_1176 = arith.muli %scan3A_132, %mul3A_1175 : i32
        %add3A_1177 = arith.constant 10 : i32
        %add3A_1178 = arith.addi %mul3A_1176, %add3A_1177 : i32
        %swap3A_1179 = arith.index_cast %add3A_1178 : i32 to index
        %swap3A_1180 = arith.constant 64 : index
        %swap3A_1181 = tpu.vector_load %arg6[%swap3A_1179, %swap3A_1180] {strides = array<i32>} : memref<400x128xf32, #tpu.memory_space<vmem>>, vector<1x16xf32>,
        %swap3A_1182 = vector.shape_cast %swap3A_1181 : vector<1x16xf32> to vector<16xf32>
        %swap3A_1183 = vector.shape_cast %add3A_1174 : vector<16xf32> to vector<1x16xf32>
        tpu.vector_store %arg6[%swap3A_1179, %swap3A_1180], %swap3A_1183 {strides = array<i32>} : memref<400x128xf32, #tpu.memory_space<vmem>>, vector<1x16xf32>,
        %mul3A_1184 = vector.broadcast %squeeze3A_1123 : f32 to vector<16xf32>
        %mul3A_1185 = arith.mulf %mul3A_1184, %sub3A_49 : vector<16xf32>
        %add3A_1186 = arith.addf %get3A_20, %mul3A_1185 : vector<16xf32>
        %mul3A_1187 = arith.constant 16 : i32
        %mul3A_1188 = arith.muli %scan3A_132, %mul3A_1187 : i32
        %add3A_1189 = arith.constant 10 : i32
        %add3A_1190 = arith.addi %mul3A_1188, %add3A_1189 : i32
        %swap3A_1191 = arith.index_cast %add3A_1190 : i32 to index
        %swap3A_1192 = arith.constant 80 : index
        %swap3A_1193 = tpu.vector_load %arg6[%swap3A_1191, %swap3A_1192] {strides = array<i32>} : memref<400x128xf32, #tpu.memory_space<vmem>>, vector<1x16xf32>,
        %swap3A_1194 = vector.shape_cast %swap3A_1193 : vector<1x16xf32> to vector<16xf32>
        %swap3A_1195 = vector.shape_cast %add3A_1186 : vector<16xf32> to vector<1x16xf32>
        tpu.vector_store %arg6[%swap3A_1191, %swap3A_1192], %swap3A_1195 {strides = array<i32>} : memref<400x128xf32, #tpu.memory_space<vmem>>, vector<1x16xf32>,
        %mul3A_1196 = vector.broadcast %squeeze3A_1123 : f32 to vector<16xf32>
        %mul3A_1197 = arith.mulf %mul3A_1196, %sub3A_53 : vector<16xf32>
        %add3A_1198 = arith.addf %get3A_23, %mul3A_1197 : vector<16xf32>
        %mul3A_1199 = arith.constant 16 : i32
        %mul3A_1200 = arith.muli %scan3A_132, %mul3A_1199 : i32
        %add3A_1201 = arith.constant 10 : i32
        %add3A_1202 = arith.addi %mul3A_1200, %add3A_1201 : i32
        %swap3A_1203 = arith.index_cast %add3A_1202 : i32 to index
        %swap3A_1204 = arith.constant 96 : index
        %swap3A_1205 = tpu.vector_load %arg6[%swap3A_1203, %swap3A_1204] {strides = array<i32>} : memref<400x128xf32, #tpu.memory_space<vmem>>, vector<1x16xf32>,
        %swap3A_1206 = vector.shape_cast %swap3A_1205 : vector<1x16xf32> to vector<16xf32>
        %swap3A_1207 = vector.shape_cast %add3A_1198 : vector<16xf32> to vector<1x16xf32>
        tpu.vector_store %arg6[%swap3A_1203, %swap3A_1204], %swap3A_1207 {strides = array<i32>} : memref<400x128xf32, #tpu.memory_space<vmem>>, vector<1x16xf32>,
        %mul3A_1208 = vector.broadcast %squeeze3A_1123 : f32 to vector<16xf32>
        %mul3A_1209 = arith.mulf %mul3A_1208, %sub3A_57 : vector<16xf32>
        %add3A_1210 = arith.addf %get3A_26, %mul3A_1209 : vector<16xf32>
        %mul3A_1211 = arith.constant 16 : i32
        %mul3A_1212 = arith.muli %scan3A_132, %mul3A_1211 : i32
        %add3A_1213 = arith.constant 10 : i32
        %add3A_1214 = arith.addi %mul3A_1212, %add3A_1213 : i32
        %swap3A_1215 = arith.index_cast %add3A_1214 : i32 to index
        %swap3A_1216 = arith.constant 112 : index
        %swap3A_1217 = tpu.vector_load %arg6[%swap3A_1215, %swap3A_1216] {strides = array<i32>} : memref<400x128xf32, #tpu.memory_space<vmem>>, vector<1x16xf32>,
        %swap3A_1218 = vector.shape_cast %swap3A_1217 : vector<1x16xf32> to vector<16xf32>
        %swap3A_1219 = vector.shape_cast %add3A_1210 : vector<16xf32> to vector<1x16xf32>
        tpu.vector_store %arg6[%swap3A_1215, %swap3A_1216], %swap3A_1219 {strides = array<i32>} : memref<400x128xf32, #tpu.memory_space<vmem>>, vector<1x16xf32>,
        %slice3A_1220 = vector.extract_strided_slice %mul3A_144 {offsets = [11], sizes = [1], strides = [1]} : vector<16xf32> to vector<1xf32>
        %squeeze3A_1221 = vector.extract %slice3A_1220[0] : f32 from vector<1xf32>
        %mul3A_1222 = vector.broadcast %squeeze3A_1221 : f32 to vector<16xf32>
        %mul3A_1223 = arith.mulf %mul3A_1222, %sub3A : vector<16xf32>
        %add3A_1224 = arith.addf %get3A_5, %mul3A_1223 : vector<16xf32>
        %mul3A_1225 = arith.constant 16 : i32
        %mul3A_1226 = arith.muli %scan3A_132, %mul3A_1225 : i32
        %add3A_1227 = arith.constant 11 : i32
        %add3A_1228 = arith.addi %mul3A_1226, %add3A_1227 : i32
        %swap3A_1229 = arith.index_cast %add3A_1228 : i32 to index
        %swap3A_1230 = arith.constant 0 : index
        %swap3A_1231 = tpu.vector_load %arg6[%swap3A_1229, %swap3A_1230] {strides = array<i32>} : memref<400x128xf32, #tpu.memory_space<vmem>>, vector<1x16xf32>,
        %swap3A_1232 = vector.shape_cast %swap3A_1231 : vector<1x16xf32> to vector<16xf32>
        %swap3A_1233 = vector.shape_cast %add3A_1224 : vector<16xf32> to vector<1x16xf32>
        tpu.vector_store %arg6[%swap3A_1229, %swap3A_1230], %swap3A_1233 {strides = array<i32>} : memref<400x128xf32, #tpu.memory_space<vmem>>, vector<1x16xf32>,
        %mul3A_1234 = vector.broadcast %squeeze3A_1221 : f32 to vector<16xf32>
        %mul3A_1235 = arith.mulf %mul3A_1234, %sub3A_33 : vector<16xf32>
        %add3A_1236 = arith.addf %get3A_8, %mul3A_1235 : vector<16xf32>
        %mul3A_1237 = arith.constant 16 : i32
        %mul3A_1238 = arith.muli %scan3A_132, %mul3A_1237 : i32
        %add3A_1239 = arith.constant 11 : i32
        %add3A_1240 = arith.addi %mul3A_1238, %add3A_1239 : i32
        %swap3A_1241 = arith.index_cast %add3A_1240 : i32 to index
        %swap3A_1242 = arith.constant 16 : index
        %swap3A_1243 = tpu.vector_load %arg6[%swap3A_1241, %swap3A_1242] {strides = array<i32>} : memref<400x128xf32, #tpu.memory_space<vmem>>, vector<1x16xf32>,
        %swap3A_1244 = vector.shape_cast %swap3A_1243 : vector<1x16xf32> to vector<16xf32>
        %swap3A_1245 = vector.shape_cast %add3A_1236 : vector<16xf32> to vector<1x16xf32>
        tpu.vector_store %arg6[%swap3A_1241, %swap3A_1242], %swap3A_1245 {strides = array<i32>} : memref<400x128xf32, #tpu.memory_space<vmem>>, vector<1x16xf32>,
        %mul3A_1246 = vector.broadcast %squeeze3A_1221 : f32 to vector<16xf32>
        %mul3A_1247 = arith.mulf %mul3A_1246, %sub3A_37 : vector<16xf32>
        %add3A_1248 = arith.addf %get3A_11, %mul3A_1247 : vector<16xf32>
        %mul3A_1249 = arith.constant 16 : i32
        %mul3A_1250 = arith.muli %scan3A_132, %mul3A_1249 : i32
        %add3A_1251 = arith.constant 11 : i32
        %add3A_1252 = arith.addi %mul3A_1250, %add3A_1251 : i32
        %swap3A_1253 = arith.index_cast %add3A_1252 : i32 to index
        %swap3A_1254 = arith.constant 32 : index
        %swap3A_1255 = tpu.vector_load %arg6[%swap3A_1253, %swap3A_1254] {strides = array<i32>} : memref<400x128xf32, #tpu.memory_space<vmem>>, vector<1x16xf32>,
        %swap3A_1256 = vector.shape_cast %swap3A_1255 : vector<1x16xf32> to vector<16xf32>
        %swap3A_1257 = vector.shape_cast %add3A_1248 : vector<16xf32> to vector<1x16xf32>
        tpu.vector_store %arg6[%swap3A_1253, %swap3A_1254], %swap3A_1257 {strides = array<i32>} : memref<400x128xf32, #tpu.memory_space<vmem>>, vector<1x16xf32>,
        %mul3A_1258 = vector.broadcast %squeeze3A_1221 : f32 to vector<16xf32>
        %mul3A_1259 = arith.mulf %mul3A_1258, %sub3A_41 : vector<16xf32>
        %add3A_1260 = arith.addf %get3A_14, %mul3A_1259 : vector<16xf32>
        %mul3A_1261 = arith.constant 16 : i32
        %mul3A_1262 = arith.muli %scan3A_132, %mul3A_1261 : i32
        %add3A_1263 = arith.constant 11 : i32
        %add3A_1264 = arith.addi %mul3A_1262, %add3A_1263 : i32
        %swap3A_1265 = arith.index_cast %add3A_1264 : i32 to index
        %swap3A_1266 = arith.constant 48 : index
        %swap3A_1267 = tpu.vector_load %arg6[%swap3A_1265, %swap3A_1266] {strides = array<i32>} : memref<400x128xf32, #tpu.memory_space<vmem>>, vector<1x16xf32>,
        %swap3A_1268 = vector.shape_cast %swap3A_1267 : vector<1x16xf32> to vector<16xf32>
        %swap3A_1269 = vector.shape_cast %add3A_1260 : vector<16xf32> to vector<1x16xf32>
        tpu.vector_store %arg6[%swap3A_1265, %swap3A_1266], %swap3A_1269 {strides = array<i32>} : memref<400x128xf32, #tpu.memory_space<vmem>>, vector<1x16xf32>,
        %mul3A_1270 = vector.broadcast %squeeze3A_1221 : f32 to vector<16xf32>
        %mul3A_1271 = arith.mulf %mul3A_1270, %sub3A_45 : vector<16xf32>
        %add3A_1272 = arith.addf %get3A_17, %mul3A_1271 : vector<16xf32>
        %mul3A_1273 = arith.constant 16 : i32
        %mul3A_1274 = arith.muli %scan3A_132, %mul3A_1273 : i32
        %add3A_1275 = arith.constant 11 : i32
        %add3A_1276 = arith.addi %mul3A_1274, %add3A_1275 : i32
        %swap3A_1277 = arith.index_cast %add3A_1276 : i32 to index
        %swap3A_1278 = arith.constant 64 : index
        %swap3A_1279 = tpu.vector_load %arg6[%swap3A_1277, %swap3A_1278] {strides = array<i32>} : memref<400x128xf32, #tpu.memory_space<vmem>>, vector<1x16xf32>,
        %swap3A_1280 = vector.shape_cast %swap3A_1279 : vector<1x16xf32> to vector<16xf32>
        %swap3A_1281 = vector.shape_cast %add3A_1272 : vector<16xf32> to vector<1x16xf32>
        tpu.vector_store %arg6[%swap3A_1277, %swap3A_1278], %swap3A_1281 {strides = array<i32>} : memref<400x128xf32, #tpu.memory_space<vmem>>, vector<1x16xf32>,
        %mul3A_1282 = vector.broadcast %squeeze3A_1221 : f32 to vector<16xf32>
        %mul3A_1283 = arith.mulf %mul3A_1282, %sub3A_49 : vector<16xf32>
        %add3A_1284 = arith.addf %get3A_20, %mul3A_1283 : vector<16xf32>
        %mul3A_1285 = arith.constant 16 : i32
        %mul3A_1286 = arith.muli %scan3A_132, %mul3A_1285 : i32
        %add3A_1287 = arith.constant 11 : i32
        %add3A_1288 = arith.addi %mul3A_1286, %add3A_1287 : i32
        %swap3A_1289 = arith.index_cast %add3A_1288 : i32 to index
        %swap3A_1290 = arith.constant 80 : index
        %swap3A_1291 = tpu.vector_load %arg6[%swap3A_1289, %swap3A_1290] {strides = array<i32>} : memref<400x128xf32, #tpu.memory_space<vmem>>, vector<1x16xf32>,
        %swap3A_1292 = vector.shape_cast %swap3A_1291 : vector<1x16xf32> to vector<16xf32>
        %swap3A_1293 = vector.shape_cast %add3A_1284 : vector<16xf32> to vector<1x16xf32>
        tpu.vector_store %arg6[%swap3A_1289, %swap3A_1290], %swap3A_1293 {strides = array<i32>} : memref<400x128xf32, #tpu.memory_space<vmem>>, vector<1x16xf32>,
        %mul3A_1294 = vector.broadcast %squeeze3A_1221 : f32 to vector<16xf32>
        %mul3A_1295 = arith.mulf %mul3A_1294, %sub3A_53 : vector<16xf32>
        %add3A_1296 = arith.addf %get3A_23, %mul3A_1295 : vector<16xf32>
        %mul3A_1297 = arith.constant 16 : i32
        %mul3A_1298 = arith.muli %scan3A_132, %mul3A_1297 : i32
        %add3A_1299 = arith.constant 11 : i32
        %add3A_1300 = arith.addi %mul3A_1298, %add3A_1299 : i32
        %swap3A_1301 = arith.index_cast %add3A_1300 : i32 to index
        %swap3A_1302 = arith.constant 96 : index
        %swap3A_1303 = tpu.vector_load %arg6[%swap3A_1301, %swap3A_1302] {strides = array<i32>} : memref<400x128xf32, #tpu.memory_space<vmem>>, vector<1x16xf32>,
        %swap3A_1304 = vector.shape_cast %swap3A_1303 : vector<1x16xf32> to vector<16xf32>
        %swap3A_1305 = vector.shape_cast %add3A_1296 : vector<16xf32> to vector<1x16xf32>
        tpu.vector_store %arg6[%swap3A_1301, %swap3A_1302], %swap3A_1305 {strides = array<i32>} : memref<400x128xf32, #tpu.memory_space<vmem>>, vector<1x16xf32>,
        %mul3A_1306 = vector.broadcast %squeeze3A_1221 : f32 to vector<16xf32>
        %mul3A_1307 = arith.mulf %mul3A_1306, %sub3A_57 : vector<16xf32>
        %add3A_1308 = arith.addf %get3A_26, %mul3A_1307 : vector<16xf32>
        %mul3A_1309 = arith.constant 16 : i32
        %mul3A_1310 = arith.muli %scan3A_132, %mul3A_1309 : i32
        %add3A_1311 = arith.constant 11 : i32
        %add3A_1312 = arith.addi %mul3A_1310, %add3A_1311 : i32
        %swap3A_1313 = arith.index_cast %add3A_1312 : i32 to index
        %swap3A_1314 = arith.constant 112 : index
        %swap3A_1315 = tpu.vector_load %arg6[%swap3A_1313, %swap3A_1314] {strides = array<i32>} : memref<400x128xf32, #tpu.memory_space<vmem>>, vector<1x16xf32>,
        %swap3A_1316 = vector.shape_cast %swap3A_1315 : vector<1x16xf32> to vector<16xf32>
        %swap3A_1317 = vector.shape_cast %add3A_1308 : vector<16xf32> to vector<1x16xf32>
        tpu.vector_store %arg6[%swap3A_1313, %swap3A_1314], %swap3A_1317 {strides = array<i32>} : memref<400x128xf32, #tpu.memory_space<vmem>>, vector<1x16xf32>,
        %slice3A_1318 = vector.extract_strided_slice %mul3A_144 {offsets = [12], sizes = [1], strides = [1]} : vector<16xf32> to vector<1xf32>
        %squeeze3A_1319 = vector.extract %slice3A_1318[0] : f32 from vector<1xf32>
        %mul3A_1320 = vector.broadcast %squeeze3A_1319 : f32 to vector<16xf32>
        %mul3A_1321 = arith.mulf %mul3A_1320, %sub3A : vector<16xf32>
        %add3A_1322 = arith.addf %get3A_5, %mul3A_1321 : vector<16xf32>
        %mul3A_1323 = arith.constant 16 : i32
        %mul3A_1324 = arith.muli %scan3A_132, %mul3A_1323 : i32
        %add3A_1325 = arith.constant 12 : i32
        %add3A_1326 = arith.addi %mul3A_1324, %add3A_1325 : i32
        %swap3A_1327 = arith.index_cast %add3A_1326 : i32 to index
        %swap3A_1328 = arith.constant 0 : index
        %swap3A_1329 = tpu.vector_load %arg6[%swap3A_1327, %swap3A_1328] {strides = array<i32>} : memref<400x128xf32, #tpu.memory_space<vmem>>, vector<1x16xf32>,
        %swap3A_1330 = vector.shape_cast %swap3A_1329 : vector<1x16xf32> to vector<16xf32>
        %swap3A_1331 = vector.shape_cast %add3A_1322 : vector<16xf32> to vector<1x16xf32>
        tpu.vector_store %arg6[%swap3A_1327, %swap3A_1328], %swap3A_1331 {strides = array<i32>} : memref<400x128xf32, #tpu.memory_space<vmem>>, vector<1x16xf32>,
        %mul3A_1332 = vector.broadcast %squeeze3A_1319 : f32 to vector<16xf32>
        %mul3A_1333 = arith.mulf %mul3A_1332, %sub3A_33 : vector<16xf32>
        %add3A_1334 = arith.addf %get3A_8, %mul3A_1333 : vector<16xf32>
        %mul3A_1335 = arith.constant 16 : i32
        %mul3A_1336 = arith.muli %scan3A_132, %mul3A_1335 : i32
        %add3A_1337 = arith.constant 12 : i32
        %add3A_1338 = arith.addi %mul3A_1336, %add3A_1337 : i32
        %swap3A_1339 = arith.index_cast %add3A_1338 : i32 to index
        %swap3A_1340 = arith.constant 16 : index
        %swap3A_1341 = tpu.vector_load %arg6[%swap3A_1339, %swap3A_1340] {strides = array<i32>} : memref<400x128xf32, #tpu.memory_space<vmem>>, vector<1x16xf32>,
        %swap3A_1342 = vector.shape_cast %swap3A_1341 : vector<1x16xf32> to vector<16xf32>
        %swap3A_1343 = vector.shape_cast %add3A_1334 : vector<16xf32> to vector<1x16xf32>
        tpu.vector_store %arg6[%swap3A_1339, %swap3A_1340], %swap3A_1343 {strides = array<i32>} : memref<400x128xf32, #tpu.memory_space<vmem>>, vector<1x16xf32>,
        %mul3A_1344 = vector.broadcast %squeeze3A_1319 : f32 to vector<16xf32>
        %mul3A_1345 = arith.mulf %mul3A_1344, %sub3A_37 : vector<16xf32>
        %add3A_1346 = arith.addf %get3A_11, %mul3A_1345 : vector<16xf32>
        %mul3A_1347 = arith.constant 16 : i32
        %mul3A_1348 = arith.muli %scan3A_132, %mul3A_1347 : i32
        %add3A_1349 = arith.constant 12 : i32
        %add3A_1350 = arith.addi %mul3A_1348, %add3A_1349 : i32
        %swap3A_1351 = arith.index_cast %add3A_1350 : i32 to index
        %swap3A_1352 = arith.constant 32 : index
        %swap3A_1353 = tpu.vector_load %arg6[%swap3A_1351, %swap3A_1352] {strides = array<i32>} : memref<400x128xf32, #tpu.memory_space<vmem>>, vector<1x16xf32>,
        %swap3A_1354 = vector.shape_cast %swap3A_1353 : vector<1x16xf32> to vector<16xf32>
        %swap3A_1355 = vector.shape_cast %add3A_1346 : vector<16xf32> to vector<1x16xf32>
        tpu.vector_store %arg6[%swap3A_1351, %swap3A_1352], %swap3A_1355 {strides = array<i32>} : memref<400x128xf32, #tpu.memory_space<vmem>>, vector<1x16xf32>,
        %mul3A_1356 = vector.broadcast %squeeze3A_1319 : f32 to vector<16xf32>
        %mul3A_1357 = arith.mulf %mul3A_1356, %sub3A_41 : vector<16xf32>
        %add3A_1358 = arith.addf %get3A_14, %mul3A_1357 : vector<16xf32>
        %mul3A_1359 = arith.constant 16 : i32
        %mul3A_1360 = arith.muli %scan3A_132, %mul3A_1359 : i32
        %add3A_1361 = arith.constant 12 : i32
        %add3A_1362 = arith.addi %mul3A_1360, %add3A_1361 : i32
        %swap3A_1363 = arith.index_cast %add3A_1362 : i32 to index
        %swap3A_1364 = arith.constant 48 : index
        %swap3A_1365 = tpu.vector_load %arg6[%swap3A_1363, %swap3A_1364] {strides = array<i32>} : memref<400x128xf32, #tpu.memory_space<vmem>>, vector<1x16xf32>,
        %swap3A_1366 = vector.shape_cast %swap3A_1365 : vector<1x16xf32> to vector<16xf32>
        %swap3A_1367 = vector.shape_cast %add3A_1358 : vector<16xf32> to vector<1x16xf32>
        tpu.vector_store %arg6[%swap3A_1363, %swap3A_1364], %swap3A_1367 {strides = array<i32>} : memref<400x128xf32, #tpu.memory_space<vmem>>, vector<1x16xf32>,
        %mul3A_1368 = vector.broadcast %squeeze3A_1319 : f32 to vector<16xf32>
        %mul3A_1369 = arith.mulf %mul3A_1368, %sub3A_45 : vector<16xf32>
        %add3A_1370 = arith.addf %get3A_17, %mul3A_1369 : vector<16xf32>
        %mul3A_1371 = arith.constant 16 : i32
        %mul3A_1372 = arith.muli %scan3A_132, %mul3A_1371 : i32
        %add3A_1373 = arith.constant 12 : i32
        %add3A_1374 = arith.addi %mul3A_1372, %add3A_1373 : i32
        %swap3A_1375 = arith.index_cast %add3A_1374 : i32 to index
        %swap3A_1376 = arith.constant 64 : index
        %swap3A_1377 = tpu.vector_load %arg6[%swap3A_1375, %swap3A_1376] {strides = array<i32>} : memref<400x128xf32, #tpu.memory_space<vmem>>, vector<1x16xf32>,
        %swap3A_1378 = vector.shape_cast %swap3A_1377 : vector<1x16xf32> to vector<16xf32>
        %swap3A_1379 = vector.shape_cast %add3A_1370 : vector<16xf32> to vector<1x16xf32>
        tpu.vector_store %arg6[%swap3A_1375, %swap3A_1376], %swap3A_1379 {strides = array<i32>} : memref<400x128xf32, #tpu.memory_space<vmem>>, vector<1x16xf32>,
        %mul3A_1380 = vector.broadcast %squeeze3A_1319 : f32 to vector<16xf32>
        %mul3A_1381 = arith.mulf %mul3A_1380, %sub3A_49 : vector<16xf32>
        %add3A_1382 = arith.addf %get3A_20, %mul3A_1381 : vector<16xf32>
        %mul3A_1383 = arith.constant 16 : i32
        %mul3A_1384 = arith.muli %scan3A_132, %mul3A_1383 : i32
        %add3A_1385 = arith.constant 12 : i32
        %add3A_1386 = arith.addi %mul3A_1384, %add3A_1385 : i32
        %swap3A_1387 = arith.index_cast %add3A_1386 : i32 to index
        %swap3A_1388 = arith.constant 80 : index
        %swap3A_1389 = tpu.vector_load %arg6[%swap3A_1387, %swap3A_1388] {strides = array<i32>} : memref<400x128xf32, #tpu.memory_space<vmem>>, vector<1x16xf32>,
        %swap3A_1390 = vector.shape_cast %swap3A_1389 : vector<1x16xf32> to vector<16xf32>
        %swap3A_1391 = vector.shape_cast %add3A_1382 : vector<16xf32> to vector<1x16xf32>
        tpu.vector_store %arg6[%swap3A_1387, %swap3A_1388], %swap3A_1391 {strides = array<i32>} : memref<400x128xf32, #tpu.memory_space<vmem>>, vector<1x16xf32>,
        %mul3A_1392 = vector.broadcast %squeeze3A_1319 : f32 to vector<16xf32>
        %mul3A_1393 = arith.mulf %mul3A_1392, %sub3A_53 : vector<16xf32>
        %add3A_1394 = arith.addf %get3A_23, %mul3A_1393 : vector<16xf32>
        %mul3A_1395 = arith.constant 16 : i32
        %mul3A_1396 = arith.muli %scan3A_132, %mul3A_1395 : i32
        %add3A_1397 = arith.constant 12 : i32
        %add3A_1398 = arith.addi %mul3A_1396, %add3A_1397 : i32
        %swap3A_1399 = arith.index_cast %add3A_1398 : i32 to index
        %swap3A_1400 = arith.constant 96 : index
        %swap3A_1401 = tpu.vector_load %arg6[%swap3A_1399, %swap3A_1400] {strides = array<i32>} : memref<400x128xf32, #tpu.memory_space<vmem>>, vector<1x16xf32>,
        %swap3A_1402 = vector.shape_cast %swap3A_1401 : vector<1x16xf32> to vector<16xf32>
        %swap3A_1403 = vector.shape_cast %add3A_1394 : vector<16xf32> to vector<1x16xf32>
        tpu.vector_store %arg6[%swap3A_1399, %swap3A_1400], %swap3A_1403 {strides = array<i32>} : memref<400x128xf32, #tpu.memory_space<vmem>>, vector<1x16xf32>,
        %mul3A_1404 = vector.broadcast %squeeze3A_1319 : f32 to vector<16xf32>
        %mul3A_1405 = arith.mulf %mul3A_1404, %sub3A_57 : vector<16xf32>
        %add3A_1406 = arith.addf %get3A_26, %mul3A_1405 : vector<16xf32>
        %mul3A_1407 = arith.constant 16 : i32
        %mul3A_1408 = arith.muli %scan3A_132, %mul3A_1407 : i32
        %add3A_1409 = arith.constant 12 : i32
        %add3A_1410 = arith.addi %mul3A_1408, %add3A_1409 : i32
        %swap3A_1411 = arith.index_cast %add3A_1410 : i32 to index
        %swap3A_1412 = arith.constant 112 : index
        %swap3A_1413 = tpu.vector_load %arg6[%swap3A_1411, %swap3A_1412] {strides = array<i32>} : memref<400x128xf32, #tpu.memory_space<vmem>>, vector<1x16xf32>,
        %swap3A_1414 = vector.shape_cast %swap3A_1413 : vector<1x16xf32> to vector<16xf32>
        %swap3A_1415 = vector.shape_cast %add3A_1406 : vector<16xf32> to vector<1x16xf32>
        tpu.vector_store %arg6[%swap3A_1411, %swap3A_1412], %swap3A_1415 {strides = array<i32>} : memref<400x128xf32, #tpu.memory_space<vmem>>, vector<1x16xf32>,
        %slice3A_1416 = vector.extract_strided_slice %mul3A_144 {offsets = [13], sizes = [1], strides = [1]} : vector<16xf32> to vector<1xf32>
        %squeeze3A_1417 = vector.extract %slice3A_1416[0] : f32 from vector<1xf32>
        %mul3A_1418 = vector.broadcast %squeeze3A_1417 : f32 to vector<16xf32>
        %mul3A_1419 = arith.mulf %mul3A_1418, %sub3A : vector<16xf32>
        %add3A_1420 = arith.addf %get3A_5, %mul3A_1419 : vector<16xf32>
        %mul3A_1421 = arith.constant 16 : i32
        %mul3A_1422 = arith.muli %scan3A_132, %mul3A_1421 : i32
        %add3A_1423 = arith.constant 13 : i32
        %add3A_1424 = arith.addi %mul3A_1422, %add3A_1423 : i32
        %swap3A_1425 = arith.index_cast %add3A_1424 : i32 to index
        %swap3A_1426 = arith.constant 0 : index
        %swap3A_1427 = tpu.vector_load %arg6[%swap3A_1425, %swap3A_1426] {strides = array<i32>} : memref<400x128xf32, #tpu.memory_space<vmem>>, vector<1x16xf32>,
        %swap3A_1428 = vector.shape_cast %swap3A_1427 : vector<1x16xf32> to vector<16xf32>
        %swap3A_1429 = vector.shape_cast %add3A_1420 : vector<16xf32> to vector<1x16xf32>
        tpu.vector_store %arg6[%swap3A_1425, %swap3A_1426], %swap3A_1429 {strides = array<i32>} : memref<400x128xf32, #tpu.memory_space<vmem>>, vector<1x16xf32>,
        %mul3A_1430 = vector.broadcast %squeeze3A_1417 : f32 to vector<16xf32>
        %mul3A_1431 = arith.mulf %mul3A_1430, %sub3A_33 : vector<16xf32>
        %add3A_1432 = arith.addf %get3A_8, %mul3A_1431 : vector<16xf32>
        %mul3A_1433 = arith.constant 16 : i32
        %mul3A_1434 = arith.muli %scan3A_132, %mul3A_1433 : i32
        %add3A_1435 = arith.constant 13 : i32
        %add3A_1436 = arith.addi %mul3A_1434, %add3A_1435 : i32
        %swap3A_1437 = arith.index_cast %add3A_1436 : i32 to index
        %swap3A_1438 = arith.constant 16 : index
        %swap3A_1439 = tpu.vector_load %arg6[%swap3A_1437, %swap3A_1438] {strides = array<i32>} : memref<400x128xf32, #tpu.memory_space<vmem>>, vector<1x16xf32>,
        %swap3A_1440 = vector.shape_cast %swap3A_1439 : vector<1x16xf32> to vector<16xf32>
        %swap3A_1441 = vector.shape_cast %add3A_1432 : vector<16xf32> to vector<1x16xf32>
        tpu.vector_store %arg6[%swap3A_1437, %swap3A_1438], %swap3A_1441 {strides = array<i32>} : memref<400x128xf32, #tpu.memory_space<vmem>>, vector<1x16xf32>,
        %mul3A_1442 = vector.broadcast %squeeze3A_1417 : f32 to vector<16xf32>
        %mul3A_1443 = arith.mulf %mul3A_1442, %sub3A_37 : vector<16xf32>
        %add3A_1444 = arith.addf %get3A_11, %mul3A_1443 : vector<16xf32>
        %mul3A_1445 = arith.constant 16 : i32
        %mul3A_1446 = arith.muli %scan3A_132, %mul3A_1445 : i32
        %add3A_1447 = arith.constant 13 : i32
        %add3A_1448 = arith.addi %mul3A_1446, %add3A_1447 : i32
        %swap3A_1449 = arith.index_cast %add3A_1448 : i32 to index
        %swap3A_1450 = arith.constant 32 : index
        %swap3A_1451 = tpu.vector_load %arg6[%swap3A_1449, %swap3A_1450] {strides = array<i32>} : memref<400x128xf32, #tpu.memory_space<vmem>>, vector<1x16xf32>,
        %swap3A_1452 = vector.shape_cast %swap3A_1451 : vector<1x16xf32> to vector<16xf32>
        %swap3A_1453 = vector.shape_cast %add3A_1444 : vector<16xf32> to vector<1x16xf32>
        tpu.vector_store %arg6[%swap3A_1449, %swap3A_1450], %swap3A_1453 {strides = array<i32>} : memref<400x128xf32, #tpu.memory_space<vmem>>, vector<1x16xf32>,
        %mul3A_1454 = vector.broadcast %squeeze3A_1417 : f32 to vector<16xf32>
        %mul3A_1455 = arith.mulf %mul3A_1454, %sub3A_41 : vector<16xf32>
        %add3A_1456 = arith.addf %get3A_14, %mul3A_1455 : vector<16xf32>
        %mul3A_1457 = arith.constant 16 : i32
        %mul3A_1458 = arith.muli %scan3A_132, %mul3A_1457 : i32
        %add3A_1459 = arith.constant 13 : i32
        %add3A_1460 = arith.addi %mul3A_1458, %add3A_1459 : i32
        %swap3A_1461 = arith.index_cast %add3A_1460 : i32 to index
        %swap3A_1462 = arith.constant 48 : index
        %swap3A_1463 = tpu.vector_load %arg6[%swap3A_1461, %swap3A_1462] {strides = array<i32>} : memref<400x128xf32, #tpu.memory_space<vmem>>, vector<1x16xf32>,
        %swap3A_1464 = vector.shape_cast %swap3A_1463 : vector<1x16xf32> to vector<16xf32>
        %swap3A_1465 = vector.shape_cast %add3A_1456 : vector<16xf32> to vector<1x16xf32>
        tpu.vector_store %arg6[%swap3A_1461, %swap3A_1462], %swap3A_1465 {strides = array<i32>} : memref<400x128xf32, #tpu.memory_space<vmem>>, vector<1x16xf32>,
        %mul3A_1466 = vector.broadcast %squeeze3A_1417 : f32 to vector<16xf32>
        %mul3A_1467 = arith.mulf %mul3A_1466, %sub3A_45 : vector<16xf32>
        %add3A_1468 = arith.addf %get3A_17, %mul3A_1467 : vector<16xf32>
        %mul3A_1469 = arith.constant 16 : i32
        %mul3A_1470 = arith.muli %scan3A_132, %mul3A_1469 : i32
        %add3A_1471 = arith.constant 13 : i32
        %add3A_1472 = arith.addi %mul3A_1470, %add3A_1471 : i32
        %swap3A_1473 = arith.index_cast %add3A_1472 : i32 to index
        %swap3A_1474 = arith.constant 64 : index
        %swap3A_1475 = tpu.vector_load %arg6[%swap3A_1473, %swap3A_1474] {strides = array<i32>} : memref<400x128xf32, #tpu.memory_space<vmem>>, vector<1x16xf32>,
        %swap3A_1476 = vector.shape_cast %swap3A_1475 : vector<1x16xf32> to vector<16xf32>
        %swap3A_1477 = vector.shape_cast %add3A_1468 : vector<16xf32> to vector<1x16xf32>
        tpu.vector_store %arg6[%swap3A_1473, %swap3A_1474], %swap3A_1477 {strides = array<i32>} : memref<400x128xf32, #tpu.memory_space<vmem>>, vector<1x16xf32>,
        %mul3A_1478 = vector.broadcast %squeeze3A_1417 : f32 to vector<16xf32>
        %mul3A_1479 = arith.mulf %mul3A_1478, %sub3A_49 : vector<16xf32>
        %add3A_1480 = arith.addf %get3A_20, %mul3A_1479 : vector<16xf32>
        %mul3A_1481 = arith.constant 16 : i32
        %mul3A_1482 = arith.muli %scan3A_132, %mul3A_1481 : i32
        %add3A_1483 = arith.constant 13 : i32
        %add3A_1484 = arith.addi %mul3A_1482, %add3A_1483 : i32
        %swap3A_1485 = arith.index_cast %add3A_1484 : i32 to index
        %swap3A_1486 = arith.constant 80 : index
        %swap3A_1487 = tpu.vector_load %arg6[%swap3A_1485, %swap3A_1486] {strides = array<i32>} : memref<400x128xf32, #tpu.memory_space<vmem>>, vector<1x16xf32>,
        %swap3A_1488 = vector.shape_cast %swap3A_1487 : vector<1x16xf32> to vector<16xf32>
        %swap3A_1489 = vector.shape_cast %add3A_1480 : vector<16xf32> to vector<1x16xf32>
        tpu.vector_store %arg6[%swap3A_1485, %swap3A_1486], %swap3A_1489 {strides = array<i32>} : memref<400x128xf32, #tpu.memory_space<vmem>>, vector<1x16xf32>,
        %mul3A_1490 = vector.broadcast %squeeze3A_1417 : f32 to vector<16xf32>
        %mul3A_1491 = arith.mulf %mul3A_1490, %sub3A_53 : vector<16xf32>
        %add3A_1492 = arith.addf %get3A_23, %mul3A_1491 : vector<16xf32>
        %mul3A_1493 = arith.constant 16 : i32
        %mul3A_1494 = arith.muli %scan3A_132, %mul3A_1493 : i32
        %add3A_1495 = arith.constant 13 : i32
        %add3A_1496 = arith.addi %mul3A_1494, %add3A_1495 : i32
        %swap3A_1497 = arith.index_cast %add3A_1496 : i32 to index
        %swap3A_1498 = arith.constant 96 : index
        %swap3A_1499 = tpu.vector_load %arg6[%swap3A_1497, %swap3A_1498] {strides = array<i32>} : memref<400x128xf32, #tpu.memory_space<vmem>>, vector<1x16xf32>,
        %swap3A_1500 = vector.shape_cast %swap3A_1499 : vector<1x16xf32> to vector<16xf32>
        %swap3A_1501 = vector.shape_cast %add3A_1492 : vector<16xf32> to vector<1x16xf32>
        tpu.vector_store %arg6[%swap3A_1497, %swap3A_1498], %swap3A_1501 {strides = array<i32>} : memref<400x128xf32, #tpu.memory_space<vmem>>, vector<1x16xf32>,
        %mul3A_1502 = vector.broadcast %squeeze3A_1417 : f32 to vector<16xf32>
        %mul3A_1503 = arith.mulf %mul3A_1502, %sub3A_57 : vector<16xf32>
        %add3A_1504 = arith.addf %get3A_26, %mul3A_1503 : vector<16xf32>
        %mul3A_1505 = arith.constant 16 : i32
        %mul3A_1506 = arith.muli %scan3A_132, %mul3A_1505 : i32
        %add3A_1507 = arith.constant 13 : i32
        %add3A_1508 = arith.addi %mul3A_1506, %add3A_1507 : i32
        %swap3A_1509 = arith.index_cast %add3A_1508 : i32 to index
        %swap3A_1510 = arith.constant 112 : index
        %swap3A_1511 = tpu.vector_load %arg6[%swap3A_1509, %swap3A_1510] {strides = array<i32>} : memref<400x128xf32, #tpu.memory_space<vmem>>, vector<1x16xf32>,
        %swap3A_1512 = vector.shape_cast %swap3A_1511 : vector<1x16xf32> to vector<16xf32>
        %swap3A_1513 = vector.shape_cast %add3A_1504 : vector<16xf32> to vector<1x16xf32>
        tpu.vector_store %arg6[%swap3A_1509, %swap3A_1510], %swap3A_1513 {strides = array<i32>} : memref<400x128xf32, #tpu.memory_space<vmem>>, vector<1x16xf32>,
        %slice3A_1514 = vector.extract_strided_slice %mul3A_144 {offsets = [14], sizes = [1], strides = [1]} : vector<16xf32> to vector<1xf32>
        %squeeze3A_1515 = vector.extract %slice3A_1514[0] : f32 from vector<1xf32>
        %mul3A_1516 = vector.broadcast %squeeze3A_1515 : f32 to vector<16xf32>
        %mul3A_1517 = arith.mulf %mul3A_1516, %sub3A : vector<16xf32>
        %add3A_1518 = arith.addf %get3A_5, %mul3A_1517 : vector<16xf32>
        %mul3A_1519 = arith.constant 16 : i32
        %mul3A_1520 = arith.muli %scan3A_132, %mul3A_1519 : i32
        %add3A_1521 = arith.constant 14 : i32
        %add3A_1522 = arith.addi %mul3A_1520, %add3A_1521 : i32
        %swap3A_1523 = arith.index_cast %add3A_1522 : i32 to index
        %swap3A_1524 = arith.constant 0 : index
        %swap3A_1525 = tpu.vector_load %arg6[%swap3A_1523, %swap3A_1524] {strides = array<i32>} : memref<400x128xf32, #tpu.memory_space<vmem>>, vector<1x16xf32>,
        %swap3A_1526 = vector.shape_cast %swap3A_1525 : vector<1x16xf32> to vector<16xf32>
        %swap3A_1527 = vector.shape_cast %add3A_1518 : vector<16xf32> to vector<1x16xf32>
        tpu.vector_store %arg6[%swap3A_1523, %swap3A_1524], %swap3A_1527 {strides = array<i32>} : memref<400x128xf32, #tpu.memory_space<vmem>>, vector<1x16xf32>,
        %mul3A_1528 = vector.broadcast %squeeze3A_1515 : f32 to vector<16xf32>
        %mul3A_1529 = arith.mulf %mul3A_1528, %sub3A_33 : vector<16xf32>
        %add3A_1530 = arith.addf %get3A_8, %mul3A_1529 : vector<16xf32>
        %mul3A_1531 = arith.constant 16 : i32
        %mul3A_1532 = arith.muli %scan3A_132, %mul3A_1531 : i32
        %add3A_1533 = arith.constant 14 : i32
        %add3A_1534 = arith.addi %mul3A_1532, %add3A_1533 : i32
        %swap3A_1535 = arith.index_cast %add3A_1534 : i32 to index
        %swap3A_1536 = arith.constant 16 : index
        %swap3A_1537 = tpu.vector_load %arg6[%swap3A_1535, %swap3A_1536] {strides = array<i32>} : memref<400x128xf32, #tpu.memory_space<vmem>>, vector<1x16xf32>,
        %swap3A_1538 = vector.shape_cast %swap3A_1537 : vector<1x16xf32> to vector<16xf32>
        %swap3A_1539 = vector.shape_cast %add3A_1530 : vector<16xf32> to vector<1x16xf32>
        tpu.vector_store %arg6[%swap3A_1535, %swap3A_1536], %swap3A_1539 {strides = array<i32>} : memref<400x128xf32, #tpu.memory_space<vmem>>, vector<1x16xf32>,
        %mul3A_1540 = vector.broadcast %squeeze3A_1515 : f32 to vector<16xf32>
        %mul3A_1541 = arith.mulf %mul3A_1540, %sub3A_37 : vector<16xf32>
        %add3A_1542 = arith.addf %get3A_11, %mul3A_1541 : vector<16xf32>
        %mul3A_1543 = arith.constant 16 : i32
        %mul3A_1544 = arith.muli %scan3A_132, %mul3A_1543 : i32
        %add3A_1545 = arith.constant 14 : i32
        %add3A_1546 = arith.addi %mul3A_1544, %add3A_1545 : i32
        %swap3A_1547 = arith.index_cast %add3A_1546 : i32 to index
        %swap3A_1548 = arith.constant 32 : index
        %swap3A_1549 = tpu.vector_load %arg6[%swap3A_1547, %swap3A_1548] {strides = array<i32>} : memref<400x128xf32, #tpu.memory_space<vmem>>, vector<1x16xf32>,
        %swap3A_1550 = vector.shape_cast %swap3A_1549 : vector<1x16xf32> to vector<16xf32>
        %swap3A_1551 = vector.shape_cast %add3A_1542 : vector<16xf32> to vector<1x16xf32>
        tpu.vector_store %arg6[%swap3A_1547, %swap3A_1548], %swap3A_1551 {strides = array<i32>} : memref<400x128xf32, #tpu.memory_space<vmem>>, vector<1x16xf32>,
        %mul3A_1552 = vector.broadcast %squeeze3A_1515 : f32 to vector<16xf32>
        %mul3A_1553 = arith.mulf %mul3A_1552, %sub3A_41 : vector<16xf32>
        %add3A_1554 = arith.addf %get3A_14, %mul3A_1553 : vector<16xf32>
        %mul3A_1555 = arith.constant 16 : i32
        %mul3A_1556 = arith.muli %scan3A_132, %mul3A_1555 : i32
        %add3A_1557 = arith.constant 14 : i32
        %add3A_1558 = arith.addi %mul3A_1556, %add3A_1557 : i32
        %swap3A_1559 = arith.index_cast %add3A_1558 : i32 to index
        %swap3A_1560 = arith.constant 48 : index
        %swap3A_1561 = tpu.vector_load %arg6[%swap3A_1559, %swap3A_1560] {strides = array<i32>} : memref<400x128xf32, #tpu.memory_space<vmem>>, vector<1x16xf32>,
        %swap3A_1562 = vector.shape_cast %swap3A_1561 : vector<1x16xf32> to vector<16xf32>
        %swap3A_1563 = vector.shape_cast %add3A_1554 : vector<16xf32> to vector<1x16xf32>
        tpu.vector_store %arg6[%swap3A_1559, %swap3A_1560], %swap3A_1563 {strides = array<i32>} : memref<400x128xf32, #tpu.memory_space<vmem>>, vector<1x16xf32>,
        %mul3A_1564 = vector.broadcast %squeeze3A_1515 : f32 to vector<16xf32>
        %mul3A_1565 = arith.mulf %mul3A_1564, %sub3A_45 : vector<16xf32>
        %add3A_1566 = arith.addf %get3A_17, %mul3A_1565 : vector<16xf32>
        %mul3A_1567 = arith.constant 16 : i32
        %mul3A_1568 = arith.muli %scan3A_132, %mul3A_1567 : i32
        %add3A_1569 = arith.constant 14 : i32
        %add3A_1570 = arith.addi %mul3A_1568, %add3A_1569 : i32
        %swap3A_1571 = arith.index_cast %add3A_1570 : i32 to index
        %swap3A_1572 = arith.constant 64 : index
        %swap3A_1573 = tpu.vector_load %arg6[%swap3A_1571, %swap3A_1572] {strides = array<i32>} : memref<400x128xf32, #tpu.memory_space<vmem>>, vector<1x16xf32>,
        %swap3A_1574 = vector.shape_cast %swap3A_1573 : vector<1x16xf32> to vector<16xf32>
        %swap3A_1575 = vector.shape_cast %add3A_1566 : vector<16xf32> to vector<1x16xf32>
        tpu.vector_store %arg6[%swap3A_1571, %swap3A_1572], %swap3A_1575 {strides = array<i32>} : memref<400x128xf32, #tpu.memory_space<vmem>>, vector<1x16xf32>,
        %mul3A_1576 = vector.broadcast %squeeze3A_1515 : f32 to vector<16xf32>
        %mul3A_1577 = arith.mulf %mul3A_1576, %sub3A_49 : vector<16xf32>
        %add3A_1578 = arith.addf %get3A_20, %mul3A_1577 : vector<16xf32>
        %mul3A_1579 = arith.constant 16 : i32
        %mul3A_1580 = arith.muli %scan3A_132, %mul3A_1579 : i32
        %add3A_1581 = arith.constant 14 : i32
        %add3A_1582 = arith.addi %mul3A_1580, %add3A_1581 : i32
        %swap3A_1583 = arith.index_cast %add3A_1582 : i32 to index
        %swap3A_1584 = arith.constant 80 : index
        %swap3A_1585 = tpu.vector_load %arg6[%swap3A_1583, %swap3A_1584] {strides = array<i32>} : memref<400x128xf32, #tpu.memory_space<vmem>>, vector<1x16xf32>,
        %swap3A_1586 = vector.shape_cast %swap3A_1585 : vector<1x16xf32> to vector<16xf32>
        %swap3A_1587 = vector.shape_cast %add3A_1578 : vector<16xf32> to vector<1x16xf32>
        tpu.vector_store %arg6[%swap3A_1583, %swap3A_1584], %swap3A_1587 {strides = array<i32>} : memref<400x128xf32, #tpu.memory_space<vmem>>, vector<1x16xf32>,
        %mul3A_1588 = vector.broadcast %squeeze3A_1515 : f32 to vector<16xf32>
        %mul3A_1589 = arith.mulf %mul3A_1588, %sub3A_53 : vector<16xf32>
        %add3A_1590 = arith.addf %get3A_23, %mul3A_1589 : vector<16xf32>
        %mul3A_1591 = arith.constant 16 : i32
        %mul3A_1592 = arith.muli %scan3A_132, %mul3A_1591 : i32
        %add3A_1593 = arith.constant 14 : i32
        %add3A_1594 = arith.addi %mul3A_1592, %add3A_1593 : i32
        %swap3A_1595 = arith.index_cast %add3A_1594 : i32 to index
        %swap3A_1596 = arith.constant 96 : index
        %swap3A_1597 = tpu.vector_load %arg6[%swap3A_1595, %swap3A_1596] {strides = array<i32>} : memref<400x128xf32, #tpu.memory_space<vmem>>, vector<1x16xf32>,
        %swap3A_1598 = vector.shape_cast %swap3A_1597 : vector<1x16xf32> to vector<16xf32>
        %swap3A_1599 = vector.shape_cast %add3A_1590 : vector<16xf32> to vector<1x16xf32>
        tpu.vector_store %arg6[%swap3A_1595, %swap3A_1596], %swap3A_1599 {strides = array<i32>} : memref<400x128xf32, #tpu.memory_space<vmem>>, vector<1x16xf32>,
        %mul3A_1600 = vector.broadcast %squeeze3A_1515 : f32 to vector<16xf32>
        %mul3A_1601 = arith.mulf %mul3A_1600, %sub3A_57 : vector<16xf32>
        %add3A_1602 = arith.addf %get3A_26, %mul3A_1601 : vector<16xf32>
        %mul3A_1603 = arith.constant 16 : i32
        %mul3A_1604 = arith.muli %scan3A_132, %mul3A_1603 : i32
        %add3A_1605 = arith.constant 14 : i32
        %add3A_1606 = arith.addi %mul3A_1604, %add3A_1605 : i32
        %swap3A_1607 = arith.index_cast %add3A_1606 : i32 to index
        %swap3A_1608 = arith.constant 112 : index
        %swap3A_1609 = tpu.vector_load %arg6[%swap3A_1607, %swap3A_1608] {strides = array<i32>} : memref<400x128xf32, #tpu.memory_space<vmem>>, vector<1x16xf32>,
        %swap3A_1610 = vector.shape_cast %swap3A_1609 : vector<1x16xf32> to vector<16xf32>
        %swap3A_1611 = vector.shape_cast %add3A_1602 : vector<16xf32> to vector<1x16xf32>
        tpu.vector_store %arg6[%swap3A_1607, %swap3A_1608], %swap3A_1611 {strides = array<i32>} : memref<400x128xf32, #tpu.memory_space<vmem>>, vector<1x16xf32>,
        %slice3A_1612 = vector.extract_strided_slice %mul3A_144 {offsets = [15], sizes = [1], strides = [1]} : vector<16xf32> to vector<1xf32>
        %squeeze3A_1613 = vector.extract %slice3A_1612[0] : f32 from vector<1xf32>
        %mul3A_1614 = vector.broadcast %squeeze3A_1613 : f32 to vector<16xf32>
        %mul3A_1615 = arith.mulf %mul3A_1614, %sub3A : vector<16xf32>
        %add3A_1616 = arith.addf %get3A_5, %mul3A_1615 : vector<16xf32>
        %mul3A_1617 = arith.constant 16 : i32
        %mul3A_1618 = arith.muli %scan3A_132, %mul3A_1617 : i32
        %add3A_1619 = arith.constant 15 : i32
        %add3A_1620 = arith.addi %mul3A_1618, %add3A_1619 : i32
        %swap3A_1621 = arith.index_cast %add3A_1620 : i32 to index
        %swap3A_1622 = arith.constant 0 : index
        %swap3A_1623 = tpu.vector_load %arg6[%swap3A_1621, %swap3A_1622] {strides = array<i32>} : memref<400x128xf32, #tpu.memory_space<vmem>>, vector<1x16xf32>,
        %swap3A_1624 = vector.shape_cast %swap3A_1623 : vector<1x16xf32> to vector<16xf32>
        %swap3A_1625 = vector.shape_cast %add3A_1616 : vector<16xf32> to vector<1x16xf32>
        tpu.vector_store %arg6[%swap3A_1621, %swap3A_1622], %swap3A_1625 {strides = array<i32>} : memref<400x128xf32, #tpu.memory_space<vmem>>, vector<1x16xf32>,
        %mul3A_1626 = vector.broadcast %squeeze3A_1613 : f32 to vector<16xf32>
        %mul3A_1627 = arith.mulf %mul3A_1626, %sub3A_33 : vector<16xf32>
        %add3A_1628 = arith.addf %get3A_8, %mul3A_1627 : vector<16xf32>
        %mul3A_1629 = arith.constant 16 : i32
        %mul3A_1630 = arith.muli %scan3A_132, %mul3A_1629 : i32
        %add3A_1631 = arith.constant 15 : i32
        %add3A_1632 = arith.addi %mul3A_1630, %add3A_1631 : i32
        %swap3A_1633 = arith.index_cast %add3A_1632 : i32 to index
        %swap3A_1634 = arith.constant 16 : index
        %swap3A_1635 = tpu.vector_load %arg6[%swap3A_1633, %swap3A_1634] {strides = array<i32>} : memref<400x128xf32, #tpu.memory_space<vmem>>, vector<1x16xf32>,
        %swap3A_1636 = vector.shape_cast %swap3A_1635 : vector<1x16xf32> to vector<16xf32>
        %swap3A_1637 = vector.shape_cast %add3A_1628 : vector<16xf32> to vector<1x16xf32>
        tpu.vector_store %arg6[%swap3A_1633, %swap3A_1634], %swap3A_1637 {strides = array<i32>} : memref<400x128xf32, #tpu.memory_space<vmem>>, vector<1x16xf32>,
        %mul3A_1638 = vector.broadcast %squeeze3A_1613 : f32 to vector<16xf32>
        %mul3A_1639 = arith.mulf %mul3A_1638, %sub3A_37 : vector<16xf32>
        %add3A_1640 = arith.addf %get3A_11, %mul3A_1639 : vector<16xf32>
        %mul3A_1641 = arith.constant 16 : i32
        %mul3A_1642 = arith.muli %scan3A_132, %mul3A_1641 : i32
        %add3A_1643 = arith.constant 15 : i32
        %add3A_1644 = arith.addi %mul3A_1642, %add3A_1643 : i32
        %swap3A_1645 = arith.index_cast %add3A_1644 : i32 to index
        %swap3A_1646 = arith.constant 32 : index
        %swap3A_1647 = tpu.vector_load %arg6[%swap3A_1645, %swap3A_1646] {strides = array<i32>} : memref<400x128xf32, #tpu.memory_space<vmem>>, vector<1x16xf32>,
        %swap3A_1648 = vector.shape_cast %swap3A_1647 : vector<1x16xf32> to vector<16xf32>
        %swap3A_1649 = vector.shape_cast %add3A_1640 : vector<16xf32> to vector<1x16xf32>
        tpu.vector_store %arg6[%swap3A_1645, %swap3A_1646], %swap3A_1649 {strides = array<i32>} : memref<400x128xf32, #tpu.memory_space<vmem>>, vector<1x16xf32>,
        %mul3A_1650 = vector.broadcast %squeeze3A_1613 : f32 to vector<16xf32>
        %mul3A_1651 = arith.mulf %mul3A_1650, %sub3A_41 : vector<16xf32>
        %add3A_1652 = arith.addf %get3A_14, %mul3A_1651 : vector<16xf32>
        %mul3A_1653 = arith.constant 16 : i32
        %mul3A_1654 = arith.muli %scan3A_132, %mul3A_1653 : i32
        %add3A_1655 = arith.constant 15 : i32
        %add3A_1656 = arith.addi %mul3A_1654, %add3A_1655 : i32
        %swap3A_1657 = arith.index_cast %add3A_1656 : i32 to index
        %swap3A_1658 = arith.constant 48 : index
        %swap3A_1659 = tpu.vector_load %arg6[%swap3A_1657, %swap3A_1658] {strides = array<i32>} : memref<400x128xf32, #tpu.memory_space<vmem>>, vector<1x16xf32>,
        %swap3A_1660 = vector.shape_cast %swap3A_1659 : vector<1x16xf32> to vector<16xf32>
        %swap3A_1661 = vector.shape_cast %add3A_1652 : vector<16xf32> to vector<1x16xf32>
        tpu.vector_store %arg6[%swap3A_1657, %swap3A_1658], %swap3A_1661 {strides = array<i32>} : memref<400x128xf32, #tpu.memory_space<vmem>>, vector<1x16xf32>,
        %mul3A_1662 = vector.broadcast %squeeze3A_1613 : f32 to vector<16xf32>
        %mul3A_1663 = arith.mulf %mul3A_1662, %sub3A_45 : vector<16xf32>
        %add3A_1664 = arith.addf %get3A_17, %mul3A_1663 : vector<16xf32>
        %mul3A_1665 = arith.constant 16 : i32
        %mul3A_1666 = arith.muli %scan3A_132, %mul3A_1665 : i32
        %add3A_1667 = arith.constant 15 : i32
        %add3A_1668 = arith.addi %mul3A_1666, %add3A_1667 : i32
        %swap3A_1669 = arith.index_cast %add3A_1668 : i32 to index
        %swap3A_1670 = arith.constant 64 : index
        %swap3A_1671 = tpu.vector_load %arg6[%swap3A_1669, %swap3A_1670] {strides = array<i32>} : memref<400x128xf32, #tpu.memory_space<vmem>>, vector<1x16xf32>,
        %swap3A_1672 = vector.shape_cast %swap3A_1671 : vector<1x16xf32> to vector<16xf32>
        %swap3A_1673 = vector.shape_cast %add3A_1664 : vector<16xf32> to vector<1x16xf32>
        tpu.vector_store %arg6[%swap3A_1669, %swap3A_1670], %swap3A_1673 {strides = array<i32>} : memref<400x128xf32, #tpu.memory_space<vmem>>, vector<1x16xf32>,
        %mul3A_1674 = vector.broadcast %squeeze3A_1613 : f32 to vector<16xf32>
        %mul3A_1675 = arith.mulf %mul3A_1674, %sub3A_49 : vector<16xf32>
        %add3A_1676 = arith.addf %get3A_20, %mul3A_1675 : vector<16xf32>
        %mul3A_1677 = arith.constant 16 : i32
        %mul3A_1678 = arith.muli %scan3A_132, %mul3A_1677 : i32
        %add3A_1679 = arith.constant 15 : i32
        %add3A_1680 = arith.addi %mul3A_1678, %add3A_1679 : i32
        %swap3A_1681 = arith.index_cast %add3A_1680 : i32 to index
        %swap3A_1682 = arith.constant 80 : index
        %swap3A_1683 = tpu.vector_load %arg6[%swap3A_1681, %swap3A_1682] {strides = array<i32>} : memref<400x128xf32, #tpu.memory_space<vmem>>, vector<1x16xf32>,
        %swap3A_1684 = vector.shape_cast %swap3A_1683 : vector<1x16xf32> to vector<16xf32>
        %swap3A_1685 = vector.shape_cast %add3A_1676 : vector<16xf32> to vector<1x16xf32>
        tpu.vector_store %arg6[%swap3A_1681, %swap3A_1682], %swap3A_1685 {strides = array<i32>} : memref<400x128xf32, #tpu.memory_space<vmem>>, vector<1x16xf32>,
        %mul3A_1686 = vector.broadcast %squeeze3A_1613 : f32 to vector<16xf32>
        %mul3A_1687 = arith.mulf %mul3A_1686, %sub3A_53 : vector<16xf32>
        %add3A_1688 = arith.addf %get3A_23, %mul3A_1687 : vector<16xf32>
        %mul3A_1689 = arith.constant 16 : i32
        %mul3A_1690 = arith.muli %scan3A_132, %mul3A_1689 : i32
        %add3A_1691 = arith.constant 15 : i32
        %add3A_1692 = arith.addi %mul3A_1690, %add3A_1691 : i32
        %swap3A_1693 = arith.index_cast %add3A_1692 : i32 to index
        %swap3A_1694 = arith.constant 96 : index
        %swap3A_1695 = tpu.vector_load %arg6[%swap3A_1693, %swap3A_1694] {strides = array<i32>} : memref<400x128xf32, #tpu.memory_space<vmem>>, vector<1x16xf32>,
        %swap3A_1696 = vector.shape_cast %swap3A_1695 : vector<1x16xf32> to vector<16xf32>
        %swap3A_1697 = vector.shape_cast %add3A_1688 : vector<16xf32> to vector<1x16xf32>
        tpu.vector_store %arg6[%swap3A_1693, %swap3A_1694], %swap3A_1697 {strides = array<i32>} : memref<400x128xf32, #tpu.memory_space<vmem>>, vector<1x16xf32>,
        %mul3A_1698 = vector.broadcast %squeeze3A_1613 : f32 to vector<16xf32>
        %mul3A_1699 = arith.mulf %mul3A_1698, %sub3A_57 : vector<16xf32>
        %add3A_1700 = arith.addf %get3A_26, %mul3A_1699 : vector<16xf32>
        %mul3A_1701 = arith.constant 16 : i32
        %mul3A_1702 = arith.muli %scan3A_132, %mul3A_1701 : i32
        %add3A_1703 = arith.constant 15 : i32
        %add3A_1704 = arith.addi %mul3A_1702, %add3A_1703 : i32
        %swap3A_1705 = arith.index_cast %add3A_1704 : i32 to index
        %swap3A_1706 = arith.constant 112 : index
        %swap3A_1707 = tpu.vector_load %arg6[%swap3A_1705, %swap3A_1706] {strides = array<i32>} : memref<400x128xf32, #tpu.memory_space<vmem>>, vector<1x16xf32>,
        %swap3A_1708 = vector.shape_cast %swap3A_1707 : vector<1x16xf32> to vector<16xf32>
        %swap3A_1709 = vector.shape_cast %add3A_1700 : vector<16xf32> to vector<1x16xf32>
        tpu.vector_store %arg6[%swap3A_1705, %swap3A_1706], %swap3A_1709 {strides = array<i32>} : memref<400x128xf32, #tpu.memory_space<vmem>>, vector<1x16xf32>,
      }
      %scan3A_96 = arith.constant 25 : i32
      %dma_start3A_97 = arith.constant 0 : i32
      %dma_start3A_98 = tpu.memref_slice %arg5[%add3A_80, %dma_start3A_97] : memref<204800x128xf32, #tpu.memory_space<hbm>> -> memref<400x128xf32, #tpu.memory_space<hbm>>
      %dma_start3A_99 = arith.constant 0 : i32
      %dma_start3A_100 = tpu.memref_slice %arg5[%add3A_80, %dma_start3A_99] : memref<204800x128xf32, #tpu.memory_space<hbm>> -> memref<400x128xf32, #tpu.memory_space<hbm>>
      tpu.enqueue_dma source(%arg6 : memref<400x128xf32, #tpu.memory_space<vmem>>) target(%dma_start3A_100 : memref<400x128xf32, #tpu.memory_space<hbm>>) target_semaphore(%arg12 : memref<!tpu.dma_semaphore, #tpu.memory_space<semaphore_mem>>)
      %mul3A_101 = arith.constant 2 : i32
      %mul3A_102 = arith.muli %mul3A_101, %scan3A_73 : i32
      %add3A_103 = arith.constant 1 : i32
      %add3A_104 = arith.addi %mul3A_102, %add3A_103 : i32
      %mul3A_105 = arith.constant 400 : i32
      %mul3A_106 = arith.muli %add3A_104, %mul3A_105 : i32
      %add3A_107 = arith.addi %mul3A_2, %mul3A_106 : i32
      %dma_wait3A_108 = tpu.memref_slice %arg2[%add3A_107] : memref<204800xf32, #tpu.memory_space<hbm>> -> memref<400xf32, #tpu.memory_space<hbm>>
      %dma_wait3A_109 = tpu.memref_slice %arg2[%add3A_107] : memref<204800xf32, #tpu.memory_space<hbm>> -> memref<400xf32, #tpu.memory_space<hbm>>
      tpu.wait_dma2 semaphore(%arg15 : memref<!tpu.dma_semaphore, #tpu.memory_space<semaphore_mem>>) src(%dma_wait3A_109 : memref<400xf32, #tpu.memory_space<hbm>>) dst(%arg9 : memref<400xf32, #tpu.memory_space<vmem>>)
      %add3A_110 = arith.constant 400 : i32
      %add3A_111 = arith.addi %add3A_107, %add3A_110 : i32
      %add3A_112 = arith.constant 6400 : i32
      %add3A_113 = arith.addi %mul3A_2, %add3A_112 : i32
      %lt3A_114 = arith.cmpi slt, %add3A_111, %add3A_113 : i32
      %convert_element_type3A_115 = arith.extui %lt3A_114 : i1 to i32
      %cond3A_116 = arith.constant 0 : i32
      %cond3A_117 = arith.cmpi ne, %convert_element_type3A_115, %cond3A_116 : i32
      scf.if %cond3A_117 {
        %dma_start3A_132 = tpu.memref_slice %arg2[%add3A_111] : memref<204800xf32, #tpu.memory_space<hbm>> -> memref<400xf32, #tpu.memory_space<hbm>>
        %dma_start3A_133 = tpu.memref_slice %arg2[%add3A_111] : memref<204800xf32, #tpu.memory_space<hbm>> -> memref<400xf32, #tpu.memory_space<hbm>>
        tpu.enqueue_dma source(%dma_start3A_133 : memref<400xf32, #tpu.memory_space<hbm>>) target(%arg8 : memref<400xf32, #tpu.memory_space<vmem>>) target_semaphore(%arg14 : memref<!tpu.dma_semaphore, #tpu.memory_space<semaphore_mem>>)
      } else {
      }
      %gt3A_118 = arith.constant 0 : i32
      %gt3A_119 = arith.cmpi sgt, %scan3A_73, %gt3A_118 : i32
      %convert_element_type3A_120 = arith.extui %gt3A_119 : i1 to i32
      %cond3A_121 = arith.constant 0 : i32
      %cond3A_122 = arith.cmpi ne, %convert_element_type3A_120, %cond3A_121 : i32
      scf.if %cond3A_122 {
        %sub3A_132 = arith.constant 800 : i32
        %sub3A_133 = arith.subi %add3A_107, %sub3A_132 : i32
        %dma_wait3A_134 = arith.constant 0 : i32
        %dma_wait3A_135 = tpu.memref_slice %arg5[%sub3A_133, %dma_wait3A_134] : memref<204800x128xf32, #tpu.memory_space<hbm>> -> memref<400x128xf32, #tpu.memory_space<hbm>>
        %dma_wait3A_136 = arith.constant 0 : i32
        %dma_wait3A_137 = tpu.memref_slice %arg5[%sub3A_133, %dma_wait3A_136] : memref<204800x128xf32, #tpu.memory_space<hbm>> -> memref<400x128xf32, #tpu.memory_space<hbm>>
        tpu.wait_dma2 semaphore(%arg13 : memref<!tpu.dma_semaphore, #tpu.memory_space<semaphore_mem>>) src(%arg7 : memref<400x128xf32, #tpu.memory_space<vmem>>) dst(%dma_wait3A_137 : memref<400x128xf32, #tpu.memory_space<hbm>>)
      } else {
      }
      %scan3A_123 = arith.constant 0 : i32
      %scan3A_124 = arith.constant 25 : i32
      %scan3A_125 = arith.addi %scan3A_123, %scan3A_124 : i32
      %scan3A_126 = arith.constant 1 : i32
      scf.for %scan3A_132 = %scan3A_123 to %scan3A_125 step %scan3A_126  : i32 {
        %mul3A_133 = arith.constant 16 : i32
        %mul3A_134 = arith.muli %scan3A_132, %mul3A_133 : i32
        %get3A_135 = arith.index_cast %mul3A_134 : i32 to index
        %get3A_136 = tpu.vector_load %arg9[%get3A_135] {strides = array<i32>} : memref<400xf32, #tpu.memory_space<vmem>>, vector<16xf32>,
        %get3A_137 = vector.shape_cast %get3A_136 : vector<16xf32> to vector<16xf32>
        %max3A = arith.constant 0.000000e+00 : f32
        %max3A_138 = vector.broadcast %max3A : f32 to vector<16xf32>
        %max3A_139 = arith.maximumf %get3A_137, %max3A_138 : vector<16xf32>
        %min3A = arith.constant 1.000000e+02 : f32
        %min3A_140 = vector.broadcast %min3A : f32 to vector<16xf32>
        %min3A_141 = arith.minimumf %max3A_139, %min3A_140 : vector<16xf32>
        %mul3A_142 = arith.constant 0.00999999977 : f32
        %mul3A_143 = vector.broadcast %mul3A_142 : f32 to vector<16xf32>
        %mul3A_144 = arith.mulf %min3A_141, %mul3A_143 : vector<16xf32>
        %slice3A = vector.extract_strided_slice %mul3A_144 {offsets = [0], sizes = [1], strides = [1]} : vector<16xf32> to vector<1xf32>
        %squeeze3A = vector.extract %slice3A[0] : f32 from vector<1xf32>
        %mul3A_145 = vector.broadcast %squeeze3A : f32 to vector<16xf32>
        %mul3A_146 = arith.mulf %mul3A_145, %sub3A : vector<16xf32>
        %add3A_147 = arith.addf %get3A_5, %mul3A_146 : vector<16xf32>
        %mul3A_148 = arith.constant 16 : i32
        %mul3A_149 = arith.muli %scan3A_132, %mul3A_148 : i32
        %add3A_150 = arith.constant 0 : i32
        %add3A_151 = arith.addi %mul3A_149, %add3A_150 : i32
        %swap3A = arith.index_cast %add3A_151 : i32 to index
        %swap3A_152 = arith.constant 0 : index
        %swap3A_153 = tpu.vector_load %arg7[%swap3A, %swap3A_152] {strides = array<i32>} : memref<400x128xf32, #tpu.memory_space<vmem>>, vector<1x16xf32>,
        %swap3A_154 = vector.shape_cast %swap3A_153 : vector<1x16xf32> to vector<16xf32>
        %swap3A_155 = vector.shape_cast %add3A_147 : vector<16xf32> to vector<1x16xf32>
        tpu.vector_store %arg7[%swap3A, %swap3A_152], %swap3A_155 {strides = array<i32>} : memref<400x128xf32, #tpu.memory_space<vmem>>, vector<1x16xf32>,
        %mul3A_156 = vector.broadcast %squeeze3A : f32 to vector<16xf32>
        %mul3A_157 = arith.mulf %mul3A_156, %sub3A_33 : vector<16xf32>
        %add3A_158 = arith.addf %get3A_8, %mul3A_157 : vector<16xf32>
        %mul3A_159 = arith.constant 16 : i32
        %mul3A_160 = arith.muli %scan3A_132, %mul3A_159 : i32
        %add3A_161 = arith.constant 0 : i32
        %add3A_162 = arith.addi %mul3A_160, %add3A_161 : i32
        %swap3A_163 = arith.index_cast %add3A_162 : i32 to index
        %swap3A_164 = arith.constant 16 : index
        %swap3A_165 = tpu.vector_load %arg7[%swap3A_163, %swap3A_164] {strides = array<i32>} : memref<400x128xf32, #tpu.memory_space<vmem>>, vector<1x16xf32>,
        %swap3A_166 = vector.shape_cast %swap3A_165 : vector<1x16xf32> to vector<16xf32>
        %swap3A_167 = vector.shape_cast %add3A_158 : vector<16xf32> to vector<1x16xf32>
        tpu.vector_store %arg7[%swap3A_163, %swap3A_164], %swap3A_167 {strides = array<i32>} : memref<400x128xf32, #tpu.memory_space<vmem>>, vector<1x16xf32>,
        %mul3A_168 = vector.broadcast %squeeze3A : f32 to vector<16xf32>
        %mul3A_169 = arith.mulf %mul3A_168, %sub3A_37 : vector<16xf32>
        %add3A_170 = arith.addf %get3A_11, %mul3A_169 : vector<16xf32>
        %mul3A_171 = arith.constant 16 : i32
        %mul3A_172 = arith.muli %scan3A_132, %mul3A_171 : i32
        %add3A_173 = arith.constant 0 : i32
        %add3A_174 = arith.addi %mul3A_172, %add3A_173 : i32
        %swap3A_175 = arith.index_cast %add3A_174 : i32 to index
        %swap3A_176 = arith.constant 32 : index
        %swap3A_177 = tpu.vector_load %arg7[%swap3A_175, %swap3A_176] {strides = array<i32>} : memref<400x128xf32, #tpu.memory_space<vmem>>, vector<1x16xf32>,
        %swap3A_178 = vector.shape_cast %swap3A_177 : vector<1x16xf32> to vector<16xf32>
        %swap3A_179 = vector.shape_cast %add3A_170 : vector<16xf32> to vector<1x16xf32>
        tpu.vector_store %arg7[%swap3A_175, %swap3A_176], %swap3A_179 {strides = array<i32>} : memref<400x128xf32, #tpu.memory_space<vmem>>, vector<1x16xf32>,
        %mul3A_180 = vector.broadcast %squeeze3A : f32 to vector<16xf32>
        %mul3A_181 = arith.mulf %mul3A_180, %sub3A_41 : vector<16xf32>
        %add3A_182 = arith.addf %get3A_14, %mul3A_181 : vector<16xf32>
        %mul3A_183 = arith.constant 16 : i32
        %mul3A_184 = arith.muli %scan3A_132, %mul3A_183 : i32
        %add3A_185 = arith.constant 0 : i32
        %add3A_186 = arith.addi %mul3A_184, %add3A_185 : i32
        %swap3A_187 = arith.index_cast %add3A_186 : i32 to index
        %swap3A_188 = arith.constant 48 : index
        %swap3A_189 = tpu.vector_load %arg7[%swap3A_187, %swap3A_188] {strides = array<i32>} : memref<400x128xf32, #tpu.memory_space<vmem>>, vector<1x16xf32>,
        %swap3A_190 = vector.shape_cast %swap3A_189 : vector<1x16xf32> to vector<16xf32>
        %swap3A_191 = vector.shape_cast %add3A_182 : vector<16xf32> to vector<1x16xf32>
        tpu.vector_store %arg7[%swap3A_187, %swap3A_188], %swap3A_191 {strides = array<i32>} : memref<400x128xf32, #tpu.memory_space<vmem>>, vector<1x16xf32>,
        %mul3A_192 = vector.broadcast %squeeze3A : f32 to vector<16xf32>
        %mul3A_193 = arith.mulf %mul3A_192, %sub3A_45 : vector<16xf32>
        %add3A_194 = arith.addf %get3A_17, %mul3A_193 : vector<16xf32>
        %mul3A_195 = arith.constant 16 : i32
        %mul3A_196 = arith.muli %scan3A_132, %mul3A_195 : i32
        %add3A_197 = arith.constant 0 : i32
        %add3A_198 = arith.addi %mul3A_196, %add3A_197 : i32
        %swap3A_199 = arith.index_cast %add3A_198 : i32 to index
        %swap3A_200 = arith.constant 64 : index
        %swap3A_201 = tpu.vector_load %arg7[%swap3A_199, %swap3A_200] {strides = array<i32>} : memref<400x128xf32, #tpu.memory_space<vmem>>, vector<1x16xf32>,
        %swap3A_202 = vector.shape_cast %swap3A_201 : vector<1x16xf32> to vector<16xf32>
        %swap3A_203 = vector.shape_cast %add3A_194 : vector<16xf32> to vector<1x16xf32>
        tpu.vector_store %arg7[%swap3A_199, %swap3A_200], %swap3A_203 {strides = array<i32>} : memref<400x128xf32, #tpu.memory_space<vmem>>, vector<1x16xf32>,
        %mul3A_204 = vector.broadcast %squeeze3A : f32 to vector<16xf32>
        %mul3A_205 = arith.mulf %mul3A_204, %sub3A_49 : vector<16xf32>
        %add3A_206 = arith.addf %get3A_20, %mul3A_205 : vector<16xf32>
        %mul3A_207 = arith.constant 16 : i32
        %mul3A_208 = arith.muli %scan3A_132, %mul3A_207 : i32
        %add3A_209 = arith.constant 0 : i32
        %add3A_210 = arith.addi %mul3A_208, %add3A_209 : i32
        %swap3A_211 = arith.index_cast %add3A_210 : i32 to index
        %swap3A_212 = arith.constant 80 : index
        %swap3A_213 = tpu.vector_load %arg7[%swap3A_211, %swap3A_212] {strides = array<i32>} : memref<400x128xf32, #tpu.memory_space<vmem>>, vector<1x16xf32>,
        %swap3A_214 = vector.shape_cast %swap3A_213 : vector<1x16xf32> to vector<16xf32>
        %swap3A_215 = vector.shape_cast %add3A_206 : vector<16xf32> to vector<1x16xf32>
        tpu.vector_store %arg7[%swap3A_211, %swap3A_212], %swap3A_215 {strides = array<i32>} : memref<400x128xf32, #tpu.memory_space<vmem>>, vector<1x16xf32>,
        %mul3A_216 = vector.broadcast %squeeze3A : f32 to vector<16xf32>
        %mul3A_217 = arith.mulf %mul3A_216, %sub3A_53 : vector<16xf32>
        %add3A_218 = arith.addf %get3A_23, %mul3A_217 : vector<16xf32>
        %mul3A_219 = arith.constant 16 : i32
        %mul3A_220 = arith.muli %scan3A_132, %mul3A_219 : i32
        %add3A_221 = arith.constant 0 : i32
        %add3A_222 = arith.addi %mul3A_220, %add3A_221 : i32
        %swap3A_223 = arith.index_cast %add3A_222 : i32 to index
        %swap3A_224 = arith.constant 96 : index
        %swap3A_225 = tpu.vector_load %arg7[%swap3A_223, %swap3A_224] {strides = array<i32>} : memref<400x128xf32, #tpu.memory_space<vmem>>, vector<1x16xf32>,
        %swap3A_226 = vector.shape_cast %swap3A_225 : vector<1x16xf32> to vector<16xf32>
        %swap3A_227 = vector.shape_cast %add3A_218 : vector<16xf32> to vector<1x16xf32>
        tpu.vector_store %arg7[%swap3A_223, %swap3A_224], %swap3A_227 {strides = array<i32>} : memref<400x128xf32, #tpu.memory_space<vmem>>, vector<1x16xf32>,
        %mul3A_228 = vector.broadcast %squeeze3A : f32 to vector<16xf32>
        %mul3A_229 = arith.mulf %mul3A_228, %sub3A_57 : vector<16xf32>
        %add3A_230 = arith.addf %get3A_26, %mul3A_229 : vector<16xf32>
        %mul3A_231 = arith.constant 16 : i32
        %mul3A_232 = arith.muli %scan3A_132, %mul3A_231 : i32
        %add3A_233 = arith.constant 0 : i32
        %add3A_234 = arith.addi %mul3A_232, %add3A_233 : i32
        %swap3A_235 = arith.index_cast %add3A_234 : i32 to index
        %swap3A_236 = arith.constant 112 : index
        %swap3A_237 = tpu.vector_load %arg7[%swap3A_235, %swap3A_236] {strides = array<i32>} : memref<400x128xf32, #tpu.memory_space<vmem>>, vector<1x16xf32>,
        %swap3A_238 = vector.shape_cast %swap3A_237 : vector<1x16xf32> to vector<16xf32>
        %swap3A_239 = vector.shape_cast %add3A_230 : vector<16xf32> to vector<1x16xf32>
        tpu.vector_store %arg7[%swap3A_235, %swap3A_236], %swap3A_239 {strides = array<i32>} : memref<400x128xf32, #tpu.memory_space<vmem>>, vector<1x16xf32>,
        %slice3A_240 = vector.extract_strided_slice %mul3A_144 {offsets = [1], sizes = [1], strides = [1]} : vector<16xf32> to vector<1xf32>
        %squeeze3A_241 = vector.extract %slice3A_240[0] : f32 from vector<1xf32>
        %mul3A_242 = vector.broadcast %squeeze3A_241 : f32 to vector<16xf32>
        %mul3A_243 = arith.mulf %mul3A_242, %sub3A : vector<16xf32>
        %add3A_244 = arith.addf %get3A_5, %mul3A_243 : vector<16xf32>
        %mul3A_245 = arith.constant 16 : i32
        %mul3A_246 = arith.muli %scan3A_132, %mul3A_245 : i32
        %add3A_247 = arith.constant 1 : i32
        %add3A_248 = arith.addi %mul3A_246, %add3A_247 : i32
        %swap3A_249 = arith.index_cast %add3A_248 : i32 to index
        %swap3A_250 = arith.constant 0 : index
        %swap3A_251 = tpu.vector_load %arg7[%swap3A_249, %swap3A_250] {strides = array<i32>} : memref<400x128xf32, #tpu.memory_space<vmem>>, vector<1x16xf32>,
        %swap3A_252 = vector.shape_cast %swap3A_251 : vector<1x16xf32> to vector<16xf32>
        %swap3A_253 = vector.shape_cast %add3A_244 : vector<16xf32> to vector<1x16xf32>
        tpu.vector_store %arg7[%swap3A_249, %swap3A_250], %swap3A_253 {strides = array<i32>} : memref<400x128xf32, #tpu.memory_space<vmem>>, vector<1x16xf32>,
        %mul3A_254 = vector.broadcast %squeeze3A_241 : f32 to vector<16xf32>
        %mul3A_255 = arith.mulf %mul3A_254, %sub3A_33 : vector<16xf32>
        %add3A_256 = arith.addf %get3A_8, %mul3A_255 : vector<16xf32>
        %mul3A_257 = arith.constant 16 : i32
        %mul3A_258 = arith.muli %scan3A_132, %mul3A_257 : i32
        %add3A_259 = arith.constant 1 : i32
        %add3A_260 = arith.addi %mul3A_258, %add3A_259 : i32
        %swap3A_261 = arith.index_cast %add3A_260 : i32 to index
        %swap3A_262 = arith.constant 16 : index
        %swap3A_263 = tpu.vector_load %arg7[%swap3A_261, %swap3A_262] {strides = array<i32>} : memref<400x128xf32, #tpu.memory_space<vmem>>, vector<1x16xf32>,
        %swap3A_264 = vector.shape_cast %swap3A_263 : vector<1x16xf32> to vector<16xf32>
        %swap3A_265 = vector.shape_cast %add3A_256 : vector<16xf32> to vector<1x16xf32>
        tpu.vector_store %arg7[%swap3A_261, %swap3A_262], %swap3A_265 {strides = array<i32>} : memref<400x128xf32, #tpu.memory_space<vmem>>, vector<1x16xf32>,
        %mul3A_266 = vector.broadcast %squeeze3A_241 : f32 to vector<16xf32>
        %mul3A_267 = arith.mulf %mul3A_266, %sub3A_37 : vector<16xf32>
        %add3A_268 = arith.addf %get3A_11, %mul3A_267 : vector<16xf32>
        %mul3A_269 = arith.constant 16 : i32
        %mul3A_270 = arith.muli %scan3A_132, %mul3A_269 : i32
        %add3A_271 = arith.constant 1 : i32
        %add3A_272 = arith.addi %mul3A_270, %add3A_271 : i32
        %swap3A_273 = arith.index_cast %add3A_272 : i32 to index
        %swap3A_274 = arith.constant 32 : index
        %swap3A_275 = tpu.vector_load %arg7[%swap3A_273, %swap3A_274] {strides = array<i32>} : memref<400x128xf32, #tpu.memory_space<vmem>>, vector<1x16xf32>,
        %swap3A_276 = vector.shape_cast %swap3A_275 : vector<1x16xf32> to vector<16xf32>
        %swap3A_277 = vector.shape_cast %add3A_268 : vector<16xf32> to vector<1x16xf32>
        tpu.vector_store %arg7[%swap3A_273, %swap3A_274], %swap3A_277 {strides = array<i32>} : memref<400x128xf32, #tpu.memory_space<vmem>>, vector<1x16xf32>,
        %mul3A_278 = vector.broadcast %squeeze3A_241 : f32 to vector<16xf32>
        %mul3A_279 = arith.mulf %mul3A_278, %sub3A_41 : vector<16xf32>
        %add3A_280 = arith.addf %get3A_14, %mul3A_279 : vector<16xf32>
        %mul3A_281 = arith.constant 16 : i32
        %mul3A_282 = arith.muli %scan3A_132, %mul3A_281 : i32
        %add3A_283 = arith.constant 1 : i32
        %add3A_284 = arith.addi %mul3A_282, %add3A_283 : i32
        %swap3A_285 = arith.index_cast %add3A_284 : i32 to index
        %swap3A_286 = arith.constant 48 : index
        %swap3A_287 = tpu.vector_load %arg7[%swap3A_285, %swap3A_286] {strides = array<i32>} : memref<400x128xf32, #tpu.memory_space<vmem>>, vector<1x16xf32>,
        %swap3A_288 = vector.shape_cast %swap3A_287 : vector<1x16xf32> to vector<16xf32>
        %swap3A_289 = vector.shape_cast %add3A_280 : vector<16xf32> to vector<1x16xf32>
        tpu.vector_store %arg7[%swap3A_285, %swap3A_286], %swap3A_289 {strides = array<i32>} : memref<400x128xf32, #tpu.memory_space<vmem>>, vector<1x16xf32>,
        %mul3A_290 = vector.broadcast %squeeze3A_241 : f32 to vector<16xf32>
        %mul3A_291 = arith.mulf %mul3A_290, %sub3A_45 : vector<16xf32>
        %add3A_292 = arith.addf %get3A_17, %mul3A_291 : vector<16xf32>
        %mul3A_293 = arith.constant 16 : i32
        %mul3A_294 = arith.muli %scan3A_132, %mul3A_293 : i32
        %add3A_295 = arith.constant 1 : i32
        %add3A_296 = arith.addi %mul3A_294, %add3A_295 : i32
        %swap3A_297 = arith.index_cast %add3A_296 : i32 to index
        %swap3A_298 = arith.constant 64 : index
        %swap3A_299 = tpu.vector_load %arg7[%swap3A_297, %swap3A_298] {strides = array<i32>} : memref<400x128xf32, #tpu.memory_space<vmem>>, vector<1x16xf32>,
        %swap3A_300 = vector.shape_cast %swap3A_299 : vector<1x16xf32> to vector<16xf32>
        %swap3A_301 = vector.shape_cast %add3A_292 : vector<16xf32> to vector<1x16xf32>
        tpu.vector_store %arg7[%swap3A_297, %swap3A_298], %swap3A_301 {strides = array<i32>} : memref<400x128xf32, #tpu.memory_space<vmem>>, vector<1x16xf32>,
        %mul3A_302 = vector.broadcast %squeeze3A_241 : f32 to vector<16xf32>
        %mul3A_303 = arith.mulf %mul3A_302, %sub3A_49 : vector<16xf32>
        %add3A_304 = arith.addf %get3A_20, %mul3A_303 : vector<16xf32>
        %mul3A_305 = arith.constant 16 : i32
        %mul3A_306 = arith.muli %scan3A_132, %mul3A_305 : i32
        %add3A_307 = arith.constant 1 : i32
        %add3A_308 = arith.addi %mul3A_306, %add3A_307 : i32
        %swap3A_309 = arith.index_cast %add3A_308 : i32 to index
        %swap3A_310 = arith.constant 80 : index
        %swap3A_311 = tpu.vector_load %arg7[%swap3A_309, %swap3A_310] {strides = array<i32>} : memref<400x128xf32, #tpu.memory_space<vmem>>, vector<1x16xf32>,
        %swap3A_312 = vector.shape_cast %swap3A_311 : vector<1x16xf32> to vector<16xf32>
        %swap3A_313 = vector.shape_cast %add3A_304 : vector<16xf32> to vector<1x16xf32>
        tpu.vector_store %arg7[%swap3A_309, %swap3A_310], %swap3A_313 {strides = array<i32>} : memref<400x128xf32, #tpu.memory_space<vmem>>, vector<1x16xf32>,
        %mul3A_314 = vector.broadcast %squeeze3A_241 : f32 to vector<16xf32>
        %mul3A_315 = arith.mulf %mul3A_314, %sub3A_53 : vector<16xf32>
        %add3A_316 = arith.addf %get3A_23, %mul3A_315 : vector<16xf32>
        %mul3A_317 = arith.constant 16 : i32
        %mul3A_318 = arith.muli %scan3A_132, %mul3A_317 : i32
        %add3A_319 = arith.constant 1 : i32
        %add3A_320 = arith.addi %mul3A_318, %add3A_319 : i32
        %swap3A_321 = arith.index_cast %add3A_320 : i32 to index
        %swap3A_322 = arith.constant 96 : index
        %swap3A_323 = tpu.vector_load %arg7[%swap3A_321, %swap3A_322] {strides = array<i32>} : memref<400x128xf32, #tpu.memory_space<vmem>>, vector<1x16xf32>,
        %swap3A_324 = vector.shape_cast %swap3A_323 : vector<1x16xf32> to vector<16xf32>
        %swap3A_325 = vector.shape_cast %add3A_316 : vector<16xf32> to vector<1x16xf32>
        tpu.vector_store %arg7[%swap3A_321, %swap3A_322], %swap3A_325 {strides = array<i32>} : memref<400x128xf32, #tpu.memory_space<vmem>>, vector<1x16xf32>,
        %mul3A_326 = vector.broadcast %squeeze3A_241 : f32 to vector<16xf32>
        %mul3A_327 = arith.mulf %mul3A_326, %sub3A_57 : vector<16xf32>
        %add3A_328 = arith.addf %get3A_26, %mul3A_327 : vector<16xf32>
        %mul3A_329 = arith.constant 16 : i32
        %mul3A_330 = arith.muli %scan3A_132, %mul3A_329 : i32
        %add3A_331 = arith.constant 1 : i32
        %add3A_332 = arith.addi %mul3A_330, %add3A_331 : i32
        %swap3A_333 = arith.index_cast %add3A_332 : i32 to index
        %swap3A_334 = arith.constant 112 : index
        %swap3A_335 = tpu.vector_load %arg7[%swap3A_333, %swap3A_334] {strides = array<i32>} : memref<400x128xf32, #tpu.memory_space<vmem>>, vector<1x16xf32>,
        %swap3A_336 = vector.shape_cast %swap3A_335 : vector<1x16xf32> to vector<16xf32>
        %swap3A_337 = vector.shape_cast %add3A_328 : vector<16xf32> to vector<1x16xf32>
        tpu.vector_store %arg7[%swap3A_333, %swap3A_334], %swap3A_337 {strides = array<i32>} : memref<400x128xf32, #tpu.memory_space<vmem>>, vector<1x16xf32>,
        %slice3A_338 = vector.extract_strided_slice %mul3A_144 {offsets = [2], sizes = [1], strides = [1]} : vector<16xf32> to vector<1xf32>
        %squeeze3A_339 = vector.extract %slice3A_338[0] : f32 from vector<1xf32>
        %mul3A_340 = vector.broadcast %squeeze3A_339 : f32 to vector<16xf32>
        %mul3A_341 = arith.mulf %mul3A_340, %sub3A : vector<16xf32>
        %add3A_342 = arith.addf %get3A_5, %mul3A_341 : vector<16xf32>
        %mul3A_343 = arith.constant 16 : i32
        %mul3A_344 = arith.muli %scan3A_132, %mul3A_343 : i32
        %add3A_345 = arith.constant 2 : i32
        %add3A_346 = arith.addi %mul3A_344, %add3A_345 : i32
        %swap3A_347 = arith.index_cast %add3A_346 : i32 to index
        %swap3A_348 = arith.constant 0 : index
        %swap3A_349 = tpu.vector_load %arg7[%swap3A_347, %swap3A_348] {strides = array<i32>} : memref<400x128xf32, #tpu.memory_space<vmem>>, vector<1x16xf32>,
        %swap3A_350 = vector.shape_cast %swap3A_349 : vector<1x16xf32> to vector<16xf32>
        %swap3A_351 = vector.shape_cast %add3A_342 : vector<16xf32> to vector<1x16xf32>
        tpu.vector_store %arg7[%swap3A_347, %swap3A_348], %swap3A_351 {strides = array<i32>} : memref<400x128xf32, #tpu.memory_space<vmem>>, vector<1x16xf32>,
        %mul3A_352 = vector.broadcast %squeeze3A_339 : f32 to vector<16xf32>
        %mul3A_353 = arith.mulf %mul3A_352, %sub3A_33 : vector<16xf32>
        %add3A_354 = arith.addf %get3A_8, %mul3A_353 : vector<16xf32>
        %mul3A_355 = arith.constant 16 : i32
        %mul3A_356 = arith.muli %scan3A_132, %mul3A_355 : i32
        %add3A_357 = arith.constant 2 : i32
        %add3A_358 = arith.addi %mul3A_356, %add3A_357 : i32
        %swap3A_359 = arith.index_cast %add3A_358 : i32 to index
        %swap3A_360 = arith.constant 16 : index
        %swap3A_361 = tpu.vector_load %arg7[%swap3A_359, %swap3A_360] {strides = array<i32>} : memref<400x128xf32, #tpu.memory_space<vmem>>, vector<1x16xf32>,
        %swap3A_362 = vector.shape_cast %swap3A_361 : vector<1x16xf32> to vector<16xf32>
        %swap3A_363 = vector.shape_cast %add3A_354 : vector<16xf32> to vector<1x16xf32>
        tpu.vector_store %arg7[%swap3A_359, %swap3A_360], %swap3A_363 {strides = array<i32>} : memref<400x128xf32, #tpu.memory_space<vmem>>, vector<1x16xf32>,
        %mul3A_364 = vector.broadcast %squeeze3A_339 : f32 to vector<16xf32>
        %mul3A_365 = arith.mulf %mul3A_364, %sub3A_37 : vector<16xf32>
        %add3A_366 = arith.addf %get3A_11, %mul3A_365 : vector<16xf32>
        %mul3A_367 = arith.constant 16 : i32
        %mul3A_368 = arith.muli %scan3A_132, %mul3A_367 : i32
        %add3A_369 = arith.constant 2 : i32
        %add3A_370 = arith.addi %mul3A_368, %add3A_369 : i32
        %swap3A_371 = arith.index_cast %add3A_370 : i32 to index
        %swap3A_372 = arith.constant 32 : index
        %swap3A_373 = tpu.vector_load %arg7[%swap3A_371, %swap3A_372] {strides = array<i32>} : memref<400x128xf32, #tpu.memory_space<vmem>>, vector<1x16xf32>,
        %swap3A_374 = vector.shape_cast %swap3A_373 : vector<1x16xf32> to vector<16xf32>
        %swap3A_375 = vector.shape_cast %add3A_366 : vector<16xf32> to vector<1x16xf32>
        tpu.vector_store %arg7[%swap3A_371, %swap3A_372], %swap3A_375 {strides = array<i32>} : memref<400x128xf32, #tpu.memory_space<vmem>>, vector<1x16xf32>,
        %mul3A_376 = vector.broadcast %squeeze3A_339 : f32 to vector<16xf32>
        %mul3A_377 = arith.mulf %mul3A_376, %sub3A_41 : vector<16xf32>
        %add3A_378 = arith.addf %get3A_14, %mul3A_377 : vector<16xf32>
        %mul3A_379 = arith.constant 16 : i32
        %mul3A_380 = arith.muli %scan3A_132, %mul3A_379 : i32
        %add3A_381 = arith.constant 2 : i32
        %add3A_382 = arith.addi %mul3A_380, %add3A_381 : i32
        %swap3A_383 = arith.index_cast %add3A_382 : i32 to index
        %swap3A_384 = arith.constant 48 : index
        %swap3A_385 = tpu.vector_load %arg7[%swap3A_383, %swap3A_384] {strides = array<i32>} : memref<400x128xf32, #tpu.memory_space<vmem>>, vector<1x16xf32>,
        %swap3A_386 = vector.shape_cast %swap3A_385 : vector<1x16xf32> to vector<16xf32>
        %swap3A_387 = vector.shape_cast %add3A_378 : vector<16xf32> to vector<1x16xf32>
        tpu.vector_store %arg7[%swap3A_383, %swap3A_384], %swap3A_387 {strides = array<i32>} : memref<400x128xf32, #tpu.memory_space<vmem>>, vector<1x16xf32>,
        %mul3A_388 = vector.broadcast %squeeze3A_339 : f32 to vector<16xf32>
        %mul3A_389 = arith.mulf %mul3A_388, %sub3A_45 : vector<16xf32>
        %add3A_390 = arith.addf %get3A_17, %mul3A_389 : vector<16xf32>
        %mul3A_391 = arith.constant 16 : i32
        %mul3A_392 = arith.muli %scan3A_132, %mul3A_391 : i32
        %add3A_393 = arith.constant 2 : i32
        %add3A_394 = arith.addi %mul3A_392, %add3A_393 : i32
        %swap3A_395 = arith.index_cast %add3A_394 : i32 to index
        %swap3A_396 = arith.constant 64 : index
        %swap3A_397 = tpu.vector_load %arg7[%swap3A_395, %swap3A_396] {strides = array<i32>} : memref<400x128xf32, #tpu.memory_space<vmem>>, vector<1x16xf32>,
        %swap3A_398 = vector.shape_cast %swap3A_397 : vector<1x16xf32> to vector<16xf32>
        %swap3A_399 = vector.shape_cast %add3A_390 : vector<16xf32> to vector<1x16xf32>
        tpu.vector_store %arg7[%swap3A_395, %swap3A_396], %swap3A_399 {strides = array<i32>} : memref<400x128xf32, #tpu.memory_space<vmem>>, vector<1x16xf32>,
        %mul3A_400 = vector.broadcast %squeeze3A_339 : f32 to vector<16xf32>
        %mul3A_401 = arith.mulf %mul3A_400, %sub3A_49 : vector<16xf32>
        %add3A_402 = arith.addf %get3A_20, %mul3A_401 : vector<16xf32>
        %mul3A_403 = arith.constant 16 : i32
        %mul3A_404 = arith.muli %scan3A_132, %mul3A_403 : i32
        %add3A_405 = arith.constant 2 : i32
        %add3A_406 = arith.addi %mul3A_404, %add3A_405 : i32
        %swap3A_407 = arith.index_cast %add3A_406 : i32 to index
        %swap3A_408 = arith.constant 80 : index
        %swap3A_409 = tpu.vector_load %arg7[%swap3A_407, %swap3A_408] {strides = array<i32>} : memref<400x128xf32, #tpu.memory_space<vmem>>, vector<1x16xf32>,
        %swap3A_410 = vector.shape_cast %swap3A_409 : vector<1x16xf32> to vector<16xf32>
        %swap3A_411 = vector.shape_cast %add3A_402 : vector<16xf32> to vector<1x16xf32>
        tpu.vector_store %arg7[%swap3A_407, %swap3A_408], %swap3A_411 {strides = array<i32>} : memref<400x128xf32, #tpu.memory_space<vmem>>, vector<1x16xf32>,
        %mul3A_412 = vector.broadcast %squeeze3A_339 : f32 to vector<16xf32>
        %mul3A_413 = arith.mulf %mul3A_412, %sub3A_53 : vector<16xf32>
        %add3A_414 = arith.addf %get3A_23, %mul3A_413 : vector<16xf32>
        %mul3A_415 = arith.constant 16 : i32
        %mul3A_416 = arith.muli %scan3A_132, %mul3A_415 : i32
        %add3A_417 = arith.constant 2 : i32
        %add3A_418 = arith.addi %mul3A_416, %add3A_417 : i32
        %swap3A_419 = arith.index_cast %add3A_418 : i32 to index
        %swap3A_420 = arith.constant 96 : index
        %swap3A_421 = tpu.vector_load %arg7[%swap3A_419, %swap3A_420] {strides = array<i32>} : memref<400x128xf32, #tpu.memory_space<vmem>>, vector<1x16xf32>,
        %swap3A_422 = vector.shape_cast %swap3A_421 : vector<1x16xf32> to vector<16xf32>
        %swap3A_423 = vector.shape_cast %add3A_414 : vector<16xf32> to vector<1x16xf32>
        tpu.vector_store %arg7[%swap3A_419, %swap3A_420], %swap3A_423 {strides = array<i32>} : memref<400x128xf32, #tpu.memory_space<vmem>>, vector<1x16xf32>,
        %mul3A_424 = vector.broadcast %squeeze3A_339 : f32 to vector<16xf32>
        %mul3A_425 = arith.mulf %mul3A_424, %sub3A_57 : vector<16xf32>
        %add3A_426 = arith.addf %get3A_26, %mul3A_425 : vector<16xf32>
        %mul3A_427 = arith.constant 16 : i32
        %mul3A_428 = arith.muli %scan3A_132, %mul3A_427 : i32
        %add3A_429 = arith.constant 2 : i32
        %add3A_430 = arith.addi %mul3A_428, %add3A_429 : i32
        %swap3A_431 = arith.index_cast %add3A_430 : i32 to index
        %swap3A_432 = arith.constant 112 : index
        %swap3A_433 = tpu.vector_load %arg7[%swap3A_431, %swap3A_432] {strides = array<i32>} : memref<400x128xf32, #tpu.memory_space<vmem>>, vector<1x16xf32>,
        %swap3A_434 = vector.shape_cast %swap3A_433 : vector<1x16xf32> to vector<16xf32>
        %swap3A_435 = vector.shape_cast %add3A_426 : vector<16xf32> to vector<1x16xf32>
        tpu.vector_store %arg7[%swap3A_431, %swap3A_432], %swap3A_435 {strides = array<i32>} : memref<400x128xf32, #tpu.memory_space<vmem>>, vector<1x16xf32>,
        %slice3A_436 = vector.extract_strided_slice %mul3A_144 {offsets = [3], sizes = [1], strides = [1]} : vector<16xf32> to vector<1xf32>
        %squeeze3A_437 = vector.extract %slice3A_436[0] : f32 from vector<1xf32>
        %mul3A_438 = vector.broadcast %squeeze3A_437 : f32 to vector<16xf32>
        %mul3A_439 = arith.mulf %mul3A_438, %sub3A : vector<16xf32>
        %add3A_440 = arith.addf %get3A_5, %mul3A_439 : vector<16xf32>
        %mul3A_441 = arith.constant 16 : i32
        %mul3A_442 = arith.muli %scan3A_132, %mul3A_441 : i32
        %add3A_443 = arith.constant 3 : i32
        %add3A_444 = arith.addi %mul3A_442, %add3A_443 : i32
        %swap3A_445 = arith.index_cast %add3A_444 : i32 to index
        %swap3A_446 = arith.constant 0 : index
        %swap3A_447 = tpu.vector_load %arg7[%swap3A_445, %swap3A_446] {strides = array<i32>} : memref<400x128xf32, #tpu.memory_space<vmem>>, vector<1x16xf32>,
        %swap3A_448 = vector.shape_cast %swap3A_447 : vector<1x16xf32> to vector<16xf32>
        %swap3A_449 = vector.shape_cast %add3A_440 : vector<16xf32> to vector<1x16xf32>
        tpu.vector_store %arg7[%swap3A_445, %swap3A_446], %swap3A_449 {strides = array<i32>} : memref<400x128xf32, #tpu.memory_space<vmem>>, vector<1x16xf32>,
        %mul3A_450 = vector.broadcast %squeeze3A_437 : f32 to vector<16xf32>
        %mul3A_451 = arith.mulf %mul3A_450, %sub3A_33 : vector<16xf32>
        %add3A_452 = arith.addf %get3A_8, %mul3A_451 : vector<16xf32>
        %mul3A_453 = arith.constant 16 : i32
        %mul3A_454 = arith.muli %scan3A_132, %mul3A_453 : i32
        %add3A_455 = arith.constant 3 : i32
        %add3A_456 = arith.addi %mul3A_454, %add3A_455 : i32
        %swap3A_457 = arith.index_cast %add3A_456 : i32 to index
        %swap3A_458 = arith.constant 16 : index
        %swap3A_459 = tpu.vector_load %arg7[%swap3A_457, %swap3A_458] {strides = array<i32>} : memref<400x128xf32, #tpu.memory_space<vmem>>, vector<1x16xf32>,
        %swap3A_460 = vector.shape_cast %swap3A_459 : vector<1x16xf32> to vector<16xf32>
        %swap3A_461 = vector.shape_cast %add3A_452 : vector<16xf32> to vector<1x16xf32>
        tpu.vector_store %arg7[%swap3A_457, %swap3A_458], %swap3A_461 {strides = array<i32>} : memref<400x128xf32, #tpu.memory_space<vmem>>, vector<1x16xf32>,
        %mul3A_462 = vector.broadcast %squeeze3A_437 : f32 to vector<16xf32>
        %mul3A_463 = arith.mulf %mul3A_462, %sub3A_37 : vector<16xf32>
        %add3A_464 = arith.addf %get3A_11, %mul3A_463 : vector<16xf32>
        %mul3A_465 = arith.constant 16 : i32
        %mul3A_466 = arith.muli %scan3A_132, %mul3A_465 : i32
        %add3A_467 = arith.constant 3 : i32
        %add3A_468 = arith.addi %mul3A_466, %add3A_467 : i32
        %swap3A_469 = arith.index_cast %add3A_468 : i32 to index
        %swap3A_470 = arith.constant 32 : index
        %swap3A_471 = tpu.vector_load %arg7[%swap3A_469, %swap3A_470] {strides = array<i32>} : memref<400x128xf32, #tpu.memory_space<vmem>>, vector<1x16xf32>,
        %swap3A_472 = vector.shape_cast %swap3A_471 : vector<1x16xf32> to vector<16xf32>
        %swap3A_473 = vector.shape_cast %add3A_464 : vector<16xf32> to vector<1x16xf32>
        tpu.vector_store %arg7[%swap3A_469, %swap3A_470], %swap3A_473 {strides = array<i32>} : memref<400x128xf32, #tpu.memory_space<vmem>>, vector<1x16xf32>,
        %mul3A_474 = vector.broadcast %squeeze3A_437 : f32 to vector<16xf32>
        %mul3A_475 = arith.mulf %mul3A_474, %sub3A_41 : vector<16xf32>
        %add3A_476 = arith.addf %get3A_14, %mul3A_475 : vector<16xf32>
        %mul3A_477 = arith.constant 16 : i32
        %mul3A_478 = arith.muli %scan3A_132, %mul3A_477 : i32
        %add3A_479 = arith.constant 3 : i32
        %add3A_480 = arith.addi %mul3A_478, %add3A_479 : i32
        %swap3A_481 = arith.index_cast %add3A_480 : i32 to index
        %swap3A_482 = arith.constant 48 : index
        %swap3A_483 = tpu.vector_load %arg7[%swap3A_481, %swap3A_482] {strides = array<i32>} : memref<400x128xf32, #tpu.memory_space<vmem>>, vector<1x16xf32>,
        %swap3A_484 = vector.shape_cast %swap3A_483 : vector<1x16xf32> to vector<16xf32>
        %swap3A_485 = vector.shape_cast %add3A_476 : vector<16xf32> to vector<1x16xf32>
        tpu.vector_store %arg7[%swap3A_481, %swap3A_482], %swap3A_485 {strides = array<i32>} : memref<400x128xf32, #tpu.memory_space<vmem>>, vector<1x16xf32>,
        %mul3A_486 = vector.broadcast %squeeze3A_437 : f32 to vector<16xf32>
        %mul3A_487 = arith.mulf %mul3A_486, %sub3A_45 : vector<16xf32>
        %add3A_488 = arith.addf %get3A_17, %mul3A_487 : vector<16xf32>
        %mul3A_489 = arith.constant 16 : i32
        %mul3A_490 = arith.muli %scan3A_132, %mul3A_489 : i32
        %add3A_491 = arith.constant 3 : i32
        %add3A_492 = arith.addi %mul3A_490, %add3A_491 : i32
        %swap3A_493 = arith.index_cast %add3A_492 : i32 to index
        %swap3A_494 = arith.constant 64 : index
        %swap3A_495 = tpu.vector_load %arg7[%swap3A_493, %swap3A_494] {strides = array<i32>} : memref<400x128xf32, #tpu.memory_space<vmem>>, vector<1x16xf32>,
        %swap3A_496 = vector.shape_cast %swap3A_495 : vector<1x16xf32> to vector<16xf32>
        %swap3A_497 = vector.shape_cast %add3A_488 : vector<16xf32> to vector<1x16xf32>
        tpu.vector_store %arg7[%swap3A_493, %swap3A_494], %swap3A_497 {strides = array<i32>} : memref<400x128xf32, #tpu.memory_space<vmem>>, vector<1x16xf32>,
        %mul3A_498 = vector.broadcast %squeeze3A_437 : f32 to vector<16xf32>
        %mul3A_499 = arith.mulf %mul3A_498, %sub3A_49 : vector<16xf32>
        %add3A_500 = arith.addf %get3A_20, %mul3A_499 : vector<16xf32>
        %mul3A_501 = arith.constant 16 : i32
        %mul3A_502 = arith.muli %scan3A_132, %mul3A_501 : i32
        %add3A_503 = arith.constant 3 : i32
        %add3A_504 = arith.addi %mul3A_502, %add3A_503 : i32
        %swap3A_505 = arith.index_cast %add3A_504 : i32 to index
        %swap3A_506 = arith.constant 80 : index
        %swap3A_507 = tpu.vector_load %arg7[%swap3A_505, %swap3A_506] {strides = array<i32>} : memref<400x128xf32, #tpu.memory_space<vmem>>, vector<1x16xf32>,
        %swap3A_508 = vector.shape_cast %swap3A_507 : vector<1x16xf32> to vector<16xf32>
        %swap3A_509 = vector.shape_cast %add3A_500 : vector<16xf32> to vector<1x16xf32>
        tpu.vector_store %arg7[%swap3A_505, %swap3A_506], %swap3A_509 {strides = array<i32>} : memref<400x128xf32, #tpu.memory_space<vmem>>, vector<1x16xf32>,
        %mul3A_510 = vector.broadcast %squeeze3A_437 : f32 to vector<16xf32>
        %mul3A_511 = arith.mulf %mul3A_510, %sub3A_53 : vector<16xf32>
        %add3A_512 = arith.addf %get3A_23, %mul3A_511 : vector<16xf32>
        %mul3A_513 = arith.constant 16 : i32
        %mul3A_514 = arith.muli %scan3A_132, %mul3A_513 : i32
        %add3A_515 = arith.constant 3 : i32
        %add3A_516 = arith.addi %mul3A_514, %add3A_515 : i32
        %swap3A_517 = arith.index_cast %add3A_516 : i32 to index
        %swap3A_518 = arith.constant 96 : index
        %swap3A_519 = tpu.vector_load %arg7[%swap3A_517, %swap3A_518] {strides = array<i32>} : memref<400x128xf32, #tpu.memory_space<vmem>>, vector<1x16xf32>,
        %swap3A_520 = vector.shape_cast %swap3A_519 : vector<1x16xf32> to vector<16xf32>
        %swap3A_521 = vector.shape_cast %add3A_512 : vector<16xf32> to vector<1x16xf32>
        tpu.vector_store %arg7[%swap3A_517, %swap3A_518], %swap3A_521 {strides = array<i32>} : memref<400x128xf32, #tpu.memory_space<vmem>>, vector<1x16xf32>,
        %mul3A_522 = vector.broadcast %squeeze3A_437 : f32 to vector<16xf32>
        %mul3A_523 = arith.mulf %mul3A_522, %sub3A_57 : vector<16xf32>
        %add3A_524 = arith.addf %get3A_26, %mul3A_523 : vector<16xf32>
        %mul3A_525 = arith.constant 16 : i32
        %mul3A_526 = arith.muli %scan3A_132, %mul3A_525 : i32
        %add3A_527 = arith.constant 3 : i32
        %add3A_528 = arith.addi %mul3A_526, %add3A_527 : i32
        %swap3A_529 = arith.index_cast %add3A_528 : i32 to index
        %swap3A_530 = arith.constant 112 : index
        %swap3A_531 = tpu.vector_load %arg7[%swap3A_529, %swap3A_530] {strides = array<i32>} : memref<400x128xf32, #tpu.memory_space<vmem>>, vector<1x16xf32>,
        %swap3A_532 = vector.shape_cast %swap3A_531 : vector<1x16xf32> to vector<16xf32>
        %swap3A_533 = vector.shape_cast %add3A_524 : vector<16xf32> to vector<1x16xf32>
        tpu.vector_store %arg7[%swap3A_529, %swap3A_530], %swap3A_533 {strides = array<i32>} : memref<400x128xf32, #tpu.memory_space<vmem>>, vector<1x16xf32>,
        %slice3A_534 = vector.extract_strided_slice %mul3A_144 {offsets = [4], sizes = [1], strides = [1]} : vector<16xf32> to vector<1xf32>
        %squeeze3A_535 = vector.extract %slice3A_534[0] : f32 from vector<1xf32>
        %mul3A_536 = vector.broadcast %squeeze3A_535 : f32 to vector<16xf32>
        %mul3A_537 = arith.mulf %mul3A_536, %sub3A : vector<16xf32>
        %add3A_538 = arith.addf %get3A_5, %mul3A_537 : vector<16xf32>
        %mul3A_539 = arith.constant 16 : i32
        %mul3A_540 = arith.muli %scan3A_132, %mul3A_539 : i32
        %add3A_541 = arith.constant 4 : i32
        %add3A_542 = arith.addi %mul3A_540, %add3A_541 : i32
        %swap3A_543 = arith.index_cast %add3A_542 : i32 to index
        %swap3A_544 = arith.constant 0 : index
        %swap3A_545 = tpu.vector_load %arg7[%swap3A_543, %swap3A_544] {strides = array<i32>} : memref<400x128xf32, #tpu.memory_space<vmem>>, vector<1x16xf32>,
        %swap3A_546 = vector.shape_cast %swap3A_545 : vector<1x16xf32> to vector<16xf32>
        %swap3A_547 = vector.shape_cast %add3A_538 : vector<16xf32> to vector<1x16xf32>
        tpu.vector_store %arg7[%swap3A_543, %swap3A_544], %swap3A_547 {strides = array<i32>} : memref<400x128xf32, #tpu.memory_space<vmem>>, vector<1x16xf32>,
        %mul3A_548 = vector.broadcast %squeeze3A_535 : f32 to vector<16xf32>
        %mul3A_549 = arith.mulf %mul3A_548, %sub3A_33 : vector<16xf32>
        %add3A_550 = arith.addf %get3A_8, %mul3A_549 : vector<16xf32>
        %mul3A_551 = arith.constant 16 : i32
        %mul3A_552 = arith.muli %scan3A_132, %mul3A_551 : i32
        %add3A_553 = arith.constant 4 : i32
        %add3A_554 = arith.addi %mul3A_552, %add3A_553 : i32
        %swap3A_555 = arith.index_cast %add3A_554 : i32 to index
        %swap3A_556 = arith.constant 16 : index
        %swap3A_557 = tpu.vector_load %arg7[%swap3A_555, %swap3A_556] {strides = array<i32>} : memref<400x128xf32, #tpu.memory_space<vmem>>, vector<1x16xf32>,
        %swap3A_558 = vector.shape_cast %swap3A_557 : vector<1x16xf32> to vector<16xf32>
        %swap3A_559 = vector.shape_cast %add3A_550 : vector<16xf32> to vector<1x16xf32>
        tpu.vector_store %arg7[%swap3A_555, %swap3A_556], %swap3A_559 {strides = array<i32>} : memref<400x128xf32, #tpu.memory_space<vmem>>, vector<1x16xf32>,
        %mul3A_560 = vector.broadcast %squeeze3A_535 : f32 to vector<16xf32>
        %mul3A_561 = arith.mulf %mul3A_560, %sub3A_37 : vector<16xf32>
        %add3A_562 = arith.addf %get3A_11, %mul3A_561 : vector<16xf32>
        %mul3A_563 = arith.constant 16 : i32
        %mul3A_564 = arith.muli %scan3A_132, %mul3A_563 : i32
        %add3A_565 = arith.constant 4 : i32
        %add3A_566 = arith.addi %mul3A_564, %add3A_565 : i32
        %swap3A_567 = arith.index_cast %add3A_566 : i32 to index
        %swap3A_568 = arith.constant 32 : index
        %swap3A_569 = tpu.vector_load %arg7[%swap3A_567, %swap3A_568] {strides = array<i32>} : memref<400x128xf32, #tpu.memory_space<vmem>>, vector<1x16xf32>,
        %swap3A_570 = vector.shape_cast %swap3A_569 : vector<1x16xf32> to vector<16xf32>
        %swap3A_571 = vector.shape_cast %add3A_562 : vector<16xf32> to vector<1x16xf32>
        tpu.vector_store %arg7[%swap3A_567, %swap3A_568], %swap3A_571 {strides = array<i32>} : memref<400x128xf32, #tpu.memory_space<vmem>>, vector<1x16xf32>,
        %mul3A_572 = vector.broadcast %squeeze3A_535 : f32 to vector<16xf32>
        %mul3A_573 = arith.mulf %mul3A_572, %sub3A_41 : vector<16xf32>
        %add3A_574 = arith.addf %get3A_14, %mul3A_573 : vector<16xf32>
        %mul3A_575 = arith.constant 16 : i32
        %mul3A_576 = arith.muli %scan3A_132, %mul3A_575 : i32
        %add3A_577 = arith.constant 4 : i32
        %add3A_578 = arith.addi %mul3A_576, %add3A_577 : i32
        %swap3A_579 = arith.index_cast %add3A_578 : i32 to index
        %swap3A_580 = arith.constant 48 : index
        %swap3A_581 = tpu.vector_load %arg7[%swap3A_579, %swap3A_580] {strides = array<i32>} : memref<400x128xf32, #tpu.memory_space<vmem>>, vector<1x16xf32>,
        %swap3A_582 = vector.shape_cast %swap3A_581 : vector<1x16xf32> to vector<16xf32>
        %swap3A_583 = vector.shape_cast %add3A_574 : vector<16xf32> to vector<1x16xf32>
        tpu.vector_store %arg7[%swap3A_579, %swap3A_580], %swap3A_583 {strides = array<i32>} : memref<400x128xf32, #tpu.memory_space<vmem>>, vector<1x16xf32>,
        %mul3A_584 = vector.broadcast %squeeze3A_535 : f32 to vector<16xf32>
        %mul3A_585 = arith.mulf %mul3A_584, %sub3A_45 : vector<16xf32>
        %add3A_586 = arith.addf %get3A_17, %mul3A_585 : vector<16xf32>
        %mul3A_587 = arith.constant 16 : i32
        %mul3A_588 = arith.muli %scan3A_132, %mul3A_587 : i32
        %add3A_589 = arith.constant 4 : i32
        %add3A_590 = arith.addi %mul3A_588, %add3A_589 : i32
        %swap3A_591 = arith.index_cast %add3A_590 : i32 to index
        %swap3A_592 = arith.constant 64 : index
        %swap3A_593 = tpu.vector_load %arg7[%swap3A_591, %swap3A_592] {strides = array<i32>} : memref<400x128xf32, #tpu.memory_space<vmem>>, vector<1x16xf32>,
        %swap3A_594 = vector.shape_cast %swap3A_593 : vector<1x16xf32> to vector<16xf32>
        %swap3A_595 = vector.shape_cast %add3A_586 : vector<16xf32> to vector<1x16xf32>
        tpu.vector_store %arg7[%swap3A_591, %swap3A_592], %swap3A_595 {strides = array<i32>} : memref<400x128xf32, #tpu.memory_space<vmem>>, vector<1x16xf32>,
        %mul3A_596 = vector.broadcast %squeeze3A_535 : f32 to vector<16xf32>
        %mul3A_597 = arith.mulf %mul3A_596, %sub3A_49 : vector<16xf32>
        %add3A_598 = arith.addf %get3A_20, %mul3A_597 : vector<16xf32>
        %mul3A_599 = arith.constant 16 : i32
        %mul3A_600 = arith.muli %scan3A_132, %mul3A_599 : i32
        %add3A_601 = arith.constant 4 : i32
        %add3A_602 = arith.addi %mul3A_600, %add3A_601 : i32
        %swap3A_603 = arith.index_cast %add3A_602 : i32 to index
        %swap3A_604 = arith.constant 80 : index
        %swap3A_605 = tpu.vector_load %arg7[%swap3A_603, %swap3A_604] {strides = array<i32>} : memref<400x128xf32, #tpu.memory_space<vmem>>, vector<1x16xf32>,
        %swap3A_606 = vector.shape_cast %swap3A_605 : vector<1x16xf32> to vector<16xf32>
        %swap3A_607 = vector.shape_cast %add3A_598 : vector<16xf32> to vector<1x16xf32>
        tpu.vector_store %arg7[%swap3A_603, %swap3A_604], %swap3A_607 {strides = array<i32>} : memref<400x128xf32, #tpu.memory_space<vmem>>, vector<1x16xf32>,
        %mul3A_608 = vector.broadcast %squeeze3A_535 : f32 to vector<16xf32>
        %mul3A_609 = arith.mulf %mul3A_608, %sub3A_53 : vector<16xf32>
        %add3A_610 = arith.addf %get3A_23, %mul3A_609 : vector<16xf32>
        %mul3A_611 = arith.constant 16 : i32
        %mul3A_612 = arith.muli %scan3A_132, %mul3A_611 : i32
        %add3A_613 = arith.constant 4 : i32
        %add3A_614 = arith.addi %mul3A_612, %add3A_613 : i32
        %swap3A_615 = arith.index_cast %add3A_614 : i32 to index
        %swap3A_616 = arith.constant 96 : index
        %swap3A_617 = tpu.vector_load %arg7[%swap3A_615, %swap3A_616] {strides = array<i32>} : memref<400x128xf32, #tpu.memory_space<vmem>>, vector<1x16xf32>,
        %swap3A_618 = vector.shape_cast %swap3A_617 : vector<1x16xf32> to vector<16xf32>
        %swap3A_619 = vector.shape_cast %add3A_610 : vector<16xf32> to vector<1x16xf32>
        tpu.vector_store %arg7[%swap3A_615, %swap3A_616], %swap3A_619 {strides = array<i32>} : memref<400x128xf32, #tpu.memory_space<vmem>>, vector<1x16xf32>,
        %mul3A_620 = vector.broadcast %squeeze3A_535 : f32 to vector<16xf32>
        %mul3A_621 = arith.mulf %mul3A_620, %sub3A_57 : vector<16xf32>
        %add3A_622 = arith.addf %get3A_26, %mul3A_621 : vector<16xf32>
        %mul3A_623 = arith.constant 16 : i32
        %mul3A_624 = arith.muli %scan3A_132, %mul3A_623 : i32
        %add3A_625 = arith.constant 4 : i32
        %add3A_626 = arith.addi %mul3A_624, %add3A_625 : i32
        %swap3A_627 = arith.index_cast %add3A_626 : i32 to index
        %swap3A_628 = arith.constant 112 : index
        %swap3A_629 = tpu.vector_load %arg7[%swap3A_627, %swap3A_628] {strides = array<i32>} : memref<400x128xf32, #tpu.memory_space<vmem>>, vector<1x16xf32>,
        %swap3A_630 = vector.shape_cast %swap3A_629 : vector<1x16xf32> to vector<16xf32>
        %swap3A_631 = vector.shape_cast %add3A_622 : vector<16xf32> to vector<1x16xf32>
        tpu.vector_store %arg7[%swap3A_627, %swap3A_628], %swap3A_631 {strides = array<i32>} : memref<400x128xf32, #tpu.memory_space<vmem>>, vector<1x16xf32>,
        %slice3A_632 = vector.extract_strided_slice %mul3A_144 {offsets = [5], sizes = [1], strides = [1]} : vector<16xf32> to vector<1xf32>
        %squeeze3A_633 = vector.extract %slice3A_632[0] : f32 from vector<1xf32>
        %mul3A_634 = vector.broadcast %squeeze3A_633 : f32 to vector<16xf32>
        %mul3A_635 = arith.mulf %mul3A_634, %sub3A : vector<16xf32>
        %add3A_636 = arith.addf %get3A_5, %mul3A_635 : vector<16xf32>
        %mul3A_637 = arith.constant 16 : i32
        %mul3A_638 = arith.muli %scan3A_132, %mul3A_637 : i32
        %add3A_639 = arith.constant 5 : i32
        %add3A_640 = arith.addi %mul3A_638, %add3A_639 : i32
        %swap3A_641 = arith.index_cast %add3A_640 : i32 to index
        %swap3A_642 = arith.constant 0 : index
        %swap3A_643 = tpu.vector_load %arg7[%swap3A_641, %swap3A_642] {strides = array<i32>} : memref<400x128xf32, #tpu.memory_space<vmem>>, vector<1x16xf32>,
        %swap3A_644 = vector.shape_cast %swap3A_643 : vector<1x16xf32> to vector<16xf32>
        %swap3A_645 = vector.shape_cast %add3A_636 : vector<16xf32> to vector<1x16xf32>
        tpu.vector_store %arg7[%swap3A_641, %swap3A_642], %swap3A_645 {strides = array<i32>} : memref<400x128xf32, #tpu.memory_space<vmem>>, vector<1x16xf32>,
        %mul3A_646 = vector.broadcast %squeeze3A_633 : f32 to vector<16xf32>
        %mul3A_647 = arith.mulf %mul3A_646, %sub3A_33 : vector<16xf32>
        %add3A_648 = arith.addf %get3A_8, %mul3A_647 : vector<16xf32>
        %mul3A_649 = arith.constant 16 : i32
        %mul3A_650 = arith.muli %scan3A_132, %mul3A_649 : i32
        %add3A_651 = arith.constant 5 : i32
        %add3A_652 = arith.addi %mul3A_650, %add3A_651 : i32
        %swap3A_653 = arith.index_cast %add3A_652 : i32 to index
        %swap3A_654 = arith.constant 16 : index
        %swap3A_655 = tpu.vector_load %arg7[%swap3A_653, %swap3A_654] {strides = array<i32>} : memref<400x128xf32, #tpu.memory_space<vmem>>, vector<1x16xf32>,
        %swap3A_656 = vector.shape_cast %swap3A_655 : vector<1x16xf32> to vector<16xf32>
        %swap3A_657 = vector.shape_cast %add3A_648 : vector<16xf32> to vector<1x16xf32>
        tpu.vector_store %arg7[%swap3A_653, %swap3A_654], %swap3A_657 {strides = array<i32>} : memref<400x128xf32, #tpu.memory_space<vmem>>, vector<1x16xf32>,
        %mul3A_658 = vector.broadcast %squeeze3A_633 : f32 to vector<16xf32>
        %mul3A_659 = arith.mulf %mul3A_658, %sub3A_37 : vector<16xf32>
        %add3A_660 = arith.addf %get3A_11, %mul3A_659 : vector<16xf32>
        %mul3A_661 = arith.constant 16 : i32
        %mul3A_662 = arith.muli %scan3A_132, %mul3A_661 : i32
        %add3A_663 = arith.constant 5 : i32
        %add3A_664 = arith.addi %mul3A_662, %add3A_663 : i32
        %swap3A_665 = arith.index_cast %add3A_664 : i32 to index
        %swap3A_666 = arith.constant 32 : index
        %swap3A_667 = tpu.vector_load %arg7[%swap3A_665, %swap3A_666] {strides = array<i32>} : memref<400x128xf32, #tpu.memory_space<vmem>>, vector<1x16xf32>,
        %swap3A_668 = vector.shape_cast %swap3A_667 : vector<1x16xf32> to vector<16xf32>
        %swap3A_669 = vector.shape_cast %add3A_660 : vector<16xf32> to vector<1x16xf32>
        tpu.vector_store %arg7[%swap3A_665, %swap3A_666], %swap3A_669 {strides = array<i32>} : memref<400x128xf32, #tpu.memory_space<vmem>>, vector<1x16xf32>,
        %mul3A_670 = vector.broadcast %squeeze3A_633 : f32 to vector<16xf32>
        %mul3A_671 = arith.mulf %mul3A_670, %sub3A_41 : vector<16xf32>
        %add3A_672 = arith.addf %get3A_14, %mul3A_671 : vector<16xf32>
        %mul3A_673 = arith.constant 16 : i32
        %mul3A_674 = arith.muli %scan3A_132, %mul3A_673 : i32
        %add3A_675 = arith.constant 5 : i32
        %add3A_676 = arith.addi %mul3A_674, %add3A_675 : i32
        %swap3A_677 = arith.index_cast %add3A_676 : i32 to index
        %swap3A_678 = arith.constant 48 : index
        %swap3A_679 = tpu.vector_load %arg7[%swap3A_677, %swap3A_678] {strides = array<i32>} : memref<400x128xf32, #tpu.memory_space<vmem>>, vector<1x16xf32>,
        %swap3A_680 = vector.shape_cast %swap3A_679 : vector<1x16xf32> to vector<16xf32>
        %swap3A_681 = vector.shape_cast %add3A_672 : vector<16xf32> to vector<1x16xf32>
        tpu.vector_store %arg7[%swap3A_677, %swap3A_678], %swap3A_681 {strides = array<i32>} : memref<400x128xf32, #tpu.memory_space<vmem>>, vector<1x16xf32>,
        %mul3A_682 = vector.broadcast %squeeze3A_633 : f32 to vector<16xf32>
        %mul3A_683 = arith.mulf %mul3A_682, %sub3A_45 : vector<16xf32>
        %add3A_684 = arith.addf %get3A_17, %mul3A_683 : vector<16xf32>
        %mul3A_685 = arith.constant 16 : i32
        %mul3A_686 = arith.muli %scan3A_132, %mul3A_685 : i32
        %add3A_687 = arith.constant 5 : i32
        %add3A_688 = arith.addi %mul3A_686, %add3A_687 : i32
        %swap3A_689 = arith.index_cast %add3A_688 : i32 to index
        %swap3A_690 = arith.constant 64 : index
        %swap3A_691 = tpu.vector_load %arg7[%swap3A_689, %swap3A_690] {strides = array<i32>} : memref<400x128xf32, #tpu.memory_space<vmem>>, vector<1x16xf32>,
        %swap3A_692 = vector.shape_cast %swap3A_691 : vector<1x16xf32> to vector<16xf32>
        %swap3A_693 = vector.shape_cast %add3A_684 : vector<16xf32> to vector<1x16xf32>
        tpu.vector_store %arg7[%swap3A_689, %swap3A_690], %swap3A_693 {strides = array<i32>} : memref<400x128xf32, #tpu.memory_space<vmem>>, vector<1x16xf32>,
        %mul3A_694 = vector.broadcast %squeeze3A_633 : f32 to vector<16xf32>
        %mul3A_695 = arith.mulf %mul3A_694, %sub3A_49 : vector<16xf32>
        %add3A_696 = arith.addf %get3A_20, %mul3A_695 : vector<16xf32>
        %mul3A_697 = arith.constant 16 : i32
        %mul3A_698 = arith.muli %scan3A_132, %mul3A_697 : i32
        %add3A_699 = arith.constant 5 : i32
        %add3A_700 = arith.addi %mul3A_698, %add3A_699 : i32
        %swap3A_701 = arith.index_cast %add3A_700 : i32 to index
        %swap3A_702 = arith.constant 80 : index
        %swap3A_703 = tpu.vector_load %arg7[%swap3A_701, %swap3A_702] {strides = array<i32>} : memref<400x128xf32, #tpu.memory_space<vmem>>, vector<1x16xf32>,
        %swap3A_704 = vector.shape_cast %swap3A_703 : vector<1x16xf32> to vector<16xf32>
        %swap3A_705 = vector.shape_cast %add3A_696 : vector<16xf32> to vector<1x16xf32>
        tpu.vector_store %arg7[%swap3A_701, %swap3A_702], %swap3A_705 {strides = array<i32>} : memref<400x128xf32, #tpu.memory_space<vmem>>, vector<1x16xf32>,
        %mul3A_706 = vector.broadcast %squeeze3A_633 : f32 to vector<16xf32>
        %mul3A_707 = arith.mulf %mul3A_706, %sub3A_53 : vector<16xf32>
        %add3A_708 = arith.addf %get3A_23, %mul3A_707 : vector<16xf32>
        %mul3A_709 = arith.constant 16 : i32
        %mul3A_710 = arith.muli %scan3A_132, %mul3A_709 : i32
        %add3A_711 = arith.constant 5 : i32
        %add3A_712 = arith.addi %mul3A_710, %add3A_711 : i32
        %swap3A_713 = arith.index_cast %add3A_712 : i32 to index
        %swap3A_714 = arith.constant 96 : index
        %swap3A_715 = tpu.vector_load %arg7[%swap3A_713, %swap3A_714] {strides = array<i32>} : memref<400x128xf32, #tpu.memory_space<vmem>>, vector<1x16xf32>,
        %swap3A_716 = vector.shape_cast %swap3A_715 : vector<1x16xf32> to vector<16xf32>
        %swap3A_717 = vector.shape_cast %add3A_708 : vector<16xf32> to vector<1x16xf32>
        tpu.vector_store %arg7[%swap3A_713, %swap3A_714], %swap3A_717 {strides = array<i32>} : memref<400x128xf32, #tpu.memory_space<vmem>>, vector<1x16xf32>,
        %mul3A_718 = vector.broadcast %squeeze3A_633 : f32 to vector<16xf32>
        %mul3A_719 = arith.mulf %mul3A_718, %sub3A_57 : vector<16xf32>
        %add3A_720 = arith.addf %get3A_26, %mul3A_719 : vector<16xf32>
        %mul3A_721 = arith.constant 16 : i32
        %mul3A_722 = arith.muli %scan3A_132, %mul3A_721 : i32
        %add3A_723 = arith.constant 5 : i32
        %add3A_724 = arith.addi %mul3A_722, %add3A_723 : i32
        %swap3A_725 = arith.index_cast %add3A_724 : i32 to index
        %swap3A_726 = arith.constant 112 : index
        %swap3A_727 = tpu.vector_load %arg7[%swap3A_725, %swap3A_726] {strides = array<i32>} : memref<400x128xf32, #tpu.memory_space<vmem>>, vector<1x16xf32>,
        %swap3A_728 = vector.shape_cast %swap3A_727 : vector<1x16xf32> to vector<16xf32>
        %swap3A_729 = vector.shape_cast %add3A_720 : vector<16xf32> to vector<1x16xf32>
        tpu.vector_store %arg7[%swap3A_725, %swap3A_726], %swap3A_729 {strides = array<i32>} : memref<400x128xf32, #tpu.memory_space<vmem>>, vector<1x16xf32>,
        %slice3A_730 = vector.extract_strided_slice %mul3A_144 {offsets = [6], sizes = [1], strides = [1]} : vector<16xf32> to vector<1xf32>
        %squeeze3A_731 = vector.extract %slice3A_730[0] : f32 from vector<1xf32>
        %mul3A_732 = vector.broadcast %squeeze3A_731 : f32 to vector<16xf32>
        %mul3A_733 = arith.mulf %mul3A_732, %sub3A : vector<16xf32>
        %add3A_734 = arith.addf %get3A_5, %mul3A_733 : vector<16xf32>
        %mul3A_735 = arith.constant 16 : i32
        %mul3A_736 = arith.muli %scan3A_132, %mul3A_735 : i32
        %add3A_737 = arith.constant 6 : i32
        %add3A_738 = arith.addi %mul3A_736, %add3A_737 : i32
        %swap3A_739 = arith.index_cast %add3A_738 : i32 to index
        %swap3A_740 = arith.constant 0 : index
        %swap3A_741 = tpu.vector_load %arg7[%swap3A_739, %swap3A_740] {strides = array<i32>} : memref<400x128xf32, #tpu.memory_space<vmem>>, vector<1x16xf32>,
        %swap3A_742 = vector.shape_cast %swap3A_741 : vector<1x16xf32> to vector<16xf32>
        %swap3A_743 = vector.shape_cast %add3A_734 : vector<16xf32> to vector<1x16xf32>
        tpu.vector_store %arg7[%swap3A_739, %swap3A_740], %swap3A_743 {strides = array<i32>} : memref<400x128xf32, #tpu.memory_space<vmem>>, vector<1x16xf32>,
        %mul3A_744 = vector.broadcast %squeeze3A_731 : f32 to vector<16xf32>
        %mul3A_745 = arith.mulf %mul3A_744, %sub3A_33 : vector<16xf32>
        %add3A_746 = arith.addf %get3A_8, %mul3A_745 : vector<16xf32>
        %mul3A_747 = arith.constant 16 : i32
        %mul3A_748 = arith.muli %scan3A_132, %mul3A_747 : i32
        %add3A_749 = arith.constant 6 : i32
        %add3A_750 = arith.addi %mul3A_748, %add3A_749 : i32
        %swap3A_751 = arith.index_cast %add3A_750 : i32 to index
        %swap3A_752 = arith.constant 16 : index
        %swap3A_753 = tpu.vector_load %arg7[%swap3A_751, %swap3A_752] {strides = array<i32>} : memref<400x128xf32, #tpu.memory_space<vmem>>, vector<1x16xf32>,
        %swap3A_754 = vector.shape_cast %swap3A_753 : vector<1x16xf32> to vector<16xf32>
        %swap3A_755 = vector.shape_cast %add3A_746 : vector<16xf32> to vector<1x16xf32>
        tpu.vector_store %arg7[%swap3A_751, %swap3A_752], %swap3A_755 {strides = array<i32>} : memref<400x128xf32, #tpu.memory_space<vmem>>, vector<1x16xf32>,
        %mul3A_756 = vector.broadcast %squeeze3A_731 : f32 to vector<16xf32>
        %mul3A_757 = arith.mulf %mul3A_756, %sub3A_37 : vector<16xf32>
        %add3A_758 = arith.addf %get3A_11, %mul3A_757 : vector<16xf32>
        %mul3A_759 = arith.constant 16 : i32
        %mul3A_760 = arith.muli %scan3A_132, %mul3A_759 : i32
        %add3A_761 = arith.constant 6 : i32
        %add3A_762 = arith.addi %mul3A_760, %add3A_761 : i32
        %swap3A_763 = arith.index_cast %add3A_762 : i32 to index
        %swap3A_764 = arith.constant 32 : index
        %swap3A_765 = tpu.vector_load %arg7[%swap3A_763, %swap3A_764] {strides = array<i32>} : memref<400x128xf32, #tpu.memory_space<vmem>>, vector<1x16xf32>,
        %swap3A_766 = vector.shape_cast %swap3A_765 : vector<1x16xf32> to vector<16xf32>
        %swap3A_767 = vector.shape_cast %add3A_758 : vector<16xf32> to vector<1x16xf32>
        tpu.vector_store %arg7[%swap3A_763, %swap3A_764], %swap3A_767 {strides = array<i32>} : memref<400x128xf32, #tpu.memory_space<vmem>>, vector<1x16xf32>,
        %mul3A_768 = vector.broadcast %squeeze3A_731 : f32 to vector<16xf32>
        %mul3A_769 = arith.mulf %mul3A_768, %sub3A_41 : vector<16xf32>
        %add3A_770 = arith.addf %get3A_14, %mul3A_769 : vector<16xf32>
        %mul3A_771 = arith.constant 16 : i32
        %mul3A_772 = arith.muli %scan3A_132, %mul3A_771 : i32
        %add3A_773 = arith.constant 6 : i32
        %add3A_774 = arith.addi %mul3A_772, %add3A_773 : i32
        %swap3A_775 = arith.index_cast %add3A_774 : i32 to index
        %swap3A_776 = arith.constant 48 : index
        %swap3A_777 = tpu.vector_load %arg7[%swap3A_775, %swap3A_776] {strides = array<i32>} : memref<400x128xf32, #tpu.memory_space<vmem>>, vector<1x16xf32>,
        %swap3A_778 = vector.shape_cast %swap3A_777 : vector<1x16xf32> to vector<16xf32>
        %swap3A_779 = vector.shape_cast %add3A_770 : vector<16xf32> to vector<1x16xf32>
        tpu.vector_store %arg7[%swap3A_775, %swap3A_776], %swap3A_779 {strides = array<i32>} : memref<400x128xf32, #tpu.memory_space<vmem>>, vector<1x16xf32>,
        %mul3A_780 = vector.broadcast %squeeze3A_731 : f32 to vector<16xf32>
        %mul3A_781 = arith.mulf %mul3A_780, %sub3A_45 : vector<16xf32>
        %add3A_782 = arith.addf %get3A_17, %mul3A_781 : vector<16xf32>
        %mul3A_783 = arith.constant 16 : i32
        %mul3A_784 = arith.muli %scan3A_132, %mul3A_783 : i32
        %add3A_785 = arith.constant 6 : i32
        %add3A_786 = arith.addi %mul3A_784, %add3A_785 : i32
        %swap3A_787 = arith.index_cast %add3A_786 : i32 to index
        %swap3A_788 = arith.constant 64 : index
        %swap3A_789 = tpu.vector_load %arg7[%swap3A_787, %swap3A_788] {strides = array<i32>} : memref<400x128xf32, #tpu.memory_space<vmem>>, vector<1x16xf32>,
        %swap3A_790 = vector.shape_cast %swap3A_789 : vector<1x16xf32> to vector<16xf32>
        %swap3A_791 = vector.shape_cast %add3A_782 : vector<16xf32> to vector<1x16xf32>
        tpu.vector_store %arg7[%swap3A_787, %swap3A_788], %swap3A_791 {strides = array<i32>} : memref<400x128xf32, #tpu.memory_space<vmem>>, vector<1x16xf32>,
        %mul3A_792 = vector.broadcast %squeeze3A_731 : f32 to vector<16xf32>
        %mul3A_793 = arith.mulf %mul3A_792, %sub3A_49 : vector<16xf32>
        %add3A_794 = arith.addf %get3A_20, %mul3A_793 : vector<16xf32>
        %mul3A_795 = arith.constant 16 : i32
        %mul3A_796 = arith.muli %scan3A_132, %mul3A_795 : i32
        %add3A_797 = arith.constant 6 : i32
        %add3A_798 = arith.addi %mul3A_796, %add3A_797 : i32
        %swap3A_799 = arith.index_cast %add3A_798 : i32 to index
        %swap3A_800 = arith.constant 80 : index
        %swap3A_801 = tpu.vector_load %arg7[%swap3A_799, %swap3A_800] {strides = array<i32>} : memref<400x128xf32, #tpu.memory_space<vmem>>, vector<1x16xf32>,
        %swap3A_802 = vector.shape_cast %swap3A_801 : vector<1x16xf32> to vector<16xf32>
        %swap3A_803 = vector.shape_cast %add3A_794 : vector<16xf32> to vector<1x16xf32>
        tpu.vector_store %arg7[%swap3A_799, %swap3A_800], %swap3A_803 {strides = array<i32>} : memref<400x128xf32, #tpu.memory_space<vmem>>, vector<1x16xf32>,
        %mul3A_804 = vector.broadcast %squeeze3A_731 : f32 to vector<16xf32>
        %mul3A_805 = arith.mulf %mul3A_804, %sub3A_53 : vector<16xf32>
        %add3A_806 = arith.addf %get3A_23, %mul3A_805 : vector<16xf32>
        %mul3A_807 = arith.constant 16 : i32
        %mul3A_808 = arith.muli %scan3A_132, %mul3A_807 : i32
        %add3A_809 = arith.constant 6 : i32
        %add3A_810 = arith.addi %mul3A_808, %add3A_809 : i32
        %swap3A_811 = arith.index_cast %add3A_810 : i32 to index
        %swap3A_812 = arith.constant 96 : index
        %swap3A_813 = tpu.vector_load %arg7[%swap3A_811, %swap3A_812] {strides = array<i32>} : memref<400x128xf32, #tpu.memory_space<vmem>>, vector<1x16xf32>,
        %swap3A_814 = vector.shape_cast %swap3A_813 : vector<1x16xf32> to vector<16xf32>
        %swap3A_815 = vector.shape_cast %add3A_806 : vector<16xf32> to vector<1x16xf32>
        tpu.vector_store %arg7[%swap3A_811, %swap3A_812], %swap3A_815 {strides = array<i32>} : memref<400x128xf32, #tpu.memory_space<vmem>>, vector<1x16xf32>,
        %mul3A_816 = vector.broadcast %squeeze3A_731 : f32 to vector<16xf32>
        %mul3A_817 = arith.mulf %mul3A_816, %sub3A_57 : vector<16xf32>
        %add3A_818 = arith.addf %get3A_26, %mul3A_817 : vector<16xf32>
        %mul3A_819 = arith.constant 16 : i32
        %mul3A_820 = arith.muli %scan3A_132, %mul3A_819 : i32
        %add3A_821 = arith.constant 6 : i32
        %add3A_822 = arith.addi %mul3A_820, %add3A_821 : i32
        %swap3A_823 = arith.index_cast %add3A_822 : i32 to index
        %swap3A_824 = arith.constant 112 : index
        %swap3A_825 = tpu.vector_load %arg7[%swap3A_823, %swap3A_824] {strides = array<i32>} : memref<400x128xf32, #tpu.memory_space<vmem>>, vector<1x16xf32>,
        %swap3A_826 = vector.shape_cast %swap3A_825 : vector<1x16xf32> to vector<16xf32>
        %swap3A_827 = vector.shape_cast %add3A_818 : vector<16xf32> to vector<1x16xf32>
        tpu.vector_store %arg7[%swap3A_823, %swap3A_824], %swap3A_827 {strides = array<i32>} : memref<400x128xf32, #tpu.memory_space<vmem>>, vector<1x16xf32>,
        %slice3A_828 = vector.extract_strided_slice %mul3A_144 {offsets = [7], sizes = [1], strides = [1]} : vector<16xf32> to vector<1xf32>
        %squeeze3A_829 = vector.extract %slice3A_828[0] : f32 from vector<1xf32>
        %mul3A_830 = vector.broadcast %squeeze3A_829 : f32 to vector<16xf32>
        %mul3A_831 = arith.mulf %mul3A_830, %sub3A : vector<16xf32>
        %add3A_832 = arith.addf %get3A_5, %mul3A_831 : vector<16xf32>
        %mul3A_833 = arith.constant 16 : i32
        %mul3A_834 = arith.muli %scan3A_132, %mul3A_833 : i32
        %add3A_835 = arith.constant 7 : i32
        %add3A_836 = arith.addi %mul3A_834, %add3A_835 : i32
        %swap3A_837 = arith.index_cast %add3A_836 : i32 to index
        %swap3A_838 = arith.constant 0 : index
        %swap3A_839 = tpu.vector_load %arg7[%swap3A_837, %swap3A_838] {strides = array<i32>} : memref<400x128xf32, #tpu.memory_space<vmem>>, vector<1x16xf32>,
        %swap3A_840 = vector.shape_cast %swap3A_839 : vector<1x16xf32> to vector<16xf32>
        %swap3A_841 = vector.shape_cast %add3A_832 : vector<16xf32> to vector<1x16xf32>
        tpu.vector_store %arg7[%swap3A_837, %swap3A_838], %swap3A_841 {strides = array<i32>} : memref<400x128xf32, #tpu.memory_space<vmem>>, vector<1x16xf32>,
        %mul3A_842 = vector.broadcast %squeeze3A_829 : f32 to vector<16xf32>
        %mul3A_843 = arith.mulf %mul3A_842, %sub3A_33 : vector<16xf32>
        %add3A_844 = arith.addf %get3A_8, %mul3A_843 : vector<16xf32>
        %mul3A_845 = arith.constant 16 : i32
        %mul3A_846 = arith.muli %scan3A_132, %mul3A_845 : i32
        %add3A_847 = arith.constant 7 : i32
        %add3A_848 = arith.addi %mul3A_846, %add3A_847 : i32
        %swap3A_849 = arith.index_cast %add3A_848 : i32 to index
        %swap3A_850 = arith.constant 16 : index
        %swap3A_851 = tpu.vector_load %arg7[%swap3A_849, %swap3A_850] {strides = array<i32>} : memref<400x128xf32, #tpu.memory_space<vmem>>, vector<1x16xf32>,
        %swap3A_852 = vector.shape_cast %swap3A_851 : vector<1x16xf32> to vector<16xf32>
        %swap3A_853 = vector.shape_cast %add3A_844 : vector<16xf32> to vector<1x16xf32>
        tpu.vector_store %arg7[%swap3A_849, %swap3A_850], %swap3A_853 {strides = array<i32>} : memref<400x128xf32, #tpu.memory_space<vmem>>, vector<1x16xf32>,
        %mul3A_854 = vector.broadcast %squeeze3A_829 : f32 to vector<16xf32>
        %mul3A_855 = arith.mulf %mul3A_854, %sub3A_37 : vector<16xf32>
        %add3A_856 = arith.addf %get3A_11, %mul3A_855 : vector<16xf32>
        %mul3A_857 = arith.constant 16 : i32
        %mul3A_858 = arith.muli %scan3A_132, %mul3A_857 : i32
        %add3A_859 = arith.constant 7 : i32
        %add3A_860 = arith.addi %mul3A_858, %add3A_859 : i32
        %swap3A_861 = arith.index_cast %add3A_860 : i32 to index
        %swap3A_862 = arith.constant 32 : index
        %swap3A_863 = tpu.vector_load %arg7[%swap3A_861, %swap3A_862] {strides = array<i32>} : memref<400x128xf32, #tpu.memory_space<vmem>>, vector<1x16xf32>,
        %swap3A_864 = vector.shape_cast %swap3A_863 : vector<1x16xf32> to vector<16xf32>
        %swap3A_865 = vector.shape_cast %add3A_856 : vector<16xf32> to vector<1x16xf32>
        tpu.vector_store %arg7[%swap3A_861, %swap3A_862], %swap3A_865 {strides = array<i32>} : memref<400x128xf32, #tpu.memory_space<vmem>>, vector<1x16xf32>,
        %mul3A_866 = vector.broadcast %squeeze3A_829 : f32 to vector<16xf32>
        %mul3A_867 = arith.mulf %mul3A_866, %sub3A_41 : vector<16xf32>
        %add3A_868 = arith.addf %get3A_14, %mul3A_867 : vector<16xf32>
        %mul3A_869 = arith.constant 16 : i32
        %mul3A_870 = arith.muli %scan3A_132, %mul3A_869 : i32
        %add3A_871 = arith.constant 7 : i32
        %add3A_872 = arith.addi %mul3A_870, %add3A_871 : i32
        %swap3A_873 = arith.index_cast %add3A_872 : i32 to index
        %swap3A_874 = arith.constant 48 : index
        %swap3A_875 = tpu.vector_load %arg7[%swap3A_873, %swap3A_874] {strides = array<i32>} : memref<400x128xf32, #tpu.memory_space<vmem>>, vector<1x16xf32>,
        %swap3A_876 = vector.shape_cast %swap3A_875 : vector<1x16xf32> to vector<16xf32>
        %swap3A_877 = vector.shape_cast %add3A_868 : vector<16xf32> to vector<1x16xf32>
        tpu.vector_store %arg7[%swap3A_873, %swap3A_874], %swap3A_877 {strides = array<i32>} : memref<400x128xf32, #tpu.memory_space<vmem>>, vector<1x16xf32>,
        %mul3A_878 = vector.broadcast %squeeze3A_829 : f32 to vector<16xf32>
        %mul3A_879 = arith.mulf %mul3A_878, %sub3A_45 : vector<16xf32>
        %add3A_880 = arith.addf %get3A_17, %mul3A_879 : vector<16xf32>
        %mul3A_881 = arith.constant 16 : i32
        %mul3A_882 = arith.muli %scan3A_132, %mul3A_881 : i32
        %add3A_883 = arith.constant 7 : i32
        %add3A_884 = arith.addi %mul3A_882, %add3A_883 : i32
        %swap3A_885 = arith.index_cast %add3A_884 : i32 to index
        %swap3A_886 = arith.constant 64 : index
        %swap3A_887 = tpu.vector_load %arg7[%swap3A_885, %swap3A_886] {strides = array<i32>} : memref<400x128xf32, #tpu.memory_space<vmem>>, vector<1x16xf32>,
        %swap3A_888 = vector.shape_cast %swap3A_887 : vector<1x16xf32> to vector<16xf32>
        %swap3A_889 = vector.shape_cast %add3A_880 : vector<16xf32> to vector<1x16xf32>
        tpu.vector_store %arg7[%swap3A_885, %swap3A_886], %swap3A_889 {strides = array<i32>} : memref<400x128xf32, #tpu.memory_space<vmem>>, vector<1x16xf32>,
        %mul3A_890 = vector.broadcast %squeeze3A_829 : f32 to vector<16xf32>
        %mul3A_891 = arith.mulf %mul3A_890, %sub3A_49 : vector<16xf32>
        %add3A_892 = arith.addf %get3A_20, %mul3A_891 : vector<16xf32>
        %mul3A_893 = arith.constant 16 : i32
        %mul3A_894 = arith.muli %scan3A_132, %mul3A_893 : i32
        %add3A_895 = arith.constant 7 : i32
        %add3A_896 = arith.addi %mul3A_894, %add3A_895 : i32
        %swap3A_897 = arith.index_cast %add3A_896 : i32 to index
        %swap3A_898 = arith.constant 80 : index
        %swap3A_899 = tpu.vector_load %arg7[%swap3A_897, %swap3A_898] {strides = array<i32>} : memref<400x128xf32, #tpu.memory_space<vmem>>, vector<1x16xf32>,
        %swap3A_900 = vector.shape_cast %swap3A_899 : vector<1x16xf32> to vector<16xf32>
        %swap3A_901 = vector.shape_cast %add3A_892 : vector<16xf32> to vector<1x16xf32>
        tpu.vector_store %arg7[%swap3A_897, %swap3A_898], %swap3A_901 {strides = array<i32>} : memref<400x128xf32, #tpu.memory_space<vmem>>, vector<1x16xf32>,
        %mul3A_902 = vector.broadcast %squeeze3A_829 : f32 to vector<16xf32>
        %mul3A_903 = arith.mulf %mul3A_902, %sub3A_53 : vector<16xf32>
        %add3A_904 = arith.addf %get3A_23, %mul3A_903 : vector<16xf32>
        %mul3A_905 = arith.constant 16 : i32
        %mul3A_906 = arith.muli %scan3A_132, %mul3A_905 : i32
        %add3A_907 = arith.constant 7 : i32
        %add3A_908 = arith.addi %mul3A_906, %add3A_907 : i32
        %swap3A_909 = arith.index_cast %add3A_908 : i32 to index
        %swap3A_910 = arith.constant 96 : index
        %swap3A_911 = tpu.vector_load %arg7[%swap3A_909, %swap3A_910] {strides = array<i32>} : memref<400x128xf32, #tpu.memory_space<vmem>>, vector<1x16xf32>,
        %swap3A_912 = vector.shape_cast %swap3A_911 : vector<1x16xf32> to vector<16xf32>
        %swap3A_913 = vector.shape_cast %add3A_904 : vector<16xf32> to vector<1x16xf32>
        tpu.vector_store %arg7[%swap3A_909, %swap3A_910], %swap3A_913 {strides = array<i32>} : memref<400x128xf32, #tpu.memory_space<vmem>>, vector<1x16xf32>,
        %mul3A_914 = vector.broadcast %squeeze3A_829 : f32 to vector<16xf32>
        %mul3A_915 = arith.mulf %mul3A_914, %sub3A_57 : vector<16xf32>
        %add3A_916 = arith.addf %get3A_26, %mul3A_915 : vector<16xf32>
        %mul3A_917 = arith.constant 16 : i32
        %mul3A_918 = arith.muli %scan3A_132, %mul3A_917 : i32
        %add3A_919 = arith.constant 7 : i32
        %add3A_920 = arith.addi %mul3A_918, %add3A_919 : i32
        %swap3A_921 = arith.index_cast %add3A_920 : i32 to index
        %swap3A_922 = arith.constant 112 : index
        %swap3A_923 = tpu.vector_load %arg7[%swap3A_921, %swap3A_922] {strides = array<i32>} : memref<400x128xf32, #tpu.memory_space<vmem>>, vector<1x16xf32>,
        %swap3A_924 = vector.shape_cast %swap3A_923 : vector<1x16xf32> to vector<16xf32>
        %swap3A_925 = vector.shape_cast %add3A_916 : vector<16xf32> to vector<1x16xf32>
        tpu.vector_store %arg7[%swap3A_921, %swap3A_922], %swap3A_925 {strides = array<i32>} : memref<400x128xf32, #tpu.memory_space<vmem>>, vector<1x16xf32>,
        %slice3A_926 = vector.extract_strided_slice %mul3A_144 {offsets = [8], sizes = [1], strides = [1]} : vector<16xf32> to vector<1xf32>
        %squeeze3A_927 = vector.extract %slice3A_926[0] : f32 from vector<1xf32>
        %mul3A_928 = vector.broadcast %squeeze3A_927 : f32 to vector<16xf32>
        %mul3A_929 = arith.mulf %mul3A_928, %sub3A : vector<16xf32>
        %add3A_930 = arith.addf %get3A_5, %mul3A_929 : vector<16xf32>
        %mul3A_931 = arith.constant 16 : i32
        %mul3A_932 = arith.muli %scan3A_132, %mul3A_931 : i32
        %add3A_933 = arith.constant 8 : i32
        %add3A_934 = arith.addi %mul3A_932, %add3A_933 : i32
        %swap3A_935 = arith.index_cast %add3A_934 : i32 to index
        %swap3A_936 = arith.constant 0 : index
        %swap3A_937 = tpu.vector_load %arg7[%swap3A_935, %swap3A_936] {strides = array<i32>} : memref<400x128xf32, #tpu.memory_space<vmem>>, vector<1x16xf32>,
        %swap3A_938 = vector.shape_cast %swap3A_937 : vector<1x16xf32> to vector<16xf32>
        %swap3A_939 = vector.shape_cast %add3A_930 : vector<16xf32> to vector<1x16xf32>
        tpu.vector_store %arg7[%swap3A_935, %swap3A_936], %swap3A_939 {strides = array<i32>} : memref<400x128xf32, #tpu.memory_space<vmem>>, vector<1x16xf32>,
        %mul3A_940 = vector.broadcast %squeeze3A_927 : f32 to vector<16xf32>
        %mul3A_941 = arith.mulf %mul3A_940, %sub3A_33 : vector<16xf32>
        %add3A_942 = arith.addf %get3A_8, %mul3A_941 : vector<16xf32>
        %mul3A_943 = arith.constant 16 : i32
        %mul3A_944 = arith.muli %scan3A_132, %mul3A_943 : i32
        %add3A_945 = arith.constant 8 : i32
        %add3A_946 = arith.addi %mul3A_944, %add3A_945 : i32
        %swap3A_947 = arith.index_cast %add3A_946 : i32 to index
        %swap3A_948 = arith.constant 16 : index
        %swap3A_949 = tpu.vector_load %arg7[%swap3A_947, %swap3A_948] {strides = array<i32>} : memref<400x128xf32, #tpu.memory_space<vmem>>, vector<1x16xf32>,
        %swap3A_950 = vector.shape_cast %swap3A_949 : vector<1x16xf32> to vector<16xf32>
        %swap3A_951 = vector.shape_cast %add3A_942 : vector<16xf32> to vector<1x16xf32>
        tpu.vector_store %arg7[%swap3A_947, %swap3A_948], %swap3A_951 {strides = array<i32>} : memref<400x128xf32, #tpu.memory_space<vmem>>, vector<1x16xf32>,
        %mul3A_952 = vector.broadcast %squeeze3A_927 : f32 to vector<16xf32>
        %mul3A_953 = arith.mulf %mul3A_952, %sub3A_37 : vector<16xf32>
        %add3A_954 = arith.addf %get3A_11, %mul3A_953 : vector<16xf32>
        %mul3A_955 = arith.constant 16 : i32
        %mul3A_956 = arith.muli %scan3A_132, %mul3A_955 : i32
        %add3A_957 = arith.constant 8 : i32
        %add3A_958 = arith.addi %mul3A_956, %add3A_957 : i32
        %swap3A_959 = arith.index_cast %add3A_958 : i32 to index
        %swap3A_960 = arith.constant 32 : index
        %swap3A_961 = tpu.vector_load %arg7[%swap3A_959, %swap3A_960] {strides = array<i32>} : memref<400x128xf32, #tpu.memory_space<vmem>>, vector<1x16xf32>,
        %swap3A_962 = vector.shape_cast %swap3A_961 : vector<1x16xf32> to vector<16xf32>
        %swap3A_963 = vector.shape_cast %add3A_954 : vector<16xf32> to vector<1x16xf32>
        tpu.vector_store %arg7[%swap3A_959, %swap3A_960], %swap3A_963 {strides = array<i32>} : memref<400x128xf32, #tpu.memory_space<vmem>>, vector<1x16xf32>,
        %mul3A_964 = vector.broadcast %squeeze3A_927 : f32 to vector<16xf32>
        %mul3A_965 = arith.mulf %mul3A_964, %sub3A_41 : vector<16xf32>
        %add3A_966 = arith.addf %get3A_14, %mul3A_965 : vector<16xf32>
        %mul3A_967 = arith.constant 16 : i32
        %mul3A_968 = arith.muli %scan3A_132, %mul3A_967 : i32
        %add3A_969 = arith.constant 8 : i32
        %add3A_970 = arith.addi %mul3A_968, %add3A_969 : i32
        %swap3A_971 = arith.index_cast %add3A_970 : i32 to index
        %swap3A_972 = arith.constant 48 : index
        %swap3A_973 = tpu.vector_load %arg7[%swap3A_971, %swap3A_972] {strides = array<i32>} : memref<400x128xf32, #tpu.memory_space<vmem>>, vector<1x16xf32>,
        %swap3A_974 = vector.shape_cast %swap3A_973 : vector<1x16xf32> to vector<16xf32>
        %swap3A_975 = vector.shape_cast %add3A_966 : vector<16xf32> to vector<1x16xf32>
        tpu.vector_store %arg7[%swap3A_971, %swap3A_972], %swap3A_975 {strides = array<i32>} : memref<400x128xf32, #tpu.memory_space<vmem>>, vector<1x16xf32>,
        %mul3A_976 = vector.broadcast %squeeze3A_927 : f32 to vector<16xf32>
        %mul3A_977 = arith.mulf %mul3A_976, %sub3A_45 : vector<16xf32>
        %add3A_978 = arith.addf %get3A_17, %mul3A_977 : vector<16xf32>
        %mul3A_979 = arith.constant 16 : i32
        %mul3A_980 = arith.muli %scan3A_132, %mul3A_979 : i32
        %add3A_981 = arith.constant 8 : i32
        %add3A_982 = arith.addi %mul3A_980, %add3A_981 : i32
        %swap3A_983 = arith.index_cast %add3A_982 : i32 to index
        %swap3A_984 = arith.constant 64 : index
        %swap3A_985 = tpu.vector_load %arg7[%swap3A_983, %swap3A_984] {strides = array<i32>} : memref<400x128xf32, #tpu.memory_space<vmem>>, vector<1x16xf32>,
        %swap3A_986 = vector.shape_cast %swap3A_985 : vector<1x16xf32> to vector<16xf32>
        %swap3A_987 = vector.shape_cast %add3A_978 : vector<16xf32> to vector<1x16xf32>
        tpu.vector_store %arg7[%swap3A_983, %swap3A_984], %swap3A_987 {strides = array<i32>} : memref<400x128xf32, #tpu.memory_space<vmem>>, vector<1x16xf32>,
        %mul3A_988 = vector.broadcast %squeeze3A_927 : f32 to vector<16xf32>
        %mul3A_989 = arith.mulf %mul3A_988, %sub3A_49 : vector<16xf32>
        %add3A_990 = arith.addf %get3A_20, %mul3A_989 : vector<16xf32>
        %mul3A_991 = arith.constant 16 : i32
        %mul3A_992 = arith.muli %scan3A_132, %mul3A_991 : i32
        %add3A_993 = arith.constant 8 : i32
        %add3A_994 = arith.addi %mul3A_992, %add3A_993 : i32
        %swap3A_995 = arith.index_cast %add3A_994 : i32 to index
        %swap3A_996 = arith.constant 80 : index
        %swap3A_997 = tpu.vector_load %arg7[%swap3A_995, %swap3A_996] {strides = array<i32>} : memref<400x128xf32, #tpu.memory_space<vmem>>, vector<1x16xf32>,
        %swap3A_998 = vector.shape_cast %swap3A_997 : vector<1x16xf32> to vector<16xf32>
        %swap3A_999 = vector.shape_cast %add3A_990 : vector<16xf32> to vector<1x16xf32>
        tpu.vector_store %arg7[%swap3A_995, %swap3A_996], %swap3A_999 {strides = array<i32>} : memref<400x128xf32, #tpu.memory_space<vmem>>, vector<1x16xf32>,
        %mul3A_1000 = vector.broadcast %squeeze3A_927 : f32 to vector<16xf32>
        %mul3A_1001 = arith.mulf %mul3A_1000, %sub3A_53 : vector<16xf32>
        %add3A_1002 = arith.addf %get3A_23, %mul3A_1001 : vector<16xf32>
        %mul3A_1003 = arith.constant 16 : i32
        %mul3A_1004 = arith.muli %scan3A_132, %mul3A_1003 : i32
        %add3A_1005 = arith.constant 8 : i32
        %add3A_1006 = arith.addi %mul3A_1004, %add3A_1005 : i32
        %swap3A_1007 = arith.index_cast %add3A_1006 : i32 to index
        %swap3A_1008 = arith.constant 96 : index
        %swap3A_1009 = tpu.vector_load %arg7[%swap3A_1007, %swap3A_1008] {strides = array<i32>} : memref<400x128xf32, #tpu.memory_space<vmem>>, vector<1x16xf32>,
        %swap3A_1010 = vector.shape_cast %swap3A_1009 : vector<1x16xf32> to vector<16xf32>
        %swap3A_1011 = vector.shape_cast %add3A_1002 : vector<16xf32> to vector<1x16xf32>
        tpu.vector_store %arg7[%swap3A_1007, %swap3A_1008], %swap3A_1011 {strides = array<i32>} : memref<400x128xf32, #tpu.memory_space<vmem>>, vector<1x16xf32>,
        %mul3A_1012 = vector.broadcast %squeeze3A_927 : f32 to vector<16xf32>
        %mul3A_1013 = arith.mulf %mul3A_1012, %sub3A_57 : vector<16xf32>
        %add3A_1014 = arith.addf %get3A_26, %mul3A_1013 : vector<16xf32>
        %mul3A_1015 = arith.constant 16 : i32
        %mul3A_1016 = arith.muli %scan3A_132, %mul3A_1015 : i32
        %add3A_1017 = arith.constant 8 : i32
        %add3A_1018 = arith.addi %mul3A_1016, %add3A_1017 : i32
        %swap3A_1019 = arith.index_cast %add3A_1018 : i32 to index
        %swap3A_1020 = arith.constant 112 : index
        %swap3A_1021 = tpu.vector_load %arg7[%swap3A_1019, %swap3A_1020] {strides = array<i32>} : memref<400x128xf32, #tpu.memory_space<vmem>>, vector<1x16xf32>,
        %swap3A_1022 = vector.shape_cast %swap3A_1021 : vector<1x16xf32> to vector<16xf32>
        %swap3A_1023 = vector.shape_cast %add3A_1014 : vector<16xf32> to vector<1x16xf32>
        tpu.vector_store %arg7[%swap3A_1019, %swap3A_1020], %swap3A_1023 {strides = array<i32>} : memref<400x128xf32, #tpu.memory_space<vmem>>, vector<1x16xf32>,
        %slice3A_1024 = vector.extract_strided_slice %mul3A_144 {offsets = [9], sizes = [1], strides = [1]} : vector<16xf32> to vector<1xf32>
        %squeeze3A_1025 = vector.extract %slice3A_1024[0] : f32 from vector<1xf32>
        %mul3A_1026 = vector.broadcast %squeeze3A_1025 : f32 to vector<16xf32>
        %mul3A_1027 = arith.mulf %mul3A_1026, %sub3A : vector<16xf32>
        %add3A_1028 = arith.addf %get3A_5, %mul3A_1027 : vector<16xf32>
        %mul3A_1029 = arith.constant 16 : i32
        %mul3A_1030 = arith.muli %scan3A_132, %mul3A_1029 : i32
        %add3A_1031 = arith.constant 9 : i32
        %add3A_1032 = arith.addi %mul3A_1030, %add3A_1031 : i32
        %swap3A_1033 = arith.index_cast %add3A_1032 : i32 to index
        %swap3A_1034 = arith.constant 0 : index
        %swap3A_1035 = tpu.vector_load %arg7[%swap3A_1033, %swap3A_1034] {strides = array<i32>} : memref<400x128xf32, #tpu.memory_space<vmem>>, vector<1x16xf32>,
        %swap3A_1036 = vector.shape_cast %swap3A_1035 : vector<1x16xf32> to vector<16xf32>
        %swap3A_1037 = vector.shape_cast %add3A_1028 : vector<16xf32> to vector<1x16xf32>
        tpu.vector_store %arg7[%swap3A_1033, %swap3A_1034], %swap3A_1037 {strides = array<i32>} : memref<400x128xf32, #tpu.memory_space<vmem>>, vector<1x16xf32>,
        %mul3A_1038 = vector.broadcast %squeeze3A_1025 : f32 to vector<16xf32>
        %mul3A_1039 = arith.mulf %mul3A_1038, %sub3A_33 : vector<16xf32>
        %add3A_1040 = arith.addf %get3A_8, %mul3A_1039 : vector<16xf32>
        %mul3A_1041 = arith.constant 16 : i32
        %mul3A_1042 = arith.muli %scan3A_132, %mul3A_1041 : i32
        %add3A_1043 = arith.constant 9 : i32
        %add3A_1044 = arith.addi %mul3A_1042, %add3A_1043 : i32
        %swap3A_1045 = arith.index_cast %add3A_1044 : i32 to index
        %swap3A_1046 = arith.constant 16 : index
        %swap3A_1047 = tpu.vector_load %arg7[%swap3A_1045, %swap3A_1046] {strides = array<i32>} : memref<400x128xf32, #tpu.memory_space<vmem>>, vector<1x16xf32>,
        %swap3A_1048 = vector.shape_cast %swap3A_1047 : vector<1x16xf32> to vector<16xf32>
        %swap3A_1049 = vector.shape_cast %add3A_1040 : vector<16xf32> to vector<1x16xf32>
        tpu.vector_store %arg7[%swap3A_1045, %swap3A_1046], %swap3A_1049 {strides = array<i32>} : memref<400x128xf32, #tpu.memory_space<vmem>>, vector<1x16xf32>,
        %mul3A_1050 = vector.broadcast %squeeze3A_1025 : f32 to vector<16xf32>
        %mul3A_1051 = arith.mulf %mul3A_1050, %sub3A_37 : vector<16xf32>
        %add3A_1052 = arith.addf %get3A_11, %mul3A_1051 : vector<16xf32>
        %mul3A_1053 = arith.constant 16 : i32
        %mul3A_1054 = arith.muli %scan3A_132, %mul3A_1053 : i32
        %add3A_1055 = arith.constant 9 : i32
        %add3A_1056 = arith.addi %mul3A_1054, %add3A_1055 : i32
        %swap3A_1057 = arith.index_cast %add3A_1056 : i32 to index
        %swap3A_1058 = arith.constant 32 : index
        %swap3A_1059 = tpu.vector_load %arg7[%swap3A_1057, %swap3A_1058] {strides = array<i32>} : memref<400x128xf32, #tpu.memory_space<vmem>>, vector<1x16xf32>,
        %swap3A_1060 = vector.shape_cast %swap3A_1059 : vector<1x16xf32> to vector<16xf32>
        %swap3A_1061 = vector.shape_cast %add3A_1052 : vector<16xf32> to vector<1x16xf32>
        tpu.vector_store %arg7[%swap3A_1057, %swap3A_1058], %swap3A_1061 {strides = array<i32>} : memref<400x128xf32, #tpu.memory_space<vmem>>, vector<1x16xf32>,
        %mul3A_1062 = vector.broadcast %squeeze3A_1025 : f32 to vector<16xf32>
        %mul3A_1063 = arith.mulf %mul3A_1062, %sub3A_41 : vector<16xf32>
        %add3A_1064 = arith.addf %get3A_14, %mul3A_1063 : vector<16xf32>
        %mul3A_1065 = arith.constant 16 : i32
        %mul3A_1066 = arith.muli %scan3A_132, %mul3A_1065 : i32
        %add3A_1067 = arith.constant 9 : i32
        %add3A_1068 = arith.addi %mul3A_1066, %add3A_1067 : i32
        %swap3A_1069 = arith.index_cast %add3A_1068 : i32 to index
        %swap3A_1070 = arith.constant 48 : index
        %swap3A_1071 = tpu.vector_load %arg7[%swap3A_1069, %swap3A_1070] {strides = array<i32>} : memref<400x128xf32, #tpu.memory_space<vmem>>, vector<1x16xf32>,
        %swap3A_1072 = vector.shape_cast %swap3A_1071 : vector<1x16xf32> to vector<16xf32>
        %swap3A_1073 = vector.shape_cast %add3A_1064 : vector<16xf32> to vector<1x16xf32>
        tpu.vector_store %arg7[%swap3A_1069, %swap3A_1070], %swap3A_1073 {strides = array<i32>} : memref<400x128xf32, #tpu.memory_space<vmem>>, vector<1x16xf32>,
        %mul3A_1074 = vector.broadcast %squeeze3A_1025 : f32 to vector<16xf32>
        %mul3A_1075 = arith.mulf %mul3A_1074, %sub3A_45 : vector<16xf32>
        %add3A_1076 = arith.addf %get3A_17, %mul3A_1075 : vector<16xf32>
        %mul3A_1077 = arith.constant 16 : i32
        %mul3A_1078 = arith.muli %scan3A_132, %mul3A_1077 : i32
        %add3A_1079 = arith.constant 9 : i32
        %add3A_1080 = arith.addi %mul3A_1078, %add3A_1079 : i32
        %swap3A_1081 = arith.index_cast %add3A_1080 : i32 to index
        %swap3A_1082 = arith.constant 64 : index
        %swap3A_1083 = tpu.vector_load %arg7[%swap3A_1081, %swap3A_1082] {strides = array<i32>} : memref<400x128xf32, #tpu.memory_space<vmem>>, vector<1x16xf32>,
        %swap3A_1084 = vector.shape_cast %swap3A_1083 : vector<1x16xf32> to vector<16xf32>
        %swap3A_1085 = vector.shape_cast %add3A_1076 : vector<16xf32> to vector<1x16xf32>
        tpu.vector_store %arg7[%swap3A_1081, %swap3A_1082], %swap3A_1085 {strides = array<i32>} : memref<400x128xf32, #tpu.memory_space<vmem>>, vector<1x16xf32>,
        %mul3A_1086 = vector.broadcast %squeeze3A_1025 : f32 to vector<16xf32>
        %mul3A_1087 = arith.mulf %mul3A_1086, %sub3A_49 : vector<16xf32>
        %add3A_1088 = arith.addf %get3A_20, %mul3A_1087 : vector<16xf32>
        %mul3A_1089 = arith.constant 16 : i32
        %mul3A_1090 = arith.muli %scan3A_132, %mul3A_1089 : i32
        %add3A_1091 = arith.constant 9 : i32
        %add3A_1092 = arith.addi %mul3A_1090, %add3A_1091 : i32
        %swap3A_1093 = arith.index_cast %add3A_1092 : i32 to index
        %swap3A_1094 = arith.constant 80 : index
        %swap3A_1095 = tpu.vector_load %arg7[%swap3A_1093, %swap3A_1094] {strides = array<i32>} : memref<400x128xf32, #tpu.memory_space<vmem>>, vector<1x16xf32>,
        %swap3A_1096 = vector.shape_cast %swap3A_1095 : vector<1x16xf32> to vector<16xf32>
        %swap3A_1097 = vector.shape_cast %add3A_1088 : vector<16xf32> to vector<1x16xf32>
        tpu.vector_store %arg7[%swap3A_1093, %swap3A_1094], %swap3A_1097 {strides = array<i32>} : memref<400x128xf32, #tpu.memory_space<vmem>>, vector<1x16xf32>,
        %mul3A_1098 = vector.broadcast %squeeze3A_1025 : f32 to vector<16xf32>
        %mul3A_1099 = arith.mulf %mul3A_1098, %sub3A_53 : vector<16xf32>
        %add3A_1100 = arith.addf %get3A_23, %mul3A_1099 : vector<16xf32>
        %mul3A_1101 = arith.constant 16 : i32
        %mul3A_1102 = arith.muli %scan3A_132, %mul3A_1101 : i32
        %add3A_1103 = arith.constant 9 : i32
        %add3A_1104 = arith.addi %mul3A_1102, %add3A_1103 : i32
        %swap3A_1105 = arith.index_cast %add3A_1104 : i32 to index
        %swap3A_1106 = arith.constant 96 : index
        %swap3A_1107 = tpu.vector_load %arg7[%swap3A_1105, %swap3A_1106] {strides = array<i32>} : memref<400x128xf32, #tpu.memory_space<vmem>>, vector<1x16xf32>,
        %swap3A_1108 = vector.shape_cast %swap3A_1107 : vector<1x16xf32> to vector<16xf32>
        %swap3A_1109 = vector.shape_cast %add3A_1100 : vector<16xf32> to vector<1x16xf32>
        tpu.vector_store %arg7[%swap3A_1105, %swap3A_1106], %swap3A_1109 {strides = array<i32>} : memref<400x128xf32, #tpu.memory_space<vmem>>, vector<1x16xf32>,
        %mul3A_1110 = vector.broadcast %squeeze3A_1025 : f32 to vector<16xf32>
        %mul3A_1111 = arith.mulf %mul3A_1110, %sub3A_57 : vector<16xf32>
        %add3A_1112 = arith.addf %get3A_26, %mul3A_1111 : vector<16xf32>
        %mul3A_1113 = arith.constant 16 : i32
        %mul3A_1114 = arith.muli %scan3A_132, %mul3A_1113 : i32
        %add3A_1115 = arith.constant 9 : i32
        %add3A_1116 = arith.addi %mul3A_1114, %add3A_1115 : i32
        %swap3A_1117 = arith.index_cast %add3A_1116 : i32 to index
        %swap3A_1118 = arith.constant 112 : index
        %swap3A_1119 = tpu.vector_load %arg7[%swap3A_1117, %swap3A_1118] {strides = array<i32>} : memref<400x128xf32, #tpu.memory_space<vmem>>, vector<1x16xf32>,
        %swap3A_1120 = vector.shape_cast %swap3A_1119 : vector<1x16xf32> to vector<16xf32>
        %swap3A_1121 = vector.shape_cast %add3A_1112 : vector<16xf32> to vector<1x16xf32>
        tpu.vector_store %arg7[%swap3A_1117, %swap3A_1118], %swap3A_1121 {strides = array<i32>} : memref<400x128xf32, #tpu.memory_space<vmem>>, vector<1x16xf32>,
        %slice3A_1122 = vector.extract_strided_slice %mul3A_144 {offsets = [10], sizes = [1], strides = [1]} : vector<16xf32> to vector<1xf32>
        %squeeze3A_1123 = vector.extract %slice3A_1122[0] : f32 from vector<1xf32>
        %mul3A_1124 = vector.broadcast %squeeze3A_1123 : f32 to vector<16xf32>
        %mul3A_1125 = arith.mulf %mul3A_1124, %sub3A : vector<16xf32>
        %add3A_1126 = arith.addf %get3A_5, %mul3A_1125 : vector<16xf32>
        %mul3A_1127 = arith.constant 16 : i32
        %mul3A_1128 = arith.muli %scan3A_132, %mul3A_1127 : i32
        %add3A_1129 = arith.constant 10 : i32
        %add3A_1130 = arith.addi %mul3A_1128, %add3A_1129 : i32
        %swap3A_1131 = arith.index_cast %add3A_1130 : i32 to index
        %swap3A_1132 = arith.constant 0 : index
        %swap3A_1133 = tpu.vector_load %arg7[%swap3A_1131, %swap3A_1132] {strides = array<i32>} : memref<400x128xf32, #tpu.memory_space<vmem>>, vector<1x16xf32>,
        %swap3A_1134 = vector.shape_cast %swap3A_1133 : vector<1x16xf32> to vector<16xf32>
        %swap3A_1135 = vector.shape_cast %add3A_1126 : vector<16xf32> to vector<1x16xf32>
        tpu.vector_store %arg7[%swap3A_1131, %swap3A_1132], %swap3A_1135 {strides = array<i32>} : memref<400x128xf32, #tpu.memory_space<vmem>>, vector<1x16xf32>,
        %mul3A_1136 = vector.broadcast %squeeze3A_1123 : f32 to vector<16xf32>
        %mul3A_1137 = arith.mulf %mul3A_1136, %sub3A_33 : vector<16xf32>
        %add3A_1138 = arith.addf %get3A_8, %mul3A_1137 : vector<16xf32>
        %mul3A_1139 = arith.constant 16 : i32
        %mul3A_1140 = arith.muli %scan3A_132, %mul3A_1139 : i32
        %add3A_1141 = arith.constant 10 : i32
        %add3A_1142 = arith.addi %mul3A_1140, %add3A_1141 : i32
        %swap3A_1143 = arith.index_cast %add3A_1142 : i32 to index
        %swap3A_1144 = arith.constant 16 : index
        %swap3A_1145 = tpu.vector_load %arg7[%swap3A_1143, %swap3A_1144] {strides = array<i32>} : memref<400x128xf32, #tpu.memory_space<vmem>>, vector<1x16xf32>,
        %swap3A_1146 = vector.shape_cast %swap3A_1145 : vector<1x16xf32> to vector<16xf32>
        %swap3A_1147 = vector.shape_cast %add3A_1138 : vector<16xf32> to vector<1x16xf32>
        tpu.vector_store %arg7[%swap3A_1143, %swap3A_1144], %swap3A_1147 {strides = array<i32>} : memref<400x128xf32, #tpu.memory_space<vmem>>, vector<1x16xf32>,
        %mul3A_1148 = vector.broadcast %squeeze3A_1123 : f32 to vector<16xf32>
        %mul3A_1149 = arith.mulf %mul3A_1148, %sub3A_37 : vector<16xf32>
        %add3A_1150 = arith.addf %get3A_11, %mul3A_1149 : vector<16xf32>
        %mul3A_1151 = arith.constant 16 : i32
        %mul3A_1152 = arith.muli %scan3A_132, %mul3A_1151 : i32
        %add3A_1153 = arith.constant 10 : i32
        %add3A_1154 = arith.addi %mul3A_1152, %add3A_1153 : i32
        %swap3A_1155 = arith.index_cast %add3A_1154 : i32 to index
        %swap3A_1156 = arith.constant 32 : index
        %swap3A_1157 = tpu.vector_load %arg7[%swap3A_1155, %swap3A_1156] {strides = array<i32>} : memref<400x128xf32, #tpu.memory_space<vmem>>, vector<1x16xf32>,
        %swap3A_1158 = vector.shape_cast %swap3A_1157 : vector<1x16xf32> to vector<16xf32>
        %swap3A_1159 = vector.shape_cast %add3A_1150 : vector<16xf32> to vector<1x16xf32>
        tpu.vector_store %arg7[%swap3A_1155, %swap3A_1156], %swap3A_1159 {strides = array<i32>} : memref<400x128xf32, #tpu.memory_space<vmem>>, vector<1x16xf32>,
        %mul3A_1160 = vector.broadcast %squeeze3A_1123 : f32 to vector<16xf32>
        %mul3A_1161 = arith.mulf %mul3A_1160, %sub3A_41 : vector<16xf32>
        %add3A_1162 = arith.addf %get3A_14, %mul3A_1161 : vector<16xf32>
        %mul3A_1163 = arith.constant 16 : i32
        %mul3A_1164 = arith.muli %scan3A_132, %mul3A_1163 : i32
        %add3A_1165 = arith.constant 10 : i32
        %add3A_1166 = arith.addi %mul3A_1164, %add3A_1165 : i32
        %swap3A_1167 = arith.index_cast %add3A_1166 : i32 to index
        %swap3A_1168 = arith.constant 48 : index
        %swap3A_1169 = tpu.vector_load %arg7[%swap3A_1167, %swap3A_1168] {strides = array<i32>} : memref<400x128xf32, #tpu.memory_space<vmem>>, vector<1x16xf32>,
        %swap3A_1170 = vector.shape_cast %swap3A_1169 : vector<1x16xf32> to vector<16xf32>
        %swap3A_1171 = vector.shape_cast %add3A_1162 : vector<16xf32> to vector<1x16xf32>
        tpu.vector_store %arg7[%swap3A_1167, %swap3A_1168], %swap3A_1171 {strides = array<i32>} : memref<400x128xf32, #tpu.memory_space<vmem>>, vector<1x16xf32>,
        %mul3A_1172 = vector.broadcast %squeeze3A_1123 : f32 to vector<16xf32>
        %mul3A_1173 = arith.mulf %mul3A_1172, %sub3A_45 : vector<16xf32>
        %add3A_1174 = arith.addf %get3A_17, %mul3A_1173 : vector<16xf32>
        %mul3A_1175 = arith.constant 16 : i32
        %mul3A_1176 = arith.muli %scan3A_132, %mul3A_1175 : i32
        %add3A_1177 = arith.constant 10 : i32
        %add3A_1178 = arith.addi %mul3A_1176, %add3A_1177 : i32
        %swap3A_1179 = arith.index_cast %add3A_1178 : i32 to index
        %swap3A_1180 = arith.constant 64 : index
        %swap3A_1181 = tpu.vector_load %arg7[%swap3A_1179, %swap3A_1180] {strides = array<i32>} : memref<400x128xf32, #tpu.memory_space<vmem>>, vector<1x16xf32>,
        %swap3A_1182 = vector.shape_cast %swap3A_1181 : vector<1x16xf32> to vector<16xf32>
        %swap3A_1183 = vector.shape_cast %add3A_1174 : vector<16xf32> to vector<1x16xf32>
        tpu.vector_store %arg7[%swap3A_1179, %swap3A_1180], %swap3A_1183 {strides = array<i32>} : memref<400x128xf32, #tpu.memory_space<vmem>>, vector<1x16xf32>,
        %mul3A_1184 = vector.broadcast %squeeze3A_1123 : f32 to vector<16xf32>
        %mul3A_1185 = arith.mulf %mul3A_1184, %sub3A_49 : vector<16xf32>
        %add3A_1186 = arith.addf %get3A_20, %mul3A_1185 : vector<16xf32>
        %mul3A_1187 = arith.constant 16 : i32
        %mul3A_1188 = arith.muli %scan3A_132, %mul3A_1187 : i32
        %add3A_1189 = arith.constant 10 : i32
        %add3A_1190 = arith.addi %mul3A_1188, %add3A_1189 : i32
        %swap3A_1191 = arith.index_cast %add3A_1190 : i32 to index
        %swap3A_1192 = arith.constant 80 : index
        %swap3A_1193 = tpu.vector_load %arg7[%swap3A_1191, %swap3A_1192] {strides = array<i32>} : memref<400x128xf32, #tpu.memory_space<vmem>>, vector<1x16xf32>,
        %swap3A_1194 = vector.shape_cast %swap3A_1193 : vector<1x16xf32> to vector<16xf32>
        %swap3A_1195 = vector.shape_cast %add3A_1186 : vector<16xf32> to vector<1x16xf32>
        tpu.vector_store %arg7[%swap3A_1191, %swap3A_1192], %swap3A_1195 {strides = array<i32>} : memref<400x128xf32, #tpu.memory_space<vmem>>, vector<1x16xf32>,
        %mul3A_1196 = vector.broadcast %squeeze3A_1123 : f32 to vector<16xf32>
        %mul3A_1197 = arith.mulf %mul3A_1196, %sub3A_53 : vector<16xf32>
        %add3A_1198 = arith.addf %get3A_23, %mul3A_1197 : vector<16xf32>
        %mul3A_1199 = arith.constant 16 : i32
        %mul3A_1200 = arith.muli %scan3A_132, %mul3A_1199 : i32
        %add3A_1201 = arith.constant 10 : i32
        %add3A_1202 = arith.addi %mul3A_1200, %add3A_1201 : i32
        %swap3A_1203 = arith.index_cast %add3A_1202 : i32 to index
        %swap3A_1204 = arith.constant 96 : index
        %swap3A_1205 = tpu.vector_load %arg7[%swap3A_1203, %swap3A_1204] {strides = array<i32>} : memref<400x128xf32, #tpu.memory_space<vmem>>, vector<1x16xf32>,
        %swap3A_1206 = vector.shape_cast %swap3A_1205 : vector<1x16xf32> to vector<16xf32>
        %swap3A_1207 = vector.shape_cast %add3A_1198 : vector<16xf32> to vector<1x16xf32>
        tpu.vector_store %arg7[%swap3A_1203, %swap3A_1204], %swap3A_1207 {strides = array<i32>} : memref<400x128xf32, #tpu.memory_space<vmem>>, vector<1x16xf32>,
        %mul3A_1208 = vector.broadcast %squeeze3A_1123 : f32 to vector<16xf32>
        %mul3A_1209 = arith.mulf %mul3A_1208, %sub3A_57 : vector<16xf32>
        %add3A_1210 = arith.addf %get3A_26, %mul3A_1209 : vector<16xf32>
        %mul3A_1211 = arith.constant 16 : i32
        %mul3A_1212 = arith.muli %scan3A_132, %mul3A_1211 : i32
        %add3A_1213 = arith.constant 10 : i32
        %add3A_1214 = arith.addi %mul3A_1212, %add3A_1213 : i32
        %swap3A_1215 = arith.index_cast %add3A_1214 : i32 to index
        %swap3A_1216 = arith.constant 112 : index
        %swap3A_1217 = tpu.vector_load %arg7[%swap3A_1215, %swap3A_1216] {strides = array<i32>} : memref<400x128xf32, #tpu.memory_space<vmem>>, vector<1x16xf32>,
        %swap3A_1218 = vector.shape_cast %swap3A_1217 : vector<1x16xf32> to vector<16xf32>
        %swap3A_1219 = vector.shape_cast %add3A_1210 : vector<16xf32> to vector<1x16xf32>
        tpu.vector_store %arg7[%swap3A_1215, %swap3A_1216], %swap3A_1219 {strides = array<i32>} : memref<400x128xf32, #tpu.memory_space<vmem>>, vector<1x16xf32>,
        %slice3A_1220 = vector.extract_strided_slice %mul3A_144 {offsets = [11], sizes = [1], strides = [1]} : vector<16xf32> to vector<1xf32>
        %squeeze3A_1221 = vector.extract %slice3A_1220[0] : f32 from vector<1xf32>
        %mul3A_1222 = vector.broadcast %squeeze3A_1221 : f32 to vector<16xf32>
        %mul3A_1223 = arith.mulf %mul3A_1222, %sub3A : vector<16xf32>
        %add3A_1224 = arith.addf %get3A_5, %mul3A_1223 : vector<16xf32>
        %mul3A_1225 = arith.constant 16 : i32
        %mul3A_1226 = arith.muli %scan3A_132, %mul3A_1225 : i32
        %add3A_1227 = arith.constant 11 : i32
        %add3A_1228 = arith.addi %mul3A_1226, %add3A_1227 : i32
        %swap3A_1229 = arith.index_cast %add3A_1228 : i32 to index
        %swap3A_1230 = arith.constant 0 : index
        %swap3A_1231 = tpu.vector_load %arg7[%swap3A_1229, %swap3A_1230] {strides = array<i32>} : memref<400x128xf32, #tpu.memory_space<vmem>>, vector<1x16xf32>,
        %swap3A_1232 = vector.shape_cast %swap3A_1231 : vector<1x16xf32> to vector<16xf32>
        %swap3A_1233 = vector.shape_cast %add3A_1224 : vector<16xf32> to vector<1x16xf32>
        tpu.vector_store %arg7[%swap3A_1229, %swap3A_1230], %swap3A_1233 {strides = array<i32>} : memref<400x128xf32, #tpu.memory_space<vmem>>, vector<1x16xf32>,
        %mul3A_1234 = vector.broadcast %squeeze3A_1221 : f32 to vector<16xf32>
        %mul3A_1235 = arith.mulf %mul3A_1234, %sub3A_33 : vector<16xf32>
        %add3A_1236 = arith.addf %get3A_8, %mul3A_1235 : vector<16xf32>
        %mul3A_1237 = arith.constant 16 : i32
        %mul3A_1238 = arith.muli %scan3A_132, %mul3A_1237 : i32
        %add3A_1239 = arith.constant 11 : i32
        %add3A_1240 = arith.addi %mul3A_1238, %add3A_1239 : i32
        %swap3A_1241 = arith.index_cast %add3A_1240 : i32 to index
        %swap3A_1242 = arith.constant 16 : index
        %swap3A_1243 = tpu.vector_load %arg7[%swap3A_1241, %swap3A_1242] {strides = array<i32>} : memref<400x128xf32, #tpu.memory_space<vmem>>, vector<1x16xf32>,
        %swap3A_1244 = vector.shape_cast %swap3A_1243 : vector<1x16xf32> to vector<16xf32>
        %swap3A_1245 = vector.shape_cast %add3A_1236 : vector<16xf32> to vector<1x16xf32>
        tpu.vector_store %arg7[%swap3A_1241, %swap3A_1242], %swap3A_1245 {strides = array<i32>} : memref<400x128xf32, #tpu.memory_space<vmem>>, vector<1x16xf32>,
        %mul3A_1246 = vector.broadcast %squeeze3A_1221 : f32 to vector<16xf32>
        %mul3A_1247 = arith.mulf %mul3A_1246, %sub3A_37 : vector<16xf32>
        %add3A_1248 = arith.addf %get3A_11, %mul3A_1247 : vector<16xf32>
        %mul3A_1249 = arith.constant 16 : i32
        %mul3A_1250 = arith.muli %scan3A_132, %mul3A_1249 : i32
        %add3A_1251 = arith.constant 11 : i32
        %add3A_1252 = arith.addi %mul3A_1250, %add3A_1251 : i32
        %swap3A_1253 = arith.index_cast %add3A_1252 : i32 to index
        %swap3A_1254 = arith.constant 32 : index
        %swap3A_1255 = tpu.vector_load %arg7[%swap3A_1253, %swap3A_1254] {strides = array<i32>} : memref<400x128xf32, #tpu.memory_space<vmem>>, vector<1x16xf32>,
        %swap3A_1256 = vector.shape_cast %swap3A_1255 : vector<1x16xf32> to vector<16xf32>
        %swap3A_1257 = vector.shape_cast %add3A_1248 : vector<16xf32> to vector<1x16xf32>
        tpu.vector_store %arg7[%swap3A_1253, %swap3A_1254], %swap3A_1257 {strides = array<i32>} : memref<400x128xf32, #tpu.memory_space<vmem>>, vector<1x16xf32>,
        %mul3A_1258 = vector.broadcast %squeeze3A_1221 : f32 to vector<16xf32>
        %mul3A_1259 = arith.mulf %mul3A_1258, %sub3A_41 : vector<16xf32>
        %add3A_1260 = arith.addf %get3A_14, %mul3A_1259 : vector<16xf32>
        %mul3A_1261 = arith.constant 16 : i32
        %mul3A_1262 = arith.muli %scan3A_132, %mul3A_1261 : i32
        %add3A_1263 = arith.constant 11 : i32
        %add3A_1264 = arith.addi %mul3A_1262, %add3A_1263 : i32
        %swap3A_1265 = arith.index_cast %add3A_1264 : i32 to index
        %swap3A_1266 = arith.constant 48 : index
        %swap3A_1267 = tpu.vector_load %arg7[%swap3A_1265, %swap3A_1266] {strides = array<i32>} : memref<400x128xf32, #tpu.memory_space<vmem>>, vector<1x16xf32>,
        %swap3A_1268 = vector.shape_cast %swap3A_1267 : vector<1x16xf32> to vector<16xf32>
        %swap3A_1269 = vector.shape_cast %add3A_1260 : vector<16xf32> to vector<1x16xf32>
        tpu.vector_store %arg7[%swap3A_1265, %swap3A_1266], %swap3A_1269 {strides = array<i32>} : memref<400x128xf32, #tpu.memory_space<vmem>>, vector<1x16xf32>,
        %mul3A_1270 = vector.broadcast %squeeze3A_1221 : f32 to vector<16xf32>
        %mul3A_1271 = arith.mulf %mul3A_1270, %sub3A_45 : vector<16xf32>
        %add3A_1272 = arith.addf %get3A_17, %mul3A_1271 : vector<16xf32>
        %mul3A_1273 = arith.constant 16 : i32
        %mul3A_1274 = arith.muli %scan3A_132, %mul3A_1273 : i32
        %add3A_1275 = arith.constant 11 : i32
        %add3A_1276 = arith.addi %mul3A_1274, %add3A_1275 : i32
        %swap3A_1277 = arith.index_cast %add3A_1276 : i32 to index
        %swap3A_1278 = arith.constant 64 : index
        %swap3A_1279 = tpu.vector_load %arg7[%swap3A_1277, %swap3A_1278] {strides = array<i32>} : memref<400x128xf32, #tpu.memory_space<vmem>>, vector<1x16xf32>,
        %swap3A_1280 = vector.shape_cast %swap3A_1279 : vector<1x16xf32> to vector<16xf32>
        %swap3A_1281 = vector.shape_cast %add3A_1272 : vector<16xf32> to vector<1x16xf32>
        tpu.vector_store %arg7[%swap3A_1277, %swap3A_1278], %swap3A_1281 {strides = array<i32>} : memref<400x128xf32, #tpu.memory_space<vmem>>, vector<1x16xf32>,
        %mul3A_1282 = vector.broadcast %squeeze3A_1221 : f32 to vector<16xf32>
        %mul3A_1283 = arith.mulf %mul3A_1282, %sub3A_49 : vector<16xf32>
        %add3A_1284 = arith.addf %get3A_20, %mul3A_1283 : vector<16xf32>
        %mul3A_1285 = arith.constant 16 : i32
        %mul3A_1286 = arith.muli %scan3A_132, %mul3A_1285 : i32
        %add3A_1287 = arith.constant 11 : i32
        %add3A_1288 = arith.addi %mul3A_1286, %add3A_1287 : i32
        %swap3A_1289 = arith.index_cast %add3A_1288 : i32 to index
        %swap3A_1290 = arith.constant 80 : index
        %swap3A_1291 = tpu.vector_load %arg7[%swap3A_1289, %swap3A_1290] {strides = array<i32>} : memref<400x128xf32, #tpu.memory_space<vmem>>, vector<1x16xf32>,
        %swap3A_1292 = vector.shape_cast %swap3A_1291 : vector<1x16xf32> to vector<16xf32>
        %swap3A_1293 = vector.shape_cast %add3A_1284 : vector<16xf32> to vector<1x16xf32>
        tpu.vector_store %arg7[%swap3A_1289, %swap3A_1290], %swap3A_1293 {strides = array<i32>} : memref<400x128xf32, #tpu.memory_space<vmem>>, vector<1x16xf32>,
        %mul3A_1294 = vector.broadcast %squeeze3A_1221 : f32 to vector<16xf32>
        %mul3A_1295 = arith.mulf %mul3A_1294, %sub3A_53 : vector<16xf32>
        %add3A_1296 = arith.addf %get3A_23, %mul3A_1295 : vector<16xf32>
        %mul3A_1297 = arith.constant 16 : i32
        %mul3A_1298 = arith.muli %scan3A_132, %mul3A_1297 : i32
        %add3A_1299 = arith.constant 11 : i32
        %add3A_1300 = arith.addi %mul3A_1298, %add3A_1299 : i32
        %swap3A_1301 = arith.index_cast %add3A_1300 : i32 to index
        %swap3A_1302 = arith.constant 96 : index
        %swap3A_1303 = tpu.vector_load %arg7[%swap3A_1301, %swap3A_1302] {strides = array<i32>} : memref<400x128xf32, #tpu.memory_space<vmem>>, vector<1x16xf32>,
        %swap3A_1304 = vector.shape_cast %swap3A_1303 : vector<1x16xf32> to vector<16xf32>
        %swap3A_1305 = vector.shape_cast %add3A_1296 : vector<16xf32> to vector<1x16xf32>
        tpu.vector_store %arg7[%swap3A_1301, %swap3A_1302], %swap3A_1305 {strides = array<i32>} : memref<400x128xf32, #tpu.memory_space<vmem>>, vector<1x16xf32>,
        %mul3A_1306 = vector.broadcast %squeeze3A_1221 : f32 to vector<16xf32>
        %mul3A_1307 = arith.mulf %mul3A_1306, %sub3A_57 : vector<16xf32>
        %add3A_1308 = arith.addf %get3A_26, %mul3A_1307 : vector<16xf32>
        %mul3A_1309 = arith.constant 16 : i32
        %mul3A_1310 = arith.muli %scan3A_132, %mul3A_1309 : i32
        %add3A_1311 = arith.constant 11 : i32
        %add3A_1312 = arith.addi %mul3A_1310, %add3A_1311 : i32
        %swap3A_1313 = arith.index_cast %add3A_1312 : i32 to index
        %swap3A_1314 = arith.constant 112 : index
        %swap3A_1315 = tpu.vector_load %arg7[%swap3A_1313, %swap3A_1314] {strides = array<i32>} : memref<400x128xf32, #tpu.memory_space<vmem>>, vector<1x16xf32>,
        %swap3A_1316 = vector.shape_cast %swap3A_1315 : vector<1x16xf32> to vector<16xf32>
        %swap3A_1317 = vector.shape_cast %add3A_1308 : vector<16xf32> to vector<1x16xf32>
        tpu.vector_store %arg7[%swap3A_1313, %swap3A_1314], %swap3A_1317 {strides = array<i32>} : memref<400x128xf32, #tpu.memory_space<vmem>>, vector<1x16xf32>,
        %slice3A_1318 = vector.extract_strided_slice %mul3A_144 {offsets = [12], sizes = [1], strides = [1]} : vector<16xf32> to vector<1xf32>
        %squeeze3A_1319 = vector.extract %slice3A_1318[0] : f32 from vector<1xf32>
        %mul3A_1320 = vector.broadcast %squeeze3A_1319 : f32 to vector<16xf32>
        %mul3A_1321 = arith.mulf %mul3A_1320, %sub3A : vector<16xf32>
        %add3A_1322 = arith.addf %get3A_5, %mul3A_1321 : vector<16xf32>
        %mul3A_1323 = arith.constant 16 : i32
        %mul3A_1324 = arith.muli %scan3A_132, %mul3A_1323 : i32
        %add3A_1325 = arith.constant 12 : i32
        %add3A_1326 = arith.addi %mul3A_1324, %add3A_1325 : i32
        %swap3A_1327 = arith.index_cast %add3A_1326 : i32 to index
        %swap3A_1328 = arith.constant 0 : index
        %swap3A_1329 = tpu.vector_load %arg7[%swap3A_1327, %swap3A_1328] {strides = array<i32>} : memref<400x128xf32, #tpu.memory_space<vmem>>, vector<1x16xf32>,
        %swap3A_1330 = vector.shape_cast %swap3A_1329 : vector<1x16xf32> to vector<16xf32>
        %swap3A_1331 = vector.shape_cast %add3A_1322 : vector<16xf32> to vector<1x16xf32>
        tpu.vector_store %arg7[%swap3A_1327, %swap3A_1328], %swap3A_1331 {strides = array<i32>} : memref<400x128xf32, #tpu.memory_space<vmem>>, vector<1x16xf32>,
        %mul3A_1332 = vector.broadcast %squeeze3A_1319 : f32 to vector<16xf32>
        %mul3A_1333 = arith.mulf %mul3A_1332, %sub3A_33 : vector<16xf32>
        %add3A_1334 = arith.addf %get3A_8, %mul3A_1333 : vector<16xf32>
        %mul3A_1335 = arith.constant 16 : i32
        %mul3A_1336 = arith.muli %scan3A_132, %mul3A_1335 : i32
        %add3A_1337 = arith.constant 12 : i32
        %add3A_1338 = arith.addi %mul3A_1336, %add3A_1337 : i32
        %swap3A_1339 = arith.index_cast %add3A_1338 : i32 to index
        %swap3A_1340 = arith.constant 16 : index
        %swap3A_1341 = tpu.vector_load %arg7[%swap3A_1339, %swap3A_1340] {strides = array<i32>} : memref<400x128xf32, #tpu.memory_space<vmem>>, vector<1x16xf32>,
        %swap3A_1342 = vector.shape_cast %swap3A_1341 : vector<1x16xf32> to vector<16xf32>
        %swap3A_1343 = vector.shape_cast %add3A_1334 : vector<16xf32> to vector<1x16xf32>
        tpu.vector_store %arg7[%swap3A_1339, %swap3A_1340], %swap3A_1343 {strides = array<i32>} : memref<400x128xf32, #tpu.memory_space<vmem>>, vector<1x16xf32>,
        %mul3A_1344 = vector.broadcast %squeeze3A_1319 : f32 to vector<16xf32>
        %mul3A_1345 = arith.mulf %mul3A_1344, %sub3A_37 : vector<16xf32>
        %add3A_1346 = arith.addf %get3A_11, %mul3A_1345 : vector<16xf32>
        %mul3A_1347 = arith.constant 16 : i32
        %mul3A_1348 = arith.muli %scan3A_132, %mul3A_1347 : i32
        %add3A_1349 = arith.constant 12 : i32
        %add3A_1350 = arith.addi %mul3A_1348, %add3A_1349 : i32
        %swap3A_1351 = arith.index_cast %add3A_1350 : i32 to index
        %swap3A_1352 = arith.constant 32 : index
        %swap3A_1353 = tpu.vector_load %arg7[%swap3A_1351, %swap3A_1352] {strides = array<i32>} : memref<400x128xf32, #tpu.memory_space<vmem>>, vector<1x16xf32>,
        %swap3A_1354 = vector.shape_cast %swap3A_1353 : vector<1x16xf32> to vector<16xf32>
        %swap3A_1355 = vector.shape_cast %add3A_1346 : vector<16xf32> to vector<1x16xf32>
        tpu.vector_store %arg7[%swap3A_1351, %swap3A_1352], %swap3A_1355 {strides = array<i32>} : memref<400x128xf32, #tpu.memory_space<vmem>>, vector<1x16xf32>,
        %mul3A_1356 = vector.broadcast %squeeze3A_1319 : f32 to vector<16xf32>
        %mul3A_1357 = arith.mulf %mul3A_1356, %sub3A_41 : vector<16xf32>
        %add3A_1358 = arith.addf %get3A_14, %mul3A_1357 : vector<16xf32>
        %mul3A_1359 = arith.constant 16 : i32
        %mul3A_1360 = arith.muli %scan3A_132, %mul3A_1359 : i32
        %add3A_1361 = arith.constant 12 : i32
        %add3A_1362 = arith.addi %mul3A_1360, %add3A_1361 : i32
        %swap3A_1363 = arith.index_cast %add3A_1362 : i32 to index
        %swap3A_1364 = arith.constant 48 : index
        %swap3A_1365 = tpu.vector_load %arg7[%swap3A_1363, %swap3A_1364] {strides = array<i32>} : memref<400x128xf32, #tpu.memory_space<vmem>>, vector<1x16xf32>,
        %swap3A_1366 = vector.shape_cast %swap3A_1365 : vector<1x16xf32> to vector<16xf32>
        %swap3A_1367 = vector.shape_cast %add3A_1358 : vector<16xf32> to vector<1x16xf32>
        tpu.vector_store %arg7[%swap3A_1363, %swap3A_1364], %swap3A_1367 {strides = array<i32>} : memref<400x128xf32, #tpu.memory_space<vmem>>, vector<1x16xf32>,
        %mul3A_1368 = vector.broadcast %squeeze3A_1319 : f32 to vector<16xf32>
        %mul3A_1369 = arith.mulf %mul3A_1368, %sub3A_45 : vector<16xf32>
        %add3A_1370 = arith.addf %get3A_17, %mul3A_1369 : vector<16xf32>
        %mul3A_1371 = arith.constant 16 : i32
        %mul3A_1372 = arith.muli %scan3A_132, %mul3A_1371 : i32
        %add3A_1373 = arith.constant 12 : i32
        %add3A_1374 = arith.addi %mul3A_1372, %add3A_1373 : i32
        %swap3A_1375 = arith.index_cast %add3A_1374 : i32 to index
        %swap3A_1376 = arith.constant 64 : index
        %swap3A_1377 = tpu.vector_load %arg7[%swap3A_1375, %swap3A_1376] {strides = array<i32>} : memref<400x128xf32, #tpu.memory_space<vmem>>, vector<1x16xf32>,
        %swap3A_1378 = vector.shape_cast %swap3A_1377 : vector<1x16xf32> to vector<16xf32>
        %swap3A_1379 = vector.shape_cast %add3A_1370 : vector<16xf32> to vector<1x16xf32>
        tpu.vector_store %arg7[%swap3A_1375, %swap3A_1376], %swap3A_1379 {strides = array<i32>} : memref<400x128xf32, #tpu.memory_space<vmem>>, vector<1x16xf32>,
        %mul3A_1380 = vector.broadcast %squeeze3A_1319 : f32 to vector<16xf32>
        %mul3A_1381 = arith.mulf %mul3A_1380, %sub3A_49 : vector<16xf32>
        %add3A_1382 = arith.addf %get3A_20, %mul3A_1381 : vector<16xf32>
        %mul3A_1383 = arith.constant 16 : i32
        %mul3A_1384 = arith.muli %scan3A_132, %mul3A_1383 : i32
        %add3A_1385 = arith.constant 12 : i32
        %add3A_1386 = arith.addi %mul3A_1384, %add3A_1385 : i32
        %swap3A_1387 = arith.index_cast %add3A_1386 : i32 to index
        %swap3A_1388 = arith.constant 80 : index
        %swap3A_1389 = tpu.vector_load %arg7[%swap3A_1387, %swap3A_1388] {strides = array<i32>} : memref<400x128xf32, #tpu.memory_space<vmem>>, vector<1x16xf32>,
        %swap3A_1390 = vector.shape_cast %swap3A_1389 : vector<1x16xf32> to vector<16xf32>
        %swap3A_1391 = vector.shape_cast %add3A_1382 : vector<16xf32> to vector<1x16xf32>
        tpu.vector_store %arg7[%swap3A_1387, %swap3A_1388], %swap3A_1391 {strides = array<i32>} : memref<400x128xf32, #tpu.memory_space<vmem>>, vector<1x16xf32>,
        %mul3A_1392 = vector.broadcast %squeeze3A_1319 : f32 to vector<16xf32>
        %mul3A_1393 = arith.mulf %mul3A_1392, %sub3A_53 : vector<16xf32>
        %add3A_1394 = arith.addf %get3A_23, %mul3A_1393 : vector<16xf32>
        %mul3A_1395 = arith.constant 16 : i32
        %mul3A_1396 = arith.muli %scan3A_132, %mul3A_1395 : i32
        %add3A_1397 = arith.constant 12 : i32
        %add3A_1398 = arith.addi %mul3A_1396, %add3A_1397 : i32
        %swap3A_1399 = arith.index_cast %add3A_1398 : i32 to index
        %swap3A_1400 = arith.constant 96 : index
        %swap3A_1401 = tpu.vector_load %arg7[%swap3A_1399, %swap3A_1400] {strides = array<i32>} : memref<400x128xf32, #tpu.memory_space<vmem>>, vector<1x16xf32>,
        %swap3A_1402 = vector.shape_cast %swap3A_1401 : vector<1x16xf32> to vector<16xf32>
        %swap3A_1403 = vector.shape_cast %add3A_1394 : vector<16xf32> to vector<1x16xf32>
        tpu.vector_store %arg7[%swap3A_1399, %swap3A_1400], %swap3A_1403 {strides = array<i32>} : memref<400x128xf32, #tpu.memory_space<vmem>>, vector<1x16xf32>,
        %mul3A_1404 = vector.broadcast %squeeze3A_1319 : f32 to vector<16xf32>
        %mul3A_1405 = arith.mulf %mul3A_1404, %sub3A_57 : vector<16xf32>
        %add3A_1406 = arith.addf %get3A_26, %mul3A_1405 : vector<16xf32>
        %mul3A_1407 = arith.constant 16 : i32
        %mul3A_1408 = arith.muli %scan3A_132, %mul3A_1407 : i32
        %add3A_1409 = arith.constant 12 : i32
        %add3A_1410 = arith.addi %mul3A_1408, %add3A_1409 : i32
        %swap3A_1411 = arith.index_cast %add3A_1410 : i32 to index
        %swap3A_1412 = arith.constant 112 : index
        %swap3A_1413 = tpu.vector_load %arg7[%swap3A_1411, %swap3A_1412] {strides = array<i32>} : memref<400x128xf32, #tpu.memory_space<vmem>>, vector<1x16xf32>,
        %swap3A_1414 = vector.shape_cast %swap3A_1413 : vector<1x16xf32> to vector<16xf32>
        %swap3A_1415 = vector.shape_cast %add3A_1406 : vector<16xf32> to vector<1x16xf32>
        tpu.vector_store %arg7[%swap3A_1411, %swap3A_1412], %swap3A_1415 {strides = array<i32>} : memref<400x128xf32, #tpu.memory_space<vmem>>, vector<1x16xf32>,
        %slice3A_1416 = vector.extract_strided_slice %mul3A_144 {offsets = [13], sizes = [1], strides = [1]} : vector<16xf32> to vector<1xf32>
        %squeeze3A_1417 = vector.extract %slice3A_1416[0] : f32 from vector<1xf32>
        %mul3A_1418 = vector.broadcast %squeeze3A_1417 : f32 to vector<16xf32>
        %mul3A_1419 = arith.mulf %mul3A_1418, %sub3A : vector<16xf32>
        %add3A_1420 = arith.addf %get3A_5, %mul3A_1419 : vector<16xf32>
        %mul3A_1421 = arith.constant 16 : i32
        %mul3A_1422 = arith.muli %scan3A_132, %mul3A_1421 : i32
        %add3A_1423 = arith.constant 13 : i32
        %add3A_1424 = arith.addi %mul3A_1422, %add3A_1423 : i32
        %swap3A_1425 = arith.index_cast %add3A_1424 : i32 to index
        %swap3A_1426 = arith.constant 0 : index
        %swap3A_1427 = tpu.vector_load %arg7[%swap3A_1425, %swap3A_1426] {strides = array<i32>} : memref<400x128xf32, #tpu.memory_space<vmem>>, vector<1x16xf32>,
        %swap3A_1428 = vector.shape_cast %swap3A_1427 : vector<1x16xf32> to vector<16xf32>
        %swap3A_1429 = vector.shape_cast %add3A_1420 : vector<16xf32> to vector<1x16xf32>
        tpu.vector_store %arg7[%swap3A_1425, %swap3A_1426], %swap3A_1429 {strides = array<i32>} : memref<400x128xf32, #tpu.memory_space<vmem>>, vector<1x16xf32>,
        %mul3A_1430 = vector.broadcast %squeeze3A_1417 : f32 to vector<16xf32>
        %mul3A_1431 = arith.mulf %mul3A_1430, %sub3A_33 : vector<16xf32>
        %add3A_1432 = arith.addf %get3A_8, %mul3A_1431 : vector<16xf32>
        %mul3A_1433 = arith.constant 16 : i32
        %mul3A_1434 = arith.muli %scan3A_132, %mul3A_1433 : i32
        %add3A_1435 = arith.constant 13 : i32
        %add3A_1436 = arith.addi %mul3A_1434, %add3A_1435 : i32
        %swap3A_1437 = arith.index_cast %add3A_1436 : i32 to index
        %swap3A_1438 = arith.constant 16 : index
        %swap3A_1439 = tpu.vector_load %arg7[%swap3A_1437, %swap3A_1438] {strides = array<i32>} : memref<400x128xf32, #tpu.memory_space<vmem>>, vector<1x16xf32>,
        %swap3A_1440 = vector.shape_cast %swap3A_1439 : vector<1x16xf32> to vector<16xf32>
        %swap3A_1441 = vector.shape_cast %add3A_1432 : vector<16xf32> to vector<1x16xf32>
        tpu.vector_store %arg7[%swap3A_1437, %swap3A_1438], %swap3A_1441 {strides = array<i32>} : memref<400x128xf32, #tpu.memory_space<vmem>>, vector<1x16xf32>,
        %mul3A_1442 = vector.broadcast %squeeze3A_1417 : f32 to vector<16xf32>
        %mul3A_1443 = arith.mulf %mul3A_1442, %sub3A_37 : vector<16xf32>
        %add3A_1444 = arith.addf %get3A_11, %mul3A_1443 : vector<16xf32>
        %mul3A_1445 = arith.constant 16 : i32
        %mul3A_1446 = arith.muli %scan3A_132, %mul3A_1445 : i32
        %add3A_1447 = arith.constant 13 : i32
        %add3A_1448 = arith.addi %mul3A_1446, %add3A_1447 : i32
        %swap3A_1449 = arith.index_cast %add3A_1448 : i32 to index
        %swap3A_1450 = arith.constant 32 : index
        %swap3A_1451 = tpu.vector_load %arg7[%swap3A_1449, %swap3A_1450] {strides = array<i32>} : memref<400x128xf32, #tpu.memory_space<vmem>>, vector<1x16xf32>,
        %swap3A_1452 = vector.shape_cast %swap3A_1451 : vector<1x16xf32> to vector<16xf32>
        %swap3A_1453 = vector.shape_cast %add3A_1444 : vector<16xf32> to vector<1x16xf32>
        tpu.vector_store %arg7[%swap3A_1449, %swap3A_1450], %swap3A_1453 {strides = array<i32>} : memref<400x128xf32, #tpu.memory_space<vmem>>, vector<1x16xf32>,
        %mul3A_1454 = vector.broadcast %squeeze3A_1417 : f32 to vector<16xf32>
        %mul3A_1455 = arith.mulf %mul3A_1454, %sub3A_41 : vector<16xf32>
        %add3A_1456 = arith.addf %get3A_14, %mul3A_1455 : vector<16xf32>
        %mul3A_1457 = arith.constant 16 : i32
        %mul3A_1458 = arith.muli %scan3A_132, %mul3A_1457 : i32
        %add3A_1459 = arith.constant 13 : i32
        %add3A_1460 = arith.addi %mul3A_1458, %add3A_1459 : i32
        %swap3A_1461 = arith.index_cast %add3A_1460 : i32 to index
        %swap3A_1462 = arith.constant 48 : index
        %swap3A_1463 = tpu.vector_load %arg7[%swap3A_1461, %swap3A_1462] {strides = array<i32>} : memref<400x128xf32, #tpu.memory_space<vmem>>, vector<1x16xf32>,
        %swap3A_1464 = vector.shape_cast %swap3A_1463 : vector<1x16xf32> to vector<16xf32>
        %swap3A_1465 = vector.shape_cast %add3A_1456 : vector<16xf32> to vector<1x16xf32>
        tpu.vector_store %arg7[%swap3A_1461, %swap3A_1462], %swap3A_1465 {strides = array<i32>} : memref<400x128xf32, #tpu.memory_space<vmem>>, vector<1x16xf32>,
        %mul3A_1466 = vector.broadcast %squeeze3A_1417 : f32 to vector<16xf32>
        %mul3A_1467 = arith.mulf %mul3A_1466, %sub3A_45 : vector<16xf32>
        %add3A_1468 = arith.addf %get3A_17, %mul3A_1467 : vector<16xf32>
        %mul3A_1469 = arith.constant 16 : i32
        %mul3A_1470 = arith.muli %scan3A_132, %mul3A_1469 : i32
        %add3A_1471 = arith.constant 13 : i32
        %add3A_1472 = arith.addi %mul3A_1470, %add3A_1471 : i32
        %swap3A_1473 = arith.index_cast %add3A_1472 : i32 to index
        %swap3A_1474 = arith.constant 64 : index
        %swap3A_1475 = tpu.vector_load %arg7[%swap3A_1473, %swap3A_1474] {strides = array<i32>} : memref<400x128xf32, #tpu.memory_space<vmem>>, vector<1x16xf32>,
        %swap3A_1476 = vector.shape_cast %swap3A_1475 : vector<1x16xf32> to vector<16xf32>
        %swap3A_1477 = vector.shape_cast %add3A_1468 : vector<16xf32> to vector<1x16xf32>
        tpu.vector_store %arg7[%swap3A_1473, %swap3A_1474], %swap3A_1477 {strides = array<i32>} : memref<400x128xf32, #tpu.memory_space<vmem>>, vector<1x16xf32>,
        %mul3A_1478 = vector.broadcast %squeeze3A_1417 : f32 to vector<16xf32>
        %mul3A_1479 = arith.mulf %mul3A_1478, %sub3A_49 : vector<16xf32>
        %add3A_1480 = arith.addf %get3A_20, %mul3A_1479 : vector<16xf32>
        %mul3A_1481 = arith.constant 16 : i32
        %mul3A_1482 = arith.muli %scan3A_132, %mul3A_1481 : i32
        %add3A_1483 = arith.constant 13 : i32
        %add3A_1484 = arith.addi %mul3A_1482, %add3A_1483 : i32
        %swap3A_1485 = arith.index_cast %add3A_1484 : i32 to index
        %swap3A_1486 = arith.constant 80 : index
        %swap3A_1487 = tpu.vector_load %arg7[%swap3A_1485, %swap3A_1486] {strides = array<i32>} : memref<400x128xf32, #tpu.memory_space<vmem>>, vector<1x16xf32>,
        %swap3A_1488 = vector.shape_cast %swap3A_1487 : vector<1x16xf32> to vector<16xf32>
        %swap3A_1489 = vector.shape_cast %add3A_1480 : vector<16xf32> to vector<1x16xf32>
        tpu.vector_store %arg7[%swap3A_1485, %swap3A_1486], %swap3A_1489 {strides = array<i32>} : memref<400x128xf32, #tpu.memory_space<vmem>>, vector<1x16xf32>,
        %mul3A_1490 = vector.broadcast %squeeze3A_1417 : f32 to vector<16xf32>
        %mul3A_1491 = arith.mulf %mul3A_1490, %sub3A_53 : vector<16xf32>
        %add3A_1492 = arith.addf %get3A_23, %mul3A_1491 : vector<16xf32>
        %mul3A_1493 = arith.constant 16 : i32
        %mul3A_1494 = arith.muli %scan3A_132, %mul3A_1493 : i32
        %add3A_1495 = arith.constant 13 : i32
        %add3A_1496 = arith.addi %mul3A_1494, %add3A_1495 : i32
        %swap3A_1497 = arith.index_cast %add3A_1496 : i32 to index
        %swap3A_1498 = arith.constant 96 : index
        %swap3A_1499 = tpu.vector_load %arg7[%swap3A_1497, %swap3A_1498] {strides = array<i32>} : memref<400x128xf32, #tpu.memory_space<vmem>>, vector<1x16xf32>,
        %swap3A_1500 = vector.shape_cast %swap3A_1499 : vector<1x16xf32> to vector<16xf32>
        %swap3A_1501 = vector.shape_cast %add3A_1492 : vector<16xf32> to vector<1x16xf32>
        tpu.vector_store %arg7[%swap3A_1497, %swap3A_1498], %swap3A_1501 {strides = array<i32>} : memref<400x128xf32, #tpu.memory_space<vmem>>, vector<1x16xf32>,
        %mul3A_1502 = vector.broadcast %squeeze3A_1417 : f32 to vector<16xf32>
        %mul3A_1503 = arith.mulf %mul3A_1502, %sub3A_57 : vector<16xf32>
        %add3A_1504 = arith.addf %get3A_26, %mul3A_1503 : vector<16xf32>
        %mul3A_1505 = arith.constant 16 : i32
        %mul3A_1506 = arith.muli %scan3A_132, %mul3A_1505 : i32
        %add3A_1507 = arith.constant 13 : i32
        %add3A_1508 = arith.addi %mul3A_1506, %add3A_1507 : i32
        %swap3A_1509 = arith.index_cast %add3A_1508 : i32 to index
        %swap3A_1510 = arith.constant 112 : index
        %swap3A_1511 = tpu.vector_load %arg7[%swap3A_1509, %swap3A_1510] {strides = array<i32>} : memref<400x128xf32, #tpu.memory_space<vmem>>, vector<1x16xf32>,
        %swap3A_1512 = vector.shape_cast %swap3A_1511 : vector<1x16xf32> to vector<16xf32>
        %swap3A_1513 = vector.shape_cast %add3A_1504 : vector<16xf32> to vector<1x16xf32>
        tpu.vector_store %arg7[%swap3A_1509, %swap3A_1510], %swap3A_1513 {strides = array<i32>} : memref<400x128xf32, #tpu.memory_space<vmem>>, vector<1x16xf32>,
        %slice3A_1514 = vector.extract_strided_slice %mul3A_144 {offsets = [14], sizes = [1], strides = [1]} : vector<16xf32> to vector<1xf32>
        %squeeze3A_1515 = vector.extract %slice3A_1514[0] : f32 from vector<1xf32>
        %mul3A_1516 = vector.broadcast %squeeze3A_1515 : f32 to vector<16xf32>
        %mul3A_1517 = arith.mulf %mul3A_1516, %sub3A : vector<16xf32>
        %add3A_1518 = arith.addf %get3A_5, %mul3A_1517 : vector<16xf32>
        %mul3A_1519 = arith.constant 16 : i32
        %mul3A_1520 = arith.muli %scan3A_132, %mul3A_1519 : i32
        %add3A_1521 = arith.constant 14 : i32
        %add3A_1522 = arith.addi %mul3A_1520, %add3A_1521 : i32
        %swap3A_1523 = arith.index_cast %add3A_1522 : i32 to index
        %swap3A_1524 = arith.constant 0 : index
        %swap3A_1525 = tpu.vector_load %arg7[%swap3A_1523, %swap3A_1524] {strides = array<i32>} : memref<400x128xf32, #tpu.memory_space<vmem>>, vector<1x16xf32>,
        %swap3A_1526 = vector.shape_cast %swap3A_1525 : vector<1x16xf32> to vector<16xf32>
        %swap3A_1527 = vector.shape_cast %add3A_1518 : vector<16xf32> to vector<1x16xf32>
        tpu.vector_store %arg7[%swap3A_1523, %swap3A_1524], %swap3A_1527 {strides = array<i32>} : memref<400x128xf32, #tpu.memory_space<vmem>>, vector<1x16xf32>,
        %mul3A_1528 = vector.broadcast %squeeze3A_1515 : f32 to vector<16xf32>
        %mul3A_1529 = arith.mulf %mul3A_1528, %sub3A_33 : vector<16xf32>
        %add3A_1530 = arith.addf %get3A_8, %mul3A_1529 : vector<16xf32>
        %mul3A_1531 = arith.constant 16 : i32
        %mul3A_1532 = arith.muli %scan3A_132, %mul3A_1531 : i32
        %add3A_1533 = arith.constant 14 : i32
        %add3A_1534 = arith.addi %mul3A_1532, %add3A_1533 : i32
        %swap3A_1535 = arith.index_cast %add3A_1534 : i32 to index
        %swap3A_1536 = arith.constant 16 : index
        %swap3A_1537 = tpu.vector_load %arg7[%swap3A_1535, %swap3A_1536] {strides = array<i32>} : memref<400x128xf32, #tpu.memory_space<vmem>>, vector<1x16xf32>,
        %swap3A_1538 = vector.shape_cast %swap3A_1537 : vector<1x16xf32> to vector<16xf32>
        %swap3A_1539 = vector.shape_cast %add3A_1530 : vector<16xf32> to vector<1x16xf32>
        tpu.vector_store %arg7[%swap3A_1535, %swap3A_1536], %swap3A_1539 {strides = array<i32>} : memref<400x128xf32, #tpu.memory_space<vmem>>, vector<1x16xf32>,
        %mul3A_1540 = vector.broadcast %squeeze3A_1515 : f32 to vector<16xf32>
        %mul3A_1541 = arith.mulf %mul3A_1540, %sub3A_37 : vector<16xf32>
        %add3A_1542 = arith.addf %get3A_11, %mul3A_1541 : vector<16xf32>
        %mul3A_1543 = arith.constant 16 : i32
        %mul3A_1544 = arith.muli %scan3A_132, %mul3A_1543 : i32
        %add3A_1545 = arith.constant 14 : i32
        %add3A_1546 = arith.addi %mul3A_1544, %add3A_1545 : i32
        %swap3A_1547 = arith.index_cast %add3A_1546 : i32 to index
        %swap3A_1548 = arith.constant 32 : index
        %swap3A_1549 = tpu.vector_load %arg7[%swap3A_1547, %swap3A_1548] {strides = array<i32>} : memref<400x128xf32, #tpu.memory_space<vmem>>, vector<1x16xf32>,
        %swap3A_1550 = vector.shape_cast %swap3A_1549 : vector<1x16xf32> to vector<16xf32>
        %swap3A_1551 = vector.shape_cast %add3A_1542 : vector<16xf32> to vector<1x16xf32>
        tpu.vector_store %arg7[%swap3A_1547, %swap3A_1548], %swap3A_1551 {strides = array<i32>} : memref<400x128xf32, #tpu.memory_space<vmem>>, vector<1x16xf32>,
        %mul3A_1552 = vector.broadcast %squeeze3A_1515 : f32 to vector<16xf32>
        %mul3A_1553 = arith.mulf %mul3A_1552, %sub3A_41 : vector<16xf32>
        %add3A_1554 = arith.addf %get3A_14, %mul3A_1553 : vector<16xf32>
        %mul3A_1555 = arith.constant 16 : i32
        %mul3A_1556 = arith.muli %scan3A_132, %mul3A_1555 : i32
        %add3A_1557 = arith.constant 14 : i32
        %add3A_1558 = arith.addi %mul3A_1556, %add3A_1557 : i32
        %swap3A_1559 = arith.index_cast %add3A_1558 : i32 to index
        %swap3A_1560 = arith.constant 48 : index
        %swap3A_1561 = tpu.vector_load %arg7[%swap3A_1559, %swap3A_1560] {strides = array<i32>} : memref<400x128xf32, #tpu.memory_space<vmem>>, vector<1x16xf32>,
        %swap3A_1562 = vector.shape_cast %swap3A_1561 : vector<1x16xf32> to vector<16xf32>
        %swap3A_1563 = vector.shape_cast %add3A_1554 : vector<16xf32> to vector<1x16xf32>
        tpu.vector_store %arg7[%swap3A_1559, %swap3A_1560], %swap3A_1563 {strides = array<i32>} : memref<400x128xf32, #tpu.memory_space<vmem>>, vector<1x16xf32>,
        %mul3A_1564 = vector.broadcast %squeeze3A_1515 : f32 to vector<16xf32>
        %mul3A_1565 = arith.mulf %mul3A_1564, %sub3A_45 : vector<16xf32>
        %add3A_1566 = arith.addf %get3A_17, %mul3A_1565 : vector<16xf32>
        %mul3A_1567 = arith.constant 16 : i32
        %mul3A_1568 = arith.muli %scan3A_132, %mul3A_1567 : i32
        %add3A_1569 = arith.constant 14 : i32
        %add3A_1570 = arith.addi %mul3A_1568, %add3A_1569 : i32
        %swap3A_1571 = arith.index_cast %add3A_1570 : i32 to index
        %swap3A_1572 = arith.constant 64 : index
        %swap3A_1573 = tpu.vector_load %arg7[%swap3A_1571, %swap3A_1572] {strides = array<i32>} : memref<400x128xf32, #tpu.memory_space<vmem>>, vector<1x16xf32>,
        %swap3A_1574 = vector.shape_cast %swap3A_1573 : vector<1x16xf32> to vector<16xf32>
        %swap3A_1575 = vector.shape_cast %add3A_1566 : vector<16xf32> to vector<1x16xf32>
        tpu.vector_store %arg7[%swap3A_1571, %swap3A_1572], %swap3A_1575 {strides = array<i32>} : memref<400x128xf32, #tpu.memory_space<vmem>>, vector<1x16xf32>,
        %mul3A_1576 = vector.broadcast %squeeze3A_1515 : f32 to vector<16xf32>
        %mul3A_1577 = arith.mulf %mul3A_1576, %sub3A_49 : vector<16xf32>
        %add3A_1578 = arith.addf %get3A_20, %mul3A_1577 : vector<16xf32>
        %mul3A_1579 = arith.constant 16 : i32
        %mul3A_1580 = arith.muli %scan3A_132, %mul3A_1579 : i32
        %add3A_1581 = arith.constant 14 : i32
        %add3A_1582 = arith.addi %mul3A_1580, %add3A_1581 : i32
        %swap3A_1583 = arith.index_cast %add3A_1582 : i32 to index
        %swap3A_1584 = arith.constant 80 : index
        %swap3A_1585 = tpu.vector_load %arg7[%swap3A_1583, %swap3A_1584] {strides = array<i32>} : memref<400x128xf32, #tpu.memory_space<vmem>>, vector<1x16xf32>,
        %swap3A_1586 = vector.shape_cast %swap3A_1585 : vector<1x16xf32> to vector<16xf32>
        %swap3A_1587 = vector.shape_cast %add3A_1578 : vector<16xf32> to vector<1x16xf32>
        tpu.vector_store %arg7[%swap3A_1583, %swap3A_1584], %swap3A_1587 {strides = array<i32>} : memref<400x128xf32, #tpu.memory_space<vmem>>, vector<1x16xf32>,
        %mul3A_1588 = vector.broadcast %squeeze3A_1515 : f32 to vector<16xf32>
        %mul3A_1589 = arith.mulf %mul3A_1588, %sub3A_53 : vector<16xf32>
        %add3A_1590 = arith.addf %get3A_23, %mul3A_1589 : vector<16xf32>
        %mul3A_1591 = arith.constant 16 : i32
        %mul3A_1592 = arith.muli %scan3A_132, %mul3A_1591 : i32
        %add3A_1593 = arith.constant 14 : i32
        %add3A_1594 = arith.addi %mul3A_1592, %add3A_1593 : i32
        %swap3A_1595 = arith.index_cast %add3A_1594 : i32 to index
        %swap3A_1596 = arith.constant 96 : index
        %swap3A_1597 = tpu.vector_load %arg7[%swap3A_1595, %swap3A_1596] {strides = array<i32>} : memref<400x128xf32, #tpu.memory_space<vmem>>, vector<1x16xf32>,
        %swap3A_1598 = vector.shape_cast %swap3A_1597 : vector<1x16xf32> to vector<16xf32>
        %swap3A_1599 = vector.shape_cast %add3A_1590 : vector<16xf32> to vector<1x16xf32>
        tpu.vector_store %arg7[%swap3A_1595, %swap3A_1596], %swap3A_1599 {strides = array<i32>} : memref<400x128xf32, #tpu.memory_space<vmem>>, vector<1x16xf32>,
        %mul3A_1600 = vector.broadcast %squeeze3A_1515 : f32 to vector<16xf32>
        %mul3A_1601 = arith.mulf %mul3A_1600, %sub3A_57 : vector<16xf32>
        %add3A_1602 = arith.addf %get3A_26, %mul3A_1601 : vector<16xf32>
        %mul3A_1603 = arith.constant 16 : i32
        %mul3A_1604 = arith.muli %scan3A_132, %mul3A_1603 : i32
        %add3A_1605 = arith.constant 14 : i32
        %add3A_1606 = arith.addi %mul3A_1604, %add3A_1605 : i32
        %swap3A_1607 = arith.index_cast %add3A_1606 : i32 to index
        %swap3A_1608 = arith.constant 112 : index
        %swap3A_1609 = tpu.vector_load %arg7[%swap3A_1607, %swap3A_1608] {strides = array<i32>} : memref<400x128xf32, #tpu.memory_space<vmem>>, vector<1x16xf32>,
        %swap3A_1610 = vector.shape_cast %swap3A_1609 : vector<1x16xf32> to vector<16xf32>
        %swap3A_1611 = vector.shape_cast %add3A_1602 : vector<16xf32> to vector<1x16xf32>
        tpu.vector_store %arg7[%swap3A_1607, %swap3A_1608], %swap3A_1611 {strides = array<i32>} : memref<400x128xf32, #tpu.memory_space<vmem>>, vector<1x16xf32>,
        %slice3A_1612 = vector.extract_strided_slice %mul3A_144 {offsets = [15], sizes = [1], strides = [1]} : vector<16xf32> to vector<1xf32>
        %squeeze3A_1613 = vector.extract %slice3A_1612[0] : f32 from vector<1xf32>
        %mul3A_1614 = vector.broadcast %squeeze3A_1613 : f32 to vector<16xf32>
        %mul3A_1615 = arith.mulf %mul3A_1614, %sub3A : vector<16xf32>
        %add3A_1616 = arith.addf %get3A_5, %mul3A_1615 : vector<16xf32>
        %mul3A_1617 = arith.constant 16 : i32
        %mul3A_1618 = arith.muli %scan3A_132, %mul3A_1617 : i32
        %add3A_1619 = arith.constant 15 : i32
        %add3A_1620 = arith.addi %mul3A_1618, %add3A_1619 : i32
        %swap3A_1621 = arith.index_cast %add3A_1620 : i32 to index
        %swap3A_1622 = arith.constant 0 : index
        %swap3A_1623 = tpu.vector_load %arg7[%swap3A_1621, %swap3A_1622] {strides = array<i32>} : memref<400x128xf32, #tpu.memory_space<vmem>>, vector<1x16xf32>,
        %swap3A_1624 = vector.shape_cast %swap3A_1623 : vector<1x16xf32> to vector<16xf32>
        %swap3A_1625 = vector.shape_cast %add3A_1616 : vector<16xf32> to vector<1x16xf32>
        tpu.vector_store %arg7[%swap3A_1621, %swap3A_1622], %swap3A_1625 {strides = array<i32>} : memref<400x128xf32, #tpu.memory_space<vmem>>, vector<1x16xf32>,
        %mul3A_1626 = vector.broadcast %squeeze3A_1613 : f32 to vector<16xf32>
        %mul3A_1627 = arith.mulf %mul3A_1626, %sub3A_33 : vector<16xf32>
        %add3A_1628 = arith.addf %get3A_8, %mul3A_1627 : vector<16xf32>
        %mul3A_1629 = arith.constant 16 : i32
        %mul3A_1630 = arith.muli %scan3A_132, %mul3A_1629 : i32
        %add3A_1631 = arith.constant 15 : i32
        %add3A_1632 = arith.addi %mul3A_1630, %add3A_1631 : i32
        %swap3A_1633 = arith.index_cast %add3A_1632 : i32 to index
        %swap3A_1634 = arith.constant 16 : index
        %swap3A_1635 = tpu.vector_load %arg7[%swap3A_1633, %swap3A_1634] {strides = array<i32>} : memref<400x128xf32, #tpu.memory_space<vmem>>, vector<1x16xf32>,
        %swap3A_1636 = vector.shape_cast %swap3A_1635 : vector<1x16xf32> to vector<16xf32>
        %swap3A_1637 = vector.shape_cast %add3A_1628 : vector<16xf32> to vector<1x16xf32>
        tpu.vector_store %arg7[%swap3A_1633, %swap3A_1634], %swap3A_1637 {strides = array<i32>} : memref<400x128xf32, #tpu.memory_space<vmem>>, vector<1x16xf32>,
        %mul3A_1638 = vector.broadcast %squeeze3A_1613 : f32 to vector<16xf32>
        %mul3A_1639 = arith.mulf %mul3A_1638, %sub3A_37 : vector<16xf32>
        %add3A_1640 = arith.addf %get3A_11, %mul3A_1639 : vector<16xf32>
        %mul3A_1641 = arith.constant 16 : i32
        %mul3A_1642 = arith.muli %scan3A_132, %mul3A_1641 : i32
        %add3A_1643 = arith.constant 15 : i32
        %add3A_1644 = arith.addi %mul3A_1642, %add3A_1643 : i32
        %swap3A_1645 = arith.index_cast %add3A_1644 : i32 to index
        %swap3A_1646 = arith.constant 32 : index
        %swap3A_1647 = tpu.vector_load %arg7[%swap3A_1645, %swap3A_1646] {strides = array<i32>} : memref<400x128xf32, #tpu.memory_space<vmem>>, vector<1x16xf32>,
        %swap3A_1648 = vector.shape_cast %swap3A_1647 : vector<1x16xf32> to vector<16xf32>
        %swap3A_1649 = vector.shape_cast %add3A_1640 : vector<16xf32> to vector<1x16xf32>
        tpu.vector_store %arg7[%swap3A_1645, %swap3A_1646], %swap3A_1649 {strides = array<i32>} : memref<400x128xf32, #tpu.memory_space<vmem>>, vector<1x16xf32>,
        %mul3A_1650 = vector.broadcast %squeeze3A_1613 : f32 to vector<16xf32>
        %mul3A_1651 = arith.mulf %mul3A_1650, %sub3A_41 : vector<16xf32>
        %add3A_1652 = arith.addf %get3A_14, %mul3A_1651 : vector<16xf32>
        %mul3A_1653 = arith.constant 16 : i32
        %mul3A_1654 = arith.muli %scan3A_132, %mul3A_1653 : i32
        %add3A_1655 = arith.constant 15 : i32
        %add3A_1656 = arith.addi %mul3A_1654, %add3A_1655 : i32
        %swap3A_1657 = arith.index_cast %add3A_1656 : i32 to index
        %swap3A_1658 = arith.constant 48 : index
        %swap3A_1659 = tpu.vector_load %arg7[%swap3A_1657, %swap3A_1658] {strides = array<i32>} : memref<400x128xf32, #tpu.memory_space<vmem>>, vector<1x16xf32>,
        %swap3A_1660 = vector.shape_cast %swap3A_1659 : vector<1x16xf32> to vector<16xf32>
        %swap3A_1661 = vector.shape_cast %add3A_1652 : vector<16xf32> to vector<1x16xf32>
        tpu.vector_store %arg7[%swap3A_1657, %swap3A_1658], %swap3A_1661 {strides = array<i32>} : memref<400x128xf32, #tpu.memory_space<vmem>>, vector<1x16xf32>,
        %mul3A_1662 = vector.broadcast %squeeze3A_1613 : f32 to vector<16xf32>
        %mul3A_1663 = arith.mulf %mul3A_1662, %sub3A_45 : vector<16xf32>
        %add3A_1664 = arith.addf %get3A_17, %mul3A_1663 : vector<16xf32>
        %mul3A_1665 = arith.constant 16 : i32
        %mul3A_1666 = arith.muli %scan3A_132, %mul3A_1665 : i32
        %add3A_1667 = arith.constant 15 : i32
        %add3A_1668 = arith.addi %mul3A_1666, %add3A_1667 : i32
        %swap3A_1669 = arith.index_cast %add3A_1668 : i32 to index
        %swap3A_1670 = arith.constant 64 : index
        %swap3A_1671 = tpu.vector_load %arg7[%swap3A_1669, %swap3A_1670] {strides = array<i32>} : memref<400x128xf32, #tpu.memory_space<vmem>>, vector<1x16xf32>,
        %swap3A_1672 = vector.shape_cast %swap3A_1671 : vector<1x16xf32> to vector<16xf32>
        %swap3A_1673 = vector.shape_cast %add3A_1664 : vector<16xf32> to vector<1x16xf32>
        tpu.vector_store %arg7[%swap3A_1669, %swap3A_1670], %swap3A_1673 {strides = array<i32>} : memref<400x128xf32, #tpu.memory_space<vmem>>, vector<1x16xf32>,
        %mul3A_1674 = vector.broadcast %squeeze3A_1613 : f32 to vector<16xf32>
        %mul3A_1675 = arith.mulf %mul3A_1674, %sub3A_49 : vector<16xf32>
        %add3A_1676 = arith.addf %get3A_20, %mul3A_1675 : vector<16xf32>
        %mul3A_1677 = arith.constant 16 : i32
        %mul3A_1678 = arith.muli %scan3A_132, %mul3A_1677 : i32
        %add3A_1679 = arith.constant 15 : i32
        %add3A_1680 = arith.addi %mul3A_1678, %add3A_1679 : i32
        %swap3A_1681 = arith.index_cast %add3A_1680 : i32 to index
        %swap3A_1682 = arith.constant 80 : index
        %swap3A_1683 = tpu.vector_load %arg7[%swap3A_1681, %swap3A_1682] {strides = array<i32>} : memref<400x128xf32, #tpu.memory_space<vmem>>, vector<1x16xf32>,
        %swap3A_1684 = vector.shape_cast %swap3A_1683 : vector<1x16xf32> to vector<16xf32>
        %swap3A_1685 = vector.shape_cast %add3A_1676 : vector<16xf32> to vector<1x16xf32>
        tpu.vector_store %arg7[%swap3A_1681, %swap3A_1682], %swap3A_1685 {strides = array<i32>} : memref<400x128xf32, #tpu.memory_space<vmem>>, vector<1x16xf32>,
        %mul3A_1686 = vector.broadcast %squeeze3A_1613 : f32 to vector<16xf32>
        %mul3A_1687 = arith.mulf %mul3A_1686, %sub3A_53 : vector<16xf32>
        %add3A_1688 = arith.addf %get3A_23, %mul3A_1687 : vector<16xf32>
        %mul3A_1689 = arith.constant 16 : i32
        %mul3A_1690 = arith.muli %scan3A_132, %mul3A_1689 : i32
        %add3A_1691 = arith.constant 15 : i32
        %add3A_1692 = arith.addi %mul3A_1690, %add3A_1691 : i32
        %swap3A_1693 = arith.index_cast %add3A_1692 : i32 to index
        %swap3A_1694 = arith.constant 96 : index
        %swap3A_1695 = tpu.vector_load %arg7[%swap3A_1693, %swap3A_1694] {strides = array<i32>} : memref<400x128xf32, #tpu.memory_space<vmem>>, vector<1x16xf32>,
        %swap3A_1696 = vector.shape_cast %swap3A_1695 : vector<1x16xf32> to vector<16xf32>
        %swap3A_1697 = vector.shape_cast %add3A_1688 : vector<16xf32> to vector<1x16xf32>
        tpu.vector_store %arg7[%swap3A_1693, %swap3A_1694], %swap3A_1697 {strides = array<i32>} : memref<400x128xf32, #tpu.memory_space<vmem>>, vector<1x16xf32>,
        %mul3A_1698 = vector.broadcast %squeeze3A_1613 : f32 to vector<16xf32>
        %mul3A_1699 = arith.mulf %mul3A_1698, %sub3A_57 : vector<16xf32>
        %add3A_1700 = arith.addf %get3A_26, %mul3A_1699 : vector<16xf32>
        %mul3A_1701 = arith.constant 16 : i32
        %mul3A_1702 = arith.muli %scan3A_132, %mul3A_1701 : i32
        %add3A_1703 = arith.constant 15 : i32
        %add3A_1704 = arith.addi %mul3A_1702, %add3A_1703 : i32
        %swap3A_1705 = arith.index_cast %add3A_1704 : i32 to index
        %swap3A_1706 = arith.constant 112 : index
        %swap3A_1707 = tpu.vector_load %arg7[%swap3A_1705, %swap3A_1706] {strides = array<i32>} : memref<400x128xf32, #tpu.memory_space<vmem>>, vector<1x16xf32>,
        %swap3A_1708 = vector.shape_cast %swap3A_1707 : vector<1x16xf32> to vector<16xf32>
        %swap3A_1709 = vector.shape_cast %add3A_1700 : vector<16xf32> to vector<1x16xf32>
        tpu.vector_store %arg7[%swap3A_1705, %swap3A_1706], %swap3A_1709 {strides = array<i32>} : memref<400x128xf32, #tpu.memory_space<vmem>>, vector<1x16xf32>,
      }
      %scan3A_127 = arith.constant 25 : i32
      %dma_start3A_128 = arith.constant 0 : i32
      %dma_start3A_129 = tpu.memref_slice %arg5[%add3A_107, %dma_start3A_128] : memref<204800x128xf32, #tpu.memory_space<hbm>> -> memref<400x128xf32, #tpu.memory_space<hbm>>
      %dma_start3A_130 = arith.constant 0 : i32
      %dma_start3A_131 = tpu.memref_slice %arg5[%add3A_107, %dma_start3A_130] : memref<204800x128xf32, #tpu.memory_space<hbm>> -> memref<400x128xf32, #tpu.memory_space<hbm>>
      tpu.enqueue_dma source(%arg7 : memref<400x128xf32, #tpu.memory_space<vmem>>) target(%dma_start3A_131 : memref<400x128xf32, #tpu.memory_space<hbm>>) target_semaphore(%arg13 : memref<!tpu.dma_semaphore, #tpu.memory_space<semaphore_mem>>)
    }
    %scan3A_61 = arith.constant 8 : i32
    %add3A_62 = arith.constant 0 : i32
    %add3A_63 = arith.addi %mul3A_2, %add3A_62 : i32
    %dma_wait3A = arith.constant 0 : i32
    %dma_wait3A_64 = tpu.memref_slice %arg5[%add3A_63, %dma_wait3A] : memref<204800x128xf32, #tpu.memory_space<hbm>> -> memref<400x128xf32, #tpu.memory_space<hbm>>
    %dma_wait3A_65 = arith.constant 0 : i32
    %dma_wait3A_66 = tpu.memref_slice %arg5[%add3A_63, %dma_wait3A_65] : memref<204800x128xf32, #tpu.memory_space<hbm>> -> memref<400x128xf32, #tpu.memory_space<hbm>>
    tpu.wait_dma2 semaphore(%arg12 : memref<!tpu.dma_semaphore, #tpu.memory_space<semaphore_mem>>) src(%arg6 : memref<400x128xf32, #tpu.memory_space<vmem>>) dst(%dma_wait3A_66 : memref<400x128xf32, #tpu.memory_space<hbm>>)
    %add3A_67 = arith.constant 400 : i32
    %add3A_68 = arith.addi %mul3A_2, %add3A_67 : i32
    %dma_wait3A_69 = arith.constant 0 : i32
    %dma_wait3A_70 = tpu.memref_slice %arg5[%add3A_68, %dma_wait3A_69] : memref<204800x128xf32, #tpu.memory_space<hbm>> -> memref<400x128xf32, #tpu.memory_space<hbm>>
    %dma_wait3A_71 = arith.constant 0 : i32
    %dma_wait3A_72 = tpu.memref_slice %arg5[%add3A_68, %dma_wait3A_71] : memref<204800x128xf32, #tpu.memory_space<hbm>> -> memref<400x128xf32, #tpu.memory_space<hbm>>
    tpu.wait_dma2 semaphore(%arg13 : memref<!tpu.dma_semaphore, #tpu.memory_space<semaphore_mem>>) src(%arg7 : memref<400x128xf32, #tpu.memory_space<vmem>>) dst(%dma_wait3A_72 : memref<400x128xf32, #tpu.memory_space<hbm>>)
    return
  }
}

</mosaic_0001>

<sc_bundles>
// kernel: kernel.3.cloned.1.call-start
scs
__scs_entry_jumppad:
0x0: {  	(pc) =	sbr.rel $0x88, $3  }
0x1: {  	(tag) =	ssettag $0x0;
	lr =	simm.s32 $0x1  }
0x2: {  	[smem:$0x3F9E] =	sst lr;
	_ =	strace $0xD0000000  }
0x3: {  	_ = 	snop  }
0x4: {  	_ = 	snop  }
0x5: {  	_ = 	snop  }
0x6: {  	_ = 	snop  }
0x7: {  	_ = 	snop  }
__scs_overlays_trampoline_lowered:
0x8: {  	[smem:$0x3FAD] =	sst s0  }
0x9: {  	[smem:$0x3FAE] =	sst s1  }
0xa: {  	[smem:$0x3FAF] =	sst s2  }
0xb: {  	[smem:$0x3FB0] =	sst s3  }
0xc: {  	[smem:$0x3FB1] =	sst s4  }
0xd: {  	[smem:$0x3FB2] =	sst s5  }
0xe: {  	[smem:$0x3FB3] =	sst s6  }
0xf: {  	[smem:$0x3FB4] =	sst s7  }
0x10: {  	[smem:$0x3FB5] =	sst s8  }
0x11: {  	[smem:$0x3FB6] =	sst s9;
	s0 =	simm.s32 @!p0 $0x0  }
0x12: {  	s1 =	sld [smem:$0x3F9C];
	s0 =	simm.s32 @p0 $0x1  }
0x13: {  	[smem:$0x3FB7] =	sst s0;
	s0 =	simm.s32 @!p1 $0x0  }
0x14: {  	s2 =	sld [smem:$0x3F9B];
	s0 =	simm.s32 @p1 $0x1  }
0x15: {  	[smem:$0x3FB8] =	sst s0;
	s0 =	simm.s32 @!p2 $0x0  }
0x16: {  	s3 =	sld [smem:$0x3FDB];
	s0 =	simm.s32 @p2 $0x1  }
0x17: {  	s4 =	simm.s32 $0x1BF5;
	[smem:$0x3FBA] =	sst s0  }
0x18: {  	s0 =	sld [smem:$0x3F9D];
	_ =	swait.ge [sflag:s4], $0x0  }
0x19: {  	s7 =	sld [smem:$0x3F9E]  }
0x1a: {  	s8 =	sadd.s32 $0xFFFFE003, lr  }
0x1b: {  	s9 =	sadd.s32 $0xFFFFFEF7, lr;
	s5 =	simm.s32 $0xFFFFFFFF;
	p2 =	slt.u32 s8, $0xFFFFF086  }
0x1c: {  	p1 =	slt.u32 s9, $0xF7A;
	s5 =	simm.s32 @!p2 $0x0  }
0x1d: {  	s5 =	simm.s32 @p1 $0x1;
	p0 =	seq.s32 s7, s2  }
0x1e: {  	s7 =	smul.u32 @!p0 $0xF7A, s2;
	p2 =	seq.s32 @!p0 s5, $0x0  }
0x1f: {  	s9 =	smul.u32 $0xF7A, s1;
	s8 =	simm.s32 @!p0 $0x1BF5;
	p2 =	por !p2, p0  }
0x20: {  	[sflag:s8] =	ssyncset.s32 @!p0 $0xFFFFF086;
	s6 =	sadd.s32 @!p0 s3, s7;
	s7 =	simm.s32 @!p0 $0x108  }
0x21: {  	s3 =	sadd.s32 s3, s9;
	s6 =	sadd.s32 @!p0 $0x88, s6;
	s7 =	simm.s32 @p2 $0x1082  }
0x22: {  	[simem:s7], [sflag:s8] =	dma.local @!p0 [hbm:s6], $0xF7A  }
0x23: {  	s9 =	sor.u32 $0xD0000000, s2;
	s6 =	simm.s32 $0x108;
	_ =	swait.ge @!p0 [sflag:s8], $0x0  }
0x24: {  	s3 =	sadd.s32 $0x88, s3;
	s6 =	simm.s32 @!p1 $0x1082;
	[sflag:s4] =	ssyncset.s32 $0xFFFFF086  }
0x25: {  	[simem:s6], [sflag:s4] =	dma.local [hbm:s3], $0xF7A  }
0x26: {  	[smem:$0x3F9E] =	sst s1;
	(tag) =	ssettag s2;
	_ =	strace s9  }
0x27: {  	s1 =	sld [smem:$0x3FAE]  }
0x28: {  	s2 =	sld [smem:$0x3FAF]  }
0x29: {  	s4 =	sld [smem:$0x3FB1]  }
0x2a: {  	p0 =	seq.s32 s5, $0x0;
	s5 =	sld [smem:$0x3FB2]  }
0x2b: {  	s6 =	sld [smem:$0x3FB3]  }
0x2c: {  	s7 =	sld [smem:$0x3FB4]  }
0x2d: {  	s3 =	simm.s32 $0x108;
	s8 =	sld [smem:$0x3FB5]  }
0x2e: {  	s3 =	simm.s32 @!p0 $0x1082;
	s9 =	sld [smem:$0x3FB6]  }
0x2f: {  	lr =	sadd.s32 s0, s3;
	s0 =	sld [smem:$0x3FAD]  }
0x30: {  	s3 =	sld [smem:$0x3FB0]  }
0x31: {  	[smem:$0x3FB9] =	sst s10  }
0x32: {  	s10 =	sld [smem:$0x3FB7];
	_ =	sdelay $0x3  }
0x33: {  	p0 =	seq.s32 s10, $0x1;
	s10 =	sld [smem:$0x3FB9];
	_ =	sdelay $0x3  }
0x34: {  	[smem:$0x3FB9] =	sst s10  }
0x35: {  	s10 =	sld [smem:$0x3FB8];
	_ =	sdelay $0x3  }
0x36: {  	p1 =	seq.s32 s10, $0x1;
	s10 =	sld [smem:$0x3FB9];
	_ =	sdelay $0x3  }
0x37: {  	[smem:$0x3FB9] =	sst s10  }
0x38: {  	s10 =	sld [smem:$0x3FBA]  }
0x39: {  	_ = 	snop;
	(pc) =	sbr.ind lr, $3  }
0x3a: {  	_ = 	snop  }
0x3b: {  	_ = 	snop  }
0x3c: {  	p2 =	seq.s32 s10, $0x1;
	s10 =	sld [smem:$0x3FB9]  }
0x3d: {  	_ =	shalt  }
0x3e: {  	_ =	shalt  }
0x3f: {  	_ =	shalt  }
0x40: {  	_ =	shalt  }
0x41: {  	_ =	shalt  }
0x42: {  	_ =	shalt  }
0x43: {  	_ =	shalt  }
0x44: {  	_ =	shalt  }
0x45: {  	_ =	shalt  }
0x46: {  	_ =	shalt  }
0x47: {  	_ =	shalt  }
0x48: {  	_ =	shalt  }
0x49: {  	_ =	shalt  }
0x4a: {  	_ =	shalt  }
0x4b: {  	_ =	shalt  }
0x4c: {  	_ =	shalt  }
0x4d: {  	_ =	shalt  }
0x4e: {  	_ =	shalt  }
0x4f: {  	_ =	shalt  }
0x50: {  	_ =	shalt  }
0x51: {  	_ =	shalt  }
0x52: {  	_ =	shalt  }
0x53: {  	_ =	shalt  }
0x54: {  	_ =	shalt  }
0x55: {  	_ =	shalt  }
0x56: {  	_ =	shalt  }
0x57: {  	_ =	shalt  }
0x58: {  	_ =	shalt  }
0x59: {  	_ =	shalt  }
0x5a: {  	_ =	shalt  }
0x5b: {  	_ =	shalt  }
0x5c: {  	_ =	shalt  }
0x5d: {  	_ =	shalt  }
0x5e: {  	_ =	shalt  }
0x5f: {  	_ =	shalt  }
0x60: {  	_ =	shalt  }
0x61: {  	_ =	shalt  }
0x62: {  	_ =	shalt  }
0x63: {  	_ =	shalt  }
0x64: {  	_ =	shalt  }
0x65: {  	_ =	shalt  }
0x66: {  	_ =	shalt  }
0x67: {  	_ =	shalt  }
0x68: {  	_ =	shalt  }
0x69: {  	_ =	shalt  }
0x6a: {  	_ =	shalt  }
0x6b: {  	_ =	shalt  }
0x6c: {  	_ =	shalt  }
0x6d: {  	_ =	shalt  }
0x6e: {  	_ =	shalt  }
0x6f: {  	_ =	shalt  }
0x70: {  	_ =	shalt  }
0x71: {  	_ =	shalt  }
0x72: {  	_ =	shalt  }
0x73: {  	_ =	shalt  }
0x74: {  	_ =	shalt  }
0x75: {  	_ =	shalt  }
0x76: {  	_ =	shalt  }
0x77: {  	_ =	shalt  }
0x78: {  	_ =	shalt  }
0x79: {  	_ =	shalt  }
0x7a: {  	_ =	shalt  }
0x7b: {  	_ =	shalt  }
0x7c: {  	_ =	shalt  }
0x7d: {  	_ =	shalt  }
0x7e: {  	_ =	shalt  }
0x7f: {  	_ =	shalt  }
0x80: {  	_ =	shalt  }
0x81: {  	_ =	shalt  }
0x82: {  	_ =	shalt  }
0x83: {  	_ =	shalt  }
0x84: {  	_ =	shalt  }
0x85: {  	_ =	shalt  }
0x86: {  	_ =	shalt  }
0x87: {  	_ =	shalt  }
.Lfunc_end0:
.L_simem_size_0:
called_computation_lowered:
.L_overlay_start_0:
0x88: {  	s2 =	sld [smem:$0x3FD9]  }
0x89: {  	s3 =	sld [smem:$0x3FFE];
	_ =	sdelay $0x1  }
0x8a: {  	s1 =	srdreg.scid  }
0x8b: {  	s0 =	sand.u32 $0x1, s1  }
0x8c: {  	s17 =	sshll.u32 s0, $0xA;
	s2 =	sadd.s32 s3, s2  }
0x8d: {  	s2 =	sadd.s32 s2, s17  }
0x8e: {  	[smem:$0x3FC5] =	sst s2  }
0x8f: {  	_ = 	snop  }
0x90: {  	s2 =	sld [smem:$0x3FC8]  }
0x91: {  	s18 =	sld [smem:$0x3FC7]  }
0x92: {  	s4 =	sld [smem:$0x3FD0];
	(tm) =	ssettm $0x1  }
0x93: {  	s5 =	sld [smem:$0x3FFB];
	_ =	sdelay $0x3  }
0x94: {  	_ =	strace s5  }
0x95: {  	s5 =	sld [smem:$0x3FFC];
	_ =	sdelay $0x3  }
0x96: {  	_ =	strace s5  }
0x97: {  	s5 =	sld [smem:$0x3FFD];
	_ =	sdelay $0x3  }
0x98: {  	_ =	strace s5  }
0x99: {  	_ =	strace $0x8FFFFFFF  }
0x9a: {  	s19 =	sld [smem:$0x3FDB];
	_ =	sdelay $0x1  }
0x9b: {  	s6 =	simm.s32 $_scs_section_size  }
0x9c: {  	s7 =	simm.s32 $_size__tile_overlayer_lowered;
	s8 =	simm.s32 $_tile_overlayer_lowered  }
0x9d: {  	s22 =	simm.s32 $0x1BFF;
	s21 =	sshll.u32 s8, $0x1;
	s5 =	sadd.s32 s6, s19  }
0x9e: {  	s9 =	simm.s32 $0x0;
	s20 =	sshll.u32 s7, $0x1;
	s7 =	sadd.s32 s21, s5  }
0x9f: {  	[timem:s9], [sflag:s22] =	dma.local [hbm:s7], s20  }
0xa0: {  	_ =	swait.ge [sflag:s22], s20  }
0xa1: {  	s6 =	ssub.s32 $0x0, s20;
	[sflag:s22] =	ssyncset.done $0x0  }
0xa2: {  	[sflag:s22] =	ssyncadd.s32 s6;
	_ =	sdelay $0x1  }
0xa3: {  	s23 =	simm.s32 $0x1B8B  }
0xa4: {  	_ =	swait.ge [sflag:s23], $0x1  }
0xa5: {  	[sflag:s23] =	ssyncset.done $0x0  }
0xa6: {  	s25 =	simm.s32 $0x1B8E;
	s24 =	sld [smem:$0x3FFE];
	[sflag:s23] =	ssyncadd.s32 $0xFFFFFFFF  }
0xa7: {  	s26 =	simm.s32 $execute0_lowered;
	[smem:$0x3FD2] =	sst s25  }
0xa8: {  	s7 =	sshll.u32 s26, $0x1;
	_ =	strace $0x80000046;
	[dreg:$0x1] =	wrdreg $0xFFFFFFFF  }
0xa9: {  	s28 =	simm.s32 $_size_execute0_lowered;
	s5 =	sadd.s32 s5, s7;
	[dreg:$0x0] =	wrdreg $0x0  }
0xaa: {  	s7 =	sshll.u32 s28, $0x1;
	[dreg:$0x2] =	wrdreg s5  }
0xab: {  	[dreg:$0x3] =	wrdreg s7  }
0xac: {  	[dreg:$0x4] =	wrdreg $0xC0  }
0xad: {  	_ =	task [dreg:s9], $0x5FFFF  }
0xae: {  	[dreg:$0x1] =	wrdreg $0xFFFFFFFF  }
0xaf: {  	[dreg:$0x0] =	wrdreg $0x60  }
0xb0: {  	[dreg:$0x2] =	wrdreg s24  }
0xb1: {  	[dreg:$0x3] =	wrdreg s2  }
0xb2: {  	[dreg:$0x4] =	wrdreg s18  }
0xb3: {  	[dreg:$0x5] =	wrdreg s4  }
0xb4: {  	[dreg:$0x6] =	wrdreg $0x9  }
0xb5: {  	_ =	task.clear_ibuf [dreg:s9], $0x7FFFF;
	_ =	strace $0x90000046  }
0xb6: {  	s29 =	simm.s32 $0x9;
	_ =	strace $0x80000048  }
0xb7: {  	_ =	swait.ge [sflag:s29], $0x1  }
0xb8: {  	[sflag:s29] =	ssyncadd.s32 $0xFFFFFFFF  }
0xb9: {  	_ =	strace $0x90000048  }
0xba: {  	_ =	sfence  }
0xbb: {  	s30 =	sld [smem:$0x0];
	_ =	sdelay $0x2  }
0xbc: {  	s31 =	sshll.u32 s1, $0xD;
	s1 =	sshrl.u32 s1, $0x2  }
0xbd: {  	s3 =	sand.u32 $0x4000, s31;
	s1 =	sadd.s32 s1, s30  }
0xbe: {  	s0 =	sor.u32 s3, s0;
	s1 =	sshll.u32 s1, $0x11  }
0xbf: {  	s0 =	sor.u32 s1, s0  }
0xc0: {  	s0 =	sadd.s32 $0x8F2B, s0  }
0xc1: {  	[sflag:s0] =	ssyncadd.remote.s32 $0x1  }
0xc2: {  	_ =	sfence.sel $0xFFFF  }
0xc3: {  	[dreg:$0x0] =	wrdreg $0xFFFFFFFF;
	(pc) =	sbr.abs _section_cstart, $3  }
0xc4: {  	[dreg:$0x1] =	wrdreg $0xFFFFFFFF  }
0xc5: {  	_ =	task.clear_ibuf [dreg:s9], $0x2FFFF;
	_ =	strace $0x9FFFFFFF  }
0xc6: {  	(tm) =	ssettm $0x7FFFFFFF  }
0xc7: {  	_ =	shalt  }
tec
execute0_lowered:
.L_overlay_start_1:
0x0: {  	(tag) =	ssettag $0x1  }
0x1: {  	s7 =	rddreg [dreg:$0x0]  }
0x2: {  	s1 =	rddreg [dreg:$0x1]  }
0x3: {  	s3 =	rddreg [dreg:$0x2];
	s2 =	srdreg.scid  }
0x4: {  	s0 =	stileid.u32;
	s4 =	rddreg [dreg:$0x3]  }
0x5: {  	s5 =	simm.s32 $0x0;
	s12 =	simm.s32 $0x19400;
	s13 =	simm.s32 $0x19480  }
0x6: {  	s14 =	simm.s32 $0x19000;
	s15 =	simm.s32 $0x1;
	s16 =	simm.s32 $0x2  }
0x7: {  	s17 =	simm.s32 $0x3;
	s18 =	simm.s32 $0x19200;
	s19 =	simm.s32 $0x4  }
0x8: {  	s20 =	simm.s32 $0xC800;
	s8 =	sand.u32 $0x1, s2;
	s6 =	sshll.u32 s0, $0x1  }
0x9: {  	s21 =	simm.s32 $0x0;
	s2 =	rddreg [dreg:$0x4];
	s6 =	sor.u32 s8, s6  }
0xa: {  	[smem:$0x7FF] =	sst s5;
	s8 =	ssub.s32 $0x2, s8;
	s6 =	smul.u32 $0x1900, s6  }
0xb: {  	s7 =	sadd.s32 $0x400, s7;
	_ =	strace $0x80000047;
	s9 =	sshrl.u32 s8, $0x1  }
0xc: {  	s11 =	ssub.s32 s8, s9;
	s10 =	sshrl.u32 s6, $0x3;
	s9 =	sadd.s32 $0x1900, s6  }
0xd: {  	s11 =	smax.u32 s11, $0x1;
	s8 =	sadd.s32 s7, s10;
	s10 =	sadd.s32 $0x190, s6  }
.LBB2_1:
0xe: {  	[tilespmem:s12], [sflag:$0x1] =	stream.linear.gather [hbm4b:s1+s5], $0x80, $0x38;
	[tilespmem:$0x19500] =	vst v63  }
0xf: {  	_ = 	snop  }
0x10: {  	[tilespmem:s13], [sflag:$0x2] =	stream.linear.gather [hbm4b:s3+s5], $0x80, $0x38;
	[tilespmem:$0x19500] =	vst v63  }
0x11: {  	_ = 	snop  }
0x12: {  	[tilespmem:s14], [sflag:$0x3] =	stream.linear.gather [hbm4b:s8+s5], $0x190, $0x38;
	[tilespmem:$0x19500] =	vst v63  }
0x13: {  	_ =	swait.ge [sflag:s15], $0x80  }
0x14: {  	[sflag:s15] =	ssyncset.done $0x0  }
0x15: {  	[sflag:s15] =	ssyncadd.s32 $0xFFFFFF80  }
0x16: {  	_ =	swait.ge [sflag:s16], $0x80  }
0x17: {  	[sflag:s16] =	ssyncset.done $0x0  }
0x18: {  	[sflag:s16] =	ssyncadd.s32 $0xFFFFFF80  }
0x19: {  	v0 =	vld [tilespmem:$0x19400]  }
0x1a: {  	v1 =	vld [tilespmem:$0x19410]  }
0x1b: {  	v2 =	vld [tilespmem:$0x19420]  }
0x1c: {  	v3 =	vld [tilespmem:$0x19430]  }
0x1d: {  	v4 =	vld [tilespmem:$0x19440]  }
0x1e: {  	v5 =	vld [tilespmem:$0x19450]  }
0x1f: {  	v6 =	vld [tilespmem:$0x19460]  }
0x20: {  	v7 =	vld [tilespmem:$0x19470]  }
0x21: {  	v8 =	vld [tilespmem:$0x19480]  }
0x22: {  	v9 =	vld [tilespmem:$0x19490]  }
0x23: {  	v10 =	vld [tilespmem:$0x194A0]  }
0x24: {  	v11 =	vld [tilespmem:$0x194B0]  }
0x25: {  	v12 =	vld [tilespmem:$0x194C0]  }
0x26: {  	v13 =	vld [tilespmem:$0x194D0]  }
0x27: {  	v14 =	vld [tilespmem:$0x194E0]  }
0x28: {  	v15 =	vld [tilespmem:$0x194F0];
	_ =	sdelay $0x1  }
0x29: {  	v8 =	vsub.f32 v8, v0;
	v9 =	vsub.f32 v9, v1  }
0x2a: {  	v10 =	vsub.f32 v10, v2;
	v11 =	vsub.f32 v11, v3  }
0x2b: {  	v12 =	vsub.f32 v12, v4;
	v13 =	vsub.f32 v13, v5  }
0x2c: {  	s22 =	simm.s32 $0x0;
	v14 =	vsub.f32 v14, v6;
	v15 =	vsub.f32 v15, v7  }
.LBB2_2:
0x2d: {  	s23 =	smul.u32 $0x320, s22;
	_ =	sdelay $0x1  }
0x2e: {  	s24 =	sadd.s32 s6, s23  }
0x2f: {  	_ =	swait.ge [sflag:s17], $0x190;
	s25 =	sshrl.u32 s24, $0x3  }
0x30: {  	[sflag:s17] =	ssyncset.done $0x0;
	s25 =	sadd.s32 s7, s25  }
0x31: {  	p0 =	seq.s32 s22, $0x0;
	[sflag:s17] =	ssyncadd.s32 $0xFFFFFE70;
	s25 =	sadd.s32 $0x32, s25  }
0x32: {  	[tilespmem:s18], [sflag:$0x4] =	stream.linear.gather [hbm4b:s25+s5], $0x190, $0x38;
	[tilespmem:$0x19500] =	vst v63  }
0x33: {  	s25 =	simm.s32 @!p0 $0x1  }
0x34: {  	_ =	swait.ge @!p0 [sflag:s25], $0xC800  }
0x35: {  	[sflag:s25] =	ssyncset.done @!p0 $0x0  }
0x36: {  	s31 =	simm.s32 $0x0;
	[sflag:s25] =	ssyncadd.s32 @!p0 $0xFFFF3800  }
0x37: {  	v16 =	vld [tilespmem:s31+$0x19000];
	_ =	sdelay $0x4  }
0x38: {  	v16 =	vmax.f32 v16, $0.0e+00  }
0x39: {  	v16 =	vmin.f32 v16, $1.000000000e+02  }
0x3a: {  	v16 =	vmul.f32 $9.999999770e-03, v16;
	_ =	sdelay $0x1  }
0x3b: {  	v17 =	vbroadcast v16, $0x0;
	_ =	sdelay $0x1  }
0x3c: {  	v18 =	vmul.f32 v17, v8  }
0x3d: {  	v19 =	vmul.f32 v17, v9  }
0x3e: {  	v20 =	vmul.f32 v17, v10;
	v18 =	vadd.f32 v18, v0  }
0x3f: {  	s25 =	simm.s32 $0x400;
	v21 =	vmul.f32 v17, v11;
	v19 =	vadd.f32 v19, v1  }
0x40: {  	v22 =	vmul.f32 v17, v12;
	v20 =	vadd.f32 v20, v2;
	[tilespmem:s25+$0xFFFFFC00] =	vst v18  }
0x41: {  	v50 =	vmul.f32 v17, v13;
	v49 =	vadd.f32 v21, v3;
	[tilespmem:s25+$0xFFFFFC10] =	vst v19  }
0x42: {  	v51 =	vbroadcast v16, $0x1;
	v23 =	vmul.f32 v17, v14;
	v22 =	vadd.f32 v22, v4;
	[tilespmem:s25+$0xFFFFFC20] =	vst v20  }
0x43: {  	v17 =	vmul.f32 v17, v15;
	v52 =	vadd.f32 v50, v5;
	[tilespmem:s25+$0xFFFFFC30] =	vst v49  }
0x44: {  	v61 =	vbroadcast v16, $0x2;
	v55 =	vmul.f32 v51, v9;
	v54 =	vadd.f32 v23, v6;
	[tilespmem:s25+$0xFFFFFC40] =	vst v22  }
0x45: {  	v62 =	vmul.f32 v51, v14;
	v17 =	vadd.f32 v17, v7;
	[tilespmem:s25+$0xFFFFFC50] =	vst v52  }
0x46: {  	v30 =	vbroadcast v16, $0x3;
	v63 =	vmul.f32 v61, v8;
	v57 =	vadd.f32 v55, v1;
	[tilespmem:s25+$0xFFFFFC60] =	vst v54  }
0x47: {  	v31 =	vmul.f32 v61, v14;
	v24 =	vadd.f32 v62, v6;
	[tilespmem:s25+$0xFFFFFC70] =	vst v17  }
0x48: {  	v36 =	vmul.f32 v30, v11;
	v26 =	vadd.f32 v63, v0;
	[tilespmem:s25+$0xFFFFFC90] =	vst v57  }
0x49: {  	v38 =	vmul.f32 v30, v13;
	v33 =	vadd.f32 v31, v6;
	[tilespmem:s25+$0xFFFFFCE0] =	vst v24  }
0x4a: {  	v53 =	vmul.f32 v51, v8;
	v21 =	vadd.f32 v36, v3;
	[tilespmem:s25+$0xFFFFFD00] =	vst v26  }
0x4b: {  	v56 =	vmul.f32 v51, v10;
	v42 =	vadd.f32 v38, v5;
	[tilespmem:s25+$0xFFFFFD60] =	vst v33  }
0x4c: {  	v58 =	vmul.f32 v51, v11;
	v18 =	vadd.f32 v53, v0;
	[tilespmem:s25+$0xFFFFFDB0] =	vst v21  }
0x4d: {  	v40 =	vbroadcast v16, $0x4;
	v59 =	vmul.f32 v51, v12;
	v17 =	vadd.f32 v56, v2;
	[tilespmem:s25+$0xFFFFFDD0] =	vst v42  }
0x4e: {  	v27 =	vmul.f32 v61, v10;
	v22 =	vadd.f32 v58, v3;
	[tilespmem:s25+$0xFFFFFC80] =	vst v18  }
0x4f: {  	v43 =	vmul.f32 v40, v8;
	v20 =	vadd.f32 v59, v4;
	[tilespmem:s25+$0xFFFFFCA0] =	vst v17  }
0x50: {  	v60 =	vmul.f32 v51, v13;
	v19 =	vadd.f32 v27, v2;
	[tilespmem:s25+$0xFFFFFCB0] =	vst v22  }
0x51: {  	v25 =	vmul.f32 v61, v9;
	v21 =	vadd.f32 v43, v0;
	[tilespmem:s25+$0xFFFFFCC0] =	vst v20  }
0x52: {  	v28 =	vmul.f32 v61, v11;
	v18 =	vadd.f32 v60, v5;
	[tilespmem:s25+$0xFFFFFD20] =	vst v19  }
0x53: {  	v32 =	vmul.f32 v61, v15;
	v20 =	vadd.f32 v25, v1;
	[tilespmem:s25+$0xFFFFFE00] =	vst v21  }
0x54: {  	v48 =	vbroadcast v16, $0x5;
	v47 =	vmul.f32 v40, v13;
	v22 =	vadd.f32 v28, v3;
	[tilespmem:s25+$0xFFFFFCD0] =	vst v18  }
0x55: {  	v17 =	vmul.f32 v51, v15;
	v19 =	vadd.f32 v32, v7;
	[tilespmem:s25+$0xFFFFFD10] =	vst v20  }
0x56: {  	v52 =	vmul.f32 v48, v10;
	v21 =	vadd.f32 v47, v5;
	[tilespmem:s25+$0xFFFFFD30] =	vst v22  }
0x57: {  	v57 =	vmul.f32 v48, v14;
	v17 =	vadd.f32 v17, v7;
	[tilespmem:s25+$0xFFFFFD70] =	vst v19  }
0x58: {  	v29 =	vmul.f32 v61, v13;
	v54 =	vadd.f32 v52, v2;
	[tilespmem:s25+$0xFFFFFE50] =	vst v21  }
0x59: {  	v59 =	vadd.f32 v57, v6;
	[tilespmem:s25+$0xFFFFFCF0] =	vst v17;
	v17 =	vmul.f32 v61, v12  }
0x5a: {  	v34 =	vmul.f32 v30, v8;
	v18 =	vadd.f32 v29, v5;
	[tilespmem:s25+$0xFFFFFEA0] =	vst v54  }
0x5b: {  	v39 =	vmul.f32 v30, v14;
	[tilespmem:s25+$0xFFFFFEE0] =	vst v59;
	v17 =	vadd.f32 v17, v4  }
0x5c: {  	v45 =	vmul.f32 v40, v10;
	v22 =	vadd.f32 v34, v0;
	[tilespmem:s25+$0xFFFFFD50] =	vst v18  }
0x5d: {  	v19 =	vadd.f32 v39, v6;
	[tilespmem:s25+$0xFFFFFD40] =	vst v17;
	v17 =	vmul.f32 v30, v9  }
0x5e: {  	v55 =	vmul.f32 v48, v12;
	v20 =	vadd.f32 v45, v2;
	[tilespmem:s25+$0xFFFFFD80] =	vst v22  }
0x5f: {  	v37 =	vmul.f32 v30, v12;
	[tilespmem:s25+$0xFFFFFDE0] =	vst v19;
	v17 =	vadd.f32 v17, v1  }
0x60: {  	v35 =	vmul.f32 v30, v10;
	v21 =	vadd.f32 v55, v4;
	[tilespmem:s25+$0xFFFFFE20] =	vst v20  }
0x61: {  	v41 =	vmul.f32 v30, v15;
	[tilespmem:s25+$0xFFFFFD90] =	vst v17;
	v17 =	vadd.f32 v37, v4  }
0x62: {  	v46 =	vmul.f32 v40, v11;
	v18 =	vadd.f32 v35, v2;
	[tilespmem:s25+$0xFFFFFEC0] =	vst v21  }
0x63: {  	v49 =	vmul.f32 v40, v14;
	[tilespmem:s25+$0xFFFFFDC0] =	vst v17;
	v17 =	vadd.f32 v41, v7  }
0x64: {  	v50 =	vmul.f32 v40, v15;
	v19 =	vadd.f32 v46, v3;
	[tilespmem:s25+$0xFFFFFDA0] =	vst v18  }
0x65: {  	v22 =	vadd.f32 v49, v6;
	[tilespmem:s25+$0xFFFFFDF0] =	vst v17;
	v17 =	vmul.f32 v40, v12  }
0x66: {  	v44 =	vmul.f32 v40, v9;
	v20 =	vadd.f32 v50, v7;
	[tilespmem:s25+$0xFFFFFE30] =	vst v19  }
0x67: {  	v51 =	vmul.f32 v48, v8;
	[tilespmem:s25+$0xFFFFFE60] =	vst v22;
	v17 =	vadd.f32 v17, v4  }
0x68: {  	v53 =	vmul.f32 v48, v11;
	v34 =	vbroadcast v16, $0x8;
	v18 =	vadd.f32 v44, v1;
	[tilespmem:s25+$0xFFFFFE70] =	vst v20  }
0x69: {  	v19 =	vadd.f32 v51, v0;
	[tilespmem:s25+$0xFFFFFE40] =	vst v17;
	v17 =	vmul.f32 v48, v9  }
0x6a: {  	v42 =	vmul.f32 v34, v13;
	v22 =	vadd.f32 v53, v3;
	[tilespmem:s25+$0xFFFFFE10] =	vst v18  }
0x6b: {  	v43 =	vmul.f32 v34, v14;
	[tilespmem:s25+$0xFFFFFE80] =	vst v19;
	v17 =	vadd.f32 v17, v1  }
0x6c: {  	v56 =	vmul.f32 v48, v13;
	v44 =	vadd.f32 v42, v5;
	[tilespmem:s25+$0xFFFFFEB0] =	vst v22  }
0x6d: {  	v46 =	vadd.f32 v43, v6;
	v18 =	vmul.f32 v48, v15;
	[tilespmem:s25+$0xFFFFFE90] =	vst v17;
	v17 =	vbroadcast v16, $0x6  }
0x6e: {  	v38 =	vmul.f32 v34, v10;
	v19 =	vadd.f32 v56, v5;
	[tilespmem:s25+$0x50] =	vst v44  }
0x6f: {  	[tilespmem:s25+$0x60] =	vst v46;
	v18 =	vadd.f32 v18, v7;
	v58 =	vmul.f32 v17, v8  }
0x70: {  	[tilespmem:s25+$0xFFFFFED0] =	vst v19;
	v40 =	vadd.f32 v38, v2;
	v60 =	vmul.f32 v17, v9  }
0x71: {  	[tilespmem:s25+$0xFFFFFEF0] =	vst v18;
	v62 =	vmul.f32 v17, v10;
	v61 =	vadd.f32 v58, v0  }
0x72: {  	[tilespmem:s25+$0x20] =	vst v40;
	v63 =	vmul.f32 v17, v11;
	v21 =	vadd.f32 v60, v1  }
0x73: {  	v24 =	vmul.f32 v17, v12;
	v20 =	vadd.f32 v62, v2;
	[tilespmem:s25+$0xFFFFFF00] =	vst v61  }
0x74: {  	v25 =	vmul.f32 v17, v13;
	v22 =	vadd.f32 v63, v3;
	[tilespmem:s25+$0xFFFFFF10] =	vst v21  }
0x75: {  	v27 =	vbroadcast v16, $0x7;
	v26 =	vmul.f32 v17, v14;
	v18 =	vadd.f32 v24, v4;
	[tilespmem:s25+$0xFFFFFF20] =	vst v20  }
0x76: {  	v17 =	vmul.f32 v17, v15;
	v19 =	vadd.f32 v25, v5;
	[tilespmem:s25+$0xFFFFFF30] =	vst v22  }
0x77: {  	v29 =	vmul.f32 v27, v8;
	v28 =	vadd.f32 v26, v6;
	[tilespmem:s25+$0xFFFFFF40] =	vst v18  }
0x78: {  	v30 =	vmul.f32 v27, v9;
	v17 =	vadd.f32 v17, v7;
	[tilespmem:s25+$0xFFFFFF50] =	vst v19  }
0x79: {  	v31 =	vmul.f32 v27, v10;
	v21 =	vadd.f32 v29, v0;
	[tilespmem:s25+$0xFFFFFF60] =	vst v28  }
0x7a: {  	v32 =	vmul.f32 v27, v11;
	v18 =	vadd.f32 v30, v1;
	[tilespmem:s25+$0xFFFFFF70] =	vst v17  }
0x7b: {  	v35 =	vmul.f32 v27, v14;
	v53 =	vbroadcast v16, $0xA;
	v19 =	vadd.f32 v31, v2;
	[tilespmem:s25+$0xFFFFFF80] =	vst v21  }
0x7c: {  	v17 =	vmul.f32 v27, v12;
	v20 =	vadd.f32 v32, v3;
	[tilespmem:s25+$0xFFFFFF90] =	vst v18  }
0x7d: {  	v60 =	vmul.f32 v53, v13;
	v22 =	vadd.f32 v35, v6;
	[tilespmem:s25+$0xFFFFFFA0] =	vst v19  }
0x7e: {  	v33 =	vmul.f32 v27, v13;
	v17 =	vadd.f32 v17, v4;
	[tilespmem:s25+$0xFFFFFFB0] =	vst v20  }
0x7f: {  	v36 =	vmul.f32 v27, v15;
	v24 =	vadd.f32 v60, v5;
	[tilespmem:s25+$0xFFFFFFE0] =	vst v22  }
0x80: {  	v21 =	vadd.f32 v33, v5;
	[tilespmem:s25+$0xFFFFFFC0] =	vst v17;
	v17 =	vmul.f32 v34, v9  }
0x81: {  	v37 =	vmul.f32 v34, v8;
	v19 =	vadd.f32 v36, v7;
	[tilespmem:s25+$0x150] =	vst v24  }
0x82: {  	v39 =	vmul.f32 v34, v11;
	[tilespmem:s25+$0xFFFFFFD0] =	vst v21;
	v17 =	vadd.f32 v17, v1  }
0x83: {  	v41 =	vmul.f32 v34, v12;
	v30 =	vbroadcast v16, $0xC;
	v20 =	vadd.f32 v37, v0;
	[tilespmem:s25+$0xFFFFFFF0] =	vst v19  }
0x84: {  	v22 =	vadd.f32 v39, v3;
	v18 =	vmul.f32 v34, v15;
	[tilespmem:s25+$0x10] =	vst v17;
	v17 =	vbroadcast v16, $0x9  }
0x85: {  	v38 =	vmul.f32 v30, v14;
	[tilespmem:s25+$0x0] =	vst v20;
	v21 =	vadd.f32 v41, v4  }
0x86: {  	[tilespmem:s25+$0x30] =	vst v22;
	v18 =	vadd.f32 v18, v7;
	v45 =	vmul.f32 v17, v8  }
0x87: {  	v40 =	vadd.f32 v38, v6;
	[tilespmem:s25+$0x40] =	vst v21;
	v47 =	vmul.f32 v17, v9  }
0x88: {  	[tilespmem:s25+$0x70] =	vst v18;
	v49 =	vmul.f32 v17, v10;
	v48 =	vadd.f32 v45, v0  }
0x89: {  	[tilespmem:s25+$0x260] =	vst v40;
	v50 =	vmul.f32 v17, v11;
	v21 =	vadd.f32 v47, v1  }
0x8a: {  	v51 =	vmul.f32 v17, v12;
	v20 =	vadd.f32 v49, v2;
	[tilespmem:s25+$0x80] =	vst v48  }
0x8b: {  	v52 =	vmul.f32 v17, v13;
	v22 =	vadd.f32 v50, v3;
	[tilespmem:s25+$0x90] =	vst v21  }
0x8c: {  	v54 =	vmul.f32 v17, v14;
	v18 =	vadd.f32 v51, v4;
	[tilespmem:s25+$0xA0] =	vst v20  }
0x8d: {  	v17 =	vmul.f32 v17, v15;
	v19 =	vadd.f32 v52, v5;
	[tilespmem:s25+$0xB0] =	vst v22  }
0x8e: {  	v56 =	vmul.f32 v53, v8;
	v55 =	vadd.f32 v54, v6;
	[tilespmem:s25+$0xC0] =	vst v18  }
0x8f: {  	v57 =	vmul.f32 v53, v9;
	v17 =	vadd.f32 v17, v7;
	[tilespmem:s25+$0xD0] =	vst v19  }
0x90: {  	v58 =	vmul.f32 v53, v10;
	v62 =	vbroadcast v16, $0xB;
	v22 =	vadd.f32 v56, v0;
	[tilespmem:s25+$0xE0] =	vst v55  }
0x91: {  	v59 =	vmul.f32 v53, v11;
	v18 =	vadd.f32 v57, v1;
	[tilespmem:s25+$0xF0] =	vst v17  }
0x92: {  	v27 =	vmul.f32 v62, v10;
	v19 =	vadd.f32 v58, v2;
	[tilespmem:s25+$0x100] =	vst v22  }
0x93: {  	v17 =	vmul.f32 v53, v12;
	v20 =	vadd.f32 v59, v3;
	[tilespmem:s25+$0x110] =	vst v18  }
0x94: {  	v61 =	vmul.f32 v53, v14;
	v21 =	vadd.f32 v27, v2;
	[tilespmem:s25+$0x120] =	vst v19  }
0x95: {  	v25 =	vmul.f32 v62, v8;
	v17 =	vadd.f32 v17, v4;
	[tilespmem:s25+$0x130] =	vst v20  }
0x96: {  	v63 =	vmul.f32 v53, v15;
	v18 =	vadd.f32 v61, v6;
	[tilespmem:s25+$0x1A0] =	vst v21  }
0x97: {  	v26 =	vmul.f32 v62, v9;
	v20 =	vadd.f32 v25, v0;
	[tilespmem:s25+$0x140] =	vst v17  }
0x98: {  	v31 =	vmul.f32 v62, v14;
	v17 =	vadd.f32 v63, v7;
	[tilespmem:s25+$0x160] =	vst v18  }
0x99: {  	v32 =	vmul.f32 v62, v15;
	v19 =	vadd.f32 v26, v1;
	[tilespmem:s25+$0x180] =	vst v20  }
0x9a: {  	v22 =	vadd.f32 v31, v6;
	[tilespmem:s25+$0x170] =	vst v17;
	v17 =	vmul.f32 v62, v12  }
0x9b: {  	v28 =	vmul.f32 v62, v11;
	v21 =	vadd.f32 v32, v7;
	[tilespmem:s25+$0x190] =	vst v19  }
0x9c: {  	v29 =	vmul.f32 v62, v13;
	[tilespmem:s25+$0x1E0] =	vst v22;
	v17 =	vadd.f32 v17, v4  }
0x9d: {  	v35 =	vmul.f32 v30, v11;
	v18 =	vadd.f32 v28, v3;
	[tilespmem:s25+$0x1F0] =	vst v21  }
0x9e: {  	v20 =	vadd.f32 v29, v5;
	[tilespmem:s25+$0x1C0] =	vst v17;
	v17 =	vmul.f32 v30, v9  }
0x9f: {  	v36 =	vmul.f32 v30, v12;
	v22 =	vadd.f32 v35, v3;
	[tilespmem:s25+$0x1B0] =	vst v18  }
0xa0: {  	v33 =	vmul.f32 v30, v8;
	[tilespmem:s25+$0x1D0] =	vst v20;
	v17 =	vadd.f32 v17, v1  }
0xa1: {  	v34 =	vmul.f32 v30, v10;
	v21 =	vadd.f32 v36, v4;
	[tilespmem:s25+$0x230] =	vst v22  }
0xa2: {  	v19 =	vmul.f32 v30, v15;
	v18 =	vadd.f32 v33, v0;
	[tilespmem:s25+$0x210] =	vst v17;
	v17 =	vbroadcast v16, $0xD  }
0xa3: {  	v37 =	vmul.f32 v30, v13;
	v20 =	vadd.f32 v34, v2;
	[tilespmem:s25+$0x240] =	vst v21  }
0xa4: {  	v19 =	vadd.f32 v19, v7;
	[tilespmem:s25+$0x200] =	vst v18;
	v39 =	vmul.f32 v17, v8  }
0xa5: {  	[tilespmem:s25+$0x220] =	vst v20;
	v18 =	vadd.f32 v37, v5;
	v41 =	vmul.f32 v17, v9  }
0xa6: {  	[tilespmem:s25+$0x270] =	vst v19;
	v43 =	vmul.f32 v17, v10;
	v42 =	vadd.f32 v39, v0  }
0xa7: {  	[tilespmem:s25+$0x250] =	vst v18;
	v44 =	vmul.f32 v17, v11;
	v21 =	vadd.f32 v41, v1  }
0xa8: {  	v45 =	vmul.f32 v17, v12;
	v20 =	vadd.f32 v43, v2;
	[tilespmem:s25+$0x280] =	vst v42  }
0xa9: {  	v48 =	vbroadcast v16, $0xE;
	v46 =	vmul.f32 v17, v13;
	v22 =	vadd.f32 v44, v3;
	[tilespmem:s25+$0x290] =	vst v21  }
0xaa: {  	v16 =	vbroadcast v16, $0xF;
	v47 =	vmul.f32 v17, v14;
	v19 =	vadd.f32 v45, v4;
	[tilespmem:s25+$0x2A0] =	vst v20  }
0xab: {  	v17 =	vmul.f32 v17, v15;
	v18 =	vadd.f32 v46, v5;
	[tilespmem:s25+$0x2B0] =	vst v22  }
0xac: {  	v58 =	vmul.f32 v16, v10;
	v49 =	vadd.f32 v47, v6;
	[tilespmem:s25+$0x2C0] =	vst v19  }
0xad: {  	v62 =	vmul.f32 v16, v13;
	v17 =	vadd.f32 v17, v7;
	[tilespmem:s25+$0x2D0] =	vst v18  }
0xae: {  	v50 =	vmul.f32 v48, v8;
	v60 =	vadd.f32 v58, v2;
	[tilespmem:s25+$0x2E0] =	vst v49  }
0xaf: {  	v51 =	vmul.f32 v48, v9;
	v63 =	vadd.f32 v62, v5;
	[tilespmem:s25+$0x2F0] =	vst v17  }
0xb0: {  	v52 =	vmul.f32 v48, v10;
	v21 =	vadd.f32 v50, v0;
	[tilespmem:s25+$0x3A0] =	vst v60  }
0xb1: {  	v53 =	vmul.f32 v48, v11;
	v19 =	vadd.f32 v51, v1;
	[tilespmem:s25+$0x3D0] =	vst v63  }
0xb2: {  	v17 =	vmul.f32 v48, v12;
	v18 =	vadd.f32 v52, v2;
	[tilespmem:s25+$0x300] =	vst v21  }
0xb3: {  	v54 =	vmul.f32 v48, v13;
	v20 =	vadd.f32 v53, v3;
	[tilespmem:s25+$0x310] =	vst v19  }
0xb4: {  	v55 =	vmul.f32 v48, v14;
	v17 =	vadd.f32 v17, v4;
	[tilespmem:s25+$0x320] =	vst v18  }
0xb5: {  	v56 =	vmul.f32 v48, v15;
	v21 =	vadd.f32 v54, v5;
	[tilespmem:s25+$0x330] =	vst v20  }
0xb6: {  	v19 =	vadd.f32 v55, v6;
	[tilespmem:s25+$0x340] =	vst v17;
	v17 =	vmul.f32 v16, v9  }
0xb7: {  	v57 =	vmul.f32 v16, v8;
	v18 =	vadd.f32 v56, v7;
	[tilespmem:s25+$0x350] =	vst v21  }
0xb8: {  	v59 =	vmul.f32 v16, v11;
	[tilespmem:s25+$0x360] =	vst v19;
	v17 =	vadd.f32 v17, v1  }
0xb9: {  	v61 =	vmul.f32 v16, v12;
	v20 =	vadd.f32 v57, v0;
	[tilespmem:s25+$0x370] =	vst v18  }
0xba: {  	v19 =	vadd.f32 v59, v3;
	[tilespmem:s25+$0x390] =	vst v17;
	v17 =	vmul.f32 v16, v14  }
0xbb: {  	[tilespmem:s25+$0x380] =	vst v20;
	v21 =	vadd.f32 v61, v4;
	v16 =	vmul.f32 v16, v15  }
0xbc: {  	[tilespmem:s25+$0x3B0] =	vst v19;
	v17 =	vadd.f32 v17, v6  }
0xbd: {  	[tilespmem:s25+$0x3C0] =	vst v21;
	v16 =	vadd.f32 v16, v7  }
0xbe: {  	[tilespmem:s25+$0x3E0] =	vst v17  }
0xbf: {  	s28 =	simm.s32 $0x10;
	s26 =	simm.s32 $0x80;
	[tilespmem:s25+$0x3F0] =	vst v16  }
.LBB2_3:
0xc0: {  	p1 =	sne.s32 s26, $0x600;
	v16 =	vld [tilespmem:s28+$0x19000];
	_ =	sdelay $0x4  }
0xc1: {  	v16 =	vmax.f32 v16, $0.0e+00  }
0xc2: {  	v16 =	vmin.f32 v16, $1.000000000e+02  }
0xc3: {  	v16 =	vmul.f32 $9.999999770e-03, v16;
	_ =	sdelay $0x1  }
0xc4: {  	v17 =	vbroadcast v16, $0x0;
	v18 =	vbroadcast v16, $0x1  }
0xc5: {  	v19 =	vbroadcast v16, $0x2;
	v20 =	vbroadcast v16, $0x3  }
0xc6: {  	v21 =	vmul.f32 v17, v8;
	v22 =	vmul.f32 v17, v9  }
0xc7: {  	v23 =	vmul.f32 v17, v10;
	v24 =	vmul.f32 v17, v11  }
0xc8: {  	v25 =	vmul.f32 v17, v12;
	v21 =	vadd.f32 v21, v0;
	v22 =	vadd.f32 v22, v1  }
0xc9: {  	s25 =	sadd.s32 $0x800, s25;
	v26 =	vmul.f32 v17, v13;
	v23 =	vadd.f32 v23, v2;
	v24 =	vadd.f32 v24, v3  }
0xca: {  	[tilespmem:s25+$0xFFFFFC00] =	vst v21;
	v21 =	vadd.f32 v25, v4;
	v25 =	vmul.f32 v17, v14;
	v17 =	vmul.f32 v17, v15  }
0xcb: {  	v27 =	vmul.f32 v18, v9;
	[tilespmem:s25+$0xFFFFFC10] =	vst v22;
	v22 =	vadd.f32 v26, v5;
	v26 =	vmul.f32 v18, v8  }
0xcc: {  	[tilespmem:s25+$0xFFFFFC20] =	vst v23;
	v23 =	vadd.f32 v25, v6;
	v17 =	vadd.f32 v17, v7;
	v25 =	vmul.f32 v18, v10  }
0xcd: {  	[tilespmem:s25+$0xFFFFFC30] =	vst v24;
	v24 =	vadd.f32 v26, v0;
	v26 =	vadd.f32 v27, v1;
	v27 =	vmul.f32 v18, v11  }
0xce: {  	v28 =	vmul.f32 v18, v13;
	[tilespmem:s25+$0xFFFFFC40] =	vst v21;
	v21 =	vadd.f32 v25, v2;
	v25 =	vmul.f32 v18, v12  }
0xcf: {  	[tilespmem:s25+$0xFFFFFC50] =	vst v22;
	v22 =	vadd.f32 v27, v3;
	v27 =	vmul.f32 v18, v14;
	v18 =	vmul.f32 v18, v15  }
0xd0: {  	[tilespmem:s25+$0xFFFFFC60] =	vst v23;
	v23 =	vadd.f32 v25, v4;
	v25 =	vadd.f32 v28, v5;
	v28 =	vmul.f32 v19, v8  }
0xd1: {  	[tilespmem:s25+$0xFFFFFC70] =	vst v17;
	v17 =	vadd.f32 v27, v6;
	v18 =	vadd.f32 v18, v7;
	v27 =	vmul.f32 v19, v9  }
0xd2: {  	v29 =	vmul.f32 v19, v11;
	[tilespmem:s25+$0xFFFFFC80] =	vst v24;
	v24 =	vadd.f32 v28, v0;
	v28 =	vmul.f32 v19, v10  }
0xd3: {  	v30 =	vmul.f32 v19, v13;
	[tilespmem:s25+$0xFFFFFC90] =	vst v26;
	v26 =	vadd.f32 v27, v1;
	v27 =	vmul.f32 v19, v12  }
0xd4: {  	[tilespmem:s25+$0xFFFFFCA0] =	vst v21;
	v21 =	vadd.f32 v28, v2;
	v28 =	vadd.f32 v29, v3;
	v29 =	vmul.f32 v19, v14  }
0xd5: {  	v19 =	vmul.f32 v19, v15;
	[tilespmem:s25+$0xFFFFFCB0] =	vst v22;
	v22 =	vadd.f32 v27, v4;
	v27 =	vadd.f32 v30, v5  }
0xd6: {  	v30 =	vmul.f32 v20, v9;
	[tilespmem:s25+$0xFFFFFCC0] =	vst v23;
	v23 =	vadd.f32 v29, v6;
	v29 =	vmul.f32 v20, v8  }
0xd7: {  	v31 =	vmul.f32 v20, v11;
	v19 =	vadd.f32 v19, v7;
	[tilespmem:s25+$0xFFFFFCD0] =	vst v25;
	v25 =	vmul.f32 v20, v10  }
0xd8: {  	[tilespmem:s25+$0xFFFFFCE0] =	vst v17;
	v17 =	vadd.f32 v29, v0;
	v29 =	vadd.f32 v30, v1;
	v30 =	vmul.f32 v20, v12  }
0xd9: {  	[tilespmem:s25+$0xFFFFFCF0] =	vst v18;
	v18 =	vadd.f32 v25, v2;
	v25 =	vadd.f32 v31, v3;
	v31 =	vmul.f32 v20, v13  }
0xda: {  	[tilespmem:s25+$0xFFFFFD00] =	vst v24;
	v24 =	vadd.f32 v30, v4;
	v30 =	vmul.f32 v20, v14;
	v20 =	vmul.f32 v20, v15  }
0xdb: {  	v32 =	vbroadcast v16, $0x5;
	[tilespmem:s25+$0xFFFFFD10] =	vst v26;
	v26 =	vadd.f32 v31, v5;
	v31 =	vbroadcast v16, $0x4  }
0xdc: {  	[tilespmem:s25+$0xFFFFFD20] =	vst v21;
	v21 =	vadd.f32 v30, v6;
	v20 =	vadd.f32 v20, v7;
	v30 =	vbroadcast v16, $0x6  }
0xdd: {  	[tilespmem:s25+$0xFFFFFD30] =	vst v28;
	v28 =	vmul.f32 v31, v8;
	v33 =	vmul.f32 v31, v9  }
0xde: {  	v34 =	vmul.f32 v31, v11;
	[tilespmem:s25+$0xFFFFFD40] =	vst v22;
	v22 =	vmul.f32 v31, v10  }
0xdf: {  	[tilespmem:s25+$0xFFFFFD50] =	vst v27;
	v27 =	vadd.f32 v28, v0;
	v28 =	vadd.f32 v33, v1;
	v33 =	vmul.f32 v31, v12  }
0xe0: {  	[tilespmem:s25+$0xFFFFFD60] =	vst v23;
	v22 =	vadd.f32 v22, v2;
	v23 =	vadd.f32 v34, v3;
	v34 =	vmul.f32 v31, v13  }
0xe1: {  	[tilespmem:s25+$0xFFFFFD70] =	vst v19;
	v19 =	vadd.f32 v33, v4;
	v33 =	vmul.f32 v31, v14;
	v31 =	vmul.f32 v31, v15  }
0xe2: {  	v35 =	vmul.f32 v32, v9;
	[tilespmem:s25+$0xFFFFFD80] =	vst v17;
	v17 =	vadd.f32 v34, v5;
	v34 =	vmul.f32 v32, v8  }
0xe3: {  	[tilespmem:s25+$0xFFFFFD90] =	vst v29;
	v29 =	vadd.f32 v33, v6;
	v31 =	vadd.f32 v31, v7;
	v33 =	vmul.f32 v32, v10  }
0xe4: {  	[tilespmem:s25+$0xFFFFFDA0] =	vst v18;
	v18 =	vadd.f32 v34, v0;
	v34 =	vadd.f32 v35, v1;
	v35 =	vmul.f32 v32, v11  }
0xe5: {  	v36 =	vmul.f32 v32, v13;
	[tilespmem:s25+$0xFFFFFDB0] =	vst v25;
	v25 =	vadd.f32 v33, v2;
	v33 =	vmul.f32 v32, v12  }
0xe6: {  	[tilespmem:s25+$0xFFFFFDC0] =	vst v24;
	v24 =	vadd.f32 v35, v3;
	v35 =	vmul.f32 v32, v14;
	v32 =	vmul.f32 v32, v15  }
0xe7: {  	[tilespmem:s25+$0xFFFFFDD0] =	vst v26;
	v26 =	vadd.f32 v33, v4;
	v33 =	vadd.f32 v36, v5;
	v36 =	vmul.f32 v30, v8  }
0xe8: {  	[tilespmem:s25+$0xFFFFFDE0] =	vst v21;
	v21 =	vadd.f32 v35, v6;
	v32 =	vadd.f32 v32, v7;
	v35 =	vmul.f32 v30, v9  }
0xe9: {  	v37 =	vmul.f32 v30, v11;
	[tilespmem:s25+$0xFFFFFDF0] =	vst v20;
	v20 =	vadd.f32 v36, v0;
	v36 =	vmul.f32 v30, v10  }
0xea: {  	v38 =	vmul.f32 v30, v13;
	[tilespmem:s25+$0xFFFFFE00] =	vst v27;
	v27 =	vadd.f32 v35, v1;
	v35 =	vmul.f32 v30, v12  }
0xeb: {  	[tilespmem:s25+$0xFFFFFE10] =	vst v28;
	v28 =	vadd.f32 v36, v2;
	v36 =	vadd.f32 v37, v3;
	v37 =	vmul.f32 v30, v14  }
0xec: {  	v30 =	vmul.f32 v30, v15;
	[tilespmem:s25+$0xFFFFFE20] =	vst v22;
	v22 =	vadd.f32 v35, v4;
	v35 =	vadd.f32 v38, v5  }
0xed: {  	v38 =	vbroadcast v16, $0x8;
	[tilespmem:s25+$0xFFFFFE30] =	vst v23;
	v23 =	vadd.f32 v37, v6;
	v37 =	vbroadcast v16, $0x7  }
0xee: {  	v39 =	vbroadcast v16, $0xA;
	[tilespmem:s25+$0xFFFFFE40] =	vst v19;
	v19 =	vadd.f32 v30, v7;
	v30 =	vbroadcast v16, $0x9  }
0xef: {  	[tilespmem:s25+$0xFFFFFE50] =	vst v17;
	v17 =	vmul.f32 v37, v8;
	v40 =	vmul.f32 v37, v9  }
0xf0: {  	v41 =	vmul.f32 v37, v11;
	[tilespmem:s25+$0xFFFFFE60] =	vst v29;
	v29 =	vmul.f32 v37, v10  }
0xf1: {  	[tilespmem:s25+$0xFFFFFE70] =	vst v31;
	v17 =	vadd.f32 v17, v0;
	v31 =	vadd.f32 v40, v1;
	v40 =	vmul.f32 v37, v12  }
0xf2: {  	[tilespmem:s25+$0xFFFFFE80] =	vst v18;
	v18 =	vadd.f32 v29, v2;
	v29 =	vadd.f32 v41, v3;
	v41 =	vmul.f32 v37, v13  }
0xf3: {  	[tilespmem:s25+$0xFFFFFE90] =	vst v34;
	v34 =	vadd.f32 v40, v4;
	v40 =	vmul.f32 v37, v14;
	v37 =	vmul.f32 v37, v15  }
0xf4: {  	v42 =	vmul.f32 v38, v9;
	[tilespmem:s25+$0xFFFFFEA0] =	vst v25;
	v25 =	vadd.f32 v41, v5;
	v41 =	vmul.f32 v38, v8  }
0xf5: {  	[tilespmem:s25+$0xFFFFFEB0] =	vst v24;
	v24 =	vadd.f32 v40, v6;
	v37 =	vadd.f32 v37, v7;
	v40 =	vmul.f32 v38, v10  }
0xf6: {  	[tilespmem:s25+$0xFFFFFEC0] =	vst v26;
	v26 =	vadd.f32 v41, v0;
	v41 =	vadd.f32 v42, v1;
	v42 =	vmul.f32 v38, v11  }
0xf7: {  	v43 =	vmul.f32 v38, v13;
	[tilespmem:s25+$0xFFFFFED0] =	vst v33;
	v33 =	vadd.f32 v40, v2;
	v40 =	vmul.f32 v38, v12  }
0xf8: {  	[tilespmem:s25+$0xFFFFFEE0] =	vst v21;
	v21 =	vadd.f32 v42, v3;
	v42 =	vmul.f32 v38, v14;
	v38 =	vmul.f32 v38, v15  }
0xf9: {  	[tilespmem:s25+$0xFFFFFEF0] =	vst v32;
	v32 =	vadd.f32 v40, v4;
	v40 =	vadd.f32 v43, v5;
	v43 =	vmul.f32 v30, v8  }
0xfa: {  	[tilespmem:s25+$0xFFFFFF00] =	vst v20;
	v20 =	vadd.f32 v42, v6;
	v38 =	vadd.f32 v38, v7;
	v42 =	vmul.f32 v30, v9  }
0xfb: {  	v44 =	vmul.f32 v30, v11;
	[tilespmem:s25+$0xFFFFFF10] =	vst v27;
	v27 =	vadd.f32 v43, v0;
	v43 =	vmul.f32 v30, v10  }
0xfc: {  	v45 =	vmul.f32 v30, v13;
	[tilespmem:s25+$0xFFFFFF20] =	vst v28;
	v28 =	vadd.f32 v42, v1;
	v42 =	vmul.f32 v30, v12  }
0xfd: {  	[tilespmem:s25+$0xFFFFFF30] =	vst v36;
	v36 =	vadd.f32 v43, v2;
	v43 =	vadd.f32 v44, v3;
	v44 =	vmul.f32 v30, v14  }
0xfe: {  	v30 =	vmul.f32 v30, v15;
	[tilespmem:s25+$0xFFFFFF40] =	vst v22;
	v22 =	vadd.f32 v42, v4;
	v42 =	vadd.f32 v45, v5  }
0xff: {  	v45 =	vmul.f32 v39, v9;
	[tilespmem:s25+$0xFFFFFF50] =	vst v35;
	v35 =	vadd.f32 v44, v6;
	v44 =	vmul.f32 v39, v8  }
0x100: {  	v46 =	vmul.f32 v39, v11;
	[tilespmem:s25+$0xFFFFFF60] =	vst v23;
	v23 =	vadd.f32 v30, v7;
	v30 =	vmul.f32 v39, v10  }
0x101: {  	[tilespmem:s25+$0xFFFFFF70] =	vst v19;
	v19 =	vadd.f32 v44, v0;
	v44 =	vadd.f32 v45, v1;
	v45 =	vmul.f32 v39, v12  }
0x102: {  	v46 =	vadd.f32 v46, v3;
	[tilespmem:s25+$0xFFFFFF80] =	vst v17;
	v30 =	vadd.f32 v30, v2;
	v17 =	vmul.f32 v39, v13  }
0x103: {  	[tilespmem:s25+$0xFFFFFF90] =	vst v31;
	v31 =	vadd.f32 v45, v4;
	v45 =	vmul.f32 v39, v14;
	v39 =	vmul.f32 v39, v15  }
0x104: {  	v48 =	vbroadcast v16, $0xB;
	v49 =	vbroadcast v16, $0xC;
	[tilespmem:s25+$0xFFFFFFA0] =	vst v18;
	v47 =	vadd.f32 v17, v5  }
0x105: {  	[tilespmem:s25+$0xFFFFFFB0] =	vst v29;
	v29 =	vadd.f32 v45, v6;
	v17 =	vadd.f32 v39, v7;
	v39 =	vbroadcast v16, $0xD  }
0x106: {  	v18 =	vmul.f32 v48, v8;
	[tilespmem:s25+$0xFFFFFFC0] =	vst v34;
	v34 =	vmul.f32 v48, v9  }
0x107: {  	v45 =	vmul.f32 v48, v11;
	[tilespmem:s25+$0xFFFFFFD0] =	vst v25;
	v25 =	vmul.f32 v48, v10  }
0x108: {  	v50 =	vmul.f32 v48, v12;
	[tilespmem:s25+$0xFFFFFFE0] =	vst v24;
	v24 =	vadd.f32 v18, v0;
	v34 =	vadd.f32 v34, v1  }
0x109: {  	v18 =	vadd.f32 v45, v3;
	[tilespmem:s25+$0xFFFFFFF0] =	vst v37;
	v25 =	vadd.f32 v25, v2;
	v37 =	vmul.f32 v48, v13  }
0x10a: {  	v45 =	vmul.f32 v48, v14;
	v48 =	vmul.f32 v48, v15;
	[tilespmem:s25+$0x0] =	vst v26;
	v26 =	vadd.f32 v50, v4  }
0x10b: {  	v50 =	vmul.f32 v49, v9;
	[tilespmem:s25+$0x10] =	vst v41;
	v37 =	vadd.f32 v37, v5;
	v41 =	vmul.f32 v49, v8  }
0x10c: {  	[tilespmem:s25+$0x20] =	vst v33;
	v33 =	vadd.f32 v45, v6;
	v45 =	vadd.f32 v48, v7;
	v48 =	vmul.f32 v49, v10  }
0x10d: {  	[tilespmem:s25+$0x30] =	vst v21;
	v21 =	vadd.f32 v41, v0;
	v41 =	vadd.f32 v50, v1;
	v50 =	vmul.f32 v49, v11  }
0x10e: {  	v51 =	vmul.f32 v49, v13;
	[tilespmem:s25+$0x40] =	vst v32;
	v32 =	vadd.f32 v48, v2;
	v48 =	vmul.f32 v49, v12  }
0x10f: {  	[tilespmem:s25+$0x50] =	vst v40;
	v40 =	vadd.f32 v50, v3;
	v50 =	vmul.f32 v49, v14;
	v49 =	vmul.f32 v49, v15  }
0x110: {  	[tilespmem:s25+$0x60] =	vst v20;
	v20 =	vadd.f32 v48, v4;
	v48 =	vadd.f32 v51, v5;
	v51 =	vmul.f32 v39, v8  }
0x111: {  	[tilespmem:s25+$0x70] =	vst v38;
	v38 =	vadd.f32 v50, v6;
	v49 =	vadd.f32 v49, v7;
	v50 =	vmul.f32 v39, v9  }
0x112: {  	v52 =	vmul.f32 v39, v11;
	[tilespmem:s25+$0x80] =	vst v27;
	v27 =	vadd.f32 v51, v0;
	v51 =	vmul.f32 v39, v10  }
0x113: {  	v53 =	vmul.f32 v39, v13;
	[tilespmem:s25+$0x90] =	vst v28;
	v28 =	vadd.f32 v50, v1;
	v50 =	vmul.f32 v39, v12  }
0x114: {  	[tilespmem:s25+$0xA0] =	vst v36;
	v36 =	vadd.f32 v51, v2;
	v51 =	vadd.f32 v52, v3;
	v52 =	vmul.f32 v39, v14  }
0x115: {  	v39 =	vmul.f32 v39, v15;
	[tilespmem:s25+$0xB0] =	vst v43;
	v43 =	vadd.f32 v50, v4;
	v50 =	vadd.f32 v53, v5  }
0x116: {  	[tilespmem:s25+$0xC0] =	vst v22;
	v22 =	vadd.f32 v52, v6;
	v52 =	vbroadcast v16, $0xE;
	v16 =	vbroadcast v16, $0xF  }
0x117: {  	v39 =	vadd.f32 v39, v7;
	[tilespmem:s25+$0xD0] =	vst v42  }
0x118: {  	[tilespmem:s25+$0xE0] =	vst v35;
	v35 =	vmul.f32 v52, v8;
	v42 =	vmul.f32 v52, v9  }
0x119: {  	v53 =	vmul.f32 v52, v11;
	[tilespmem:s25+$0xF0] =	vst v23;
	v23 =	vmul.f32 v52, v10  }
0x11a: {  	[tilespmem:s25+$0x100] =	vst v19;
	v19 =	vadd.f32 v35, v0;
	v35 =	vadd.f32 v42, v1;
	v42 =	vmul.f32 v52, v12  }
0x11b: {  	[tilespmem:s25+$0x110] =	vst v44;
	v23 =	vadd.f32 v23, v2;
	v44 =	vadd.f32 v53, v3;
	v53 =	vmul.f32 v52, v13  }
0x11c: {  	[tilespmem:s25+$0x120] =	vst v30;
	v30 =	vadd.f32 v42, v4;
	v42 =	vmul.f32 v52, v14;
	v52 =	vmul.f32 v52, v15  }
0x11d: {  	v54 =	vmul.f32 v16, v9;
	[tilespmem:s25+$0x130] =	vst v46;
	v46 =	vadd.f32 v53, v5;
	v53 =	vmul.f32 v16, v8  }
0x11e: {  	[tilespmem:s25+$0x140] =	vst v31;
	v31 =	vadd.f32 v42, v6;
	v42 =	vadd.f32 v52, v7;
	v52 =	vmul.f32 v16, v10  }
0x11f: {  	[tilespmem:s25+$0x150] =	vst v47;
	v47 =	vadd.f32 v53, v0;
	v53 =	vadd.f32 v54, v1;
	v54 =	vmul.f32 v16, v11  }
0x120: {  	v55 =	vmul.f32 v16, v13;
	[tilespmem:s25+$0x160] =	vst v29;
	v29 =	vadd.f32 v52, v2;
	v52 =	vmul.f32 v16, v12  }
0x121: {  	[tilespmem:s25+$0x170] =	vst v17;
	v17 =	vadd.f32 v54, v3;
	v54 =	vmul.f32 v16, v14;
	v16 =	vmul.f32 v16, v15  }
0x122: {  	[tilespmem:s25+$0x180] =	vst v24;
	v24 =	vadd.f32 v52, v4;
	v52 =	vadd.f32 v55, v5  }
0x123: {  	[tilespmem:s25+$0x190] =	vst v34;
	v34 =	vadd.f32 v54, v6;
	v16 =	vadd.f32 v16, v7  }
0x124: {  	[tilespmem:s25+$0x1A0] =	vst v25  }
0x125: {  	[tilespmem:s25+$0x1B0] =	vst v18  }
0x126: {  	[tilespmem:s25+$0x1C0] =	vst v26  }
0x127: {  	[tilespmem:s25+$0x1D0] =	vst v37  }
0x128: {  	[tilespmem:s25+$0x1E0] =	vst v33  }
0x129: {  	[tilespmem:s25+$0x1F0] =	vst v45  }
0x12a: {  	[tilespmem:s25+$0x200] =	vst v21  }
0x12b: {  	[tilespmem:s25+$0x210] =	vst v41  }
0x12c: {  	[tilespmem:s25+$0x220] =	vst v32  }
0x12d: {  	[tilespmem:s25+$0x230] =	vst v40  }
0x12e: {  	[tilespmem:s25+$0x240] =	vst v20  }
0x12f: {  	[tilespmem:s25+$0x250] =	vst v48  }
0x130: {  	[tilespmem:s25+$0x260] =	vst v38  }
0x131: {  	[tilespmem:s25+$0x270] =	vst v49  }
0x132: {  	[tilespmem:s25+$0x280] =	vst v27  }
0x133: {  	[tilespmem:s25+$0x290] =	vst v28  }
0x134: {  	[tilespmem:s25+$0x2A0] =	vst v36  }
0x135: {  	[tilespmem:s25+$0x2B0] =	vst v51  }
0x136: {  	[tilespmem:s25+$0x2C0] =	vst v43  }
0x137: {  	[tilespmem:s25+$0x2D0] =	vst v50  }
0x138: {  	[tilespmem:s25+$0x2E0] =	vst v22  }
0x139: {  	[tilespmem:s25+$0x2F0] =	vst v39  }
0x13a: {  	[tilespmem:s25+$0x300] =	vst v19  }
0x13b: {  	[tilespmem:s25+$0x310] =	vst v35  }
0x13c: {  	[tilespmem:s25+$0x320] =	vst v23  }
0x13d: {  	[tilespmem:s25+$0x330] =	vst v44  }
0x13e: {  	[tilespmem:s25+$0x340] =	vst v30  }
0x13f: {  	[tilespmem:s25+$0x350] =	vst v46  }
0x140: {  	[tilespmem:s25+$0x360] =	vst v31  }
0x141: {  	[tilespmem:s25+$0x370] =	vst v42  }
0x142: {  	[tilespmem:s25+$0x380] =	vst v47  }
0x143: {  	[tilespmem:s25+$0x390] =	vst v53  }
0x144: {  	[tilespmem:s25+$0x3A0] =	vst v29  }
.Ltmp0:
0x145: {  	[tilespmem:s25+$0x3B0] =	vst v17;
	(pc) =	sbr.rel @p1 .LBB2_3-.Ltmp0, $4  }
0x146: {  	[tilespmem:s25+$0x3C0] =	vst v24  }
0x147: {  	[tilespmem:s25+$0x3D0] =	vst v52  }
0x148: {  	[tilespmem:s25+$0x3E0] =	vst v34  }
0x149: {  	s28 =	sshra.s32 s26, $0x2;
	s26 =	sadd.s32 $0x40, s26;
	[tilespmem:s25+$0x3F0] =	vst v16  }
0x14a: {  	v16 =	vld [tilespmem:s28+$0x19000];
	_ =	sdelay $0x4  }
0x14b: {  	v16 =	vmax.f32 v16, $0.0e+00  }
0x14c: {  	v16 =	vmin.f32 v16, $1.000000000e+02  }
0x14d: {  	v16 =	vmul.f32 $9.999999770e-03, v16;
	_ =	sdelay $0x1  }
0x14e: {  	v17 =	vbroadcast v16, $0x0;
	_ =	sdelay $0x1  }
0x14f: {  	v18 =	vmul.f32 v17, v8  }
0x150: {  	v19 =	vmul.f32 v17, v9  }
0x151: {  	v20 =	vmul.f32 v17, v10;
	v18 =	vadd.f32 v18, v0  }
0x152: {  	s25 =	sadd.s32 $0x800, s25;
	v21 =	vmul.f32 v17, v11;
	v19 =	vadd.f32 v19, v1  }
0x153: {  	v22 =	vmul.f32 v17, v12;
	v20 =	vadd.f32 v20, v2;
	[tilespmem:s25+$0xFFFFFC00] =	vst v18  }
0x154: {  	v29 =	vmul.f32 v17, v13;
	v28 =	vadd.f32 v21, v3;
	[tilespmem:s25+$0xFFFFFC10] =	vst v19  }
0x155: {  	v30 =	vbroadcast v16, $0x1;
	v23 =	vmul.f32 v17, v14;
	v22 =	vadd.f32 v22, v4;
	[tilespmem:s25+$0xFFFFFC20] =	vst v20  }
0x156: {  	v17 =	vmul.f32 v17, v15;
	v31 =	vadd.f32 v29, v5;
	[tilespmem:s25+$0xFFFFFC30] =	vst v28  }
0x157: {  	v40 =	vbroadcast v16, $0x2;
	v34 =	vmul.f32 v30, v9;
	v33 =	vadd.f32 v23, v6;
	[tilespmem:s25+$0xFFFFFC40] =	vst v22  }
0x158: {  	v41 =	vmul.f32 v30, v14;
	v17 =	vadd.f32 v17, v7;
	[tilespmem:s25+$0xFFFFFC50] =	vst v31  }
0x159: {  	v49 =	vbroadcast v16, $0x3;
	v42 =	vmul.f32 v40, v8;
	v36 =	vadd.f32 v34, v1;
	[tilespmem:s25+$0xFFFFFC60] =	vst v33  }
0x15a: {  	v50 =	vmul.f32 v40, v14;
	v43 =	vadd.f32 v41, v6;
	[tilespmem:s25+$0xFFFFFC70] =	vst v17  }
0x15b: {  	v55 =	vmul.f32 v49, v11;
	v45 =	vadd.f32 v42, v0;
	[tilespmem:s25+$0xFFFFFC90] =	vst v36  }
0x15c: {  	v57 =	vmul.f32 v49, v13;
	v52 =	vadd.f32 v50, v6;
	[tilespmem:s25+$0xFFFFFCE0] =	vst v43  }
0x15d: {  	v32 =	vmul.f32 v30, v8;
	v21 =	vadd.f32 v55, v3;
	[tilespmem:s25+$0xFFFFFD00] =	vst v45  }
0x15e: {  	v35 =	vmul.f32 v30, v10;
	v61 =	vadd.f32 v57, v5;
	[tilespmem:s25+$0xFFFFFD60] =	vst v52  }
0x15f: {  	v37 =	vmul.f32 v30, v11;
	v18 =	vadd.f32 v32, v0;
	[tilespmem:s25+$0xFFFFFDB0] =	vst v21  }
0x160: {  	v59 =	vbroadcast v16, $0x4;
	v38 =	vmul.f32 v30, v12;
	v17 =	vadd.f32 v35, v2;
	[tilespmem:s25+$0xFFFFFDD0] =	vst v61  }
0x161: {  	v46 =	vmul.f32 v40, v10;
	v22 =	vadd.f32 v37, v3;
	[tilespmem:s25+$0xFFFFFC80] =	vst v18  }
0x162: {  	v62 =	vmul.f32 v59, v8;
	v20 =	vadd.f32 v38, v4;
	[tilespmem:s25+$0xFFFFFCA0] =	vst v17  }
0x163: {  	v39 =	vmul.f32 v30, v13;
	v19 =	vadd.f32 v46, v2;
	[tilespmem:s25+$0xFFFFFCB0] =	vst v22  }
0x164: {  	v44 =	vmul.f32 v40, v9;
	v21 =	vadd.f32 v62, v0;
	[tilespmem:s25+$0xFFFFFCC0] =	vst v20  }
0x165: {  	v47 =	vmul.f32 v40, v11;
	v18 =	vadd.f32 v39, v5;
	[tilespmem:s25+$0xFFFFFD20] =	vst v19  }
0x166: {  	v51 =	vmul.f32 v40, v15;
	v20 =	vadd.f32 v44, v1;
	[tilespmem:s25+$0xFFFFFE00] =	vst v21  }
0x167: {  	v27 =	vbroadcast v16, $0x5;
	v26 =	vmul.f32 v59, v13;
	v22 =	vadd.f32 v47, v3;
	[tilespmem:s25+$0xFFFFFCD0] =	vst v18  }
0x168: {  	v17 =	vmul.f32 v30, v15;
	v19 =	vadd.f32 v51, v7;
	[tilespmem:s25+$0xFFFFFD10] =	vst v20  }
0x169: {  	v31 =	vmul.f32 v27, v10;
	v21 =	vadd.f32 v26, v5;
	[tilespmem:s25+$0xFFFFFD30] =	vst v22  }
0x16a: {  	v36 =	vmul.f32 v27, v14;
	v17 =	vadd.f32 v17, v7;
	[tilespmem:s25+$0xFFFFFD70] =	vst v19  }
0x16b: {  	v48 =	vmul.f32 v40, v13;
	v33 =	vadd.f32 v31, v2;
	[tilespmem:s25+$0xFFFFFE50] =	vst v21  }
0x16c: {  	v38 =	vadd.f32 v36, v6;
	[tilespmem:s25+$0xFFFFFCF0] =	vst v17;
	v17 =	vmul.f32 v40, v12  }
0x16d: {  	v53 =	vmul.f32 v49, v8;
	v18 =	vadd.f32 v48, v5;
	[tilespmem:s25+$0xFFFFFEA0] =	vst v33  }
0x16e: {  	v58 =	vmul.f32 v49, v14;
	[tilespmem:s25+$0xFFFFFEE0] =	vst v38;
	v17 =	vadd.f32 v17, v4  }
0x16f: {  	v24 =	vmul.f32 v59, v10;
	v22 =	vadd.f32 v53, v0;
	[tilespmem:s25+$0xFFFFFD50] =	vst v18  }
0x170: {  	v19 =	vadd.f32 v58, v6;
	[tilespmem:s25+$0xFFFFFD40] =	vst v17;
	v17 =	vmul.f32 v49, v9  }
0x171: {  	v34 =	vmul.f32 v27, v12;
	v20 =	vadd.f32 v24, v2;
	[tilespmem:s25+$0xFFFFFD80] =	vst v22  }
0x172: {  	v56 =	vmul.f32 v49, v12;
	[tilespmem:s25+$0xFFFFFDE0] =	vst v19;
	v17 =	vadd.f32 v17, v1  }
0x173: {  	v54 =	vmul.f32 v49, v10;
	v21 =	vadd.f32 v34, v4;
	[tilespmem:s25+$0xFFFFFE20] =	vst v20  }
0x174: {  	v60 =	vmul.f32 v49, v15;
	[tilespmem:s25+$0xFFFFFD90] =	vst v17;
	v17 =	vadd.f32 v56, v4  }
0x175: {  	v25 =	vmul.f32 v59, v11;
	v18 =	vadd.f32 v54, v2;
	[tilespmem:s25+$0xFFFFFEC0] =	vst v21  }
0x176: {  	v28 =	vmul.f32 v59, v14;
	[tilespmem:s25+$0xFFFFFDC0] =	vst v17;
	v17 =	vadd.f32 v60, v7  }
0x177: {  	v29 =	vmul.f32 v59, v15;
	v19 =	vadd.f32 v25, v3;
	[tilespmem:s25+$0xFFFFFDA0] =	vst v18  }
0x178: {  	v22 =	vadd.f32 v28, v6;
	[tilespmem:s25+$0xFFFFFDF0] =	vst v17;
	v17 =	vmul.f32 v59, v12  }
0x179: {  	v63 =	vmul.f32 v59, v9;
	v20 =	vadd.f32 v29, v7;
	[tilespmem:s25+$0xFFFFFE30] =	vst v19  }
0x17a: {  	v30 =	vmul.f32 v27, v8;
	[tilespmem:s25+$0xFFFFFE60] =	vst v22;
	v17 =	vadd.f32 v17, v4  }
0x17b: {  	v32 =	vmul.f32 v27, v11;
	v53 =	vbroadcast v16, $0x8;
	v18 =	vadd.f32 v63, v1;
	[tilespmem:s25+$0xFFFFFE70] =	vst v20  }
0x17c: {  	v19 =	vadd.f32 v30, v0;
	[tilespmem:s25+$0xFFFFFE40] =	vst v17;
	v17 =	vmul.f32 v27, v9  }
0x17d: {  	v61 =	vmul.f32 v53, v13;
	v22 =	vadd.f32 v32, v3;
	[tilespmem:s25+$0xFFFFFE10] =	vst v18  }
0x17e: {  	v62 =	vmul.f32 v53, v14;
	[tilespmem:s25+$0xFFFFFE80] =	vst v19;
	v17 =	vadd.f32 v17, v1  }
0x17f: {  	v35 =	vmul.f32 v27, v13;
	v63 =	vadd.f32 v61, v5;
	[tilespmem:s25+$0xFFFFFEB0] =	vst v22  }
0x180: {  	v25 =	vadd.f32 v62, v6;
	v18 =	vmul.f32 v27, v15;
	[tilespmem:s25+$0xFFFFFE90] =	vst v17;
	v17 =	vbroadcast v16, $0x6  }
0x181: {  	v57 =	vmul.f32 v53, v10;
	v19 =	vadd.f32 v35, v5;
	[tilespmem:s25+$0x50] =	vst v63  }
0x182: {  	[tilespmem:s25+$0x60] =	vst v25;
	v18 =	vadd.f32 v18, v7;
	v37 =	vmul.f32 v17, v8  }
0x183: {  	[tilespmem:s25+$0xFFFFFED0] =	vst v19;
	v59 =	vadd.f32 v57, v2;
	v39 =	vmul.f32 v17, v9  }
0x184: {  	[tilespmem:s25+$0xFFFFFEF0] =	vst v18;
	v41 =	vmul.f32 v17, v10;
	v40 =	vadd.f32 v37, v0  }
0x185: {  	[tilespmem:s25+$0x20] =	vst v59;
	v42 =	vmul.f32 v17, v11;
	v21 =	vadd.f32 v39, v1  }
0x186: {  	v43 =	vmul.f32 v17, v12;
	v20 =	vadd.f32 v41, v2;
	[tilespmem:s25+$0xFFFFFF00] =	vst v40  }
0x187: {  	v44 =	vmul.f32 v17, v13;
	v22 =	vadd.f32 v42, v3;
	[tilespmem:s25+$0xFFFFFF10] =	vst v21  }
0x188: {  	v46 =	vbroadcast v16, $0x7;
	v45 =	vmul.f32 v17, v14;
	v18 =	vadd.f32 v43, v4;
	[tilespmem:s25+$0xFFFFFF20] =	vst v20  }
0x189: {  	v17 =	vmul.f32 v17, v15;
	v19 =	vadd.f32 v44, v5;
	[tilespmem:s25+$0xFFFFFF30] =	vst v22  }
0x18a: {  	v48 =	vmul.f32 v46, v8;
	v47 =	vadd.f32 v45, v6;
	[tilespmem:s25+$0xFFFFFF40] =	vst v18  }
0x18b: {  	v49 =	vmul.f32 v46, v9;
	v17 =	vadd.f32 v17, v7;
	[tilespmem:s25+$0xFFFFFF50] =	vst v19  }
0x18c: {  	v50 =	vmul.f32 v46, v10;
	v21 =	vadd.f32 v48, v0;
	[tilespmem:s25+$0xFFFFFF60] =	vst v47  }
0x18d: {  	v51 =	vmul.f32 v46, v11;
	v18 =	vadd.f32 v49, v1;
	[tilespmem:s25+$0xFFFFFF70] =	vst v17  }
0x18e: {  	v54 =	vmul.f32 v46, v14;
	v32 =	vbroadcast v16, $0xA;
	v19 =	vadd.f32 v50, v2;
	[tilespmem:s25+$0xFFFFFF80] =	vst v21  }
0x18f: {  	v17 =	vmul.f32 v46, v12;
	v20 =	vadd.f32 v51, v3;
	[tilespmem:s25+$0xFFFFFF90] =	vst v18  }
0x190: {  	v39 =	vmul.f32 v32, v13;
	v22 =	vadd.f32 v54, v6;
	[tilespmem:s25+$0xFFFFFFA0] =	vst v19  }
0x191: {  	v52 =	vmul.f32 v46, v13;
	v17 =	vadd.f32 v17, v4;
	[tilespmem:s25+$0xFFFFFFB0] =	vst v20  }
0x192: {  	v55 =	vmul.f32 v46, v15;
	v43 =	vadd.f32 v39, v5;
	[tilespmem:s25+$0xFFFFFFE0] =	vst v22  }
0x193: {  	v21 =	vadd.f32 v52, v5;
	[tilespmem:s25+$0xFFFFFFC0] =	vst v17;
	v17 =	vmul.f32 v53, v9  }
0x194: {  	v56 =	vmul.f32 v53, v8;
	v19 =	vadd.f32 v55, v7;
	[tilespmem:s25+$0x150] =	vst v43  }
0x195: {  	v58 =	vmul.f32 v53, v11;
	[tilespmem:s25+$0xFFFFFFD0] =	vst v21;
	v17 =	vadd.f32 v17, v1  }
0x196: {  	v60 =	vmul.f32 v53, v12;
	v49 =	vbroadcast v16, $0xC;
	v20 =	vadd.f32 v56, v0;
	[tilespmem:s25+$0xFFFFFFF0] =	vst v19  }
0x197: {  	v22 =	vadd.f32 v58, v3;
	v18 =	vmul.f32 v53, v15;
	[tilespmem:s25+$0x10] =	vst v17;
	v17 =	vbroadcast v16, $0x9  }
0x198: {  	v57 =	vmul.f32 v49, v14;
	[tilespmem:s25+$0x0] =	vst v20;
	v21 =	vadd.f32 v60, v4  }
0x199: {  	[tilespmem:s25+$0x30] =	vst v22;
	v18 =	vadd.f32 v18, v7;
	v24 =	vmul.f32 v17, v8  }
0x19a: {  	v59 =	vadd.f32 v57, v6;
	[tilespmem:s25+$0x40] =	vst v21;
	v26 =	vmul.f32 v17, v9  }
0x19b: {  	[tilespmem:s25+$0x70] =	vst v18;
	v28 =	vmul.f32 v17, v10;
	v27 =	vadd.f32 v24, v0  }
0x19c: {  	[tilespmem:s25+$0x260] =	vst v59;
	v29 =	vmul.f32 v17, v11;
	v21 =	vadd.f32 v26, v1  }
0x19d: {  	v30 =	vmul.f32 v17, v12;
	v20 =	vadd.f32 v28, v2;
	[tilespmem:s25+$0x80] =	vst v27  }
0x19e: {  	v31 =	vmul.f32 v17, v13;
	v22 =	vadd.f32 v29, v3;
	[tilespmem:s25+$0x90] =	vst v21  }
0x19f: {  	v33 =	vmul.f32 v17, v14;
	v18 =	vadd.f32 v30, v4;
	[tilespmem:s25+$0xA0] =	vst v20  }
0x1a0: {  	v17 =	vmul.f32 v17, v15;
	v19 =	vadd.f32 v31, v5;
	[tilespmem:s25+$0xB0] =	vst v22  }
0x1a1: {  	v35 =	vmul.f32 v32, v8;
	v34 =	vadd.f32 v33, v6;
	[tilespmem:s25+$0xC0] =	vst v18  }
0x1a2: {  	v36 =	vmul.f32 v32, v9;
	v17 =	vadd.f32 v17, v7;
	[tilespmem:s25+$0xD0] =	vst v19  }
0x1a3: {  	v37 =	vmul.f32 v32, v10;
	v41 =	vbroadcast v16, $0xB;
	v22 =	vadd.f32 v35, v0;
	[tilespmem:s25+$0xE0] =	vst v34  }
0x1a4: {  	v38 =	vmul.f32 v32, v11;
	v18 =	vadd.f32 v36, v1;
	[tilespmem:s25+$0xF0] =	vst v17  }
0x1a5: {  	v46 =	vmul.f32 v41, v10;
	v19 =	vadd.f32 v37, v2;
	[tilespmem:s25+$0x100] =	vst v22  }
0x1a6: {  	v17 =	vmul.f32 v32, v12;
	v20 =	vadd.f32 v38, v3;
	[tilespmem:s25+$0x110] =	vst v18  }
0x1a7: {  	v40 =	vmul.f32 v32, v14;
	v21 =	vadd.f32 v46, v2;
	[tilespmem:s25+$0x120] =	vst v19  }
0x1a8: {  	v44 =	vmul.f32 v41, v8;
	v17 =	vadd.f32 v17, v4;
	[tilespmem:s25+$0x130] =	vst v20  }
0x1a9: {  	v42 =	vmul.f32 v32, v15;
	v18 =	vadd.f32 v40, v6;
	[tilespmem:s25+$0x1A0] =	vst v21  }
0x1aa: {  	v45 =	vmul.f32 v41, v9;
	v20 =	vadd.f32 v44, v0;
	[tilespmem:s25+$0x140] =	vst v17  }
0x1ab: {  	v50 =	vmul.f32 v41, v14;
	v17 =	vadd.f32 v42, v7;
	[tilespmem:s25+$0x160] =	vst v18  }
0x1ac: {  	v51 =	vmul.f32 v41, v15;
	v19 =	vadd.f32 v45, v1;
	[tilespmem:s25+$0x180] =	vst v20  }
0x1ad: {  	v22 =	vadd.f32 v50, v6;
	[tilespmem:s25+$0x170] =	vst v17;
	v17 =	vmul.f32 v41, v12  }
0x1ae: {  	v47 =	vmul.f32 v41, v11;
	v21 =	vadd.f32 v51, v7;
	[tilespmem:s25+$0x190] =	vst v19  }
0x1af: {  	v48 =	vmul.f32 v41, v13;
	[tilespmem:s25+$0x1E0] =	vst v22;
	v17 =	vadd.f32 v17, v4  }
0x1b0: {  	v54 =	vmul.f32 v49, v11;
	v18 =	vadd.f32 v47, v3;
	[tilespmem:s25+$0x1F0] =	vst v21  }
0x1b1: {  	v20 =	vadd.f32 v48, v5;
	[tilespmem:s25+$0x1C0] =	vst v17;
	v17 =	vmul.f32 v49, v9  }
0x1b2: {  	v55 =	vmul.f32 v49, v12;
	v22 =	vadd.f32 v54, v3;
	[tilespmem:s25+$0x1B0] =	vst v18  }
0x1b3: {  	v52 =	vmul.f32 v49, v8;
	[tilespmem:s25+$0x1D0] =	vst v20;
	v17 =	vadd.f32 v17, v1  }
0x1b4: {  	v53 =	vmul.f32 v49, v10;
	v21 =	vadd.f32 v55, v4;
	[tilespmem:s25+$0x230] =	vst v22  }
0x1b5: {  	v19 =	vmul.f32 v49, v15;
	v18 =	vadd.f32 v52, v0;
	[tilespmem:s25+$0x210] =	vst v17;
	v17 =	vbroadcast v16, $0xD  }
0x1b6: {  	v56 =	vmul.f32 v49, v13;
	v20 =	vadd.f32 v53, v2;
	[tilespmem:s25+$0x240] =	vst v21  }
0x1b7: {  	v19 =	vadd.f32 v19, v7;
	[tilespmem:s25+$0x200] =	vst v18;
	v58 =	vmul.f32 v17, v8  }
0x1b8: {  	[tilespmem:s25+$0x220] =	vst v20;
	v18 =	vadd.f32 v56, v5;
	v60 =	vmul.f32 v17, v9  }
0x1b9: {  	[tilespmem:s25+$0x270] =	vst v19;
	v62 =	vmul.f32 v17, v10;
	v61 =	vadd.f32 v58, v0  }
0x1ba: {  	[tilespmem:s25+$0x250] =	vst v18;
	v63 =	vmul.f32 v17, v11;
	v21 =	vadd.f32 v60, v1  }
0x1bb: {  	v24 =	vmul.f32 v17, v12;
	v20 =	vadd.f32 v62, v2;
	[tilespmem:s25+$0x280] =	vst v61  }
0x1bc: {  	v27 =	vbroadcast v16, $0xE;
	v25 =	vmul.f32 v17, v13;
	v22 =	vadd.f32 v63, v3;
	[tilespmem:s25+$0x290] =	vst v21  }
0x1bd: {  	v16 =	vbroadcast v16, $0xF;
	v26 =	vmul.f32 v17, v14;
	v19 =	vadd.f32 v24, v4;
	[tilespmem:s25+$0x2A0] =	vst v20  }
0x1be: {  	v17 =	vmul.f32 v17, v15;
	v18 =	vadd.f32 v25, v5;
	[tilespmem:s25+$0x2B0] =	vst v22  }
0x1bf: {  	v37 =	vmul.f32 v16, v10;
	v28 =	vadd.f32 v26, v6;
	[tilespmem:s25+$0x2C0] =	vst v19  }
0x1c0: {  	v41 =	vmul.f32 v16, v13;
	v17 =	vadd.f32 v17, v7;
	[tilespmem:s25+$0x2D0] =	vst v18  }
0x1c1: {  	v29 =	vmul.f32 v27, v8;
	v39 =	vadd.f32 v37, v2;
	[tilespmem:s25+$0x2E0] =	vst v28  }
0x1c2: {  	v30 =	vmul.f32 v27, v9;
	v42 =	vadd.f32 v41, v5;
	[tilespmem:s25+$0x2F0] =	vst v17  }
0x1c3: {  	v31 =	vmul.f32 v27, v10;
	v21 =	vadd.f32 v29, v0;
	[tilespmem:s25+$0x3A0] =	vst v39  }
0x1c4: {  	v32 =	vmul.f32 v27, v11;
	v19 =	vadd.f32 v30, v1;
	[tilespmem:s25+$0x3D0] =	vst v42  }
0x1c5: {  	v17 =	vmul.f32 v27, v12;
	v18 =	vadd.f32 v31, v2;
	[tilespmem:s25+$0x300] =	vst v21  }
0x1c6: {  	v33 =	vmul.f32 v27, v13;
	v20 =	vadd.f32 v32, v3;
	[tilespmem:s25+$0x310] =	vst v19  }
0x1c7: {  	v34 =	vmul.f32 v27, v14;
	v17 =	vadd.f32 v17, v4;
	[tilespmem:s25+$0x320] =	vst v18  }
0x1c8: {  	v35 =	vmul.f32 v27, v15;
	v21 =	vadd.f32 v33, v5;
	[tilespmem:s25+$0x330] =	vst v20  }
0x1c9: {  	v19 =	vadd.f32 v34, v6;
	[tilespmem:s25+$0x340] =	vst v17;
	v17 =	vmul.f32 v16, v9  }
0x1ca: {  	v36 =	vmul.f32 v16, v8;
	v18 =	vadd.f32 v35, v7;
	[tilespmem:s25+$0x350] =	vst v21  }
0x1cb: {  	v38 =	vmul.f32 v16, v11;
	[tilespmem:s25+$0x360] =	vst v19;
	v17 =	vadd.f32 v17, v1  }
0x1cc: {  	v40 =	vmul.f32 v16, v12;
	v20 =	vadd.f32 v36, v0;
	[tilespmem:s25+$0x370] =	vst v18  }
0x1cd: {  	v19 =	vadd.f32 v38, v3;
	[tilespmem:s25+$0x390] =	vst v17;
	v17 =	vmul.f32 v16, v14  }
0x1ce: {  	[tilespmem:s25+$0x380] =	vst v20;
	v21 =	vadd.f32 v40, v4;
	v16 =	vmul.f32 v16, v15  }
0x1cf: {  	[tilespmem:s25+$0x3B0] =	vst v19;
	v17 =	vadd.f32 v17, v6  }
0x1d0: {  	[tilespmem:s25+$0x3C0] =	vst v21;
	v16 =	vadd.f32 v16, v7  }
0x1d1: {  	s24 =	sshll.u32 s24, $0x4;
	[tilespmem:s25+$0x3E0] =	vst v17  }
0x1d2: {  	s23 =	sadd.s32 s23, s10;
	s24 =	sadd.s32 s4, s24;
	[tilespmem:s25+$0x3F0] =	vst v16  }
0x1d3: {  	[hbm4b:s24+s5] =	stream.linear.scatter [tilespmem:s5], [sflag:$0x1], $0xC800, $0x38;
	[tilespmem:$0x19500] =	vst v63  }
0x1d4: {  	s24 =	sadd.s32 $0x190, s23  }
0x1d5: {  	_ =	swait.ge [sflag:s19], $0x190;
	p1 =	sge.u32 s24, s9  }
0x1d6: {  	[sflag:s19] =	ssyncset.done $0x0;
	s24 =	sshrl.u32 @!p1 s24, $0x3;
	s25 =	simm.s32 @!p1 $0x0  }
0x1d7: {  	s26 =	simm.s32 @!p1 $0x19000;
	[sflag:s19] =	ssyncadd.s32 $0xFFFFFE70;
	s24 =	sadd.s32 @!p1 s7, s24  }
0x1d8: {  	[tilespmem:s26], [sflag:$0x3] =	stream.linear.gather @!p1 [hbm4b:s24+s25], $0x190, $0x38;
	[tilespmem:$0x19500] =	vst v63  }
0x1d9: {  	s24 =	simm.s32 @!p0 $0x2  }
0x1da: {  	_ =	swait.ge @!p0 [sflag:s24], $0xC800  }
0x1db: {  	[sflag:s24] =	ssyncset.done @!p0 $0x0  }
0x1dc: {  	s31 =	simm.s32 $0x0;
	[sflag:s24] =	ssyncadd.s32 @!p0 $0xFFFF3800  }
0x1dd: {  	v16 =	vld [tilespmem:s31+$0x19200];
	_ =	sdelay $0x4  }
0x1de: {  	v16 =	vmax.f32 v16, $0.0e+00  }
0x1df: {  	v16 =	vmin.f32 v16, $1.000000000e+02  }
0x1e0: {  	v16 =	vmul.f32 $9.999999770e-03, v16;
	_ =	sdelay $0x1  }
0x1e1: {  	v17 =	vbroadcast v16, $0x0;
	_ =	sdelay $0x1  }
0x1e2: {  	v43 =	vmul.f32 v17, v8  }
0x1e3: {  	v44 =	vmul.f32 v17, v9  }
0x1e4: {  	v45 =	vmul.f32 v17, v10;
	v18 =	vadd.f32 v43, v0  }
0x1e5: {  	s24 =	simm.s32 $0xCC00;
	v46 =	vmul.f32 v17, v11;
	v19 =	vadd.f32 v44, v1  }
0x1e6: {  	v47 =	vmul.f32 v17, v12;
	v20 =	vadd.f32 v45, v2;
	[tilespmem:s24+$0xFFFFFC00] =	vst v18  }
0x1e7: {  	v49 =	vmul.f32 v17, v13;
	v48 =	vadd.f32 v46, v3;
	[tilespmem:s24+$0xFFFFFC10] =	vst v19  }
0x1e8: {  	v50 =	vbroadcast v16, $0x1;
	v51 =	vmul.f32 v17, v14;
	v22 =	vadd.f32 v47, v4;
	[tilespmem:s24+$0xFFFFFC20] =	vst v20  }
0x1e9: {  	v17 =	vmul.f32 v17, v15;
	v52 =	vadd.f32 v49, v5;
	[tilespmem:s24+$0xFFFFFC30] =	vst v48  }
0x1ea: {  	v61 =	vbroadcast v16, $0x2;
	v55 =	vmul.f32 v50, v9;
	v54 =	vadd.f32 v51, v6;
	[tilespmem:s24+$0xFFFFFC40] =	vst v22  }
0x1eb: {  	v62 =	vmul.f32 v50, v14;
	v17 =	vadd.f32 v17, v7;
	[tilespmem:s24+$0xFFFFFC50] =	vst v52  }
0x1ec: {  	v30 =	vbroadcast v16, $0x3;
	v63 =	vmul.f32 v61, v8;
	v57 =	vadd.f32 v55, v1;
	[tilespmem:s24+$0xFFFFFC60] =	vst v54  }
0x1ed: {  	v31 =	vmul.f32 v61, v14;
	v24 =	vadd.f32 v62, v6;
	[tilespmem:s24+$0xFFFFFC70] =	vst v17  }
0x1ee: {  	v36 =	vmul.f32 v30, v11;
	v26 =	vadd.f32 v63, v0;
	[tilespmem:s24+$0xFFFFFC90] =	vst v57  }
0x1ef: {  	v38 =	vmul.f32 v30, v13;
	v33 =	vadd.f32 v31, v6;
	[tilespmem:s24+$0xFFFFFCE0] =	vst v24  }
0x1f0: {  	v53 =	vmul.f32 v50, v8;
	v21 =	vadd.f32 v36, v3;
	[tilespmem:s24+$0xFFFFFD00] =	vst v26  }
0x1f1: {  	v56 =	vmul.f32 v50, v10;
	v42 =	vadd.f32 v38, v5;
	[tilespmem:s24+$0xFFFFFD60] =	vst v33  }
0x1f2: {  	v58 =	vmul.f32 v50, v11;
	v18 =	vadd.f32 v53, v0;
	[tilespmem:s24+$0xFFFFFDB0] =	vst v21  }
0x1f3: {  	v40 =	vbroadcast v16, $0x4;
	v59 =	vmul.f32 v50, v12;
	v17 =	vadd.f32 v56, v2;
	[tilespmem:s24+$0xFFFFFDD0] =	vst v42  }
0x1f4: {  	v27 =	vmul.f32 v61, v10;
	v22 =	vadd.f32 v58, v3;
	[tilespmem:s24+$0xFFFFFC80] =	vst v18  }
0x1f5: {  	v43 =	vmul.f32 v40, v8;
	v20 =	vadd.f32 v59, v4;
	[tilespmem:s24+$0xFFFFFCA0] =	vst v17  }
0x1f6: {  	v60 =	vmul.f32 v50, v13;
	v19 =	vadd.f32 v27, v2;
	[tilespmem:s24+$0xFFFFFCB0] =	vst v22  }
0x1f7: {  	v25 =	vmul.f32 v61, v9;
	v21 =	vadd.f32 v43, v0;
	[tilespmem:s24+$0xFFFFFCC0] =	vst v20  }
0x1f8: {  	v28 =	vmul.f32 v61, v11;
	v18 =	vadd.f32 v60, v5;
	[tilespmem:s24+$0xFFFFFD20] =	vst v19  }
0x1f9: {  	v32 =	vmul.f32 v61, v15;
	v20 =	vadd.f32 v25, v1;
	[tilespmem:s24+$0xFFFFFE00] =	vst v21  }
0x1fa: {  	v47 =	vmul.f32 v40, v13;
	v22 =	vadd.f32 v28, v3;
	[tilespmem:s24+$0xFFFFFCD0] =	vst v18  }
0x1fb: {  	v17 =	vmul.f32 v50, v15;
	v19 =	vadd.f32 v32, v7;
	[tilespmem:s24+$0xFFFFFD10] =	vst v20  }
0x1fc: {  	v29 =	vmul.f32 v61, v13;
	v21 =	vadd.f32 v47, v5;
	[tilespmem:s24+$0xFFFFFD30] =	vst v22  }
0x1fd: {  	v34 =	vmul.f32 v30, v8;
	v17 =	vadd.f32 v17, v7;
	[tilespmem:s24+$0xFFFFFD70] =	vst v19  }
0x1fe: {  	v39 =	vmul.f32 v30, v14;
	v18 =	vadd.f32 v29, v5;
	[tilespmem:s24+$0xFFFFFE50] =	vst v21  }
0x1ff: {  	v48 =	vbroadcast v16, $0x5;
	v22 =	vadd.f32 v34, v0;
	[tilespmem:s24+$0xFFFFFCF0] =	vst v17;
	v17 =	vmul.f32 v61, v12  }
0x200: {  	v45 =	vmul.f32 v40, v10;
	v19 =	vadd.f32 v39, v6;
	[tilespmem:s24+$0xFFFFFD50] =	vst v18  }
0x201: {  	v52 =	vmul.f32 v48, v10;
	[tilespmem:s24+$0xFFFFFD80] =	vst v22;
	v17 =	vadd.f32 v17, v4  }
0x202: {  	v55 =	vmul.f32 v48, v12;
	v20 =	vadd.f32 v45, v2;
	[tilespmem:s24+$0xFFFFFDE0] =	vst v19  }
0x203: {  	v54 =	vadd.f32 v52, v2;
	[tilespmem:s24+$0xFFFFFD40] =	vst v17;
	v17 =	vmul.f32 v30, v9  }
0x204: {  	v57 =	vmul.f32 v48, v14;
	v21 =	vadd.f32 v55, v4;
	[tilespmem:s24+$0xFFFFFE20] =	vst v20  }
0x205: {  	v37 =	vmul.f32 v30, v12;
	[tilespmem:s24+$0xFFFFFEA0] =	vst v54;
	v17 =	vadd.f32 v17, v1  }
0x206: {  	v35 =	vmul.f32 v30, v10;
	v59 =	vadd.f32 v57, v6;
	[tilespmem:s24+$0xFFFFFEC0] =	vst v21  }
0x207: {  	v41 =	vmul.f32 v30, v15;
	[tilespmem:s24+$0xFFFFFD90] =	vst v17;
	v17 =	vadd.f32 v37, v4  }
0x208: {  	v46 =	vmul.f32 v40, v11;
	v18 =	vadd.f32 v35, v2;
	[tilespmem:s24+$0xFFFFFEE0] =	vst v59  }
0x209: {  	v49 =	vmul.f32 v40, v14;
	[tilespmem:s24+$0xFFFFFDC0] =	vst v17;
	v17 =	vadd.f32 v41, v7  }
0x20a: {  	v50 =	vmul.f32 v40, v15;
	v19 =	vadd.f32 v46, v3;
	[tilespmem:s24+$0xFFFFFDA0] =	vst v18  }
0x20b: {  	v22 =	vadd.f32 v49, v6;
	[tilespmem:s24+$0xFFFFFDF0] =	vst v17;
	v17 =	vmul.f32 v40, v12  }
0x20c: {  	v44 =	vmul.f32 v40, v9;
	v20 =	vadd.f32 v50, v7;
	[tilespmem:s24+$0xFFFFFE30] =	vst v19  }
0x20d: {  	v51 =	vmul.f32 v48, v8;
	[tilespmem:s24+$0xFFFFFE60] =	vst v22;
	v17 =	vadd.f32 v17, v4  }
0x20e: {  	v53 =	vmul.f32 v48, v11;
	v34 =	vbroadcast v16, $0x8;
	v18 =	vadd.f32 v44, v1;
	[tilespmem:s24+$0xFFFFFE70] =	vst v20  }
0x20f: {  	v19 =	vadd.f32 v51, v0;
	[tilespmem:s24+$0xFFFFFE40] =	vst v17;
	v17 =	vmul.f32 v48, v9  }
0x210: {  	v42 =	vmul.f32 v34, v13;
	v22 =	vadd.f32 v53, v3;
	[tilespmem:s24+$0xFFFFFE10] =	vst v18  }
0x211: {  	v43 =	vmul.f32 v34, v14;
	[tilespmem:s24+$0xFFFFFE80] =	vst v19;
	v17 =	vadd.f32 v17, v1  }
0x212: {  	v56 =	vmul.f32 v48, v13;
	v44 =	vadd.f32 v42, v5;
	[tilespmem:s24+$0xFFFFFEB0] =	vst v22  }
0x213: {  	v46 =	vadd.f32 v43, v6;
	v18 =	vmul.f32 v48, v15;
	[tilespmem:s24+$0xFFFFFE90] =	vst v17;
	v17 =	vbroadcast v16, $0x6  }
0x214: {  	v38 =	vmul.f32 v34, v10;
	v19 =	vadd.f32 v56, v5;
	[tilespmem:s24+$0x50] =	vst v44  }
0x215: {  	[tilespmem:s24+$0x60] =	vst v46;
	v18 =	vadd.f32 v18, v7;
	v58 =	vmul.f32 v17, v8  }
0x216: {  	[tilespmem:s24+$0xFFFFFED0] =	vst v19;
	v40 =	vadd.f32 v38, v2;
	v60 =	vmul.f32 v17, v9  }
0x217: {  	[tilespmem:s24+$0xFFFFFEF0] =	vst v18;
	v62 =	vmul.f32 v17, v10;
	v61 =	vadd.f32 v58, v0  }
0x218: {  	[tilespmem:s24+$0x20] =	vst v40;
	v63 =	vmul.f32 v17, v11;
	v21 =	vadd.f32 v60, v1  }
0x219: {  	v24 =	vmul.f32 v17, v12;
	v20 =	vadd.f32 v62, v2;
	[tilespmem:s24+$0xFFFFFF00] =	vst v61  }
0x21a: {  	v25 =	vmul.f32 v17, v13;
	v22 =	vadd.f32 v63, v3;
	[tilespmem:s24+$0xFFFFFF10] =	vst v21  }
0x21b: {  	v27 =	vbroadcast v16, $0x7;
	v26 =	vmul.f32 v17, v14;
	v18 =	vadd.f32 v24, v4;
	[tilespmem:s24+$0xFFFFFF20] =	vst v20  }
0x21c: {  	v17 =	vmul.f32 v17, v15;
	v19 =	vadd.f32 v25, v5;
	[tilespmem:s24+$0xFFFFFF30] =	vst v22  }
0x21d: {  	v29 =	vmul.f32 v27, v8;
	v28 =	vadd.f32 v26, v6;
	[tilespmem:s24+$0xFFFFFF40] =	vst v18  }
0x21e: {  	v30 =	vmul.f32 v27, v9;
	v17 =	vadd.f32 v17, v7;
	[tilespmem:s24+$0xFFFFFF50] =	vst v19  }
0x21f: {  	v31 =	vmul.f32 v27, v10;
	v21 =	vadd.f32 v29, v0;
	[tilespmem:s24+$0xFFFFFF60] =	vst v28  }
0x220: {  	v32 =	vmul.f32 v27, v11;
	v18 =	vadd.f32 v30, v1;
	[tilespmem:s24+$0xFFFFFF70] =	vst v17  }
0x221: {  	v35 =	vmul.f32 v27, v14;
	v53 =	vbroadcast v16, $0xA;
	v19 =	vadd.f32 v31, v2;
	[tilespmem:s24+$0xFFFFFF80] =	vst v21  }
0x222: {  	v17 =	vmul.f32 v27, v12;
	v20 =	vadd.f32 v32, v3;
	[tilespmem:s24+$0xFFFFFF90] =	vst v18  }
0x223: {  	v60 =	vmul.f32 v53, v13;
	v22 =	vadd.f32 v35, v6;
	[tilespmem:s24+$0xFFFFFFA0] =	vst v19  }
0x224: {  	v33 =	vmul.f32 v27, v13;
	v17 =	vadd.f32 v17, v4;
	[tilespmem:s24+$0xFFFFFFB0] =	vst v20  }
0x225: {  	v36 =	vmul.f32 v27, v15;
	v24 =	vadd.f32 v60, v5;
	[tilespmem:s24+$0xFFFFFFE0] =	vst v22  }
0x226: {  	v21 =	vadd.f32 v33, v5;
	[tilespmem:s24+$0xFFFFFFC0] =	vst v17;
	v17 =	vmul.f32 v34, v9  }
0x227: {  	v37 =	vmul.f32 v34, v8;
	v19 =	vadd.f32 v36, v7;
	[tilespmem:s24+$0x150] =	vst v24  }
0x228: {  	v39 =	vmul.f32 v34, v11;
	[tilespmem:s24+$0xFFFFFFD0] =	vst v21;
	v17 =	vadd.f32 v17, v1  }
0x229: {  	v41 =	vmul.f32 v34, v12;
	v30 =	vbroadcast v16, $0xC;
	v20 =	vadd.f32 v37, v0;
	[tilespmem:s24+$0xFFFFFFF0] =	vst v19  }
0x22a: {  	v22 =	vadd.f32 v39, v3;
	v18 =	vmul.f32 v34, v15;
	[tilespmem:s24+$0x10] =	vst v17;
	v17 =	vbroadcast v16, $0x9  }
0x22b: {  	v38 =	vmul.f32 v30, v14;
	[tilespmem:s24+$0x0] =	vst v20;
	v21 =	vadd.f32 v41, v4  }
0x22c: {  	[tilespmem:s24+$0x30] =	vst v22;
	v18 =	vadd.f32 v18, v7;
	v45 =	vmul.f32 v17, v8  }
0x22d: {  	v40 =	vadd.f32 v38, v6;
	[tilespmem:s24+$0x40] =	vst v21;
	v47 =	vmul.f32 v17, v9  }
0x22e: {  	[tilespmem:s24+$0x70] =	vst v18;
	v49 =	vmul.f32 v17, v10;
	v48 =	vadd.f32 v45, v0  }
0x22f: {  	[tilespmem:s24+$0x260] =	vst v40;
	v50 =	vmul.f32 v17, v11;
	v21 =	vadd.f32 v47, v1  }
0x230: {  	v51 =	vmul.f32 v17, v12;
	v20 =	vadd.f32 v49, v2;
	[tilespmem:s24+$0x80] =	vst v48  }
0x231: {  	v52 =	vmul.f32 v17, v13;
	v22 =	vadd.f32 v50, v3;
	[tilespmem:s24+$0x90] =	vst v21  }
0x232: {  	v54 =	vmul.f32 v17, v14;
	v18 =	vadd.f32 v51, v4;
	[tilespmem:s24+$0xA0] =	vst v20  }
0x233: {  	v17 =	vmul.f32 v17, v15;
	v19 =	vadd.f32 v52, v5;
	[tilespmem:s24+$0xB0] =	vst v22  }
0x234: {  	v56 =	vmul.f32 v53, v8;
	v55 =	vadd.f32 v54, v6;
	[tilespmem:s24+$0xC0] =	vst v18  }
0x235: {  	v57 =	vmul.f32 v53, v9;
	v17 =	vadd.f32 v17, v7;
	[tilespmem:s24+$0xD0] =	vst v19  }
0x236: {  	v58 =	vmul.f32 v53, v10;
	v62 =	vbroadcast v16, $0xB;
	v22 =	vadd.f32 v56, v0;
	[tilespmem:s24+$0xE0] =	vst v55  }
0x237: {  	v59 =	vmul.f32 v53, v11;
	v18 =	vadd.f32 v57, v1;
	[tilespmem:s24+$0xF0] =	vst v17  }
0x238: {  	v27 =	vmul.f32 v62, v10;
	v19 =	vadd.f32 v58, v2;
	[tilespmem:s24+$0x100] =	vst v22  }
0x239: {  	v17 =	vmul.f32 v53, v12;
	v20 =	vadd.f32 v59, v3;
	[tilespmem:s24+$0x110] =	vst v18  }
0x23a: {  	v61 =	vmul.f32 v53, v14;
	v21 =	vadd.f32 v27, v2;
	[tilespmem:s24+$0x120] =	vst v19  }
0x23b: {  	v25 =	vmul.f32 v62, v8;
	v17 =	vadd.f32 v17, v4;
	[tilespmem:s24+$0x130] =	vst v20  }
0x23c: {  	v63 =	vmul.f32 v53, v15;
	v18 =	vadd.f32 v61, v6;
	[tilespmem:s24+$0x1A0] =	vst v21  }
0x23d: {  	v26 =	vmul.f32 v62, v9;
	v20 =	vadd.f32 v25, v0;
	[tilespmem:s24+$0x140] =	vst v17  }
0x23e: {  	v31 =	vmul.f32 v62, v14;
	v17 =	vadd.f32 v63, v7;
	[tilespmem:s24+$0x160] =	vst v18  }
0x23f: {  	v32 =	vmul.f32 v62, v15;
	v19 =	vadd.f32 v26, v1;
	[tilespmem:s24+$0x180] =	vst v20  }
0x240: {  	v22 =	vadd.f32 v31, v6;
	[tilespmem:s24+$0x170] =	vst v17;
	v17 =	vmul.f32 v62, v12  }
0x241: {  	v28 =	vmul.f32 v62, v11;
	v21 =	vadd.f32 v32, v7;
	[tilespmem:s24+$0x190] =	vst v19  }
0x242: {  	v29 =	vmul.f32 v62, v13;
	[tilespmem:s24+$0x1E0] =	vst v22;
	v17 =	vadd.f32 v17, v4  }
0x243: {  	v35 =	vmul.f32 v30, v11;
	v18 =	vadd.f32 v28, v3;
	[tilespmem:s24+$0x1F0] =	vst v21  }
0x244: {  	v20 =	vadd.f32 v29, v5;
	[tilespmem:s24+$0x1C0] =	vst v17;
	v17 =	vmul.f32 v30, v9  }
0x245: {  	v36 =	vmul.f32 v30, v12;
	v22 =	vadd.f32 v35, v3;
	[tilespmem:s24+$0x1B0] =	vst v18  }
0x246: {  	v33 =	vmul.f32 v30, v8;
	[tilespmem:s24+$0x1D0] =	vst v20;
	v17 =	vadd.f32 v17, v1  }
0x247: {  	v34 =	vmul.f32 v30, v10;
	v21 =	vadd.f32 v36, v4;
	[tilespmem:s24+$0x230] =	vst v22  }
0x248: {  	v19 =	vmul.f32 v30, v15;
	v18 =	vadd.f32 v33, v0;
	[tilespmem:s24+$0x210] =	vst v17;
	v17 =	vbroadcast v16, $0xD  }
0x249: {  	v37 =	vmul.f32 v30, v13;
	v20 =	vadd.f32 v34, v2;
	[tilespmem:s24+$0x240] =	vst v21  }
0x24a: {  	v19 =	vadd.f32 v19, v7;
	[tilespmem:s24+$0x200] =	vst v18;
	v39 =	vmul.f32 v17, v8  }
0x24b: {  	[tilespmem:s24+$0x220] =	vst v20;
	v18 =	vadd.f32 v37, v5;
	v41 =	vmul.f32 v17, v9  }
0x24c: {  	[tilespmem:s24+$0x270] =	vst v19;
	v43 =	vmul.f32 v17, v10;
	v42 =	vadd.f32 v39, v0  }
0x24d: {  	[tilespmem:s24+$0x250] =	vst v18;
	v44 =	vmul.f32 v17, v11;
	v21 =	vadd.f32 v41, v1  }
0x24e: {  	v45 =	vmul.f32 v17, v12;
	v20 =	vadd.f32 v43, v2;
	[tilespmem:s24+$0x280] =	vst v42  }
0x24f: {  	v48 =	vbroadcast v16, $0xE;
	v46 =	vmul.f32 v17, v13;
	v22 =	vadd.f32 v44, v3;
	[tilespmem:s24+$0x290] =	vst v21  }
0x250: {  	v16 =	vbroadcast v16, $0xF;
	v47 =	vmul.f32 v17, v14;
	v19 =	vadd.f32 v45, v4;
	[tilespmem:s24+$0x2A0] =	vst v20  }
0x251: {  	v17 =	vmul.f32 v17, v15;
	v18 =	vadd.f32 v46, v5;
	[tilespmem:s24+$0x2B0] =	vst v22  }
0x252: {  	v58 =	vmul.f32 v16, v10;
	v49 =	vadd.f32 v47, v6;
	[tilespmem:s24+$0x2C0] =	vst v19  }
0x253: {  	v62 =	vmul.f32 v16, v13;
	v17 =	vadd.f32 v17, v7;
	[tilespmem:s24+$0x2D0] =	vst v18  }
0x254: {  	v50 =	vmul.f32 v48, v8;
	v60 =	vadd.f32 v58, v2;
	[tilespmem:s24+$0x2E0] =	vst v49  }
0x255: {  	v51 =	vmul.f32 v48, v9;
	v63 =	vadd.f32 v62, v5;
	[tilespmem:s24+$0x2F0] =	vst v17  }
0x256: {  	v52 =	vmul.f32 v48, v10;
	v21 =	vadd.f32 v50, v0;
	[tilespmem:s24+$0x3A0] =	vst v60  }
0x257: {  	v53 =	vmul.f32 v48, v11;
	v19 =	vadd.f32 v51, v1;
	[tilespmem:s24+$0x3D0] =	vst v63  }
0x258: {  	v17 =	vmul.f32 v48, v12;
	v18 =	vadd.f32 v52, v2;
	[tilespmem:s24+$0x300] =	vst v21  }
0x259: {  	v54 =	vmul.f32 v48, v13;
	v20 =	vadd.f32 v53, v3;
	[tilespmem:s24+$0x310] =	vst v19  }
0x25a: {  	v55 =	vmul.f32 v48, v14;
	v17 =	vadd.f32 v17, v4;
	[tilespmem:s24+$0x320] =	vst v18  }
0x25b: {  	v56 =	vmul.f32 v48, v15;
	v21 =	vadd.f32 v54, v5;
	[tilespmem:s24+$0x330] =	vst v20  }
0x25c: {  	v19 =	vadd.f32 v55, v6;
	[tilespmem:s24+$0x340] =	vst v17;
	v17 =	vmul.f32 v16, v9  }
0x25d: {  	v57 =	vmul.f32 v16, v8;
	v18 =	vadd.f32 v56, v7;
	[tilespmem:s24+$0x350] =	vst v21  }
0x25e: {  	v59 =	vmul.f32 v16, v11;
	[tilespmem:s24+$0x360] =	vst v19;
	v17 =	vadd.f32 v17, v1  }
0x25f: {  	v61 =	vmul.f32 v16, v12;
	v20 =	vadd.f32 v57, v0;
	[tilespmem:s24+$0x370] =	vst v18  }
0x260: {  	v19 =	vadd.f32 v59, v3;
	[tilespmem:s24+$0x390] =	vst v17;
	v17 =	vmul.f32 v16, v14  }
0x261: {  	[tilespmem:s24+$0x380] =	vst v20;
	v21 =	vadd.f32 v61, v4;
	v16 =	vmul.f32 v16, v15  }
0x262: {  	[tilespmem:s24+$0x3B0] =	vst v19;
	v17 =	vadd.f32 v17, v6  }
0x263: {  	[tilespmem:s24+$0x3C0] =	vst v21;
	v16 =	vadd.f32 v16, v7  }
0x264: {  	[tilespmem:s24+$0x3E0] =	vst v17  }
0x265: {  	s26 =	simm.s32 $0x10;
	s25 =	simm.s32 $0x80;
	[tilespmem:s24+$0x3F0] =	vst v16  }
.LBB2_5:
0x266: {  	p0 =	sne.s32 s25, $0x600;
	v16 =	vld [tilespmem:s26+$0x19200];
	_ =	sdelay $0x4  }
0x267: {  	v16 =	vmax.f32 v16, $0.0e+00  }
0x268: {  	v16 =	vmin.f32 v16, $1.000000000e+02  }
0x269: {  	v16 =	vmul.f32 $9.999999770e-03, v16;
	_ =	sdelay $0x1  }
0x26a: {  	v17 =	vbroadcast v16, $0x0;
	v18 =	vbroadcast v16, $0x1  }
0x26b: {  	v19 =	vbroadcast v16, $0x2;
	v20 =	vbroadcast v16, $0x3  }
0x26c: {  	v21 =	vmul.f32 v17, v8;
	v22 =	vmul.f32 v17, v9  }
0x26d: {  	v23 =	vmul.f32 v17, v10;
	v24 =	vmul.f32 v17, v11  }
0x26e: {  	v25 =	vmul.f32 v17, v12;
	v21 =	vadd.f32 v21, v0;
	v22 =	vadd.f32 v22, v1  }
0x26f: {  	s24 =	sadd.s32 $0x800, s24;
	v26 =	vmul.f32 v17, v13;
	v23 =	vadd.f32 v23, v2;
	v24 =	vadd.f32 v24, v3  }
0x270: {  	[tilespmem:s24+$0xFFFFFC00] =	vst v21;
	v21 =	vadd.f32 v25, v4;
	v25 =	vmul.f32 v17, v14;
	v17 =	vmul.f32 v17, v15  }
0x271: {  	v27 =	vmul.f32 v18, v9;
	[tilespmem:s24+$0xFFFFFC10] =	vst v22;
	v22 =	vadd.f32 v26, v5;
	v26 =	vmul.f32 v18, v8  }
0x272: {  	[tilespmem:s24+$0xFFFFFC20] =	vst v23;
	v23 =	vadd.f32 v25, v6;
	v17 =	vadd.f32 v17, v7;
	v25 =	vmul.f32 v18, v10  }
0x273: {  	[tilespmem:s24+$0xFFFFFC30] =	vst v24;
	v24 =	vadd.f32 v26, v0;
	v26 =	vadd.f32 v27, v1;
	v27 =	vmul.f32 v18, v11  }
0x274: {  	v28 =	vmul.f32 v18, v13;
	[tilespmem:s24+$0xFFFFFC40] =	vst v21;
	v21 =	vadd.f32 v25, v2;
	v25 =	vmul.f32 v18, v12  }
0x275: {  	[tilespmem:s24+$0xFFFFFC50] =	vst v22;
	v22 =	vadd.f32 v27, v3;
	v27 =	vmul.f32 v18, v14;
	v18 =	vmul.f32 v18, v15  }
0x276: {  	[tilespmem:s24+$0xFFFFFC60] =	vst v23;
	v23 =	vadd.f32 v25, v4;
	v25 =	vadd.f32 v28, v5;
	v28 =	vmul.f32 v19, v8  }
0x277: {  	[tilespmem:s24+$0xFFFFFC70] =	vst v17;
	v17 =	vadd.f32 v27, v6;
	v18 =	vadd.f32 v18, v7;
	v27 =	vmul.f32 v19, v9  }
0x278: {  	v29 =	vmul.f32 v19, v11;
	[tilespmem:s24+$0xFFFFFC80] =	vst v24;
	v24 =	vadd.f32 v28, v0;
	v28 =	vmul.f32 v19, v10  }
0x279: {  	v30 =	vmul.f32 v19, v13;
	[tilespmem:s24+$0xFFFFFC90] =	vst v26;
	v26 =	vadd.f32 v27, v1;
	v27 =	vmul.f32 v19, v12  }
0x27a: {  	[tilespmem:s24+$0xFFFFFCA0] =	vst v21;
	v21 =	vadd.f32 v28, v2;
	v28 =	vadd.f32 v29, v3;
	v29 =	vmul.f32 v19, v14  }
0x27b: {  	v19 =	vmul.f32 v19, v15;
	[tilespmem:s24+$0xFFFFFCB0] =	vst v22;
	v22 =	vadd.f32 v27, v4;
	v27 =	vadd.f32 v30, v5  }
0x27c: {  	v30 =	vmul.f32 v20, v9;
	[tilespmem:s24+$0xFFFFFCC0] =	vst v23;
	v23 =	vadd.f32 v29, v6;
	v29 =	vmul.f32 v20, v8  }
0x27d: {  	v31 =	vmul.f32 v20, v11;
	v19 =	vadd.f32 v19, v7;
	[tilespmem:s24+$0xFFFFFCD0] =	vst v25;
	v25 =	vmul.f32 v20, v10  }
0x27e: {  	[tilespmem:s24+$0xFFFFFCE0] =	vst v17;
	v17 =	vadd.f32 v29, v0;
	v29 =	vadd.f32 v30, v1;
	v30 =	vmul.f32 v20, v12  }
0x27f: {  	[tilespmem:s24+$0xFFFFFCF0] =	vst v18;
	v18 =	vadd.f32 v25, v2;
	v25 =	vadd.f32 v31, v3;
	v31 =	vmul.f32 v20, v13  }
0x280: {  	[tilespmem:s24+$0xFFFFFD00] =	vst v24;
	v24 =	vadd.f32 v30, v4;
	v30 =	vmul.f32 v20, v14;
	v20 =	vmul.f32 v20, v15  }
0x281: {  	v32 =	vbroadcast v16, $0x5;
	[tilespmem:s24+$0xFFFFFD10] =	vst v26;
	v26 =	vadd.f32 v31, v5;
	v31 =	vbroadcast v16, $0x4  }
0x282: {  	[tilespmem:s24+$0xFFFFFD20] =	vst v21;
	v21 =	vadd.f32 v30, v6;
	v20 =	vadd.f32 v20, v7;
	v30 =	vbroadcast v16, $0x6  }
0x283: {  	[tilespmem:s24+$0xFFFFFD30] =	vst v28;
	v28 =	vmul.f32 v31, v8;
	v33 =	vmul.f32 v31, v9  }
0x284: {  	v34 =	vmul.f32 v31, v11;
	[tilespmem:s24+$0xFFFFFD40] =	vst v22;
	v22 =	vmul.f32 v31, v10  }
0x285: {  	[tilespmem:s24+$0xFFFFFD50] =	vst v27;
	v27 =	vadd.f32 v28, v0;
	v28 =	vadd.f32 v33, v1;
	v33 =	vmul.f32 v31, v12  }
0x286: {  	[tilespmem:s24+$0xFFFFFD60] =	vst v23;
	v22 =	vadd.f32 v22, v2;
	v23 =	vadd.f32 v34, v3;
	v34 =	vmul.f32 v31, v13  }
0x287: {  	[tilespmem:s24+$0xFFFFFD70] =	vst v19;
	v19 =	vadd.f32 v33, v4;
	v33 =	vmul.f32 v31, v14;
	v31 =	vmul.f32 v31, v15  }
0x288: {  	v35 =	vmul.f32 v32, v9;
	[tilespmem:s24+$0xFFFFFD80] =	vst v17;
	v17 =	vadd.f32 v34, v5;
	v34 =	vmul.f32 v32, v8  }
0x289: {  	[tilespmem:s24+$0xFFFFFD90] =	vst v29;
	v29 =	vadd.f32 v33, v6;
	v31 =	vadd.f32 v31, v7;
	v33 =	vmul.f32 v32, v10  }
0x28a: {  	[tilespmem:s24+$0xFFFFFDA0] =	vst v18;
	v18 =	vadd.f32 v34, v0;
	v34 =	vadd.f32 v35, v1;
	v35 =	vmul.f32 v32, v11  }
0x28b: {  	v36 =	vmul.f32 v32, v13;
	[tilespmem:s24+$0xFFFFFDB0] =	vst v25;
	v25 =	vadd.f32 v33, v2;
	v33 =	vmul.f32 v32, v12  }
0x28c: {  	[tilespmem:s24+$0xFFFFFDC0] =	vst v24;
	v24 =	vadd.f32 v35, v3;
	v35 =	vmul.f32 v32, v14;
	v32 =	vmul.f32 v32, v15  }
0x28d: {  	[tilespmem:s24+$0xFFFFFDD0] =	vst v26;
	v26 =	vadd.f32 v33, v4;
	v33 =	vadd.f32 v36, v5;
	v36 =	vmul.f32 v30, v8  }
0x28e: {  	[tilespmem:s24+$0xFFFFFDE0] =	vst v21;
	v21 =	vadd.f32 v35, v6;
	v32 =	vadd.f32 v32, v7;
	v35 =	vmul.f32 v30, v9  }
0x28f: {  	v37 =	vmul.f32 v30, v11;
	[tilespmem:s24+$0xFFFFFDF0] =	vst v20;
	v20 =	vadd.f32 v36, v0;
	v36 =	vmul.f32 v30, v10  }
0x290: {  	v38 =	vmul.f32 v30, v13;
	[tilespmem:s24+$0xFFFFFE00] =	vst v27;
	v27 =	vadd.f32 v35, v1;
	v35 =	vmul.f32 v30, v12  }
0x291: {  	[tilespmem:s24+$0xFFFFFE10] =	vst v28;
	v28 =	vadd.f32 v36, v2;
	v36 =	vadd.f32 v37, v3;
	v37 =	vmul.f32 v30, v14  }
0x292: {  	v30 =	vmul.f32 v30, v15;
	[tilespmem:s24+$0xFFFFFE20] =	vst v22;
	v22 =	vadd.f32 v35, v4;
	v35 =	vadd.f32 v38, v5  }
0x293: {  	v38 =	vbroadcast v16, $0x8;
	[tilespmem:s24+$0xFFFFFE30] =	vst v23;
	v23 =	vadd.f32 v37, v6;
	v37 =	vbroadcast v16, $0x7  }
0x294: {  	v39 =	vbroadcast v16, $0xA;
	[tilespmem:s24+$0xFFFFFE40] =	vst v19;
	v19 =	vadd.f32 v30, v7;
	v30 =	vbroadcast v16, $0x9  }
0x295: {  	[tilespmem:s24+$0xFFFFFE50] =	vst v17;
	v17 =	vmul.f32 v37, v8;
	v40 =	vmul.f32 v37, v9  }
0x296: {  	v41 =	vmul.f32 v37, v11;
	[tilespmem:s24+$0xFFFFFE60] =	vst v29;
	v29 =	vmul.f32 v37, v10  }
0x297: {  	[tilespmem:s24+$0xFFFFFE70] =	vst v31;
	v17 =	vadd.f32 v17, v0;
	v31 =	vadd.f32 v40, v1;
	v40 =	vmul.f32 v37, v12  }
0x298: {  	[tilespmem:s24+$0xFFFFFE80] =	vst v18;
	v18 =	vadd.f32 v29, v2;
	v29 =	vadd.f32 v41, v3;
	v41 =	vmul.f32 v37, v13  }
0x299: {  	[tilespmem:s24+$0xFFFFFE90] =	vst v34;
	v34 =	vadd.f32 v40, v4;
	v40 =	vmul.f32 v37, v14;
	v37 =	vmul.f32 v37, v15  }
0x29a: {  	v42 =	vmul.f32 v38, v9;
	[tilespmem:s24+$0xFFFFFEA0] =	vst v25;
	v25 =	vadd.f32 v41, v5;
	v41 =	vmul.f32 v38, v8  }
0x29b: {  	[tilespmem:s24+$0xFFFFFEB0] =	vst v24;
	v24 =	vadd.f32 v40, v6;
	v37 =	vadd.f32 v37, v7;
	v40 =	vmul.f32 v38, v10  }
0x29c: {  	[tilespmem:s24+$0xFFFFFEC0] =	vst v26;
	v26 =	vadd.f32 v41, v0;
	v41 =	vadd.f32 v42, v1;
	v42 =	vmul.f32 v38, v11  }
0x29d: {  	v43 =	vmul.f32 v38, v13;
	[tilespmem:s24+$0xFFFFFED0] =	vst v33;
	v33 =	vadd.f32 v40, v2;
	v40 =	vmul.f32 v38, v12  }
0x29e: {  	[tilespmem:s24+$0xFFFFFEE0] =	vst v21;
	v21 =	vadd.f32 v42, v3;
	v42 =	vmul.f32 v38, v14;
	v38 =	vmul.f32 v38, v15  }
0x29f: {  	[tilespmem:s24+$0xFFFFFEF0] =	vst v32;
	v32 =	vadd.f32 v40, v4;
	v40 =	vadd.f32 v43, v5;
	v43 =	vmul.f32 v30, v8  }
0x2a0: {  	[tilespmem:s24+$0xFFFFFF00] =	vst v20;
	v20 =	vadd.f32 v42, v6;
	v38 =	vadd.f32 v38, v7;
	v42 =	vmul.f32 v30, v9  }
0x2a1: {  	v44 =	vmul.f32 v30, v11;
	[tilespmem:s24+$0xFFFFFF10] =	vst v27;
	v27 =	vadd.f32 v43, v0;
	v43 =	vmul.f32 v30, v10  }
0x2a2: {  	v45 =	vmul.f32 v30, v13;
	[tilespmem:s24+$0xFFFFFF20] =	vst v28;
	v28 =	vadd.f32 v42, v1;
	v42 =	vmul.f32 v30, v12  }
0x2a3: {  	[tilespmem:s24+$0xFFFFFF30] =	vst v36;
	v36 =	vadd.f32 v43, v2;
	v43 =	vadd.f32 v44, v3;
	v44 =	vmul.f32 v30, v14  }
0x2a4: {  	v30 =	vmul.f32 v30, v15;
	[tilespmem:s24+$0xFFFFFF40] =	vst v22;
	v22 =	vadd.f32 v42, v4;
	v42 =	vadd.f32 v45, v5  }
0x2a5: {  	v45 =	vmul.f32 v39, v9;
	[tilespmem:s24+$0xFFFFFF50] =	vst v35;
	v35 =	vadd.f32 v44, v6;
	v44 =	vmul.f32 v39, v8  }
0x2a6: {  	v46 =	vmul.f32 v39, v11;
	[tilespmem:s24+$0xFFFFFF60] =	vst v23;
	v23 =	vadd.f32 v30, v7;
	v30 =	vmul.f32 v39, v10  }
0x2a7: {  	[tilespmem:s24+$0xFFFFFF70] =	vst v19;
	v19 =	vadd.f32 v44, v0;
	v44 =	vadd.f32 v45, v1;
	v45 =	vmul.f32 v39, v12  }
0x2a8: {  	v46 =	vadd.f32 v46, v3;
	[tilespmem:s24+$0xFFFFFF80] =	vst v17;
	v30 =	vadd.f32 v30, v2;
	v17 =	vmul.f32 v39, v13  }
0x2a9: {  	[tilespmem:s24+$0xFFFFFF90] =	vst v31;
	v31 =	vadd.f32 v45, v4;
	v45 =	vmul.f32 v39, v14;
	v39 =	vmul.f32 v39, v15  }
0x2aa: {  	v48 =	vbroadcast v16, $0xB;
	v49 =	vbroadcast v16, $0xC;
	[tilespmem:s24+$0xFFFFFFA0] =	vst v18;
	v47 =	vadd.f32 v17, v5  }
0x2ab: {  	[tilespmem:s24+$0xFFFFFFB0] =	vst v29;
	v29 =	vadd.f32 v45, v6;
	v17 =	vadd.f32 v39, v7;
	v39 =	vbroadcast v16, $0xD  }
0x2ac: {  	v18 =	vmul.f32 v48, v8;
	[tilespmem:s24+$0xFFFFFFC0] =	vst v34;
	v34 =	vmul.f32 v48, v9  }
0x2ad: {  	v45 =	vmul.f32 v48, v11;
	[tilespmem:s24+$0xFFFFFFD0] =	vst v25;
	v25 =	vmul.f32 v48, v10  }
0x2ae: {  	v50 =	vmul.f32 v48, v12;
	[tilespmem:s24+$0xFFFFFFE0] =	vst v24;
	v24 =	vadd.f32 v18, v0;
	v34 =	vadd.f32 v34, v1  }
0x2af: {  	v18 =	vadd.f32 v45, v3;
	[tilespmem:s24+$0xFFFFFFF0] =	vst v37;
	v25 =	vadd.f32 v25, v2;
	v37 =	vmul.f32 v48, v13  }
0x2b0: {  	v45 =	vmul.f32 v48, v14;
	v48 =	vmul.f32 v48, v15;
	[tilespmem:s24+$0x0] =	vst v26;
	v26 =	vadd.f32 v50, v4  }
0x2b1: {  	v50 =	vmul.f32 v49, v9;
	[tilespmem:s24+$0x10] =	vst v41;
	v37 =	vadd.f32 v37, v5;
	v41 =	vmul.f32 v49, v8  }
0x2b2: {  	[tilespmem:s24+$0x20] =	vst v33;
	v33 =	vadd.f32 v45, v6;
	v45 =	vadd.f32 v48, v7;
	v48 =	vmul.f32 v49, v10  }
0x2b3: {  	[tilespmem:s24+$0x30] =	vst v21;
	v21 =	vadd.f32 v41, v0;
	v41 =	vadd.f32 v50, v1;
	v50 =	vmul.f32 v49, v11  }
0x2b4: {  	v51 =	vmul.f32 v49, v13;
	[tilespmem:s24+$0x40] =	vst v32;
	v32 =	vadd.f32 v48, v2;
	v48 =	vmul.f32 v49, v12  }
0x2b5: {  	[tilespmem:s24+$0x50] =	vst v40;
	v40 =	vadd.f32 v50, v3;
	v50 =	vmul.f32 v49, v14;
	v49 =	vmul.f32 v49, v15  }
0x2b6: {  	[tilespmem:s24+$0x60] =	vst v20;
	v20 =	vadd.f32 v48, v4;
	v48 =	vadd.f32 v51, v5;
	v51 =	vmul.f32 v39, v8  }
0x2b7: {  	[tilespmem:s24+$0x70] =	vst v38;
	v38 =	vadd.f32 v50, v6;
	v49 =	vadd.f32 v49, v7;
	v50 =	vmul.f32 v39, v9  }
0x2b8: {  	v52 =	vmul.f32 v39, v11;
	[tilespmem:s24+$0x80] =	vst v27;
	v27 =	vadd.f32 v51, v0;
	v51 =	vmul.f32 v39, v10  }
0x2b9: {  	v53 =	vmul.f32 v39, v13;
	[tilespmem:s24+$0x90] =	vst v28;
	v28 =	vadd.f32 v50, v1;
	v50 =	vmul.f32 v39, v12  }
0x2ba: {  	[tilespmem:s24+$0xA0] =	vst v36;
	v36 =	vadd.f32 v51, v2;
	v51 =	vadd.f32 v52, v3;
	v52 =	vmul.f32 v39, v14  }
0x2bb: {  	v39 =	vmul.f32 v39, v15;
	[tilespmem:s24+$0xB0] =	vst v43;
	v43 =	vadd.f32 v50, v4;
	v50 =	vadd.f32 v53, v5  }
0x2bc: {  	[tilespmem:s24+$0xC0] =	vst v22;
	v22 =	vadd.f32 v52, v6;
	v52 =	vbroadcast v16, $0xE;
	v16 =	vbroadcast v16, $0xF  }
0x2bd: {  	v39 =	vadd.f32 v39, v7;
	[tilespmem:s24+$0xD0] =	vst v42  }
0x2be: {  	[tilespmem:s24+$0xE0] =	vst v35;
	v35 =	vmul.f32 v52, v8;
	v42 =	vmul.f32 v52, v9  }
0x2bf: {  	v53 =	vmul.f32 v52, v11;
	[tilespmem:s24+$0xF0] =	vst v23;
	v23 =	vmul.f32 v52, v10  }
0x2c0: {  	[tilespmem:s24+$0x100] =	vst v19;
	v19 =	vadd.f32 v35, v0;
	v35 =	vadd.f32 v42, v1;
	v42 =	vmul.f32 v52, v12  }
0x2c1: {  	[tilespmem:s24+$0x110] =	vst v44;
	v23 =	vadd.f32 v23, v2;
	v44 =	vadd.f32 v53, v3;
	v53 =	vmul.f32 v52, v13  }
0x2c2: {  	[tilespmem:s24+$0x120] =	vst v30;
	v30 =	vadd.f32 v42, v4;
	v42 =	vmul.f32 v52, v14;
	v52 =	vmul.f32 v52, v15  }
0x2c3: {  	v54 =	vmul.f32 v16, v9;
	[tilespmem:s24+$0x130] =	vst v46;
	v46 =	vadd.f32 v53, v5;
	v53 =	vmul.f32 v16, v8  }
0x2c4: {  	[tilespmem:s24+$0x140] =	vst v31;
	v31 =	vadd.f32 v42, v6;
	v42 =	vadd.f32 v52, v7;
	v52 =	vmul.f32 v16, v10  }
0x2c5: {  	[tilespmem:s24+$0x150] =	vst v47;
	v47 =	vadd.f32 v53, v0;
	v53 =	vadd.f32 v54, v1;
	v54 =	vmul.f32 v16, v11  }
0x2c6: {  	v55 =	vmul.f32 v16, v13;
	[tilespmem:s24+$0x160] =	vst v29;
	v29 =	vadd.f32 v52, v2;
	v52 =	vmul.f32 v16, v12  }
0x2c7: {  	[tilespmem:s24+$0x170] =	vst v17;
	v17 =	vadd.f32 v54, v3;
	v54 =	vmul.f32 v16, v14;
	v16 =	vmul.f32 v16, v15  }
0x2c8: {  	[tilespmem:s24+$0x180] =	vst v24;
	v24 =	vadd.f32 v52, v4;
	v52 =	vadd.f32 v55, v5  }
0x2c9: {  	[tilespmem:s24+$0x190] =	vst v34;
	v34 =	vadd.f32 v54, v6;
	v16 =	vadd.f32 v16, v7  }
0x2ca: {  	[tilespmem:s24+$0x1A0] =	vst v25  }
0x2cb: {  	[tilespmem:s24+$0x1B0] =	vst v18  }
0x2cc: {  	[tilespmem:s24+$0x1C0] =	vst v26  }
0x2cd: {  	[tilespmem:s24+$0x1D0] =	vst v37  }
0x2ce: {  	[tilespmem:s24+$0x1E0] =	vst v33  }
0x2cf: {  	[tilespmem:s24+$0x1F0] =	vst v45  }
0x2d0: {  	[tilespmem:s24+$0x200] =	vst v21  }
0x2d1: {  	[tilespmem:s24+$0x210] =	vst v41  }
0x2d2: {  	[tilespmem:s24+$0x220] =	vst v32  }
0x2d3: {  	[tilespmem:s24+$0x230] =	vst v40  }
0x2d4: {  	[tilespmem:s24+$0x240] =	vst v20  }
0x2d5: {  	[tilespmem:s24+$0x250] =	vst v48  }
0x2d6: {  	[tilespmem:s24+$0x260] =	vst v38  }
0x2d7: {  	[tilespmem:s24+$0x270] =	vst v49  }
0x2d8: {  	[tilespmem:s24+$0x280] =	vst v27  }
0x2d9: {  	[tilespmem:s24+$0x290] =	vst v28  }
0x2da: {  	[tilespmem:s24+$0x2A0] =	vst v36  }
0x2db: {  	[tilespmem:s24+$0x2B0] =	vst v51  }
0x2dc: {  	[tilespmem:s24+$0x2C0] =	vst v43  }
0x2dd: {  	[tilespmem:s24+$0x2D0] =	vst v50  }
0x2de: {  	[tilespmem:s24+$0x2E0] =	vst v22  }
0x2df: {  	[tilespmem:s24+$0x2F0] =	vst v39  }
0x2e0: {  	[tilespmem:s24+$0x300] =	vst v19  }
0x2e1: {  	[tilespmem:s24+$0x310] =	vst v35  }
0x2e2: {  	[tilespmem:s24+$0x320] =	vst v23  }
0x2e3: {  	[tilespmem:s24+$0x330] =	vst v44  }
0x2e4: {  	[tilespmem:s24+$0x340] =	vst v30  }
0x2e5: {  	[tilespmem:s24+$0x350] =	vst v46  }
0x2e6: {  	[tilespmem:s24+$0x360] =	vst v31  }
0x2e7: {  	[tilespmem:s24+$0x370] =	vst v42  }
0x2e8: {  	[tilespmem:s24+$0x380] =	vst v47  }
0x2e9: {  	[tilespmem:s24+$0x390] =	vst v53  }
0x2ea: {  	[tilespmem:s24+$0x3A0] =	vst v29  }
.Ltmp1:
0x2eb: {  	[tilespmem:s24+$0x3B0] =	vst v17;
	(pc) =	sbr.rel @p0 .LBB2_5-.Ltmp1, $4  }
0x2ec: {  	[tilespmem:s24+$0x3C0] =	vst v24  }
0x2ed: {  	[tilespmem:s24+$0x3D0] =	vst v52  }
0x2ee: {  	[tilespmem:s24+$0x3E0] =	vst v34  }
0x2ef: {  	s26 =	sshra.s32 s25, $0x2;
	s25 =	sadd.s32 $0x40, s25;
	[tilespmem:s24+$0x3F0] =	vst v16  }
0x2f0: {  	v16 =	vld [tilespmem:s26+$0x19200];
	_ =	sdelay $0x4  }
0x2f1: {  	v16 =	vmax.f32 v16, $0.0e+00  }
0x2f2: {  	v16 =	vmin.f32 v16, $1.000000000e+02  }
0x2f3: {  	v16 =	vmul.f32 $9.999999770e-03, v16;
	_ =	sdelay $0x1  }
0x2f4: {  	v17 =	vbroadcast v16, $0x0;
	_ =	sdelay $0x1  }
0x2f5: {  	v18 =	vmul.f32 v17, v8  }
0x2f6: {  	v19 =	vmul.f32 v17, v9  }
0x2f7: {  	v20 =	vmul.f32 v17, v10;
	v18 =	vadd.f32 v18, v0  }
0x2f8: {  	s24 =	sadd.s32 $0x800, s24;
	v21 =	vmul.f32 v17, v11;
	v19 =	vadd.f32 v19, v1  }
0x2f9: {  	v22 =	vmul.f32 v17, v12;
	v20 =	vadd.f32 v20, v2;
	[tilespmem:s24+$0xFFFFFC00] =	vst v18  }
0x2fa: {  	v50 =	vmul.f32 v17, v13;
	v49 =	vadd.f32 v21, v3;
	[tilespmem:s24+$0xFFFFFC10] =	vst v19  }
0x2fb: {  	v51 =	vbroadcast v16, $0x1;
	v23 =	vmul.f32 v17, v14;
	v22 =	vadd.f32 v22, v4;
	[tilespmem:s24+$0xFFFFFC20] =	vst v20  }
0x2fc: {  	v17 =	vmul.f32 v17, v15;
	v52 =	vadd.f32 v50, v5;
	[tilespmem:s24+$0xFFFFFC30] =	vst v49  }
0x2fd: {  	v61 =	vbroadcast v16, $0x2;
	v55 =	vmul.f32 v51, v9;
	v54 =	vadd.f32 v23, v6;
	[tilespmem:s24+$0xFFFFFC40] =	vst v22  }
0x2fe: {  	v62 =	vmul.f32 v51, v14;
	v17 =	vadd.f32 v17, v7;
	[tilespmem:s24+$0xFFFFFC50] =	vst v52  }
0x2ff: {  	v30 =	vbroadcast v16, $0x3;
	v63 =	vmul.f32 v61, v8;
	v57 =	vadd.f32 v55, v1;
	[tilespmem:s24+$0xFFFFFC60] =	vst v54  }
0x300: {  	v31 =	vmul.f32 v61, v14;
	v24 =	vadd.f32 v62, v6;
	[tilespmem:s24+$0xFFFFFC70] =	vst v17  }
0x301: {  	v36 =	vmul.f32 v30, v11;
	v26 =	vadd.f32 v63, v0;
	[tilespmem:s24+$0xFFFFFC90] =	vst v57  }
0x302: {  	v38 =	vmul.f32 v30, v13;
	v33 =	vadd.f32 v31, v6;
	[tilespmem:s24+$0xFFFFFCE0] =	vst v24  }
0x303: {  	v53 =	vmul.f32 v51, v8;
	v21 =	vadd.f32 v36, v3;
	[tilespmem:s24+$0xFFFFFD00] =	vst v26  }
0x304: {  	v56 =	vmul.f32 v51, v10;
	v42 =	vadd.f32 v38, v5;
	[tilespmem:s24+$0xFFFFFD60] =	vst v33  }
0x305: {  	v58 =	vmul.f32 v51, v11;
	v18 =	vadd.f32 v53, v0;
	[tilespmem:s24+$0xFFFFFDB0] =	vst v21  }
0x306: {  	v40 =	vbroadcast v16, $0x4;
	v59 =	vmul.f32 v51, v12;
	v17 =	vadd.f32 v56, v2;
	[tilespmem:s24+$0xFFFFFDD0] =	vst v42  }
0x307: {  	v27 =	vmul.f32 v61, v10;
	v22 =	vadd.f32 v58, v3;
	[tilespmem:s24+$0xFFFFFC80] =	vst v18  }
0x308: {  	v43 =	vmul.f32 v40, v8;
	v20 =	vadd.f32 v59, v4;
	[tilespmem:s24+$0xFFFFFCA0] =	vst v17  }
0x309: {  	v60 =	vmul.f32 v51, v13;
	v19 =	vadd.f32 v27, v2;
	[tilespmem:s24+$0xFFFFFCB0] =	vst v22  }
0x30a: {  	v25 =	vmul.f32 v61, v9;
	v21 =	vadd.f32 v43, v0;
	[tilespmem:s24+$0xFFFFFCC0] =	vst v20  }
0x30b: {  	v28 =	vmul.f32 v61, v11;
	v18 =	vadd.f32 v60, v5;
	[tilespmem:s24+$0xFFFFFD20] =	vst v19  }
0x30c: {  	v32 =	vmul.f32 v61, v15;
	v20 =	vadd.f32 v25, v1;
	[tilespmem:s24+$0xFFFFFE00] =	vst v21  }
0x30d: {  	v48 =	vbroadcast v16, $0x5;
	v47 =	vmul.f32 v40, v13;
	v22 =	vadd.f32 v28, v3;
	[tilespmem:s24+$0xFFFFFCD0] =	vst v18  }
0x30e: {  	v17 =	vmul.f32 v51, v15;
	v19 =	vadd.f32 v32, v7;
	[tilespmem:s24+$0xFFFFFD10] =	vst v20  }
0x30f: {  	v52 =	vmul.f32 v48, v10;
	v21 =	vadd.f32 v47, v5;
	[tilespmem:s24+$0xFFFFFD30] =	vst v22  }
0x310: {  	v57 =	vmul.f32 v48, v14;
	v17 =	vadd.f32 v17, v7;
	[tilespmem:s24+$0xFFFFFD70] =	vst v19  }
0x311: {  	v29 =	vmul.f32 v61, v13;
	v54 =	vadd.f32 v52, v2;
	[tilespmem:s24+$0xFFFFFE50] =	vst v21  }
0x312: {  	v59 =	vadd.f32 v57, v6;
	[tilespmem:s24+$0xFFFFFCF0] =	vst v17;
	v17 =	vmul.f32 v61, v12  }
0x313: {  	v34 =	vmul.f32 v30, v8;
	v18 =	vadd.f32 v29, v5;
	[tilespmem:s24+$0xFFFFFEA0] =	vst v54  }
0x314: {  	v39 =	vmul.f32 v30, v14;
	[tilespmem:s24+$0xFFFFFEE0] =	vst v59;
	v17 =	vadd.f32 v17, v4  }
0x315: {  	v45 =	vmul.f32 v40, v10;
	v22 =	vadd.f32 v34, v0;
	[tilespmem:s24+$0xFFFFFD50] =	vst v18  }
0x316: {  	v19 =	vadd.f32 v39, v6;
	[tilespmem:s24+$0xFFFFFD40] =	vst v17;
	v17 =	vmul.f32 v30, v9  }
0x317: {  	v55 =	vmul.f32 v48, v12;
	v20 =	vadd.f32 v45, v2;
	[tilespmem:s24+$0xFFFFFD80] =	vst v22  }
0x318: {  	v37 =	vmul.f32 v30, v12;
	[tilespmem:s24+$0xFFFFFDE0] =	vst v19;
	v17 =	vadd.f32 v17, v1  }
0x319: {  	v35 =	vmul.f32 v30, v10;
	v21 =	vadd.f32 v55, v4;
	[tilespmem:s24+$0xFFFFFE20] =	vst v20  }
0x31a: {  	v41 =	vmul.f32 v30, v15;
	[tilespmem:s24+$0xFFFFFD90] =	vst v17;
	v17 =	vadd.f32 v37, v4  }
0x31b: {  	v46 =	vmul.f32 v40, v11;
	v18 =	vadd.f32 v35, v2;
	[tilespmem:s24+$0xFFFFFEC0] =	vst v21  }
0x31c: {  	v49 =	vmul.f32 v40, v14;
	[tilespmem:s24+$0xFFFFFDC0] =	vst v17;
	v17 =	vadd.f32 v41, v7  }
0x31d: {  	v50 =	vmul.f32 v40, v15;
	v19 =	vadd.f32 v46, v3;
	[tilespmem:s24+$0xFFFFFDA0] =	vst v18  }
0x31e: {  	v22 =	vadd.f32 v49, v6;
	[tilespmem:s24+$0xFFFFFDF0] =	vst v17;
	v17 =	vmul.f32 v40, v12  }
0x31f: {  	v44 =	vmul.f32 v40, v9;
	v20 =	vadd.f32 v50, v7;
	[tilespmem:s24+$0xFFFFFE30] =	vst v19  }
0x320: {  	v51 =	vmul.f32 v48, v8;
	[tilespmem:s24+$0xFFFFFE60] =	vst v22;
	v17 =	vadd.f32 v17, v4  }
0x321: {  	v53 =	vmul.f32 v48, v11;
	v34 =	vbroadcast v16, $0x8;
	v18 =	vadd.f32 v44, v1;
	[tilespmem:s24+$0xFFFFFE70] =	vst v20  }
0x322: {  	v19 =	vadd.f32 v51, v0;
	[tilespmem:s24+$0xFFFFFE40] =	vst v17;
	v17 =	vmul.f32 v48, v9  }
0x323: {  	v42 =	vmul.f32 v34, v13;
	v22 =	vadd.f32 v53, v3;
	[tilespmem:s24+$0xFFFFFE10] =	vst v18  }
0x324: {  	v43 =	vmul.f32 v34, v14;
	[tilespmem:s24+$0xFFFFFE80] =	vst v19;
	v17 =	vadd.f32 v17, v1  }
0x325: {  	v56 =	vmul.f32 v48, v13;
	v44 =	vadd.f32 v42, v5;
	[tilespmem:s24+$0xFFFFFEB0] =	vst v22  }
0x326: {  	v46 =	vadd.f32 v43, v6;
	v18 =	vmul.f32 v48, v15;
	[tilespmem:s24+$0xFFFFFE90] =	vst v17;
	v17 =	vbroadcast v16, $0x6  }
0x327: {  	v38 =	vmul.f32 v34, v10;
	v19 =	vadd.f32 v56, v5;
	[tilespmem:s24+$0x50] =	vst v44  }
0x328: {  	[tilespmem:s24+$0x60] =	vst v46;
	v18 =	vadd.f32 v18, v7;
	v58 =	vmul.f32 v17, v8  }
0x329: {  	[tilespmem:s24+$0xFFFFFED0] =	vst v19;
	v40 =	vadd.f32 v38, v2;
	v60 =	vmul.f32 v17, v9  }
0x32a: {  	[tilespmem:s24+$0xFFFFFEF0] =	vst v18;
	v62 =	vmul.f32 v17, v10;
	v61 =	vadd.f32 v58, v0  }
0x32b: {  	[tilespmem:s24+$0x20] =	vst v40;
	v63 =	vmul.f32 v17, v11;
	v21 =	vadd.f32 v60, v1  }
0x32c: {  	v24 =	vmul.f32 v17, v12;
	v20 =	vadd.f32 v62, v2;
	[tilespmem:s24+$0xFFFFFF00] =	vst v61  }
0x32d: {  	v25 =	vmul.f32 v17, v13;
	v22 =	vadd.f32 v63, v3;
	[tilespmem:s24+$0xFFFFFF10] =	vst v21  }
0x32e: {  	v27 =	vbroadcast v16, $0x7;
	v26 =	vmul.f32 v17, v14;
	v18 =	vadd.f32 v24, v4;
	[tilespmem:s24+$0xFFFFFF20] =	vst v20  }
0x32f: {  	v17 =	vmul.f32 v17, v15;
	v19 =	vadd.f32 v25, v5;
	[tilespmem:s24+$0xFFFFFF30] =	vst v22  }
0x330: {  	v29 =	vmul.f32 v27, v8;
	v28 =	vadd.f32 v26, v6;
	[tilespmem:s24+$0xFFFFFF40] =	vst v18  }
0x331: {  	v30 =	vmul.f32 v27, v9;
	v17 =	vadd.f32 v17, v7;
	[tilespmem:s24+$0xFFFFFF50] =	vst v19  }
0x332: {  	v31 =	vmul.f32 v27, v10;
	v21 =	vadd.f32 v29, v0;
	[tilespmem:s24+$0xFFFFFF60] =	vst v28  }
0x333: {  	v32 =	vmul.f32 v27, v11;
	v18 =	vadd.f32 v30, v1;
	[tilespmem:s24+$0xFFFFFF70] =	vst v17  }
0x334: {  	v35 =	vmul.f32 v27, v14;
	v53 =	vbroadcast v16, $0xA;
	v19 =	vadd.f32 v31, v2;
	[tilespmem:s24+$0xFFFFFF80] =	vst v21  }
0x335: {  	v17 =	vmul.f32 v27, v12;
	v20 =	vadd.f32 v32, v3;
	[tilespmem:s24+$0xFFFFFF90] =	vst v18  }
0x336: {  	v60 =	vmul.f32 v53, v13;
	v22 =	vadd.f32 v35, v6;
	[tilespmem:s24+$0xFFFFFFA0] =	vst v19  }
0x337: {  	v33 =	vmul.f32 v27, v13;
	v17 =	vadd.f32 v17, v4;
	[tilespmem:s24+$0xFFFFFFB0] =	vst v20  }
0x338: {  	v36 =	vmul.f32 v27, v15;
	v24 =	vadd.f32 v60, v5;
	[tilespmem:s24+$0xFFFFFFE0] =	vst v22  }
0x339: {  	v21 =	vadd.f32 v33, v5;
	[tilespmem:s24+$0xFFFFFFC0] =	vst v17;
	v17 =	vmul.f32 v34, v9  }
0x33a: {  	v37 =	vmul.f32 v34, v8;
	v19 =	vadd.f32 v36, v7;
	[tilespmem:s24+$0x150] =	vst v24  }
0x33b: {  	v39 =	vmul.f32 v34, v11;
	[tilespmem:s24+$0xFFFFFFD0] =	vst v21;
	v17 =	vadd.f32 v17, v1  }
0x33c: {  	v41 =	vmul.f32 v34, v12;
	v30 =	vbroadcast v16, $0xC;
	v20 =	vadd.f32 v37, v0;
	[tilespmem:s24+$0xFFFFFFF0] =	vst v19  }
0x33d: {  	v22 =	vadd.f32 v39, v3;
	v18 =	vmul.f32 v34, v15;
	[tilespmem:s24+$0x10] =	vst v17;
	v17 =	vbroadcast v16, $0x9  }
0x33e: {  	v38 =	vmul.f32 v30, v14;
	[tilespmem:s24+$0x0] =	vst v20;
	v21 =	vadd.f32 v41, v4  }
0x33f: {  	[tilespmem:s24+$0x30] =	vst v22;
	v18 =	vadd.f32 v18, v7;
	v45 =	vmul.f32 v17, v8  }
0x340: {  	v40 =	vadd.f32 v38, v6;
	[tilespmem:s24+$0x40] =	vst v21;
	v47 =	vmul.f32 v17, v9  }
0x341: {  	[tilespmem:s24+$0x70] =	vst v18;
	v49 =	vmul.f32 v17, v10;
	v48 =	vadd.f32 v45, v0  }
0x342: {  	[tilespmem:s24+$0x260] =	vst v40;
	v50 =	vmul.f32 v17, v11;
	v21 =	vadd.f32 v47, v1  }
0x343: {  	v51 =	vmul.f32 v17, v12;
	v20 =	vadd.f32 v49, v2;
	[tilespmem:s24+$0x80] =	vst v48  }
0x344: {  	v52 =	vmul.f32 v17, v13;
	v22 =	vadd.f32 v50, v3;
	[tilespmem:s24+$0x90] =	vst v21  }
0x345: {  	v54 =	vmul.f32 v17, v14;
	v18 =	vadd.f32 v51, v4;
	[tilespmem:s24+$0xA0] =	vst v20  }
0x346: {  	v17 =	vmul.f32 v17, v15;
	v19 =	vadd.f32 v52, v5;
	[tilespmem:s24+$0xB0] =	vst v22  }
0x347: {  	v56 =	vmul.f32 v53, v8;
	v55 =	vadd.f32 v54, v6;
	[tilespmem:s24+$0xC0] =	vst v18  }
0x348: {  	v57 =	vmul.f32 v53, v9;
	v17 =	vadd.f32 v17, v7;
	[tilespmem:s24+$0xD0] =	vst v19  }
0x349: {  	v58 =	vmul.f32 v53, v10;
	v62 =	vbroadcast v16, $0xB;
	v22 =	vadd.f32 v56, v0;
	[tilespmem:s24+$0xE0] =	vst v55  }
0x34a: {  	v59 =	vmul.f32 v53, v11;
	v18 =	vadd.f32 v57, v1;
	[tilespmem:s24+$0xF0] =	vst v17  }
0x34b: {  	v27 =	vmul.f32 v62, v10;
	v19 =	vadd.f32 v58, v2;
	[tilespmem:s24+$0x100] =	vst v22  }
0x34c: {  	v17 =	vmul.f32 v53, v12;
	v20 =	vadd.f32 v59, v3;
	[tilespmem:s24+$0x110] =	vst v18  }
0x34d: {  	v61 =	vmul.f32 v53, v14;
	v21 =	vadd.f32 v27, v2;
	[tilespmem:s24+$0x120] =	vst v19  }
0x34e: {  	v25 =	vmul.f32 v62, v8;
	v17 =	vadd.f32 v17, v4;
	[tilespmem:s24+$0x130] =	vst v20  }
0x34f: {  	v63 =	vmul.f32 v53, v15;
	v18 =	vadd.f32 v61, v6;
	[tilespmem:s24+$0x1A0] =	vst v21  }
0x350: {  	v26 =	vmul.f32 v62, v9;
	v20 =	vadd.f32 v25, v0;
	[tilespmem:s24+$0x140] =	vst v17  }
0x351: {  	v31 =	vmul.f32 v62, v14;
	v17 =	vadd.f32 v63, v7;
	[tilespmem:s24+$0x160] =	vst v18  }
0x352: {  	v32 =	vmul.f32 v62, v15;
	v19 =	vadd.f32 v26, v1;
	[tilespmem:s24+$0x180] =	vst v20  }
0x353: {  	v22 =	vadd.f32 v31, v6;
	[tilespmem:s24+$0x170] =	vst v17;
	v17 =	vmul.f32 v62, v12  }
0x354: {  	v28 =	vmul.f32 v62, v11;
	v21 =	vadd.f32 v32, v7;
	[tilespmem:s24+$0x190] =	vst v19  }
0x355: {  	v29 =	vmul.f32 v62, v13;
	[tilespmem:s24+$0x1E0] =	vst v22;
	v17 =	vadd.f32 v17, v4  }
0x356: {  	v35 =	vmul.f32 v30, v11;
	v18 =	vadd.f32 v28, v3;
	[tilespmem:s24+$0x1F0] =	vst v21  }
0x357: {  	v20 =	vadd.f32 v29, v5;
	[tilespmem:s24+$0x1C0] =	vst v17;
	v17 =	vmul.f32 v30, v9  }
0x358: {  	v36 =	vmul.f32 v30, v12;
	v22 =	vadd.f32 v35, v3;
	[tilespmem:s24+$0x1B0] =	vst v18  }
0x359: {  	v33 =	vmul.f32 v30, v8;
	[tilespmem:s24+$0x1D0] =	vst v20;
	v17 =	vadd.f32 v17, v1  }
0x35a: {  	v34 =	vmul.f32 v30, v10;
	v21 =	vadd.f32 v36, v4;
	[tilespmem:s24+$0x230] =	vst v22  }
0x35b: {  	v19 =	vmul.f32 v30, v15;
	v18 =	vadd.f32 v33, v0;
	[tilespmem:s24+$0x210] =	vst v17;
	v17 =	vbroadcast v16, $0xD  }
0x35c: {  	v37 =	vmul.f32 v30, v13;
	v20 =	vadd.f32 v34, v2;
	[tilespmem:s24+$0x240] =	vst v21  }
0x35d: {  	v19 =	vadd.f32 v19, v7;
	[tilespmem:s24+$0x200] =	vst v18;
	v39 =	vmul.f32 v17, v8  }
0x35e: {  	[tilespmem:s24+$0x220] =	vst v20;
	v18 =	vadd.f32 v37, v5;
	v41 =	vmul.f32 v17, v9  }
0x35f: {  	[tilespmem:s24+$0x270] =	vst v19;
	v43 =	vmul.f32 v17, v10;
	v42 =	vadd.f32 v39, v0  }
0x360: {  	[tilespmem:s24+$0x250] =	vst v18;
	v44 =	vmul.f32 v17, v11;
	v21 =	vadd.f32 v41, v1  }
0x361: {  	v45 =	vmul.f32 v17, v12;
	v20 =	vadd.f32 v43, v2;
	[tilespmem:s24+$0x280] =	vst v42  }
0x362: {  	v48 =	vbroadcast v16, $0xE;
	v46 =	vmul.f32 v17, v13;
	v22 =	vadd.f32 v44, v3;
	[tilespmem:s24+$0x290] =	vst v21  }
0x363: {  	v16 =	vbroadcast v16, $0xF;
	v47 =	vmul.f32 v17, v14;
	v19 =	vadd.f32 v45, v4;
	[tilespmem:s24+$0x2A0] =	vst v20  }
0x364: {  	v17 =	vmul.f32 v17, v15;
	v18 =	vadd.f32 v46, v5;
	[tilespmem:s24+$0x2B0] =	vst v22  }
0x365: {  	v58 =	vmul.f32 v16, v10;
	v49 =	vadd.f32 v47, v6;
	[tilespmem:s24+$0x2C0] =	vst v19  }
0x366: {  	v62 =	vmul.f32 v16, v13;
	v17 =	vadd.f32 v17, v7;
	[tilespmem:s24+$0x2D0] =	vst v18  }
0x367: {  	v50 =	vmul.f32 v48, v8;
	v60 =	vadd.f32 v58, v2;
	[tilespmem:s24+$0x2E0] =	vst v49  }
0x368: {  	v51 =	vmul.f32 v48, v9;
	v63 =	vadd.f32 v62, v5;
	[tilespmem:s24+$0x2F0] =	vst v17  }
0x369: {  	v52 =	vmul.f32 v48, v10;
	v21 =	vadd.f32 v50, v0;
	[tilespmem:s24+$0x3A0] =	vst v60  }
0x36a: {  	v53 =	vmul.f32 v48, v11;
	v19 =	vadd.f32 v51, v1;
	[tilespmem:s24+$0x3D0] =	vst v63  }
0x36b: {  	v17 =	vmul.f32 v48, v12;
	v18 =	vadd.f32 v52, v2;
	[tilespmem:s24+$0x300] =	vst v21  }
0x36c: {  	v54 =	vmul.f32 v48, v13;
	v20 =	vadd.f32 v53, v3;
	[tilespmem:s24+$0x310] =	vst v19  }
0x36d: {  	v55 =	vmul.f32 v48, v14;
	v17 =	vadd.f32 v17, v4;
	[tilespmem:s24+$0x320] =	vst v18  }
0x36e: {  	v56 =	vmul.f32 v48, v15;
	v21 =	vadd.f32 v54, v5;
	[tilespmem:s24+$0x330] =	vst v20  }
0x36f: {  	v19 =	vadd.f32 v55, v6;
	[tilespmem:s24+$0x340] =	vst v17;
	v17 =	vmul.f32 v16, v9  }
0x370: {  	v57 =	vmul.f32 v16, v8;
	v18 =	vadd.f32 v56, v7;
	[tilespmem:s24+$0x350] =	vst v21  }
0x371: {  	v59 =	vmul.f32 v16, v11;
	[tilespmem:s24+$0x360] =	vst v19;
	v17 =	vadd.f32 v17, v1  }
0x372: {  	v61 =	vmul.f32 v16, v12;
	v20 =	vadd.f32 v57, v0;
	[tilespmem:s24+$0x370] =	vst v18  }
0x373: {  	s22 =	sadd.s32 $0x1, s22;
	v19 =	vadd.f32 v59, v3;
	[tilespmem:s24+$0x390] =	vst v17;
	v17 =	vmul.f32 v16, v14  }
0x374: {  	p0 =	sne.s32 s22, $0x8;
	[tilespmem:s24+$0x380] =	vst v20;
	v21 =	vadd.f32 v61, v4;
	v16 =	vmul.f32 v16, v15  }
.Ltmp2:
0x375: {  	[tilespmem:s24+$0x3B0] =	vst v19;
	v17 =	vadd.f32 v17, v6;
	(pc) =	sbr.rel @p0 .LBB2_2-.Ltmp2, $4  }
0x376: {  	[tilespmem:s24+$0x3C0] =	vst v21;
	v16 =	vadd.f32 v16, v7  }
0x377: {  	s23 =	sshll.u32 s23, $0x4;
	[tilespmem:s24+$0x3E0] =	vst v17  }
0x378: {  	s23 =	sadd.s32 s4, s23;
	[tilespmem:s24+$0x3F0] =	vst v16  }
0x379: {  	[hbm4b:s23+s5] =	stream.linear.scatter [tilespmem:s20], [sflag:$0x2], $0xC800, $0x38;
	[tilespmem:$0x19500] =	vst v63  }
0x37a: {  	s21 =	sadd.s32 $0x1, s21  }
0x37b: {  	_ =	swait.ge [sflag:s15], $0xC800;
	p0 =	sne.s32 s21, s11  }
.Ltmp3:
0x37c: {  	[sflag:s15] =	ssyncset.done $0x0;
	(pc) =	sbr.rel @p0 .LBB2_1-.Ltmp3, $4  }
0x37d: {  	[sflag:s15] =	ssyncadd.s32 $0xFFFF3800  }
0x37e: {  	_ =	swait.ge [sflag:s16], $0xC800  }
0x37f: {  	[sflag:s16] =	ssyncset.done $0x0  }
0x380: {  	[sflag:s16] =	ssyncadd.s32 $0xFFFF3800  }
0x381: {  	_ =	sfence.sel $0x180000  }
0x382: {  	[bflag:$0x0] =	sbarrier.arrive $0xFFFF  }
0x383: {  	p0 =	sne.s32 s0, $0x0;
	_ =	strace $0x90000047  }
0x384: {  	s0 =	sadd.s32 @!p0 $0x100000, s2;
	[bflag:$0x2] =	sbarrier.arrive $0xFFFF  }
0x385: {  	[sflag:s0] =	ssyncadd.tile.s32 @!p0 $0x1;
	_ =	shalt  }
.Lfunc_end2:
_tile_overlayer_lowered:
.L_overlay_start_2:
0x386: {  	(tag) =	ssettag $0x2  }
0x387: {  	s0 =	rddreg [dreg:$0x0];
	s2 =	stileid.u32  }
0x388: {  	s1 =	rddreg [dreg:$0x1];
	p0 =	sne.s32 s2, $0x0  }
0x389: {  	s3 =	rddreg [dreg:$0x2];
	[bflag:$0x3] =	sbarrier.arrive $0xFFFF;
	s2 =	simm.s32 @!p0 $0x1C05  }
0x38a: {  	[timem:s3], [sflag:s2] =	dma.local @!p0 [hbm:s0], s1  }
0x38b: {  	s0 =	simm.s32 @!p0 $0x5  }
0x38c: {  	_ =	swait.ge @!p0 [sflag:s0], s1  }
0x38d: {  	s1 =	ssub.s32 @!p0 $0x0, s1;
	[sflag:s0] =	ssyncset.done @!p0 $0x0  }
0x38e: {  	[sflag:s0] =	ssyncadd.s32 @!p0 s1  }
0x38f: {  	[bflag:$0x3] =	sbarrier.arrive $0xFFFF  }
0x390: {  	_ =	shalt  }

</sc_bundles>
